<compile_context>
chip_gen: v7x
topology: tpu7x:2x2x1
jax: 0.10.2.dev20260603
libtpu: 0.0.44.dev20260713+nightly
codegen_flags: <defaults>
</compile_context>

<pallas_src>
import functools

import jax
import jax.numpy as jnp
from jax import lax
from jax.experimental import pallas as pl
from jax.experimental.pallas import tpu as pltpu
from jax.experimental.pallas import tpu_sc as plsc

N = 10000
E = 320000
D = 128
G = 64
TAU = 0.2

NC = 2
NS = 16
EPT = E // NS
CH = 128
NCH = 160
EPP = NCH * CH
NP = 10240
RPT = NP // NS

_SC_MESH = dict(core_axis_name="c", subcore_axis_name="s")


QC = NCH // 4


def _sc_scatter_body(hp, srcs, dsts, out, acc, sidx, didx, r0, r1,
                     sem0, sem1):
    c = lax.axis_index("c")
    s = lax.axis_index("s")

    def _zrow(r, _):
        for j in range(D // 16):
            r0[r, pl.ds(j * 16, 16)] = jnp.zeros((16,), jnp.float32)
        return 0

    lax.fori_loop(0, CH, _zrow, 0)
    for k in range(RPT // CH):
        pltpu.sync_copy(r0, acc.at[pl.ds(s * RPT + k * CH, CH)])

    w = (c * NS + s) * NCH
    plsc.subcore_barrier()

    for q in range(NCH // QC):
        pltpu.sync_copy(srcs.at[pl.ds(w + q * QC, QC)], sidx)
        pltpu.sync_copy(dsts.at[pl.ds(w + q * QC, QC)], didx)
        pltpu.async_copy(hp.at[sidx.at[0]], r0, sem0)

        def _pair(p, _):
            i0 = 2 * p
            pltpu.async_copy(hp.at[sidx.at[i0 + 1]], r1, sem1)
            pltpu.make_async_copy(hp.at[sidx.at[i0]], r0, sem0).wait()
            pltpu.sync_copy(r0, acc.at[didx.at[i0]], add=True)
            pltpu.async_copy(hp.at[sidx.at[i0 + 2]], r0, sem0)
            pltpu.make_async_copy(hp.at[sidx.at[i0 + 1]], r1, sem1).wait()
            pltpu.sync_copy(r1, acc.at[didx.at[i0 + 1]], add=True)
            return 0

        lax.fori_loop(0, QC // 2 - 1, _pair, 0)
        pltpu.async_copy(hp.at[sidx.at[QC - 1]], r1, sem1)
        pltpu.make_async_copy(hp.at[sidx.at[QC - 2]], r0, sem0).wait()
        pltpu.sync_copy(r0, acc.at[didx.at[QC - 2]], add=True)
        pltpu.make_async_copy(hp.at[sidx.at[QC - 1]], r1, sem1).wait()
        pltpu.sync_copy(r1, acc.at[didx.at[QC - 1]], add=True)

    plsc.subcore_barrier()
    pltpu.sync_copy(acc.at[pl.ds(s * RPT, RPT)],
                    out.at[pl.ds(c * NP + s * RPT, RPT)])


def _sc_count_body(dsts, out, acc, didx, r0):
    c = lax.axis_index("c")
    s = lax.axis_index("s")

    def _fill(val):
        def _row(r, _):
            for j in range(D // 16):
                r0[r, pl.ds(j * 16, 16)] = jnp.full((16,), val, jnp.float32)
            return 0
        lax.fori_loop(0, CH, _row, 0)

    _fill(0.0)
    for k in range(RPT // CH):
        pltpu.sync_copy(r0, acc.at[pl.ds(s * RPT + k * CH, CH)])
    _fill(1.0)

    w = (c * NS + s) * NCH
    plsc.subcore_barrier()
    for q in range(NCH // QC):
        pltpu.sync_copy(dsts.at[pl.ds(w + q * QC, QC)], didx)

        def _chunk(i, _):
            pltpu.sync_copy(r0, acc.at[didx.at[i]], add=True)
            return 0

        lax.fori_loop(0, QC, _chunk, 0)

    plsc.subcore_barrier()
    pltpu.sync_copy(acc.at[pl.ds(s * RPT, RPT)],
                    out.at[pl.ds(c * NP + s * RPT, RPT)])


@functools.cache
def _sc_count_kernel():
    return pl.kernel(
        _sc_count_body,
        out_type=jax.ShapeDtypeStruct((2 * NP, D), jnp.float32),
        mesh=plsc.VectorSubcoreMesh(**_SC_MESH),
        scratch_types=[
            pltpu.VMEM_SHARED((NP, D), jnp.float32),
            pltpu.VMEM((QC, CH), jnp.int32),
            pltpu.VMEM((CH, D), jnp.float32),
        ],
    )


def _sc_count(dsts):
    return _sc_count_kernel()(dsts)


@functools.cache
def _sc_scatter_kernel():
    return pl.kernel(
        _sc_scatter_body,
        out_type=jax.ShapeDtypeStruct((2 * NP, D), jnp.float32),
        mesh=plsc.VectorSubcoreMesh(**_SC_MESH),
        scratch_types=[
            pltpu.VMEM_SHARED((NP, D), jnp.float32),
            pltpu.VMEM((QC, CH), jnp.int32),
            pltpu.VMEM((QC, CH), jnp.int32),
            pltpu.VMEM((CH, D), jnp.float32),
            pltpu.VMEM((CH, D), jnp.float32),
            pltpu.SemaphoreType.DMA,
            pltpu.SemaphoreType.DMA,
        ],
    )


def _sc_scatter(hp, srcs, dsts):
    return _sc_scatter_kernel()(hp, srcs, dsts)


_RB = 80
_GB = N // _RB
_PB = NP // _RB

_U = lambda p, j: (p * _GB + j, 0)
_P = lambda p, j: (p * _PB + j, 0)


def _dotT(a, b):
    return lax.dot_general(a, b, (((1,), (1,)), ((), ())),
                           preferred_element_type=jnp.float32)


def _mm_scale_body(x_ref, w_ref, cnt_ref, o_ref):
    dinv = lax.rsqrt(1.0 + cnt_ref[:, 0:1])
    o_ref[...] = _dotT(x_ref[...], w_ref[...]) * dinv


def _mm_scale(xs, w, cnt):
    return pl.pallas_call(
        _mm_scale_body,
        grid=(2, _GB),
        in_specs=[
            pl.BlockSpec((_RB, D), _U),
            pl.BlockSpec((D, D), lambda p, j: (0, 0)),
            pl.BlockSpec((_RB, D), _P),
        ],
        out_specs=pl.BlockSpec((_RB, D), _U),
        out_shape=jax.ShapeDtypeStruct((2 * N, D), jnp.float32),
    )(xs, w, cnt)


def _combine_mm_body(msg_ref, hp_ref, cnt_ref, b_ref, a_ref, w_ref, o_ref):
    dinv = lax.rsqrt(1.0 + cnt_ref[:, 0:1])
    t = dinv * (msg_ref[...] + hp_ref[...]) + b_ref[...]
    z = jnp.where(t >= 0.0, t, a_ref[...] * t)
    o_ref[...] = _dotT(z, w_ref[...]) * dinv


def _combine_mm(msg, hp, cnt, b, a, w):
    return pl.pallas_call(
        _combine_mm_body,
        grid=(2, _GB),
        in_specs=[
            pl.BlockSpec((_RB, D), _P),
            pl.BlockSpec((_RB, D), _U),
            pl.BlockSpec((_RB, D), _P),
            pl.BlockSpec((1, D), lambda p, j: (0, 0)),
            pl.BlockSpec((1, D), lambda p, j: (0, 0)),
            pl.BlockSpec((D, D), lambda p, j: (0, 0)),
        ],
        out_specs=pl.BlockSpec((_RB, D), _U),
        out_shape=jax.ShapeDtypeStruct((2 * N, D), jnp.float32),
    )(msg, hp, cnt, b, a, w)


def _combine_segmax_body(msg_ref, hp_ref, cnt_ref, b_ref, a_ref, bb_ref,
                         z_ref, g_ref):
    j = pl.program_id(1)
    dinv = lax.rsqrt(1.0 + cnt_ref[:, 0:1])
    t = dinv * (msg_ref[...] + hp_ref[...]) + b_ref[...]
    z = jnp.where(t >= 0.0, t, a_ref[...] * t)
    z_ref[...] = z

    @pl.when(j == 0)
    def _():
        g_ref[...] = jnp.full((1, G, D), -jnp.inf, jnp.float32)

    bb = bb_ref[0]
    gmin = jnp.min(bb)
    gmax = jnp.max(bb)

    def _upd(g, acc):
        red = jnp.max(jnp.where(bb == g, z, -jnp.inf), axis=0, keepdims=True)
        sel = lax.broadcasted_iota(jnp.int32, (G, 1), 0) == g
        return jnp.where(sel, jnp.maximum(acc, red), acc)

    g_ref[0] = lax.fori_loop(gmin, gmax + 1, _upd, g_ref[0])


def _combine_segmax(msg, hp, cnt, b, a, batchc):
    return pl.pallas_call(
        _combine_segmax_body,
        grid=(2, _GB),
        in_specs=[
            pl.BlockSpec((_RB, D), _P),
            pl.BlockSpec((_RB, D), _U),
            pl.BlockSpec((_RB, D), _P),
            pl.BlockSpec((1, D), lambda p, j: (0, 0)),
            pl.BlockSpec((1, D), lambda p, j: (0, 0)),
            pl.BlockSpec((1, _RB, 1), lambda p, j: (j, 0, 0)),
        ],
        out_specs=[
            pl.BlockSpec((_RB, D), _U),
            pl.BlockSpec((1, G, D), lambda p, j: (p, 0, 0)),
        ],
        out_shape=[
            jax.ShapeDtypeStruct((2 * N, D), jnp.float32),
            jax.ShapeDtypeStruct((2, G, D), jnp.float32),
        ],
    )(msg, hp, cnt, b, a, batchc)


def _fc_body(x_ref, w1, b1, w2, b2, w3, b3, ws, bs, o_ref):
    x = x_ref[...]
    h = jnp.maximum(_dotT(x, w1[...]) + b1[...], 0.0)
    h = jnp.maximum(_dotT(h, w2[...]) + b2[...], 0.0)
    h = jnp.maximum(_dotT(h, w3[...]) + b3[...], 0.0)
    o_ref[...] = h + _dotT(x, ws[...]) + bs[...]


def _fc_block(x, p, rb):
    m = x.shape[0]
    args = [x]
    specs = [pl.BlockSpec((rb, D), lambda i: (i, 0))]
    for k in ("w1", "b1", "w2", "b2", "w3", "b3", "ws", "bs"):
        v = p[k]
        if v.ndim == 1:
            v = v.reshape(1, D)
            specs.append(pl.BlockSpec((1, D), lambda i: (0, 0)))
        else:
            specs.append(pl.BlockSpec((D, D), lambda i: (0, 0)))
        args.append(v)
    return pl.pallas_call(
        _fc_body,
        grid=(m // rb,),
        in_specs=specs,
        out_specs=pl.BlockSpec((rb, D), lambda i: (i, 0)),
        out_shape=jax.ShapeDtypeStruct((m, D), jnp.float32),
    )(*args)


def _infonce_body(an_ref, z_ref, b_ref, w1, b1, w2, b2, w3, b3, ws, bs,
                  o_ref, accA, accB, accC):
    j = pl.program_id(1)

    @pl.when(j == 0)
    def _():
        accA[...] = jnp.zeros_like(accA)
        accB[...] = jnp.zeros_like(accB)
        accC[...] = jnp.zeros_like(accC)

    an = an_ref[0]
    an = an / (jnp.sqrt(jnp.sum(an * an, axis=1, keepdims=True)) + 1e-12)
    x = z_ref[...]
    h = jnp.maximum(_dotT(x, w1[...]) + b1[...], 0.0)
    h = jnp.maximum(_dotT(h, w2[...]) + b2[...], 0.0)
    h = jnp.maximum(_dotT(h, w3[...]) + b3[...], 0.0)
    sm = h + _dotT(x, ws[...]) + bs[...]
    sm = sm / (jnp.sqrt(jnp.sum(sm * sm, axis=1, keepdims=True)) + 1e-12)
    sim = _dotT(an, sm) / TAU
    mask = b_ref[0] == lax.broadcasted_iota(jnp.int32, (G, 1), 0)
    accA[...] += jnp.sum(jnp.exp(sim), axis=1, keepdims=True)
    accB[...] += jnp.sum(jnp.where(mask, sim, 0.0), axis=1, keepdims=True)
    accC[...] += jnp.sum(mask.astype(jnp.float32), axis=1, keepdims=True)

    @pl.when(j == pl.num_programs(1) - 1)
    def _():
        per = accB[...] / accC[...] - jnp.log(accA[...])
        o_ref[...] = jnp.broadcast_to(-jnp.sum(per) / G, (1, 8, D))


def _infonce(anchors, zs, batch3i, prm):
    args = [anchors, zs, batch3i]
    specs = [
        pl.BlockSpec((1, G, D), lambda p, j: (p, 0, 0)),
        pl.BlockSpec((_RB, D), lambda p, j: ((1 - p) * _GB + j, 0)),
        pl.BlockSpec((1, 1, _RB), lambda p, j: (j, 0, 0)),
    ]
    for k in ("w1", "b1", "w2", "b2", "w3", "b3", "ws", "bs"):
        v = prm[k]
        if v.ndim == 1:
            v = v.reshape(1, D)
            specs.append(pl.BlockSpec((1, D), lambda p, j: (0, 0)))
        else:
            specs.append(pl.BlockSpec((D, D), lambda p, j: (0, 0)))
        args.append(v)
    return pl.pallas_call(
        _infonce_body,
        grid=(2, N // _RB),
        in_specs=specs,
        out_specs=pl.BlockSpec((1, 8, D), lambda p, j: (p, 0, 0)),
        out_shape=jax.ShapeDtypeStruct((2, 8, D), jnp.float32),
        scratch_shapes=[
            pltpu.VMEM((G, 1), jnp.float32),
            pltpu.VMEM((G, 1), jnp.float32),
            pltpu.VMEM((G, 1), jnp.float32),
        ],
    )(*args)


def _chunked(idx, pad):
    body = idx.reshape(NS, EPT)
    tail = jnp.broadcast_to(pad, (NS, EPP - EPT))
    return jnp.concatenate([body, tail], axis=1).reshape(NS * NCH, CH)


def kernel(x, x1, params, edge, edge1, batch):
    dpad = N + jnp.arange(EPP - EPT, dtype=jnp.int32) % (NP - N)
    spad = jnp.arange(EPP - EPT, dtype=jnp.int32) % N
    srcs = jnp.concatenate(
        [_chunked(edge[0], spad), _chunked(edge1[0] + N, spad + N)])
    dsts = jnp.concatenate(
        [_chunked(edge[1], dpad), _chunked(edge1[1], dpad)])

    cnt = _sc_count(dsts)

    xs = jnp.concatenate([x, x1], axis=0)
    a = params["prelu_a"].reshape(1, D)
    b0 = params["conv0_b"].reshape(1, D)
    b1 = params["conv1_b"].reshape(1, D)

    hp = _mm_scale(xs, params["conv0_w"], cnt)
    msg = _sc_scatter(hp, srcs, dsts)
    hp = _combine_mm(msg, hp, cnt, b0, a, params["conv1_w"])
    msg = _sc_scatter(hp, srcs, dsts)
    zs, gs = _combine_segmax(msg, hp, cnt, b1, a,
                             batch.reshape(_GB, _RB, 1))

    pro_gs = _fc_block(gs.reshape(2 * G, D), params["global"], 2 * G)

    batch3i = batch.reshape(N // _RB, 1, _RB)
    ls = _infonce(pro_gs.reshape(2, G, D), zs, batch3i, params["local"])
    loss = 0.5 * (ls[0, 0, 0] + ls[1, 0, 0])
    return (loss, zs[:N], gs[0])

# --- scband reference (transcript-rebuilt; emitter-appended) ---
"""Pipeline reference for scband-contrast-89292370084353 (READ-ONLY COPY).

The authoritative reference and input builder live on the scoring server;
editing this copy changes nothing except your own understanding.
"""

import jax, jax.numpy as jnp
import numpy as np

N = 10000
E = 320000
D = 128
G = 64
TAU = 0.2
NUM_LAYERS = 2


def _lin_params(key, in_dim, out_dim):
    k1, k2 = jax.random.split(key)
    w = jax.random.normal(k1, (out_dim, in_dim), dtype=jnp.float32) * 0.05
    b = jax.random.normal(k2, (out_dim,), dtype=jnp.float32) * 0.05
    return w, b


def _fc_params(key, in_dim, out_dim):
    ks = jax.random.split(key, 4)
    p = {}
    p['w1'], p['b1'] = _lin_params(ks[0], in_dim, out_dim)
    p['w2'], p['b2'] = _lin_params(ks[1], out_dim, out_dim)
    p['w3'], p['b3'] = _lin_params(ks[2], out_dim, out_dim)
    p['ws'], p['bs'] = _lin_params(ks[3], in_dim, out_dim)
    return p


def setup_inputs(seed: int = 0) -> dict:
    key = jax.random.key(seed)
    ks = jax.random.split(key, 12)
    x = jax.random.normal(ks[0], (N, D), dtype=jnp.float32)
    x1 = jax.random.normal(ks[1], (N, D), dtype=jnp.float32)
    edge = jax.random.randint(ks[2], (2, E), 0, N, dtype=jnp.int32)
    edge1 = jax.random.randint(ks[3], (2, E), 0, N, dtype=jnp.int32)
    batch = jnp.sort(jax.random.randint(ks[4], (N,), 0, G, dtype=jnp.int32))
    params = {}
    for i in range(NUM_LAYERS):
        w, b = _lin_params(ks[5 + i], D, D)
        params['conv%d_w' % i] = w
        params['conv%d_b' % i] = b
    params['prelu_a'] = jnp.full((D,), 0.25, dtype=jnp.float32)
    params['local'] = _fc_params(ks[8], D, D)
    params['global'] = _fc_params(ks[9], D, D)
    return {'x': x, 'x1': x1, 'params': params, 'edge': edge, 'edge1': edge1, 'batch': batch}


def linear(x, w, b):
    return x @ w.T + b


def fc_block(x, p):
    h = jax.nn.relu(linear(x, p['w1'], p['b1']))
    h = jax.nn.relu(linear(h, p['w2'], p['b2']))
    h = jax.nn.relu(linear(h, p['w3'], p['b3']))
    return h + linear(x, p['ws'], p['bs'])


def gcn_conv(x, src, dst, w, b, n):
    h = x @ w.T
    loop = jnp.arange(n, dtype=src.dtype)
    src_f = jnp.concatenate([src, loop])
    dst_f = jnp.concatenate([dst, loop])
    deg = jax.ops.segment_sum(jnp.ones(src_f.shape[0], dtype=jnp.float32), dst_f, num_segments=n)
    dinv = jnp.where(deg > 0, deg ** -0.5, 0.0)
    norm = dinv[src_f] * dinv[dst_f]
    out = jax.ops.segment_sum(h[src_f] * norm[:, None], dst_f, num_segments=n)
    return out + b


def prelu(x, a):
    return jnp.where(x >= 0, x, a * x)


def encoder(x, edge_index, params, n):
    z = x
    for i in range(NUM_LAYERS):
        z = gcn_conv(z, edge_index[0], edge_index[1], params['conv%d_w' % i], params['conv%d_b' % i], n)
        z = prelu(z, params['prelu_a'])
    return z


def infonce(anchor, sample, pos_mask):
    a = anchor / (jnp.linalg.norm(anchor, axis=1, keepdims=True) + 1e-12)
    s = sample / (jnp.linalg.norm(sample, axis=1, keepdims=True) + 1e-12)
    sim = (a @ s.T) / TAU
    exp_sim = jnp.exp(sim)
    log_prob = sim - jnp.log(exp_sim.sum(axis=1, keepdims=True))
    loss = (log_prob * pos_mask).sum(axis=1) / pos_mask.sum(axis=1)
    return -loss.mean()


def reference(x, x1, params, edge, edge1, batch):
    n = x.shape[0]
    z = encoder(x, edge, params, n)
    z1 = encoder(x1, edge1, params, n)
    g = jax.ops.segment_max(z, batch, num_segments=G)
    g1 = jax.ops.segment_max(z1, batch, num_segments=G)
    pro_z = fc_block(z, params['local'])
    pro_z1 = fc_block(z1, params['local'])
    pro_g = fc_block(g, params['global'])
    pro_g1 = fc_block(g1, params['global'])
    pos_mask = (batch[None, :] == jnp.arange(G, dtype=batch.dtype)[:, None]).astype(jnp.float32)
    l1 = infonce(pro_g, pro_z1, pos_mask)
    l2 = infonce(pro_g1, pro_z, pos_mask)
    loss = 0.5 * (l1 + l2)
    return (loss, z, g)

if __name__ == "__main__":
    import jax
    _d = setup_inputs()
    print(jax.jit(kernel)(*tuple(_d.values())))

</pallas_src>

<mosaic_0001>
#map = affine_map<(d0, d1) -> (0, 0)>
module attributes {stable_mosaic.version = 14 : i64} {
  func.func @_sc_count_body(%arg0: i32, %arg1: i32, %arg2: memref<5120x128xi32, #tpu.memory_space<hbm>>, %arg3: memref<20480x128xf32, #tpu.memory_space<hbm>>, %arg4: memref<10240x128xf32, #tpu.memory_space<vmem_shared>>, %arg5: memref<40x128xi32, #tpu.memory_space<vmem>>, %arg6: memref<128x128xf32, #tpu.memory_space<vmem>>) attributes {dimension_semantics = [#tpu.dimension_semantics<core_parallel>, #tpu.dimension_semantics<subcore_parallel>], iteration_bounds = array<i64: 2, 16>, scalar_prefetch = 0 : i64, scratch_operands = 3 : i64, tpu.core_type = #tpu.core_type<sc_vector_subcore>, window_params = [{transform_indices = #map}, {transform_indices = #map}]} {
    %scan3A = arith.constant 0 : i32
    %scan3A_0 = arith.constant 0 : i32
    %scan3A_1 = arith.constant 128 : i32
    %scan3A_2 = arith.addi %scan3A_0, %scan3A_1 : i32
    %scan3A_3 = arith.constant 1 : i32
    %scan3A_4 = scf.for %scan3A_80 = %scan3A_0 to %scan3A_2 step %scan3A_3 iter_args(%scan3A_81 = %scan3A) -> (i32)  : i32 {
      %broadcast_in_dim3A = arith.constant 0.000000e+00 : f32
      %broadcast_in_dim3A_82 = vector.broadcast %broadcast_in_dim3A : f32 to vector<16xf32>
      %swap3A = arith.index_cast %scan3A_80 : i32 to index
      %swap3A_83 = arith.constant 0 : index
      %swap3A_84 = tpu.vector_load %arg6[%swap3A, %swap3A_83] {strides = array<i32>} : memref<128x128xf32, #tpu.memory_space<vmem>>, vector<1x16xf32>,
      %swap3A_85 = vector.shape_cast %swap3A_84 : vector<1x16xf32> to vector<16xf32>
      %swap3A_86 = vector.shape_cast %broadcast_in_dim3A_82 : vector<16xf32> to vector<1x16xf32>
      tpu.vector_store %arg6[%swap3A, %swap3A_83], %swap3A_86 {strides = array<i32>} : memref<128x128xf32, #tpu.memory_space<vmem>>, vector<1x16xf32>,
      %broadcast_in_dim3A_87 = arith.constant 0.000000e+00 : f32
      %broadcast_in_dim3A_88 = vector.broadcast %broadcast_in_dim3A_87 : f32 to vector<16xf32>
      %swap3A_89 = arith.index_cast %scan3A_80 : i32 to index
      %swap3A_90 = arith.constant 16 : index
      %swap3A_91 = tpu.vector_load %arg6[%swap3A_89, %swap3A_90] {strides = array<i32>} : memref<128x128xf32, #tpu.memory_space<vmem>>, vector<1x16xf32>,
      %swap3A_92 = vector.shape_cast %swap3A_91 : vector<1x16xf32> to vector<16xf32>
      %swap3A_93 = vector.shape_cast %broadcast_in_dim3A_88 : vector<16xf32> to vector<1x16xf32>
      tpu.vector_store %arg6[%swap3A_89, %swap3A_90], %swap3A_93 {strides = array<i32>} : memref<128x128xf32, #tpu.memory_space<vmem>>, vector<1x16xf32>,
      %broadcast_in_dim3A_94 = arith.constant 0.000000e+00 : f32
      %broadcast_in_dim3A_95 = vector.broadcast %broadcast_in_dim3A_94 : f32 to vector<16xf32>
      %swap3A_96 = arith.index_cast %scan3A_80 : i32 to index
      %swap3A_97 = arith.constant 32 : index
      %swap3A_98 = tpu.vector_load %arg6[%swap3A_96, %swap3A_97] {strides = array<i32>} : memref<128x128xf32, #tpu.memory_space<vmem>>, vector<1x16xf32>,
      %swap3A_99 = vector.shape_cast %swap3A_98 : vector<1x16xf32> to vector<16xf32>
      %swap3A_100 = vector.shape_cast %broadcast_in_dim3A_95 : vector<16xf32> to vector<1x16xf32>
      tpu.vector_store %arg6[%swap3A_96, %swap3A_97], %swap3A_100 {strides = array<i32>} : memref<128x128xf32, #tpu.memory_space<vmem>>, vector<1x16xf32>,
      %broadcast_in_dim3A_101 = arith.constant 0.000000e+00 : f32
      %broadcast_in_dim3A_102 = vector.broadcast %broadcast_in_dim3A_101 : f32 to vector<16xf32>
      %swap3A_103 = arith.index_cast %scan3A_80 : i32 to index
      %swap3A_104 = arith.constant 48 : index
      %swap3A_105 = tpu.vector_load %arg6[%swap3A_103, %swap3A_104] {strides = array<i32>} : memref<128x128xf32, #tpu.memory_space<vmem>>, vector<1x16xf32>,
      %swap3A_106 = vector.shape_cast %swap3A_105 : vector<1x16xf32> to vector<16xf32>
      %swap3A_107 = vector.shape_cast %broadcast_in_dim3A_102 : vector<16xf32> to vector<1x16xf32>
      tpu.vector_store %arg6[%swap3A_103, %swap3A_104], %swap3A_107 {strides = array<i32>} : memref<128x128xf32, #tpu.memory_space<vmem>>, vector<1x16xf32>,
      %broadcast_in_dim3A_108 = arith.constant 0.000000e+00 : f32
      %broadcast_in_dim3A_109 = vector.broadcast %broadcast_in_dim3A_108 : f32 to vector<16xf32>
      %swap3A_110 = arith.index_cast %scan3A_80 : i32 to index
      %swap3A_111 = arith.constant 64 : index
      %swap3A_112 = tpu.vector_load %arg6[%swap3A_110, %swap3A_111] {strides = array<i32>} : memref<128x128xf32, #tpu.memory_space<vmem>>, vector<1x16xf32>,
      %swap3A_113 = vector.shape_cast %swap3A_112 : vector<1x16xf32> to vector<16xf32>
      %swap3A_114 = vector.shape_cast %broadcast_in_dim3A_109 : vector<16xf32> to vector<1x16xf32>
      tpu.vector_store %arg6[%swap3A_110, %swap3A_111], %swap3A_114 {strides = array<i32>} : memref<128x128xf32, #tpu.memory_space<vmem>>, vector<1x16xf32>,
      %broadcast_in_dim3A_115 = arith.constant 0.000000e+00 : f32
      %broadcast_in_dim3A_116 = vector.broadcast %broadcast_in_dim3A_115 : f32 to vector<16xf32>
      %swap3A_117 = arith.index_cast %scan3A_80 : i32 to index
      %swap3A_118 = arith.constant 80 : index
      %swap3A_119 = tpu.vector_load %arg6[%swap3A_117, %swap3A_118] {strides = array<i32>} : memref<128x128xf32, #tpu.memory_space<vmem>>, vector<1x16xf32>,
      %swap3A_120 = vector.shape_cast %swap3A_119 : vector<1x16xf32> to vector<16xf32>
      %swap3A_121 = vector.shape_cast %broadcast_in_dim3A_116 : vector<16xf32> to vector<1x16xf32>
      tpu.vector_store %arg6[%swap3A_117, %swap3A_118], %swap3A_121 {strides = array<i32>} : memref<128x128xf32, #tpu.memory_space<vmem>>, vector<1x16xf32>,
      %broadcast_in_dim3A_122 = arith.constant 0.000000e+00 : f32
      %broadcast_in_dim3A_123 = vector.broadcast %broadcast_in_dim3A_122 : f32 to vector<16xf32>
      %swap3A_124 = arith.index_cast %scan3A_80 : i32 to index
      %swap3A_125 = arith.constant 96 : index
      %swap3A_126 = tpu.vector_load %arg6[%swap3A_124, %swap3A_125] {strides = array<i32>} : memref<128x128xf32, #tpu.memory_space<vmem>>, vector<1x16xf32>,
      %swap3A_127 = vector.shape_cast %swap3A_126 : vector<1x16xf32> to vector<16xf32>
      %swap3A_128 = vector.shape_cast %broadcast_in_dim3A_123 : vector<16xf32> to vector<1x16xf32>
      tpu.vector_store %arg6[%swap3A_124, %swap3A_125], %swap3A_128 {strides = array<i32>} : memref<128x128xf32, #tpu.memory_space<vmem>>, vector<1x16xf32>,
      %broadcast_in_dim3A_129 = arith.constant 0.000000e+00 : f32
      %broadcast_in_dim3A_130 = vector.broadcast %broadcast_in_dim3A_129 : f32 to vector<16xf32>
      %swap3A_131 = arith.index_cast %scan3A_80 : i32 to index
      %swap3A_132 = arith.constant 112 : index
      %swap3A_133 = tpu.vector_load %arg6[%swap3A_131, %swap3A_132] {strides = array<i32>} : memref<128x128xf32, #tpu.memory_space<vmem>>, vector<1x16xf32>,
      %swap3A_134 = vector.shape_cast %swap3A_133 : vector<1x16xf32> to vector<16xf32>
      %swap3A_135 = vector.shape_cast %broadcast_in_dim3A_130 : vector<16xf32> to vector<1x16xf32>
      tpu.vector_store %arg6[%swap3A_131, %swap3A_132], %swap3A_135 {strides = array<i32>} : memref<128x128xf32, #tpu.memory_space<vmem>>, vector<1x16xf32>,
      %scan3A_136 = arith.constant 0 : i32
      scf.yield %scan3A_136 : i32
    }
    %scan3A_5 = arith.constant 128 : i32
    %mul3A = arith.constant 640 : i32
    %mul3A_6 = arith.muli %arg1, %mul3A : i32
    %add3A = arith.constant 0 : i32
    %add3A_7 = arith.addi %mul3A_6, %add3A : i32
    "tpu.region"() ({
      %run_scoped3A = tpu.sem_alloc : memref<!tpu.dma_semaphore, #tpu.memory_space<semaphore_mem>>
      %dma_start3A = arith.constant 0 : i32
      %dma_start3A_80 = tpu.memref_slice %arg4[%add3A_7, %dma_start3A] : memref<10240x128xf32, #tpu.memory_space<vmem_shared>> -> memref<128x128xf32, #tpu.memory_space<vmem_shared>>
      %dma_start3A_81 = arith.constant 0 : i32
      %dma_start3A_82 = tpu.memref_slice %arg4[%add3A_7, %dma_start3A_81] : memref<10240x128xf32, #tpu.memory_space<vmem_shared>> -> memref<128x128xf32, #tpu.memory_space<vmem_shared>>
      tpu.enqueue_dma source(%arg6 : memref<128x128xf32, #tpu.memory_space<vmem>>) target(%dma_start3A_82 : memref<128x128xf32, #tpu.memory_space<vmem_shared>>) target_semaphore(%run_scoped3A : memref<!tpu.dma_semaphore, #tpu.memory_space<semaphore_mem>>)
      %dma_wait3A = arith.constant 0 : i32
      %dma_wait3A_83 = tpu.memref_slice %arg4[%add3A_7, %dma_wait3A] : memref<10240x128xf32, #tpu.memory_space<vmem_shared>> -> memref<128x128xf32, #tpu.memory_space<vmem_shared>>
      %dma_wait3A_84 = arith.constant 0 : i32
      %dma_wait3A_85 = tpu.memref_slice %arg4[%add3A_7, %dma_wait3A_84] : memref<10240x128xf32, #tpu.memory_space<vmem_shared>> -> memref<128x128xf32, #tpu.memory_space<vmem_shared>>
      tpu.wait_dma2 semaphore(%run_scoped3A : memref<!tpu.dma_semaphore, #tpu.memory_space<semaphore_mem>>) src(%arg6 : memref<128x128xf32, #tpu.memory_space<vmem>>) dst(%dma_wait3A_85 : memref<128x128xf32, #tpu.memory_space<vmem_shared>>)
      tpu.yield
    }) : () -> ()
    %mul3A_8 = arith.constant 640 : i32
    %mul3A_9 = arith.muli %arg1, %mul3A_8 : i32
    %add3A_10 = arith.constant 128 : i32
    %add3A_11 = arith.addi %mul3A_9, %add3A_10 : i32
    "tpu.region"() ({
      %run_scoped3A = tpu.sem_alloc : memref<!tpu.dma_semaphore, #tpu.memory_space<semaphore_mem>>
      %dma_start3A = arith.constant 0 : i32
      %dma_start3A_80 = tpu.memref_slice %arg4[%add3A_11, %dma_start3A] : memref<10240x128xf32, #tpu.memory_space<vmem_shared>> -> memref<128x128xf32, #tpu.memory_space<vmem_shared>>
      %dma_start3A_81 = arith.constant 0 : i32
      %dma_start3A_82 = tpu.memref_slice %arg4[%add3A_11, %dma_start3A_81] : memref<10240x128xf32, #tpu.memory_space<vmem_shared>> -> memref<128x128xf32, #tpu.memory_space<vmem_shared>>
      tpu.enqueue_dma source(%arg6 : memref<128x128xf32, #tpu.memory_space<vmem>>) target(%dma_start3A_82 : memref<128x128xf32, #tpu.memory_space<vmem_shared>>) target_semaphore(%run_scoped3A : memref<!tpu.dma_semaphore, #tpu.memory_space<semaphore_mem>>)
      %dma_wait3A = arith.constant 0 : i32
      %dma_wait3A_83 = tpu.memref_slice %arg4[%add3A_11, %dma_wait3A] : memref<10240x128xf32, #tpu.memory_space<vmem_shared>> -> memref<128x128xf32, #tpu.memory_space<vmem_shared>>
      %dma_wait3A_84 = arith.constant 0 : i32
      %dma_wait3A_85 = tpu.memref_slice %arg4[%add3A_11, %dma_wait3A_84] : memref<10240x128xf32, #tpu.memory_space<vmem_shared>> -> memref<128x128xf32, #tpu.memory_space<vmem_shared>>
      tpu.wait_dma2 semaphore(%run_scoped3A : memref<!tpu.dma_semaphore, #tpu.memory_space<semaphore_mem>>) src(%arg6 : memref<128x128xf32, #tpu.memory_space<vmem>>) dst(%dma_wait3A_85 : memref<128x128xf32, #tpu.memory_space<vmem_shared>>)
      tpu.yield
    }) : () -> ()
    %mul3A_12 = arith.constant 640 : i32
    %mul3A_13 = arith.muli %arg1, %mul3A_12 : i32
    %add3A_14 = arith.constant 256 : i32
    %add3A_15 = arith.addi %mul3A_13, %add3A_14 : i32
    "tpu.region"() ({
      %run_scoped3A = tpu.sem_alloc : memref<!tpu.dma_semaphore, #tpu.memory_space<semaphore_mem>>
      %dma_start3A = arith.constant 0 : i32
      %dma_start3A_80 = tpu.memref_slice %arg4[%add3A_15, %dma_start3A] : memref<10240x128xf32, #tpu.memory_space<vmem_shared>> -> memref<128x128xf32, #tpu.memory_space<vmem_shared>>
      %dma_start3A_81 = arith.constant 0 : i32
      %dma_start3A_82 = tpu.memref_slice %arg4[%add3A_15, %dma_start3A_81] : memref<10240x128xf32, #tpu.memory_space<vmem_shared>> -> memref<128x128xf32, #tpu.memory_space<vmem_shared>>
      tpu.enqueue_dma source(%arg6 : memref<128x128xf32, #tpu.memory_space<vmem>>) target(%dma_start3A_82 : memref<128x128xf32, #tpu.memory_space<vmem_shared>>) target_semaphore(%run_scoped3A : memref<!tpu.dma_semaphore, #tpu.memory_space<semaphore_mem>>)
      %dma_wait3A = arith.constant 0 : i32
      %dma_wait3A_83 = tpu.memref_slice %arg4[%add3A_15, %dma_wait3A] : memref<10240x128xf32, #tpu.memory_space<vmem_shared>> -> memref<128x128xf32, #tpu.memory_space<vmem_shared>>
      %dma_wait3A_84 = arith.constant 0 : i32
      %dma_wait3A_85 = tpu.memref_slice %arg4[%add3A_15, %dma_wait3A_84] : memref<10240x128xf32, #tpu.memory_space<vmem_shared>> -> memref<128x128xf32, #tpu.memory_space<vmem_shared>>
      tpu.wait_dma2 semaphore(%run_scoped3A : memref<!tpu.dma_semaphore, #tpu.memory_space<semaphore_mem>>) src(%arg6 : memref<128x128xf32, #tpu.memory_space<vmem>>) dst(%dma_wait3A_85 : memref<128x128xf32, #tpu.memory_space<vmem_shared>>)
      tpu.yield
    }) : () -> ()
    %mul3A_16 = arith.constant 640 : i32
    %mul3A_17 = arith.muli %arg1, %mul3A_16 : i32
    %add3A_18 = arith.constant 384 : i32
    %add3A_19 = arith.addi %mul3A_17, %add3A_18 : i32
    "tpu.region"() ({
      %run_scoped3A = tpu.sem_alloc : memref<!tpu.dma_semaphore, #tpu.memory_space<semaphore_mem>>
      %dma_start3A = arith.constant 0 : i32
      %dma_start3A_80 = tpu.memref_slice %arg4[%add3A_19, %dma_start3A] : memref<10240x128xf32, #tpu.memory_space<vmem_shared>> -> memref<128x128xf32, #tpu.memory_space<vmem_shared>>
      %dma_start3A_81 = arith.constant 0 : i32
      %dma_start3A_82 = tpu.memref_slice %arg4[%add3A_19, %dma_start3A_81] : memref<10240x128xf32, #tpu.memory_space<vmem_shared>> -> memref<128x128xf32, #tpu.memory_space<vmem_shared>>
      tpu.enqueue_dma source(%arg6 : memref<128x128xf32, #tpu.memory_space<vmem>>) target(%dma_start3A_82 : memref<128x128xf32, #tpu.memory_space<vmem_shared>>) target_semaphore(%run_scoped3A : memref<!tpu.dma_semaphore, #tpu.memory_space<semaphore_mem>>)
      %dma_wait3A = arith.constant 0 : i32
      %dma_wait3A_83 = tpu.memref_slice %arg4[%add3A_19, %dma_wait3A] : memref<10240x128xf32, #tpu.memory_space<vmem_shared>> -> memref<128x128xf32, #tpu.memory_space<vmem_shared>>
      %dma_wait3A_84 = arith.constant 0 : i32
      %dma_wait3A_85 = tpu.memref_slice %arg4[%add3A_19, %dma_wait3A_84] : memref<10240x128xf32, #tpu.memory_space<vmem_shared>> -> memref<128x128xf32, #tpu.memory_space<vmem_shared>>
      tpu.wait_dma2 semaphore(%run_scoped3A : memref<!tpu.dma_semaphore, #tpu.memory_space<semaphore_mem>>) src(%arg6 : memref<128x128xf32, #tpu.memory_space<vmem>>) dst(%dma_wait3A_85 : memref<128x128xf32, #tpu.memory_space<vmem_shared>>)
      tpu.yield
    }) : () -> ()
    %mul3A_20 = arith.constant 640 : i32
    %mul3A_21 = arith.muli %arg1, %mul3A_20 : i32
    %add3A_22 = arith.constant 512 : i32
    %add3A_23 = arith.addi %mul3A_21, %add3A_22 : i32
    "tpu.region"() ({
      %run_scoped3A = tpu.sem_alloc : memref<!tpu.dma_semaphore, #tpu.memory_space<semaphore_mem>>
      %dma_start3A = arith.constant 0 : i32
      %dma_start3A_80 = tpu.memref_slice %arg4[%add3A_23, %dma_start3A] : memref<10240x128xf32, #tpu.memory_space<vmem_shared>> -> memref<128x128xf32, #tpu.memory_space<vmem_shared>>
      %dma_start3A_81 = arith.constant 0 : i32
      %dma_start3A_82 = tpu.memref_slice %arg4[%add3A_23, %dma_start3A_81] : memref<10240x128xf32, #tpu.memory_space<vmem_shared>> -> memref<128x128xf32, #tpu.memory_space<vmem_shared>>
      tpu.enqueue_dma source(%arg6 : memref<128x128xf32, #tpu.memory_space<vmem>>) target(%dma_start3A_82 : memref<128x128xf32, #tpu.memory_space<vmem_shared>>) target_semaphore(%run_scoped3A : memref<!tpu.dma_semaphore, #tpu.memory_space<semaphore_mem>>)
      %dma_wait3A = arith.constant 0 : i32
      %dma_wait3A_83 = tpu.memref_slice %arg4[%add3A_23, %dma_wait3A] : memref<10240x128xf32, #tpu.memory_space<vmem_shared>> -> memref<128x128xf32, #tpu.memory_space<vmem_shared>>
      %dma_wait3A_84 = arith.constant 0 : i32
      %dma_wait3A_85 = tpu.memref_slice %arg4[%add3A_23, %dma_wait3A_84] : memref<10240x128xf32, #tpu.memory_space<vmem_shared>> -> memref<128x128xf32, #tpu.memory_space<vmem_shared>>
      tpu.wait_dma2 semaphore(%run_scoped3A : memref<!tpu.dma_semaphore, #tpu.memory_space<semaphore_mem>>) src(%arg6 : memref<128x128xf32, #tpu.memory_space<vmem>>) dst(%dma_wait3A_85 : memref<128x128xf32, #tpu.memory_space<vmem_shared>>)
      tpu.yield
    }) : () -> ()
    %scan3A_24 = arith.constant 0 : i32
    %scan3A_25 = arith.constant 0 : i32
    %scan3A_26 = arith.constant 128 : i32
    %scan3A_27 = arith.addi %scan3A_25, %scan3A_26 : i32
    %scan3A_28 = arith.constant 1 : i32
    %scan3A_29 = scf.for %scan3A_80 = %scan3A_25 to %scan3A_27 step %scan3A_28 iter_args(%scan3A_81 = %scan3A_24) -> (i32)  : i32 {
      %broadcast_in_dim3A = arith.constant 1.000000e+00 : f32
      %broadcast_in_dim3A_82 = vector.broadcast %broadcast_in_dim3A : f32 to vector<16xf32>
      %swap3A = arith.index_cast %scan3A_80 : i32 to index
      %swap3A_83 = arith.constant 0 : index
      %swap3A_84 = tpu.vector_load %arg6[%swap3A, %swap3A_83] {strides = array<i32>} : memref<128x128xf32, #tpu.memory_space<vmem>>, vector<1x16xf32>,
      %swap3A_85 = vector.shape_cast %swap3A_84 : vector<1x16xf32> to vector<16xf32>
      %swap3A_86 = vector.shape_cast %broadcast_in_dim3A_82 : vector<16xf32> to vector<1x16xf32>
      tpu.vector_store %arg6[%swap3A, %swap3A_83], %swap3A_86 {strides = array<i32>} : memref<128x128xf32, #tpu.memory_space<vmem>>, vector<1x16xf32>,
      %broadcast_in_dim3A_87 = arith.constant 1.000000e+00 : f32
      %broadcast_in_dim3A_88 = vector.broadcast %broadcast_in_dim3A_87 : f32 to vector<16xf32>
      %swap3A_89 = arith.index_cast %scan3A_80 : i32 to index
      %swap3A_90 = arith.constant 16 : index
      %swap3A_91 = tpu.vector_load %arg6[%swap3A_89, %swap3A_90] {strides = array<i32>} : memref<128x128xf32, #tpu.memory_space<vmem>>, vector<1x16xf32>,
      %swap3A_92 = vector.shape_cast %swap3A_91 : vector<1x16xf32> to vector<16xf32>
      %swap3A_93 = vector.shape_cast %broadcast_in_dim3A_88 : vector<16xf32> to vector<1x16xf32>
      tpu.vector_store %arg6[%swap3A_89, %swap3A_90], %swap3A_93 {strides = array<i32>} : memref<128x128xf32, #tpu.memory_space<vmem>>, vector<1x16xf32>,
      %broadcast_in_dim3A_94 = arith.constant 1.000000e+00 : f32
      %broadcast_in_dim3A_95 = vector.broadcast %broadcast_in_dim3A_94 : f32 to vector<16xf32>
      %swap3A_96 = arith.index_cast %scan3A_80 : i32 to index
      %swap3A_97 = arith.constant 32 : index
      %swap3A_98 = tpu.vector_load %arg6[%swap3A_96, %swap3A_97] {strides = array<i32>} : memref<128x128xf32, #tpu.memory_space<vmem>>, vector<1x16xf32>,
      %swap3A_99 = vector.shape_cast %swap3A_98 : vector<1x16xf32> to vector<16xf32>
      %swap3A_100 = vector.shape_cast %broadcast_in_dim3A_95 : vector<16xf32> to vector<1x16xf32>
      tpu.vector_store %arg6[%swap3A_96, %swap3A_97], %swap3A_100 {strides = array<i32>} : memref<128x128xf32, #tpu.memory_space<vmem>>, vector<1x16xf32>,
      %broadcast_in_dim3A_101 = arith.constant 1.000000e+00 : f32
      %broadcast_in_dim3A_102 = vector.broadcast %broadcast_in_dim3A_101 : f32 to vector<16xf32>
      %swap3A_103 = arith.index_cast %scan3A_80 : i32 to index
      %swap3A_104 = arith.constant 48 : index
      %swap3A_105 = tpu.vector_load %arg6[%swap3A_103, %swap3A_104] {strides = array<i32>} : memref<128x128xf32, #tpu.memory_space<vmem>>, vector<1x16xf32>,
      %swap3A_106 = vector.shape_cast %swap3A_105 : vector<1x16xf32> to vector<16xf32>
      %swap3A_107 = vector.shape_cast %broadcast_in_dim3A_102 : vector<16xf32> to vector<1x16xf32>
      tpu.vector_store %arg6[%swap3A_103, %swap3A_104], %swap3A_107 {strides = array<i32>} : memref<128x128xf32, #tpu.memory_space<vmem>>, vector<1x16xf32>,
      %broadcast_in_dim3A_108 = arith.constant 1.000000e+00 : f32
      %broadcast_in_dim3A_109 = vector.broadcast %broadcast_in_dim3A_108 : f32 to vector<16xf32>
      %swap3A_110 = arith.index_cast %scan3A_80 : i32 to index
      %swap3A_111 = arith.constant 64 : index
      %swap3A_112 = tpu.vector_load %arg6[%swap3A_110, %swap3A_111] {strides = array<i32>} : memref<128x128xf32, #tpu.memory_space<vmem>>, vector<1x16xf32>,
      %swap3A_113 = vector.shape_cast %swap3A_112 : vector<1x16xf32> to vector<16xf32>
      %swap3A_114 = vector.shape_cast %broadcast_in_dim3A_109 : vector<16xf32> to vector<1x16xf32>
      tpu.vector_store %arg6[%swap3A_110, %swap3A_111], %swap3A_114 {strides = array<i32>} : memref<128x128xf32, #tpu.memory_space<vmem>>, vector<1x16xf32>,
      %broadcast_in_dim3A_115 = arith.constant 1.000000e+00 : f32
      %broadcast_in_dim3A_116 = vector.broadcast %broadcast_in_dim3A_115 : f32 to vector<16xf32>
      %swap3A_117 = arith.index_cast %scan3A_80 : i32 to index
      %swap3A_118 = arith.constant 80 : index
      %swap3A_119 = tpu.vector_load %arg6[%swap3A_117, %swap3A_118] {strides = array<i32>} : memref<128x128xf32, #tpu.memory_space<vmem>>, vector<1x16xf32>,
      %swap3A_120 = vector.shape_cast %swap3A_119 : vector<1x16xf32> to vector<16xf32>
      %swap3A_121 = vector.shape_cast %broadcast_in_dim3A_116 : vector<16xf32> to vector<1x16xf32>
      tpu.vector_store %arg6[%swap3A_117, %swap3A_118], %swap3A_121 {strides = array<i32>} : memref<128x128xf32, #tpu.memory_space<vmem>>, vector<1x16xf32>,
      %broadcast_in_dim3A_122 = arith.constant 1.000000e+00 : f32
      %broadcast_in_dim3A_123 = vector.broadcast %broadcast_in_dim3A_122 : f32 to vector<16xf32>
      %swap3A_124 = arith.index_cast %scan3A_80 : i32 to index
      %swap3A_125 = arith.constant 96 : index
      %swap3A_126 = tpu.vector_load %arg6[%swap3A_124, %swap3A_125] {strides = array<i32>} : memref<128x128xf32, #tpu.memory_space<vmem>>, vector<1x16xf32>,
      %swap3A_127 = vector.shape_cast %swap3A_126 : vector<1x16xf32> to vector<16xf32>
      %swap3A_128 = vector.shape_cast %broadcast_in_dim3A_123 : vector<16xf32> to vector<1x16xf32>
      tpu.vector_store %arg6[%swap3A_124, %swap3A_125], %swap3A_128 {strides = array<i32>} : memref<128x128xf32, #tpu.memory_space<vmem>>, vector<1x16xf32>,
      %broadcast_in_dim3A_129 = arith.constant 1.000000e+00 : f32
      %broadcast_in_dim3A_130 = vector.broadcast %broadcast_in_dim3A_129 : f32 to vector<16xf32>
      %swap3A_131 = arith.index_cast %scan3A_80 : i32 to index
      %swap3A_132 = arith.constant 112 : index
      %swap3A_133 = tpu.vector_load %arg6[%swap3A_131, %swap3A_132] {strides = array<i32>} : memref<128x128xf32, #tpu.memory_space<vmem>>, vector<1x16xf32>,
      %swap3A_134 = vector.shape_cast %swap3A_133 : vector<1x16xf32> to vector<16xf32>
      %swap3A_135 = vector.shape_cast %broadcast_in_dim3A_130 : vector<16xf32> to vector<1x16xf32>
      tpu.vector_store %arg6[%swap3A_131, %swap3A_132], %swap3A_135 {strides = array<i32>} : memref<128x128xf32, #tpu.memory_space<vmem>>, vector<1x16xf32>,
      %scan3A_136 = arith.constant 0 : i32
      scf.yield %scan3A_136 : i32
    }
    %scan3A_30 = arith.constant 128 : i32
    %mul3A_31 = arith.constant 16 : i32
    %mul3A_32 = arith.muli %arg0, %mul3A_31 : i32
    %add3A_33 = arith.addi %mul3A_32, %arg1 : i32
    %mul3A_34 = arith.constant 160 : i32
    %mul3A_35 = arith.muli %add3A_33, %mul3A_34 : i32
    %barrier3A = arith.constant 0 : index
    tpu.barrier barrier_id(%barrier3A)
    %add3A_36 = arith.constant 0 : i32
    %add3A_37 = arith.addi %mul3A_35, %add3A_36 : i32
    "tpu.region"() ({
      %run_scoped3A = tpu.sem_alloc : memref<!tpu.dma_semaphore, #tpu.memory_space<semaphore_mem>>
      %dma_start3A = arith.constant 0 : i32
      %dma_start3A_80 = tpu.memref_slice %arg2[%add3A_37, %dma_start3A] : memref<5120x128xi32, #tpu.memory_space<hbm>> -> memref<40x128xi32, #tpu.memory_space<hbm>>
      %dma_start3A_81 = arith.constant 0 : i32
      %dma_start3A_82 = tpu.memref_slice %arg2[%add3A_37, %dma_start3A_81] : memref<5120x128xi32, #tpu.memory_space<hbm>> -> memref<40x128xi32, #tpu.memory_space<hbm>>
      tpu.enqueue_dma source(%dma_start3A_82 : memref<40x128xi32, #tpu.memory_space<hbm>>) target(%arg5 : memref<40x128xi32, #tpu.memory_space<vmem>>) target_semaphore(%run_scoped3A : memref<!tpu.dma_semaphore, #tpu.memory_space<semaphore_mem>>)
      %dma_wait3A = arith.constant 0 : i32
      %dma_wait3A_83 = tpu.memref_slice %arg2[%add3A_37, %dma_wait3A] : memref<5120x128xi32, #tpu.memory_space<hbm>> -> memref<40x128xi32, #tpu.memory_space<hbm>>
      %dma_wait3A_84 = arith.constant 0 : i32
      %dma_wait3A_85 = tpu.memref_slice %arg2[%add3A_37, %dma_wait3A_84] : memref<5120x128xi32, #tpu.memory_space<hbm>> -> memref<40x128xi32, #tpu.memory_space<hbm>>
      tpu.wait_dma2 semaphore(%run_scoped3A : memref<!tpu.dma_semaphore, #tpu.memory_space<semaphore_mem>>) src(%dma_wait3A_85 : memref<40x128xi32, #tpu.memory_space<hbm>>) dst(%arg5 : memref<40x128xi32, #tpu.memory_space<vmem>>)
      tpu.yield
    }) : () -> ()
    %scan3A_38 = arith.constant 0 : i32
    %scan3A_39 = arith.constant 0 : i32
    %scan3A_40 = arith.constant 40 : i32
    %scan3A_41 = arith.addi %scan3A_39, %scan3A_40 : i32
    %scan3A_42 = arith.constant 1 : i32
    %scan3A_43 = scf.for %scan3A_80 = %scan3A_39 to %scan3A_41 step %scan3A_42 iter_args(%scan3A_81 = %scan3A_38) -> (i32)  : i32 {
      "tpu.region"() ({
        %run_scoped3A = tpu.sem_alloc : memref<!tpu.dma_semaphore, #tpu.memory_space<semaphore_mem>>
        %dma_start3A = arith.constant 0 : i32
        %dma_start3A_83 = tpu.memref_slice %arg5[%scan3A_80, %dma_start3A] : memref<40x128xi32, #tpu.memory_space<vmem>> -> memref<1x128xi32, #tpu.memory_space<vmem>>
        %dma_start3A_84 = tpu.memref_squeeze %dma_start3A_83 : memref<1x128xi32, #tpu.memory_space<vmem>> -> memref<128xi32, #tpu.memory_space<vmem>>
        %dma_start3A_85 = arith.constant 0 : i32
        %dma_start3A_86 = arith.constant 0 : i32
        %dma_start3A_87 = tpu.memref_slice %arg4[%dma_start3A_85, %dma_start3A_86] : memref<10240x128xf32, #tpu.memory_space<vmem_shared>> -> memref<10240x128xf32, #tpu.memory_space<vmem_shared>>
        tpu.enqueue_indirect_dma source(%arg6 : memref<128x128xf32, #tpu.memory_space<vmem>>) target(%dma_start3A_87 : memref<10240x128xf32, #tpu.memory_space<vmem_shared>>) offsets(%dma_start3A_84 : memref<128xi32, #tpu.memory_space<vmem>>) semaphore(%run_scoped3A : memref<!tpu.dma_semaphore, #tpu.memory_space<semaphore_mem>>) {add = true}
        %dma_wait3A = arith.constant 0 : i32
        %dma_wait3A_88 = tpu.memref_slice %arg5[%scan3A_80, %dma_wait3A] : memref<40x128xi32, #tpu.memory_space<vmem>> -> memref<1x128xi32, #tpu.memory_space<vmem>>
        %dma_wait3A_89 = tpu.memref_squeeze %dma_wait3A_88 : memref<1x128xi32, #tpu.memory_space<vmem>> -> memref<128xi32, #tpu.memory_space<vmem>>
        %dma_wait3A_90 = arith.constant 0 : i32
        %dma_wait3A_91 = arith.constant 0 : i32
        %dma_wait3A_92 = tpu.memref_slice %arg4[%dma_wait3A_90, %dma_wait3A_91] : memref<10240x128xf32, #tpu.memory_space<vmem_shared>> -> memref<10240x128xf32, #tpu.memory_space<vmem_shared>>
        tpu.wait_indirect_dma semaphore(%run_scoped3A : memref<!tpu.dma_semaphore, #tpu.memory_space<semaphore_mem>>) src(%arg6 : memref<128x128xf32, #tpu.memory_space<vmem>>) dst(%dma_wait3A_92 : memref<10240x128xf32, #tpu.memory_space<vmem_shared>>)
        tpu.yield
      }) : () -> ()
      %scan3A_82 = arith.constant 0 : i32
      scf.yield %scan3A_82 : i32
    }
    %scan3A_44 = arith.constant 40 : i32
    %add3A_45 = arith.constant 40 : i32
    %add3A_46 = arith.addi %mul3A_35, %add3A_45 : i32
    "tpu.region"() ({
      %run_scoped3A = tpu.sem_alloc : memref<!tpu.dma_semaphore, #tpu.memory_space<semaphore_mem>>
      %dma_start3A = arith.constant 0 : i32
      %dma_start3A_80 = tpu.memref_slice %arg2[%add3A_46, %dma_start3A] : memref<5120x128xi32, #tpu.memory_space<hbm>> -> memref<40x128xi32, #tpu.memory_space<hbm>>
      %dma_start3A_81 = arith.constant 0 : i32
      %dma_start3A_82 = tpu.memref_slice %arg2[%add3A_46, %dma_start3A_81] : memref<5120x128xi32, #tpu.memory_space<hbm>> -> memref<40x128xi32, #tpu.memory_space<hbm>>
      tpu.enqueue_dma source(%dma_start3A_82 : memref<40x128xi32, #tpu.memory_space<hbm>>) target(%arg5 : memref<40x128xi32, #tpu.memory_space<vmem>>) target_semaphore(%run_scoped3A : memref<!tpu.dma_semaphore, #tpu.memory_space<semaphore_mem>>)
      %dma_wait3A = arith.constant 0 : i32
      %dma_wait3A_83 = tpu.memref_slice %arg2[%add3A_46, %dma_wait3A] : memref<5120x128xi32, #tpu.memory_space<hbm>> -> memref<40x128xi32, #tpu.memory_space<hbm>>
      %dma_wait3A_84 = arith.constant 0 : i32
      %dma_wait3A_85 = tpu.memref_slice %arg2[%add3A_46, %dma_wait3A_84] : memref<5120x128xi32, #tpu.memory_space<hbm>> -> memref<40x128xi32, #tpu.memory_space<hbm>>
      tpu.wait_dma2 semaphore(%run_scoped3A : memref<!tpu.dma_semaphore, #tpu.memory_space<semaphore_mem>>) src(%dma_wait3A_85 : memref<40x128xi32, #tpu.memory_space<hbm>>) dst(%arg5 : memref<40x128xi32, #tpu.memory_space<vmem>>)
      tpu.yield
    }) : () -> ()
    %scan3A_47 = arith.constant 0 : i32
    %scan3A_48 = arith.constant 0 : i32
    %scan3A_49 = arith.constant 40 : i32
    %scan3A_50 = arith.addi %scan3A_48, %scan3A_49 : i32
    %scan3A_51 = arith.constant 1 : i32
    %scan3A_52 = scf.for %scan3A_80 = %scan3A_48 to %scan3A_50 step %scan3A_51 iter_args(%scan3A_81 = %scan3A_47) -> (i32)  : i32 {
      "tpu.region"() ({
        %run_scoped3A = tpu.sem_alloc : memref<!tpu.dma_semaphore, #tpu.memory_space<semaphore_mem>>
        %dma_start3A = arith.constant 0 : i32
        %dma_start3A_83 = tpu.memref_slice %arg5[%scan3A_80, %dma_start3A] : memref<40x128xi32, #tpu.memory_space<vmem>> -> memref<1x128xi32, #tpu.memory_space<vmem>>
        %dma_start3A_84 = tpu.memref_squeeze %dma_start3A_83 : memref<1x128xi32, #tpu.memory_space<vmem>> -> memref<128xi32, #tpu.memory_space<vmem>>
        %dma_start3A_85 = arith.constant 0 : i32
        %dma_start3A_86 = arith.constant 0 : i32
        %dma_start3A_87 = tpu.memref_slice %arg4[%dma_start3A_85, %dma_start3A_86] : memref<10240x128xf32, #tpu.memory_space<vmem_shared>> -> memref<10240x128xf32, #tpu.memory_space<vmem_shared>>
        tpu.enqueue_indirect_dma source(%arg6 : memref<128x128xf32, #tpu.memory_space<vmem>>) target(%dma_start3A_87 : memref<10240x128xf32, #tpu.memory_space<vmem_shared>>) offsets(%dma_start3A_84 : memref<128xi32, #tpu.memory_space<vmem>>) semaphore(%run_scoped3A : memref<!tpu.dma_semaphore, #tpu.memory_space<semaphore_mem>>) {add = true}
        %dma_wait3A = arith.constant 0 : i32
        %dma_wait3A_88 = tpu.memref_slice %arg5[%scan3A_80, %dma_wait3A] : memref<40x128xi32, #tpu.memory_space<vmem>> -> memref<1x128xi32, #tpu.memory_space<vmem>>
        %dma_wait3A_89 = tpu.memref_squeeze %dma_wait3A_88 : memref<1x128xi32, #tpu.memory_space<vmem>> -> memref<128xi32, #tpu.memory_space<vmem>>
        %dma_wait3A_90 = arith.constant 0 : i32
        %dma_wait3A_91 = arith.constant 0 : i32
        %dma_wait3A_92 = tpu.memref_slice %arg4[%dma_wait3A_90, %dma_wait3A_91] : memref<10240x128xf32, #tpu.memory_space<vmem_shared>> -> memref<10240x128xf32, #tpu.memory_space<vmem_shared>>
        tpu.wait_indirect_dma semaphore(%run_scoped3A : memref<!tpu.dma_semaphore, #tpu.memory_space<semaphore_mem>>) src(%arg6 : memref<128x128xf32, #tpu.memory_space<vmem>>) dst(%dma_wait3A_92 : memref<10240x128xf32, #tpu.memory_space<vmem_shared>>)
        tpu.yield
      }) : () -> ()
      %scan3A_82 = arith.constant 0 : i32
      scf.yield %scan3A_82 : i32
    }
    %scan3A_53 = arith.constant 40 : i32
    %add3A_54 = arith.constant 80 : i32
    %add3A_55 = arith.addi %mul3A_35, %add3A_54 : i32
    "tpu.region"() ({
      %run_scoped3A = tpu.sem_alloc : memref<!tpu.dma_semaphore, #tpu.memory_space<semaphore_mem>>
      %dma_start3A = arith.constant 0 : i32
      %dma_start3A_80 = tpu.memref_slice %arg2[%add3A_55, %dma_start3A] : memref<5120x128xi32, #tpu.memory_space<hbm>> -> memref<40x128xi32, #tpu.memory_space<hbm>>
      %dma_start3A_81 = arith.constant 0 : i32
      %dma_start3A_82 = tpu.memref_slice %arg2[%add3A_55, %dma_start3A_81] : memref<5120x128xi32, #tpu.memory_space<hbm>> -> memref<40x128xi32, #tpu.memory_space<hbm>>
      tpu.enqueue_dma source(%dma_start3A_82 : memref<40x128xi32, #tpu.memory_space<hbm>>) target(%arg5 : memref<40x128xi32, #tpu.memory_space<vmem>>) target_semaphore(%run_scoped3A : memref<!tpu.dma_semaphore, #tpu.memory_space<semaphore_mem>>)
      %dma_wait3A = arith.constant 0 : i32
      %dma_wait3A_83 = tpu.memref_slice %arg2[%add3A_55, %dma_wait3A] : memref<5120x128xi32, #tpu.memory_space<hbm>> -> memref<40x128xi32, #tpu.memory_space<hbm>>
      %dma_wait3A_84 = arith.constant 0 : i32
      %dma_wait3A_85 = tpu.memref_slice %arg2[%add3A_55, %dma_wait3A_84] : memref<5120x128xi32, #tpu.memory_space<hbm>> -> memref<40x128xi32, #tpu.memory_space<hbm>>
      tpu.wait_dma2 semaphore(%run_scoped3A : memref<!tpu.dma_semaphore, #tpu.memory_space<semaphore_mem>>) src(%dma_wait3A_85 : memref<40x128xi32, #tpu.memory_space<hbm>>) dst(%arg5 : memref<40x128xi32, #tpu.memory_space<vmem>>)
      tpu.yield
    }) : () -> ()
    %scan3A_56 = arith.constant 0 : i32
    %scan3A_57 = arith.constant 0 : i32
    %scan3A_58 = arith.constant 40 : i32
    %scan3A_59 = arith.addi %scan3A_57, %scan3A_58 : i32
    %scan3A_60 = arith.constant 1 : i32
    %scan3A_61 = scf.for %scan3A_80 = %scan3A_57 to %scan3A_59 step %scan3A_60 iter_args(%scan3A_81 = %scan3A_56) -> (i32)  : i32 {
      "tpu.region"() ({
        %run_scoped3A = tpu.sem_alloc : memref<!tpu.dma_semaphore, #tpu.memory_space<semaphore_mem>>
        %dma_start3A = arith.constant 0 : i32
        %dma_start3A_83 = tpu.memref_slice %arg5[%scan3A_80, %dma_start3A] : memref<40x128xi32, #tpu.memory_space<vmem>> -> memref<1x128xi32, #tpu.memory_space<vmem>>
        %dma_start3A_84 = tpu.memref_squeeze %dma_start3A_83 : memref<1x128xi32, #tpu.memory_space<vmem>> -> memref<128xi32, #tpu.memory_space<vmem>>
        %dma_start3A_85 = arith.constant 0 : i32
        %dma_start3A_86 = arith.constant 0 : i32
        %dma_start3A_87 = tpu.memref_slice %arg4[%dma_start3A_85, %dma_start3A_86] : memref<10240x128xf32, #tpu.memory_space<vmem_shared>> -> memref<10240x128xf32, #tpu.memory_space<vmem_shared>>
        tpu.enqueue_indirect_dma source(%arg6 : memref<128x128xf32, #tpu.memory_space<vmem>>) target(%dma_start3A_87 : memref<10240x128xf32, #tpu.memory_space<vmem_shared>>) offsets(%dma_start3A_84 : memref<128xi32, #tpu.memory_space<vmem>>) semaphore(%run_scoped3A : memref<!tpu.dma_semaphore, #tpu.memory_space<semaphore_mem>>) {add = true}
        %dma_wait3A = arith.constant 0 : i32
        %dma_wait3A_88 = tpu.memref_slice %arg5[%scan3A_80, %dma_wait3A] : memref<40x128xi32, #tpu.memory_space<vmem>> -> memref<1x128xi32, #tpu.memory_space<vmem>>
        %dma_wait3A_89 = tpu.memref_squeeze %dma_wait3A_88 : memref<1x128xi32, #tpu.memory_space<vmem>> -> memref<128xi32, #tpu.memory_space<vmem>>
        %dma_wait3A_90 = arith.constant 0 : i32
        %dma_wait3A_91 = arith.constant 0 : i32
        %dma_wait3A_92 = tpu.memref_slice %arg4[%dma_wait3A_90, %dma_wait3A_91] : memref<10240x128xf32, #tpu.memory_space<vmem_shared>> -> memref<10240x128xf32, #tpu.memory_space<vmem_shared>>
        tpu.wait_indirect_dma semaphore(%run_scoped3A : memref<!tpu.dma_semaphore, #tpu.memory_space<semaphore_mem>>) src(%arg6 : memref<128x128xf32, #tpu.memory_space<vmem>>) dst(%dma_wait3A_92 : memref<10240x128xf32, #tpu.memory_space<vmem_shared>>)
        tpu.yield
      }) : () -> ()
      %scan3A_82 = arith.constant 0 : i32
      scf.yield %scan3A_82 : i32
    }
    %scan3A_62 = arith.constant 40 : i32
    %add3A_63 = arith.constant 120 : i32
    %add3A_64 = arith.addi %mul3A_35, %add3A_63 : i32
    "tpu.region"() ({
      %run_scoped3A = tpu.sem_alloc : memref<!tpu.dma_semaphore, #tpu.memory_space<semaphore_mem>>
      %dma_start3A = arith.constant 0 : i32
      %dma_start3A_80 = tpu.memref_slice %arg2[%add3A_64, %dma_start3A] : memref<5120x128xi32, #tpu.memory_space<hbm>> -> memref<40x128xi32, #tpu.memory_space<hbm>>
      %dma_start3A_81 = arith.constant 0 : i32
      %dma_start3A_82 = tpu.memref_slice %arg2[%add3A_64, %dma_start3A_81] : memref<5120x128xi32, #tpu.memory_space<hbm>> -> memref<40x128xi32, #tpu.memory_space<hbm>>
      tpu.enqueue_dma source(%dma_start3A_82 : memref<40x128xi32, #tpu.memory_space<hbm>>) target(%arg5 : memref<40x128xi32, #tpu.memory_space<vmem>>) target_semaphore(%run_scoped3A : memref<!tpu.dma_semaphore, #tpu.memory_space<semaphore_mem>>)
      %dma_wait3A = arith.constant 0 : i32
      %dma_wait3A_83 = tpu.memref_slice %arg2[%add3A_64, %dma_wait3A] : memref<5120x128xi32, #tpu.memory_space<hbm>> -> memref<40x128xi32, #tpu.memory_space<hbm>>
      %dma_wait3A_84 = arith.constant 0 : i32
      %dma_wait3A_85 = tpu.memref_slice %arg2[%add3A_64, %dma_wait3A_84] : memref<5120x128xi32, #tpu.memory_space<hbm>> -> memref<40x128xi32, #tpu.memory_space<hbm>>
      tpu.wait_dma2 semaphore(%run_scoped3A : memref<!tpu.dma_semaphore, #tpu.memory_space<semaphore_mem>>) src(%dma_wait3A_85 : memref<40x128xi32, #tpu.memory_space<hbm>>) dst(%arg5 : memref<40x128xi32, #tpu.memory_space<vmem>>)
      tpu.yield
    }) : () -> ()
    %scan3A_65 = arith.constant 0 : i32
    %scan3A_66 = arith.constant 0 : i32
    %scan3A_67 = arith.constant 40 : i32
    %scan3A_68 = arith.addi %scan3A_66, %scan3A_67 : i32
    %scan3A_69 = arith.constant 1 : i32
    %scan3A_70 = scf.for %scan3A_80 = %scan3A_66 to %scan3A_68 step %scan3A_69 iter_args(%scan3A_81 = %scan3A_65) -> (i32)  : i32 {
      "tpu.region"() ({
        %run_scoped3A = tpu.sem_alloc : memref<!tpu.dma_semaphore, #tpu.memory_space<semaphore_mem>>
        %dma_start3A = arith.constant 0 : i32
        %dma_start3A_83 = tpu.memref_slice %arg5[%scan3A_80, %dma_start3A] : memref<40x128xi32, #tpu.memory_space<vmem>> -> memref<1x128xi32, #tpu.memory_space<vmem>>
        %dma_start3A_84 = tpu.memref_squeeze %dma_start3A_83 : memref<1x128xi32, #tpu.memory_space<vmem>> -> memref<128xi32, #tpu.memory_space<vmem>>
        %dma_start3A_85 = arith.constant 0 : i32
        %dma_start3A_86 = arith.constant 0 : i32
        %dma_start3A_87 = tpu.memref_slice %arg4[%dma_start3A_85, %dma_start3A_86] : memref<10240x128xf32, #tpu.memory_space<vmem_shared>> -> memref<10240x128xf32, #tpu.memory_space<vmem_shared>>
        tpu.enqueue_indirect_dma source(%arg6 : memref<128x128xf32, #tpu.memory_space<vmem>>) target(%dma_start3A_87 : memref<10240x128xf32, #tpu.memory_space<vmem_shared>>) offsets(%dma_start3A_84 : memref<128xi32, #tpu.memory_space<vmem>>) semaphore(%run_scoped3A : memref<!tpu.dma_semaphore, #tpu.memory_space<semaphore_mem>>) {add = true}
        %dma_wait3A = arith.constant 0 : i32
        %dma_wait3A_88 = tpu.memref_slice %arg5[%scan3A_80, %dma_wait3A] : memref<40x128xi32, #tpu.memory_space<vmem>> -> memref<1x128xi32, #tpu.memory_space<vmem>>
        %dma_wait3A_89 = tpu.memref_squeeze %dma_wait3A_88 : memref<1x128xi32, #tpu.memory_space<vmem>> -> memref<128xi32, #tpu.memory_space<vmem>>
        %dma_wait3A_90 = arith.constant 0 : i32
        %dma_wait3A_91 = arith.constant 0 : i32
        %dma_wait3A_92 = tpu.memref_slice %arg4[%dma_wait3A_90, %dma_wait3A_91] : memref<10240x128xf32, #tpu.memory_space<vmem_shared>> -> memref<10240x128xf32, #tpu.memory_space<vmem_shared>>
        tpu.wait_indirect_dma semaphore(%run_scoped3A : memref<!tpu.dma_semaphore, #tpu.memory_space<semaphore_mem>>) src(%arg6 : memref<128x128xf32, #tpu.memory_space<vmem>>) dst(%dma_wait3A_92 : memref<10240x128xf32, #tpu.memory_space<vmem_shared>>)
        tpu.yield
      }) : () -> ()
      %scan3A_82 = arith.constant 0 : i32
      scf.yield %scan3A_82 : i32
    }
    %scan3A_71 = arith.constant 40 : i32
    %barrier3A_72 = arith.constant 0 : index
    tpu.barrier barrier_id(%barrier3A_72)
    %mul3A_73 = arith.constant 640 : i32
    %mul3A_74 = arith.muli %arg1, %mul3A_73 : i32
    %mul3A_75 = arith.constant 10240 : i32
    %mul3A_76 = arith.muli %arg0, %mul3A_75 : i32
    %mul3A_77 = arith.constant 640 : i32
    %mul3A_78 = arith.muli %arg1, %mul3A_77 : i32
    %add3A_79 = arith.addi %mul3A_76, %mul3A_78 : i32
    "tpu.region"() ({
      %run_scoped3A = tpu.sem_alloc : memref<!tpu.dma_semaphore, #tpu.memory_space<semaphore_mem>>
      %dma_start3A = arith.constant 0 : i32
      %dma_start3A_80 = tpu.memref_slice %arg3[%add3A_79, %dma_start3A] : memref<20480x128xf32, #tpu.memory_space<hbm>> -> memref<640x128xf32, #tpu.memory_space<hbm>>
      %dma_start3A_81 = arith.constant 0 : i32
      %dma_start3A_82 = tpu.memref_slice %arg4[%mul3A_74, %dma_start3A_81] : memref<10240x128xf32, #tpu.memory_space<vmem_shared>> -> memref<640x128xf32, #tpu.memory_space<vmem_shared>>
      tpu.enqueue_dma source(%dma_start3A_82 : memref<640x128xf32, #tpu.memory_space<vmem_shared>>) target(%dma_start3A_80 : memref<640x128xf32, #tpu.memory_space<hbm>>) target_semaphore(%run_scoped3A : memref<!tpu.dma_semaphore, #tpu.memory_space<semaphore_mem>>)
      %dma_wait3A = arith.constant 0 : i32
      %dma_wait3A_83 = tpu.memref_slice %arg3[%add3A_79, %dma_wait3A] : memref<20480x128xf32, #tpu.memory_space<hbm>> -> memref<640x128xf32, #tpu.memory_space<hbm>>
      %dma_wait3A_84 = arith.constant 0 : i32
      %dma_wait3A_85 = tpu.memref_slice %arg4[%mul3A_74, %dma_wait3A_84] : memref<10240x128xf32, #tpu.memory_space<vmem_shared>> -> memref<640x128xf32, #tpu.memory_space<vmem_shared>>
      tpu.wait_dma2 semaphore(%run_scoped3A : memref<!tpu.dma_semaphore, #tpu.memory_space<semaphore_mem>>) src(%dma_wait3A_85 : memref<640x128xf32, #tpu.memory_space<vmem_shared>>) dst(%dma_wait3A_83 : memref<640x128xf32, #tpu.memory_space<hbm>>)
      tpu.yield
    }) : () -> ()
    return
  }
}

#map = affine_map<(d0, d1) -> (0, 0)>
module attributes {stable_mosaic.version = 14 : i64} {
  func.func @_sc_scatter_body(%arg0: i32, %arg1: i32, %arg2: memref<20000x128xf32, #tpu.memory_space<hbm>>, %arg3: memref<5120x128xi32, #tpu.memory_space<hbm>>, %arg4: memref<5120x128xi32, #tpu.memory_space<hbm>>, %arg5: memref<20480x128xf32, #tpu.memory_space<hbm>>, %arg6: memref<10240x128xf32, #tpu.memory_space<vmem_shared>>, %arg7: memref<40x128xi32, #tpu.memory_space<vmem>>, %arg8: memref<40x128xi32, #tpu.memory_space<vmem>>, %arg9: memref<128x128xf32, #tpu.memory_space<vmem>>, %arg10: memref<128x128xf32, #tpu.memory_space<vmem>>, %arg11: memref<!tpu.dma_semaphore, #tpu.memory_space<semaphore_mem>>, %arg12: memref<!tpu.dma_semaphore, #tpu.memory_space<semaphore_mem>>) attributes {dimension_semantics = [#tpu.dimension_semantics<core_parallel>, #tpu.dimension_semantics<subcore_parallel>], iteration_bounds = array<i64: 2, 16>, scalar_prefetch = 0 : i64, scratch_operands = 7 : i64, tpu.core_type = #tpu.core_type<sc_vector_subcore>, window_params = [{transform_indices = #map}, {transform_indices = #map}, {transform_indices = #map}, {transform_indices = #map}]} {
    %scan3A = arith.constant 0 : i32
    %scan3A_0 = arith.constant 0 : i32
    %scan3A_1 = arith.constant 128 : i32
    %scan3A_2 = arith.addi %scan3A_0, %scan3A_1 : i32
    %scan3A_3 = arith.constant 1 : i32
    %scan3A_4 = scf.for %scan3A_198 = %scan3A_0 to %scan3A_2 step %scan3A_3 iter_args(%scan3A_199 = %scan3A) -> (i32)  : i32 {
      %broadcast_in_dim3A = arith.constant 0.000000e+00 : f32
      %broadcast_in_dim3A_200 = vector.broadcast %broadcast_in_dim3A : f32 to vector<16xf32>
      %swap3A = arith.index_cast %scan3A_198 : i32 to index
      %swap3A_201 = arith.constant 0 : index
      %swap3A_202 = tpu.vector_load %arg9[%swap3A, %swap3A_201] {strides = array<i32>} : memref<128x128xf32, #tpu.memory_space<vmem>>, vector<1x16xf32>,
      %swap3A_203 = vector.shape_cast %swap3A_202 : vector<1x16xf32> to vector<16xf32>
      %swap3A_204 = vector.shape_cast %broadcast_in_dim3A_200 : vector<16xf32> to vector<1x16xf32>
      tpu.vector_store %arg9[%swap3A, %swap3A_201], %swap3A_204 {strides = array<i32>} : memref<128x128xf32, #tpu.memory_space<vmem>>, vector<1x16xf32>,
      %broadcast_in_dim3A_205 = arith.constant 0.000000e+00 : f32
      %broadcast_in_dim3A_206 = vector.broadcast %broadcast_in_dim3A_205 : f32 to vector<16xf32>
      %swap3A_207 = arith.index_cast %scan3A_198 : i32 to index
      %swap3A_208 = arith.constant 16 : index
      %swap3A_209 = tpu.vector_load %arg9[%swap3A_207, %swap3A_208] {strides = array<i32>} : memref<128x128xf32, #tpu.memory_space<vmem>>, vector<1x16xf32>,
      %swap3A_210 = vector.shape_cast %swap3A_209 : vector<1x16xf32> to vector<16xf32>
      %swap3A_211 = vector.shape_cast %broadcast_in_dim3A_206 : vector<16xf32> to vector<1x16xf32>
      tpu.vector_store %arg9[%swap3A_207, %swap3A_208], %swap3A_211 {strides = array<i32>} : memref<128x128xf32, #tpu.memory_space<vmem>>, vector<1x16xf32>,
      %broadcast_in_dim3A_212 = arith.constant 0.000000e+00 : f32
      %broadcast_in_dim3A_213 = vector.broadcast %broadcast_in_dim3A_212 : f32 to vector<16xf32>
      %swap3A_214 = arith.index_cast %scan3A_198 : i32 to index
      %swap3A_215 = arith.constant 32 : index
      %swap3A_216 = tpu.vector_load %arg9[%swap3A_214, %swap3A_215] {strides = array<i32>} : memref<128x128xf32, #tpu.memory_space<vmem>>, vector<1x16xf32>,
      %swap3A_217 = vector.shape_cast %swap3A_216 : vector<1x16xf32> to vector<16xf32>
      %swap3A_218 = vector.shape_cast %broadcast_in_dim3A_213 : vector<16xf32> to vector<1x16xf32>
      tpu.vector_store %arg9[%swap3A_214, %swap3A_215], %swap3A_218 {strides = array<i32>} : memref<128x128xf32, #tpu.memory_space<vmem>>, vector<1x16xf32>,
      %broadcast_in_dim3A_219 = arith.constant 0.000000e+00 : f32
      %broadcast_in_dim3A_220 = vector.broadcast %broadcast_in_dim3A_219 : f32 to vector<16xf32>
      %swap3A_221 = arith.index_cast %scan3A_198 : i32 to index
      %swap3A_222 = arith.constant 48 : index
      %swap3A_223 = tpu.vector_load %arg9[%swap3A_221, %swap3A_222] {strides = array<i32>} : memref<128x128xf32, #tpu.memory_space<vmem>>, vector<1x16xf32>,
      %swap3A_224 = vector.shape_cast %swap3A_223 : vector<1x16xf32> to vector<16xf32>
      %swap3A_225 = vector.shape_cast %broadcast_in_dim3A_220 : vector<16xf32> to vector<1x16xf32>
      tpu.vector_store %arg9[%swap3A_221, %swap3A_222], %swap3A_225 {strides = array<i32>} : memref<128x128xf32, #tpu.memory_space<vmem>>, vector<1x16xf32>,
      %broadcast_in_dim3A_226 = arith.constant 0.000000e+00 : f32
      %broadcast_in_dim3A_227 = vector.broadcast %broadcast_in_dim3A_226 : f32 to vector<16xf32>
      %swap3A_228 = arith.index_cast %scan3A_198 : i32 to index
      %swap3A_229 = arith.constant 64 : index
      %swap3A_230 = tpu.vector_load %arg9[%swap3A_228, %swap3A_229] {strides = array<i32>} : memref<128x128xf32, #tpu.memory_space<vmem>>, vector<1x16xf32>,
      %swap3A_231 = vector.shape_cast %swap3A_230 : vector<1x16xf32> to vector<16xf32>
      %swap3A_232 = vector.shape_cast %broadcast_in_dim3A_227 : vector<16xf32> to vector<1x16xf32>
      tpu.vector_store %arg9[%swap3A_228, %swap3A_229], %swap3A_232 {strides = array<i32>} : memref<128x128xf32, #tpu.memory_space<vmem>>, vector<1x16xf32>,
      %broadcast_in_dim3A_233 = arith.constant 0.000000e+00 : f32
      %broadcast_in_dim3A_234 = vector.broadcast %broadcast_in_dim3A_233 : f32 to vector<16xf32>
      %swap3A_235 = arith.index_cast %scan3A_198 : i32 to index
      %swap3A_236 = arith.constant 80 : index
      %swap3A_237 = tpu.vector_load %arg9[%swap3A_235, %swap3A_236] {strides = array<i32>} : memref<128x128xf32, #tpu.memory_space<vmem>>, vector<1x16xf32>,
      %swap3A_238 = vector.shape_cast %swap3A_237 : vector<1x16xf32> to vector<16xf32>
      %swap3A_239 = vector.shape_cast %broadcast_in_dim3A_234 : vector<16xf32> to vector<1x16xf32>
      tpu.vector_store %arg9[%swap3A_235, %swap3A_236], %swap3A_239 {strides = array<i32>} : memref<128x128xf32, #tpu.memory_space<vmem>>, vector<1x16xf32>,
      %broadcast_in_dim3A_240 = arith.constant 0.000000e+00 : f32
      %broadcast_in_dim3A_241 = vector.broadcast %broadcast_in_dim3A_240 : f32 to vector<16xf32>
      %swap3A_242 = arith.index_cast %scan3A_198 : i32 to index
      %swap3A_243 = arith.constant 96 : index
      %swap3A_244 = tpu.vector_load %arg9[%swap3A_242, %swap3A_243] {strides = array<i32>} : memref<128x128xf32, #tpu.memory_space<vmem>>, vector<1x16xf32>,
      %swap3A_245 = vector.shape_cast %swap3A_244 : vector<1x16xf32> to vector<16xf32>
      %swap3A_246 = vector.shape_cast %broadcast_in_dim3A_241 : vector<16xf32> to vector<1x16xf32>
      tpu.vector_store %arg9[%swap3A_242, %swap3A_243], %swap3A_246 {strides = array<i32>} : memref<128x128xf32, #tpu.memory_space<vmem>>, vector<1x16xf32>,
      %broadcast_in_dim3A_247 = arith.constant 0.000000e+00 : f32
      %broadcast_in_dim3A_248 = vector.broadcast %broadcast_in_dim3A_247 : f32 to vector<16xf32>
      %swap3A_249 = arith.index_cast %scan3A_198 : i32 to index
      %swap3A_250 = arith.constant 112 : index
      %swap3A_251 = tpu.vector_load %arg9[%swap3A_249, %swap3A_250] {strides = array<i32>} : memref<128x128xf32, #tpu.memory_space<vmem>>, vector<1x16xf32>,
      %swap3A_252 = vector.shape_cast %swap3A_251 : vector<1x16xf32> to vector<16xf32>
      %swap3A_253 = vector.shape_cast %broadcast_in_dim3A_248 : vector<16xf32> to vector<1x16xf32>
      tpu.vector_store %arg9[%swap3A_249, %swap3A_250], %swap3A_253 {strides = array<i32>} : memref<128x128xf32, #tpu.memory_space<vmem>>, vector<1x16xf32>,
      %scan3A_254 = arith.constant 0 : i32
      scf.yield %scan3A_254 : i32
    }
    %scan3A_5 = arith.constant 128 : i32
    %mul3A = arith.constant 640 : i32
    %mul3A_6 = arith.muli %arg1, %mul3A : i32
    %add3A = arith.constant 0 : i32
    %add3A_7 = arith.addi %mul3A_6, %add3A : i32
    "tpu.region"() ({
      %run_scoped3A_198 = tpu.sem_alloc : memref<!tpu.dma_semaphore, #tpu.memory_space<semaphore_mem>>
      %dma_start3A_199 = arith.constant 0 : i32
      %dma_start3A_200 = tpu.memref_slice %arg6[%add3A_7, %dma_start3A_199] : memref<10240x128xf32, #tpu.memory_space<vmem_shared>> -> memref<128x128xf32, #tpu.memory_space<vmem_shared>>
      %dma_start3A_201 = arith.constant 0 : i32
      %dma_start3A_202 = tpu.memref_slice %arg6[%add3A_7, %dma_start3A_201] : memref<10240x128xf32, #tpu.memory_space<vmem_shared>> -> memref<128x128xf32, #tpu.memory_space<vmem_shared>>
      tpu.enqueue_dma source(%arg9 : memref<128x128xf32, #tpu.memory_space<vmem>>) target(%dma_start3A_202 : memref<128x128xf32, #tpu.memory_space<vmem_shared>>) target_semaphore(%run_scoped3A_198 : memref<!tpu.dma_semaphore, #tpu.memory_space<semaphore_mem>>)
      %dma_wait3A_203 = arith.constant 0 : i32
      %dma_wait3A_204 = tpu.memref_slice %arg6[%add3A_7, %dma_wait3A_203] : memref<10240x128xf32, #tpu.memory_space<vmem_shared>> -> memref<128x128xf32, #tpu.memory_space<vmem_shared>>
      %dma_wait3A_205 = arith.constant 0 : i32
      %dma_wait3A_206 = tpu.memref_slice %arg6[%add3A_7, %dma_wait3A_205] : memref<10240x128xf32, #tpu.memory_space<vmem_shared>> -> memref<128x128xf32, #tpu.memory_space<vmem_shared>>
      tpu.wait_dma2 semaphore(%run_scoped3A_198 : memref<!tpu.dma_semaphore, #tpu.memory_space<semaphore_mem>>) src(%arg9 : memref<128x128xf32, #tpu.memory_space<vmem>>) dst(%dma_wait3A_206 : memref<128x128xf32, #tpu.memory_space<vmem_shared>>)
      tpu.yield
    }) : () -> ()
    %mul3A_8 = arith.constant 640 : i32
    %mul3A_9 = arith.muli %arg1, %mul3A_8 : i32
    %add3A_10 = arith.constant 128 : i32
    %add3A_11 = arith.addi %mul3A_9, %add3A_10 : i32
    "tpu.region"() ({
      %run_scoped3A_198 = tpu.sem_alloc : memref<!tpu.dma_semaphore, #tpu.memory_space<semaphore_mem>>
      %dma_start3A_199 = arith.constant 0 : i32
      %dma_start3A_200 = tpu.memref_slice %arg6[%add3A_11, %dma_start3A_199] : memref<10240x128xf32, #tpu.memory_space<vmem_shared>> -> memref<128x128xf32, #tpu.memory_space<vmem_shared>>
      %dma_start3A_201 = arith.constant 0 : i32
      %dma_start3A_202 = tpu.memref_slice %arg6[%add3A_11, %dma_start3A_201] : memref<10240x128xf32, #tpu.memory_space<vmem_shared>> -> memref<128x128xf32, #tpu.memory_space<vmem_shared>>
      tpu.enqueue_dma source(%arg9 : memref<128x128xf32, #tpu.memory_space<vmem>>) target(%dma_start3A_202 : memref<128x128xf32, #tpu.memory_space<vmem_shared>>) target_semaphore(%run_scoped3A_198 : memref<!tpu.dma_semaphore, #tpu.memory_space<semaphore_mem>>)
      %dma_wait3A_203 = arith.constant 0 : i32
      %dma_wait3A_204 = tpu.memref_slice %arg6[%add3A_11, %dma_wait3A_203] : memref<10240x128xf32, #tpu.memory_space<vmem_shared>> -> memref<128x128xf32, #tpu.memory_space<vmem_shared>>
      %dma_wait3A_205 = arith.constant 0 : i32
      %dma_wait3A_206 = tpu.memref_slice %arg6[%add3A_11, %dma_wait3A_205] : memref<10240x128xf32, #tpu.memory_space<vmem_shared>> -> memref<128x128xf32, #tpu.memory_space<vmem_shared>>
      tpu.wait_dma2 semaphore(%run_scoped3A_198 : memref<!tpu.dma_semaphore, #tpu.memory_space<semaphore_mem>>) src(%arg9 : memref<128x128xf32, #tpu.memory_space<vmem>>) dst(%dma_wait3A_206 : memref<128x128xf32, #tpu.memory_space<vmem_shared>>)
      tpu.yield
    }) : () -> ()
    %mul3A_12 = arith.constant 640 : i32
    %mul3A_13 = arith.muli %arg1, %mul3A_12 : i32
    %add3A_14 = arith.constant 256 : i32
    %add3A_15 = arith.addi %mul3A_13, %add3A_14 : i32
    "tpu.region"() ({
      %run_scoped3A_198 = tpu.sem_alloc : memref<!tpu.dma_semaphore, #tpu.memory_space<semaphore_mem>>
      %dma_start3A_199 = arith.constant 0 : i32
      %dma_start3A_200 = tpu.memref_slice %arg6[%add3A_15, %dma_start3A_199] : memref<10240x128xf32, #tpu.memory_space<vmem_shared>> -> memref<128x128xf32, #tpu.memory_space<vmem_shared>>
      %dma_start3A_201 = arith.constant 0 : i32
      %dma_start3A_202 = tpu.memref_slice %arg6[%add3A_15, %dma_start3A_201] : memref<10240x128xf32, #tpu.memory_space<vmem_shared>> -> memref<128x128xf32, #tpu.memory_space<vmem_shared>>
      tpu.enqueue_dma source(%arg9 : memref<128x128xf32, #tpu.memory_space<vmem>>) target(%dma_start3A_202 : memref<128x128xf32, #tpu.memory_space<vmem_shared>>) target_semaphore(%run_scoped3A_198 : memref<!tpu.dma_semaphore, #tpu.memory_space<semaphore_mem>>)
      %dma_wait3A_203 = arith.constant 0 : i32
      %dma_wait3A_204 = tpu.memref_slice %arg6[%add3A_15, %dma_wait3A_203] : memref<10240x128xf32, #tpu.memory_space<vmem_shared>> -> memref<128x128xf32, #tpu.memory_space<vmem_shared>>
      %dma_wait3A_205 = arith.constant 0 : i32
      %dma_wait3A_206 = tpu.memref_slice %arg6[%add3A_15, %dma_wait3A_205] : memref<10240x128xf32, #tpu.memory_space<vmem_shared>> -> memref<128x128xf32, #tpu.memory_space<vmem_shared>>
      tpu.wait_dma2 semaphore(%run_scoped3A_198 : memref<!tpu.dma_semaphore, #tpu.memory_space<semaphore_mem>>) src(%arg9 : memref<128x128xf32, #tpu.memory_space<vmem>>) dst(%dma_wait3A_206 : memref<128x128xf32, #tpu.memory_space<vmem_shared>>)
      tpu.yield
    }) : () -> ()
    %mul3A_16 = arith.constant 640 : i32
    %mul3A_17 = arith.muli %arg1, %mul3A_16 : i32
    %add3A_18 = arith.constant 384 : i32
    %add3A_19 = arith.addi %mul3A_17, %add3A_18 : i32
    "tpu.region"() ({
      %run_scoped3A_198 = tpu.sem_alloc : memref<!tpu.dma_semaphore, #tpu.memory_space<semaphore_mem>>
      %dma_start3A_199 = arith.constant 0 : i32
      %dma_start3A_200 = tpu.memref_slice %arg6[%add3A_19, %dma_start3A_199] : memref<10240x128xf32, #tpu.memory_space<vmem_shared>> -> memref<128x128xf32, #tpu.memory_space<vmem_shared>>
      %dma_start3A_201 = arith.constant 0 : i32
      %dma_start3A_202 = tpu.memref_slice %arg6[%add3A_19, %dma_start3A_201] : memref<10240x128xf32, #tpu.memory_space<vmem_shared>> -> memref<128x128xf32, #tpu.memory_space<vmem_shared>>
      tpu.enqueue_dma source(%arg9 : memref<128x128xf32, #tpu.memory_space<vmem>>) target(%dma_start3A_202 : memref<128x128xf32, #tpu.memory_space<vmem_shared>>) target_semaphore(%run_scoped3A_198 : memref<!tpu.dma_semaphore, #tpu.memory_space<semaphore_mem>>)
      %dma_wait3A_203 = arith.constant 0 : i32
      %dma_wait3A_204 = tpu.memref_slice %arg6[%add3A_19, %dma_wait3A_203] : memref<10240x128xf32, #tpu.memory_space<vmem_shared>> -> memref<128x128xf32, #tpu.memory_space<vmem_shared>>
      %dma_wait3A_205 = arith.constant 0 : i32
      %dma_wait3A_206 = tpu.memref_slice %arg6[%add3A_19, %dma_wait3A_205] : memref<10240x128xf32, #tpu.memory_space<vmem_shared>> -> memref<128x128xf32, #tpu.memory_space<vmem_shared>>
      tpu.wait_dma2 semaphore(%run_scoped3A_198 : memref<!tpu.dma_semaphore, #tpu.memory_space<semaphore_mem>>) src(%arg9 : memref<128x128xf32, #tpu.memory_space<vmem>>) dst(%dma_wait3A_206 : memref<128x128xf32, #tpu.memory_space<vmem_shared>>)
      tpu.yield
    }) : () -> ()
    %mul3A_20 = arith.constant 640 : i32
    %mul3A_21 = arith.muli %arg1, %mul3A_20 : i32
    %add3A_22 = arith.constant 512 : i32
    %add3A_23 = arith.addi %mul3A_21, %add3A_22 : i32
    "tpu.region"() ({
      %run_scoped3A_198 = tpu.sem_alloc : memref<!tpu.dma_semaphore, #tpu.memory_space<semaphore_mem>>
      %dma_start3A_199 = arith.constant 0 : i32
      %dma_start3A_200 = tpu.memref_slice %arg6[%add3A_23, %dma_start3A_199] : memref<10240x128xf32, #tpu.memory_space<vmem_shared>> -> memref<128x128xf32, #tpu.memory_space<vmem_shared>>
      %dma_start3A_201 = arith.constant 0 : i32
      %dma_start3A_202 = tpu.memref_slice %arg6[%add3A_23, %dma_start3A_201] : memref<10240x128xf32, #tpu.memory_space<vmem_shared>> -> memref<128x128xf32, #tpu.memory_space<vmem_shared>>
      tpu.enqueue_dma source(%arg9 : memref<128x128xf32, #tpu.memory_space<vmem>>) target(%dma_start3A_202 : memref<128x128xf32, #tpu.memory_space<vmem_shared>>) target_semaphore(%run_scoped3A_198 : memref<!tpu.dma_semaphore, #tpu.memory_space<semaphore_mem>>)
      %dma_wait3A_203 = arith.constant 0 : i32
      %dma_wait3A_204 = tpu.memref_slice %arg6[%add3A_23, %dma_wait3A_203] : memref<10240x128xf32, #tpu.memory_space<vmem_shared>> -> memref<128x128xf32, #tpu.memory_space<vmem_shared>>
      %dma_wait3A_205 = arith.constant 0 : i32
      %dma_wait3A_206 = tpu.memref_slice %arg6[%add3A_23, %dma_wait3A_205] : memref<10240x128xf32, #tpu.memory_space<vmem_shared>> -> memref<128x128xf32, #tpu.memory_space<vmem_shared>>
      tpu.wait_dma2 semaphore(%run_scoped3A_198 : memref<!tpu.dma_semaphore, #tpu.memory_space<semaphore_mem>>) src(%arg9 : memref<128x128xf32, #tpu.memory_space<vmem>>) dst(%dma_wait3A_206 : memref<128x128xf32, #tpu.memory_space<vmem_shared>>)
      tpu.yield
    }) : () -> ()
    %mul3A_24 = arith.constant 16 : i32
    %mul3A_25 = arith.muli %arg0, %mul3A_24 : i32
    %add3A_26 = arith.addi %mul3A_25, %arg1 : i32
    %mul3A_27 = arith.constant 160 : i32
    %mul3A_28 = arith.muli %add3A_26, %mul3A_27 : i32
    %barrier3A = arith.constant 0 : index
    tpu.barrier barrier_id(%barrier3A)
    %add3A_29 = arith.constant 0 : i32
    %add3A_30 = arith.addi %mul3A_28, %add3A_29 : i32
    "tpu.region"() ({
      %run_scoped3A_198 = tpu.sem_alloc : memref<!tpu.dma_semaphore, #tpu.memory_space<semaphore_mem>>
      %dma_start3A_199 = arith.constant 0 : i32
      %dma_start3A_200 = tpu.memref_slice %arg3[%add3A_30, %dma_start3A_199] : memref<5120x128xi32, #tpu.memory_space<hbm>> -> memref<40x128xi32, #tpu.memory_space<hbm>>
      %dma_start3A_201 = arith.constant 0 : i32
      %dma_start3A_202 = tpu.memref_slice %arg3[%add3A_30, %dma_start3A_201] : memref<5120x128xi32, #tpu.memory_space<hbm>> -> memref<40x128xi32, #tpu.memory_space<hbm>>
      tpu.enqueue_dma source(%dma_start3A_202 : memref<40x128xi32, #tpu.memory_space<hbm>>) target(%arg7 : memref<40x128xi32, #tpu.memory_space<vmem>>) target_semaphore(%run_scoped3A_198 : memref<!tpu.dma_semaphore, #tpu.memory_space<semaphore_mem>>)
      %dma_wait3A_203 = arith.constant 0 : i32
      %dma_wait3A_204 = tpu.memref_slice %arg3[%add3A_30, %dma_wait3A_203] : memref<5120x128xi32, #tpu.memory_space<hbm>> -> memref<40x128xi32, #tpu.memory_space<hbm>>
      %dma_wait3A_205 = arith.constant 0 : i32
      %dma_wait3A_206 = tpu.memref_slice %arg3[%add3A_30, %dma_wait3A_205] : memref<5120x128xi32, #tpu.memory_space<hbm>> -> memref<40x128xi32, #tpu.memory_space<hbm>>
      tpu.wait_dma2 semaphore(%run_scoped3A_198 : memref<!tpu.dma_semaphore, #tpu.memory_space<semaphore_mem>>) src(%dma_wait3A_206 : memref<40x128xi32, #tpu.memory_space<hbm>>) dst(%arg7 : memref<40x128xi32, #tpu.memory_space<vmem>>)
      tpu.yield
    }) : () -> ()
    %add3A_31 = arith.constant 0 : i32
    %add3A_32 = arith.addi %mul3A_28, %add3A_31 : i32
    "tpu.region"() ({
      %run_scoped3A_198 = tpu.sem_alloc : memref<!tpu.dma_semaphore, #tpu.memory_space<semaphore_mem>>
      %dma_start3A_199 = arith.constant 0 : i32
      %dma_start3A_200 = tpu.memref_slice %arg4[%add3A_32, %dma_start3A_199] : memref<5120x128xi32, #tpu.memory_space<hbm>> -> memref<40x128xi32, #tpu.memory_space<hbm>>
      %dma_start3A_201 = arith.constant 0 : i32
      %dma_start3A_202 = tpu.memref_slice %arg4[%add3A_32, %dma_start3A_201] : memref<5120x128xi32, #tpu.memory_space<hbm>> -> memref<40x128xi32, #tpu.memory_space<hbm>>
      tpu.enqueue_dma source(%dma_start3A_202 : memref<40x128xi32, #tpu.memory_space<hbm>>) target(%arg8 : memref<40x128xi32, #tpu.memory_space<vmem>>) target_semaphore(%run_scoped3A_198 : memref<!tpu.dma_semaphore, #tpu.memory_space<semaphore_mem>>)
      %dma_wait3A_203 = arith.constant 0 : i32
      %dma_wait3A_204 = tpu.memref_slice %arg4[%add3A_32, %dma_wait3A_203] : memref<5120x128xi32, #tpu.memory_space<hbm>> -> memref<40x128xi32, #tpu.memory_space<hbm>>
      %dma_wait3A_205 = arith.constant 0 : i32
      %dma_wait3A_206 = tpu.memref_slice %arg4[%add3A_32, %dma_wait3A_205] : memref<5120x128xi32, #tpu.memory_space<hbm>> -> memref<40x128xi32, #tpu.memory_space<hbm>>
      tpu.wait_dma2 semaphore(%run_scoped3A_198 : memref<!tpu.dma_semaphore, #tpu.memory_space<semaphore_mem>>) src(%dma_wait3A_206 : memref<40x128xi32, #tpu.memory_space<hbm>>) dst(%arg8 : memref<40x128xi32, #tpu.memory_space<vmem>>)
      tpu.yield
    }) : () -> ()
    %dma_start3A = arith.constant 0 : i32
    %dma_start3A_33 = arith.constant 0 : i32
    %dma_start3A_34 = tpu.memref_slice %arg7[%dma_start3A, %dma_start3A_33] : memref<40x128xi32, #tpu.memory_space<vmem>> -> memref<1x128xi32, #tpu.memory_space<vmem>>
    %dma_start3A_35 = tpu.memref_squeeze %dma_start3A_34 : memref<1x128xi32, #tpu.memory_space<vmem>> -> memref<128xi32, #tpu.memory_space<vmem>>
    %dma_start3A_36 = arith.constant 0 : i32
    %dma_start3A_37 = arith.constant 0 : i32
    %dma_start3A_38 = tpu.memref_slice %arg2[%dma_start3A_36, %dma_start3A_37] : memref<20000x128xf32, #tpu.memory_space<hbm>> -> memref<20000x128xf32, #tpu.memory_space<hbm>>
    tpu.enqueue_indirect_dma source(%dma_start3A_38 : memref<20000x128xf32, #tpu.memory_space<hbm>>) target(%arg9 : memref<128x128xf32, #tpu.memory_space<vmem>>) offsets(%dma_start3A_35 : memref<128xi32, #tpu.memory_space<vmem>>) semaphore(%arg11 : memref<!tpu.dma_semaphore, #tpu.memory_space<semaphore_mem>>)
    %scan3A_39 = arith.constant 0 : i32
    %scan3A_40 = arith.constant 0 : i32
    %scan3A_41 = arith.constant 19 : i32
    %scan3A_42 = arith.addi %scan3A_40, %scan3A_41 : i32
    %scan3A_43 = arith.constant 1 : i32
    %scan3A_44 = scf.for %scan3A_198 = %scan3A_40 to %scan3A_42 step %scan3A_43 iter_args(%scan3A_199 = %scan3A_39) -> (i32)  : i32 {
      %mul3A_200 = arith.constant 2 : i32
      %mul3A_201 = arith.muli %mul3A_200, %scan3A_198 : i32
      %add3A_202 = arith.constant 1 : i32
      %add3A_203 = arith.addi %mul3A_201, %add3A_202 : i32
      %dma_start3A_204 = arith.constant 0 : i32
      %dma_start3A_205 = tpu.memref_slice %arg7[%add3A_203, %dma_start3A_204] : memref<40x128xi32, #tpu.memory_space<vmem>> -> memref<1x128xi32, #tpu.memory_space<vmem>>
      %dma_start3A_206 = tpu.memref_squeeze %dma_start3A_205 : memref<1x128xi32, #tpu.memory_space<vmem>> -> memref<128xi32, #tpu.memory_space<vmem>>
      %dma_start3A_207 = arith.constant 0 : i32
      %dma_start3A_208 = arith.constant 0 : i32
      %dma_start3A_209 = tpu.memref_slice %arg2[%dma_start3A_207, %dma_start3A_208] : memref<20000x128xf32, #tpu.memory_space<hbm>> -> memref<20000x128xf32, #tpu.memory_space<hbm>>
      tpu.enqueue_indirect_dma source(%dma_start3A_209 : memref<20000x128xf32, #tpu.memory_space<hbm>>) target(%arg10 : memref<128x128xf32, #tpu.memory_space<vmem>>) offsets(%dma_start3A_206 : memref<128xi32, #tpu.memory_space<vmem>>) semaphore(%arg12 : memref<!tpu.dma_semaphore, #tpu.memory_space<semaphore_mem>>)
      %dma_wait3A_210 = arith.constant 0 : i32
      %dma_wait3A_211 = tpu.memref_slice %arg7[%mul3A_201, %dma_wait3A_210] : memref<40x128xi32, #tpu.memory_space<vmem>> -> memref<1x128xi32, #tpu.memory_space<vmem>>
      %dma_wait3A_212 = tpu.memref_squeeze %dma_wait3A_211 : memref<1x128xi32, #tpu.memory_space<vmem>> -> memref<128xi32, #tpu.memory_space<vmem>>
      %dma_wait3A_213 = arith.constant 0 : i32
      %dma_wait3A_214 = arith.constant 0 : i32
      %dma_wait3A_215 = tpu.memref_slice %arg2[%dma_wait3A_213, %dma_wait3A_214] : memref<20000x128xf32, #tpu.memory_space<hbm>> -> memref<20000x128xf32, #tpu.memory_space<hbm>>
      tpu.wait_indirect_dma semaphore(%arg11 : memref<!tpu.dma_semaphore, #tpu.memory_space<semaphore_mem>>) src(%dma_wait3A_215 : memref<20000x128xf32, #tpu.memory_space<hbm>>) dst(%arg9 : memref<128x128xf32, #tpu.memory_space<vmem>>)
      "tpu.region"() ({
        %run_scoped3A_235 = tpu.sem_alloc : memref<!tpu.dma_semaphore, #tpu.memory_space<semaphore_mem>>
        %dma_start3A_236 = arith.constant 0 : i32
        %dma_start3A_237 = tpu.memref_slice %arg8[%mul3A_201, %dma_start3A_236] : memref<40x128xi32, #tpu.memory_space<vmem>> -> memref<1x128xi32, #tpu.memory_space<vmem>>
        %dma_start3A_238 = tpu.memref_squeeze %dma_start3A_237 : memref<1x128xi32, #tpu.memory_space<vmem>> -> memref<128xi32, #tpu.memory_space<vmem>>
        %dma_start3A_239 = arith.constant 0 : i32
        %dma_start3A_240 = arith.constant 0 : i32
        %dma_start3A_241 = tpu.memref_slice %arg6[%dma_start3A_239, %dma_start3A_240] : memref<10240x128xf32, #tpu.memory_space<vmem_shared>> -> memref<10240x128xf32, #tpu.memory_space<vmem_shared>>
        tpu.enqueue_indirect_dma source(%arg9 : memref<128x128xf32, #tpu.memory_space<vmem>>) target(%dma_start3A_241 : memref<10240x128xf32, #tpu.memory_space<vmem_shared>>) offsets(%dma_start3A_238 : memref<128xi32, #tpu.memory_space<vmem>>) semaphore(%run_scoped3A_235 : memref<!tpu.dma_semaphore, #tpu.memory_space<semaphore_mem>>) {add = true}
        %dma_wait3A_242 = arith.constant 0 : i32
        %dma_wait3A_243 = tpu.memref_slice %arg8[%mul3A_201, %dma_wait3A_242] : memref<40x128xi32, #tpu.memory_space<vmem>> -> memref<1x128xi32, #tpu.memory_space<vmem>>
        %dma_wait3A_244 = tpu.memref_squeeze %dma_wait3A_243 : memref<1x128xi32, #tpu.memory_space<vmem>> -> memref<128xi32, #tpu.memory_space<vmem>>
        %dma_wait3A_245 = arith.constant 0 : i32
        %dma_wait3A_246 = arith.constant 0 : i32
        %dma_wait3A_247 = tpu.memref_slice %arg6[%dma_wait3A_245, %dma_wait3A_246] : memref<10240x128xf32, #tpu.memory_space<vmem_shared>> -> memref<10240x128xf32, #tpu.memory_space<vmem_shared>>
        tpu.wait_indirect_dma semaphore(%run_scoped3A_235 : memref<!tpu.dma_semaphore, #tpu.memory_space<semaphore_mem>>) src(%arg9 : memref<128x128xf32, #tpu.memory_space<vmem>>) dst(%dma_wait3A_247 : memref<10240x128xf32, #tpu.memory_space<vmem_shared>>)
        tpu.yield
      }) : () -> ()
      %add3A_216 = arith.constant 2 : i32
      %add3A_217 = arith.addi %mul3A_201, %add3A_216 : i32
      %dma_start3A_218 = arith.constant 0 : i32
      %dma_start3A_219 = tpu.memref_slice %arg7[%add3A_217, %dma_start3A_218] : memref<40x128xi32, #tpu.memory_space<vmem>> -> memref<1x128xi32, #tpu.memory_space<vmem>>
      %dma_start3A_220 = tpu.memref_squeeze %dma_start3A_219 : memref<1x128xi32, #tpu.memory_space<vmem>> -> memref<128xi32, #tpu.memory_space<vmem>>
      %dma_start3A_221 = arith.constant 0 : i32
      %dma_start3A_222 = arith.constant 0 : i32
      %dma_start3A_223 = tpu.memref_slice %arg2[%dma_start3A_221, %dma_start3A_222] : memref<20000x128xf32, #tpu.memory_space<hbm>> -> memref<20000x128xf32, #tpu.memory_space<hbm>>
      tpu.enqueue_indirect_dma source(%dma_start3A_223 : memref<20000x128xf32, #tpu.memory_space<hbm>>) target(%arg9 : memref<128x128xf32, #tpu.memory_space<vmem>>) offsets(%dma_start3A_220 : memref<128xi32, #tpu.memory_space<vmem>>) semaphore(%arg11 : memref<!tpu.dma_semaphore, #tpu.memory_space<semaphore_mem>>)
      %add3A_224 = arith.constant 1 : i32
      %add3A_225 = arith.addi %mul3A_201, %add3A_224 : i32
      %dma_wait3A_226 = arith.constant 0 : i32
      %dma_wait3A_227 = tpu.memref_slice %arg7[%add3A_225, %dma_wait3A_226] : memref<40x128xi32, #tpu.memory_space<vmem>> -> memref<1x128xi32, #tpu.memory_space<vmem>>
      %dma_wait3A_228 = tpu.memref_squeeze %dma_wait3A_227 : memref<1x128xi32, #tpu.memory_space<vmem>> -> memref<128xi32, #tpu.memory_space<vmem>>
      %dma_wait3A_229 = arith.constant 0 : i32
      %dma_wait3A_230 = arith.constant 0 : i32
      %dma_wait3A_231 = tpu.memref_slice %arg2[%dma_wait3A_229, %dma_wait3A_230] : memref<20000x128xf32, #tpu.memory_space<hbm>> -> memref<20000x128xf32, #tpu.memory_space<hbm>>
      tpu.wait_indirect_dma semaphore(%arg12 : memref<!tpu.dma_semaphore, #tpu.memory_space<semaphore_mem>>) src(%dma_wait3A_231 : memref<20000x128xf32, #tpu.memory_space<hbm>>) dst(%arg10 : memref<128x128xf32, #tpu.memory_space<vmem>>)
      %add3A_232 = arith.constant 1 : i32
      %add3A_233 = arith.addi %mul3A_201, %add3A_232 : i32
      "tpu.region"() ({
        %run_scoped3A_235 = tpu.sem_alloc : memref<!tpu.dma_semaphore, #tpu.memory_space<semaphore_mem>>
        %dma_start3A_236 = arith.constant 0 : i32
        %dma_start3A_237 = tpu.memref_slice %arg8[%add3A_233, %dma_start3A_236] : memref<40x128xi32, #tpu.memory_space<vmem>> -> memref<1x128xi32, #tpu.memory_space<vmem>>
        %dma_start3A_238 = tpu.memref_squeeze %dma_start3A_237 : memref<1x128xi32, #tpu.memory_space<vmem>> -> memref<128xi32, #tpu.memory_space<vmem>>
        %dma_start3A_239 = arith.constant 0 : i32
        %dma_start3A_240 = arith.constant 0 : i32
        %dma_start3A_241 = tpu.memref_slice %arg6[%dma_start3A_239, %dma_start3A_240] : memref<10240x128xf32, #tpu.memory_space<vmem_shared>> -> memref<10240x128xf32, #tpu.memory_space<vmem_shared>>
        tpu.enqueue_indirect_dma source(%arg10 : memref<128x128xf32, #tpu.memory_space<vmem>>) target(%dma_start3A_241 : memref<10240x128xf32, #tpu.memory_space<vmem_shared>>) offsets(%dma_start3A_238 : memref<128xi32, #tpu.memory_space<vmem>>) semaphore(%run_scoped3A_235 : memref<!tpu.dma_semaphore, #tpu.memory_space<semaphore_mem>>) {add = true}
        %dma_wait3A_242 = arith.constant 0 : i32
        %dma_wait3A_243 = tpu.memref_slice %arg8[%add3A_233, %dma_wait3A_242] : memref<40x128xi32, #tpu.memory_space<vmem>> -> memref<1x128xi32, #tpu.memory_space<vmem>>
        %dma_wait3A_244 = tpu.memref_squeeze %dma_wait3A_243 : memref<1x128xi32, #tpu.memory_space<vmem>> -> memref<128xi32, #tpu.memory_space<vmem>>
        %dma_wait3A_245 = arith.constant 0 : i32
        %dma_wait3A_246 = arith.constant 0 : i32
        %dma_wait3A_247 = tpu.memref_slice %arg6[%dma_wait3A_245, %dma_wait3A_246] : memref<10240x128xf32, #tpu.memory_space<vmem_shared>> -> memref<10240x128xf32, #tpu.memory_space<vmem_shared>>
        tpu.wait_indirect_dma semaphore(%run_scoped3A_235 : memref<!tpu.dma_semaphore, #tpu.memory_space<semaphore_mem>>) src(%arg10 : memref<128x128xf32, #tpu.memory_space<vmem>>) dst(%dma_wait3A_247 : memref<10240x128xf32, #tpu.memory_space<vmem_shared>>)
        tpu.yield
      }) : () -> ()
      %scan3A_234 = arith.constant 0 : i32
      scf.yield %scan3A_234 : i32
    }
    %scan3A_45 = arith.constant 19 : i32
    %dma_start3A_46 = arith.constant 39 : i32
    %dma_start3A_47 = arith.constant 0 : i32
    %dma_start3A_48 = tpu.memref_slice %arg7[%dma_start3A_46, %dma_start3A_47] : memref<40x128xi32, #tpu.memory_space<vmem>> -> memref<1x128xi32, #tpu.memory_space<vmem>>
    %dma_start3A_49 = tpu.memref_squeeze %dma_start3A_48 : memref<1x128xi32, #tpu.memory_space<vmem>> -> memref<128xi32, #tpu.memory_space<vmem>>
    %dma_start3A_50 = arith.constant 0 : i32
    %dma_start3A_51 = arith.constant 0 : i32
    %dma_start3A_52 = tpu.memref_slice %arg2[%dma_start3A_50, %dma_start3A_51] : memref<20000x128xf32, #tpu.memory_space<hbm>> -> memref<20000x128xf32, #tpu.memory_space<hbm>>
    tpu.enqueue_indirect_dma source(%dma_start3A_52 : memref<20000x128xf32, #tpu.memory_space<hbm>>) target(%arg10 : memref<128x128xf32, #tpu.memory_space<vmem>>) offsets(%dma_start3A_49 : memref<128xi32, #tpu.memory_space<vmem>>) semaphore(%arg12 : memref<!tpu.dma_semaphore, #tpu.memory_space<semaphore_mem>>)
    %dma_wait3A = arith.constant 38 : i32
    %dma_wait3A_53 = arith.constant 0 : i32
    %dma_wait3A_54 = tpu.memref_slice %arg7[%dma_wait3A, %dma_wait3A_53] : memref<40x128xi32, #tpu.memory_space<vmem>> -> memref<1x128xi32, #tpu.memory_space<vmem>>
    %dma_wait3A_55 = tpu.memref_squeeze %dma_wait3A_54 : memref<1x128xi32, #tpu.memory_space<vmem>> -> memref<128xi32, #tpu.memory_space<vmem>>
    %dma_wait3A_56 = arith.constant 0 : i32
    %dma_wait3A_57 = arith.constant 0 : i32
    %dma_wait3A_58 = tpu.memref_slice %arg2[%dma_wait3A_56, %dma_wait3A_57] : memref<20000x128xf32, #tpu.memory_space<hbm>> -> memref<20000x128xf32, #tpu.memory_space<hbm>>
    tpu.wait_indirect_dma semaphore(%arg11 : memref<!tpu.dma_semaphore, #tpu.memory_space<semaphore_mem>>) src(%dma_wait3A_58 : memref<20000x128xf32, #tpu.memory_space<hbm>>) dst(%arg9 : memref<128x128xf32, #tpu.memory_space<vmem>>)
    %run_scoped3A = arith.constant 38 : i32
    "tpu.region"() ({
      %run_scoped3A_198 = tpu.sem_alloc : memref<!tpu.dma_semaphore, #tpu.memory_space<semaphore_mem>>
      %dma_start3A_199 = arith.constant 0 : i32
      %dma_start3A_200 = tpu.memref_slice %arg8[%run_scoped3A, %dma_start3A_199] : memref<40x128xi32, #tpu.memory_space<vmem>> -> memref<1x128xi32, #tpu.memory_space<vmem>>
      %dma_start3A_201 = tpu.memref_squeeze %dma_start3A_200 : memref<1x128xi32, #tpu.memory_space<vmem>> -> memref<128xi32, #tpu.memory_space<vmem>>
      %dma_start3A_202 = arith.constant 0 : i32
      %dma_start3A_203 = arith.constant 0 : i32
      %dma_start3A_204 = tpu.memref_slice %arg6[%dma_start3A_202, %dma_start3A_203] : memref<10240x128xf32, #tpu.memory_space<vmem_shared>> -> memref<10240x128xf32, #tpu.memory_space<vmem_shared>>
      tpu.enqueue_indirect_dma source(%arg9 : memref<128x128xf32, #tpu.memory_space<vmem>>) target(%dma_start3A_204 : memref<10240x128xf32, #tpu.memory_space<vmem_shared>>) offsets(%dma_start3A_201 : memref<128xi32, #tpu.memory_space<vmem>>) semaphore(%run_scoped3A_198 : memref<!tpu.dma_semaphore, #tpu.memory_space<semaphore_mem>>) {add = true}
      %dma_wait3A_205 = arith.constant 0 : i32
      %dma_wait3A_206 = tpu.memref_slice %arg8[%run_scoped3A, %dma_wait3A_205] : memref<40x128xi32, #tpu.memory_space<vmem>> -> memref<1x128xi32, #tpu.memory_space<vmem>>
      %dma_wait3A_207 = tpu.memref_squeeze %dma_wait3A_206 : memref<1x128xi32, #tpu.memory_space<vmem>> -> memref<128xi32, #tpu.memory_space<vmem>>
      %dma_wait3A_208 = arith.constant 0 : i32
      %dma_wait3A_209 = arith.constant 0 : i32
      %dma_wait3A_210 = tpu.memref_slice %arg6[%dma_wait3A_208, %dma_wait3A_209] : memref<10240x128xf32, #tpu.memory_space<vmem_shared>> -> memref<10240x128xf32, #tpu.memory_space<vmem_shared>>
      tpu.wait_indirect_dma semaphore(%run_scoped3A_198 : memref<!tpu.dma_semaphore, #tpu.memory_space<semaphore_mem>>) src(%arg9 : memref<128x128xf32, #tpu.memory_space<vmem>>) dst(%dma_wait3A_210 : memref<10240x128xf32, #tpu.memory_space<vmem_shared>>)
      tpu.yield
    }) : () -> ()
    %dma_wait3A_59 = arith.constant 39 : i32
    %dma_wait3A_60 = arith.constant 0 : i32
    %dma_wait3A_61 = tpu.memref_slice %arg7[%dma_wait3A_59, %dma_wait3A_60] : memref<40x128xi32, #tpu.memory_space<vmem>> -> memref<1x128xi32, #tpu.memory_space<vmem>>
    %dma_wait3A_62 = tpu.memref_squeeze %dma_wait3A_61 : memref<1x128xi32, #tpu.memory_space<vmem>> -> memref<128xi32, #tpu.memory_space<vmem>>
    %dma_wait3A_63 = arith.constant 0 : i32
    %dma_wait3A_64 = arith.constant 0 : i32
    %dma_wait3A_65 = tpu.memref_slice %arg2[%dma_wait3A_63, %dma_wait3A_64] : memref<20000x128xf32, #tpu.memory_space<hbm>> -> memref<20000x128xf32, #tpu.memory_space<hbm>>
    tpu.wait_indirect_dma semaphore(%arg12 : memref<!tpu.dma_semaphore, #tpu.memory_space<semaphore_mem>>) src(%dma_wait3A_65 : memref<20000x128xf32, #tpu.memory_space<hbm>>) dst(%arg10 : memref<128x128xf32, #tpu.memory_space<vmem>>)
    %run_scoped3A_66 = arith.constant 39 : i32
    "tpu.region"() ({
      %run_scoped3A_198 = tpu.sem_alloc : memref<!tpu.dma_semaphore, #tpu.memory_space<semaphore_mem>>
      %dma_start3A_199 = arith.constant 0 : i32
      %dma_start3A_200 = tpu.memref_slice %arg8[%run_scoped3A_66, %dma_start3A_199] : memref<40x128xi32, #tpu.memory_space<vmem>> -> memref<1x128xi32, #tpu.memory_space<vmem>>
      %dma_start3A_201 = tpu.memref_squeeze %dma_start3A_200 : memref<1x128xi32, #tpu.memory_space<vmem>> -> memref<128xi32, #tpu.memory_space<vmem>>
      %dma_start3A_202 = arith.constant 0 : i32
      %dma_start3A_203 = arith.constant 0 : i32
      %dma_start3A_204 = tpu.memref_slice %arg6[%dma_start3A_202, %dma_start3A_203] : memref<10240x128xf32, #tpu.memory_space<vmem_shared>> -> memref<10240x128xf32, #tpu.memory_space<vmem_shared>>
      tpu.enqueue_indirect_dma source(%arg10 : memref<128x128xf32, #tpu.memory_space<vmem>>) target(%dma_start3A_204 : memref<10240x128xf32, #tpu.memory_space<vmem_shared>>) offsets(%dma_start3A_201 : memref<128xi32, #tpu.memory_space<vmem>>) semaphore(%run_scoped3A_198 : memref<!tpu.dma_semaphore, #tpu.memory_space<semaphore_mem>>) {add = true}
      %dma_wait3A_205 = arith.constant 0 : i32
      %dma_wait3A_206 = tpu.memref_slice %arg8[%run_scoped3A_66, %dma_wait3A_205] : memref<40x128xi32, #tpu.memory_space<vmem>> -> memref<1x128xi32, #tpu.memory_space<vmem>>
      %dma_wait3A_207 = tpu.memref_squeeze %dma_wait3A_206 : memref<1x128xi32, #tpu.memory_space<vmem>> -> memref<128xi32, #tpu.memory_space<vmem>>
      %dma_wait3A_208 = arith.constant 0 : i32
      %dma_wait3A_209 = arith.constant 0 : i32
      %dma_wait3A_210 = tpu.memref_slice %arg6[%dma_wait3A_208, %dma_wait3A_209] : memref<10240x128xf32, #tpu.memory_space<vmem_shared>> -> memref<10240x128xf32, #tpu.memory_space<vmem_shared>>
      tpu.wait_indirect_dma semaphore(%run_scoped3A_198 : memref<!tpu.dma_semaphore, #tpu.memory_space<semaphore_mem>>) src(%arg10 : memref<128x128xf32, #tpu.memory_space<vmem>>) dst(%dma_wait3A_210 : memref<10240x128xf32, #tpu.memory_space<vmem_shared>>)
      tpu.yield
    }) : () -> ()
    %add3A_67 = arith.constant 40 : i32
    %add3A_68 = arith.addi %mul3A_28, %add3A_67 : i32
    "tpu.region"() ({
      %run_scoped3A_198 = tpu.sem_alloc : memref<!tpu.dma_semaphore, #tpu.memory_space<semaphore_mem>>
      %dma_start3A_199 = arith.constant 0 : i32
      %dma_start3A_200 = tpu.memref_slice %arg3[%add3A_68, %dma_start3A_199] : memref<5120x128xi32, #tpu.memory_space<hbm>> -> memref<40x128xi32, #tpu.memory_space<hbm>>
      %dma_start3A_201 = arith.constant 0 : i32
      %dma_start3A_202 = tpu.memref_slice %arg3[%add3A_68, %dma_start3A_201] : memref<5120x128xi32, #tpu.memory_space<hbm>> -> memref<40x128xi32, #tpu.memory_space<hbm>>
      tpu.enqueue_dma source(%dma_start3A_202 : memref<40x128xi32, #tpu.memory_space<hbm>>) target(%arg7 : memref<40x128xi32, #tpu.memory_space<vmem>>) target_semaphore(%run_scoped3A_198 : memref<!tpu.dma_semaphore, #tpu.memory_space<semaphore_mem>>)
      %dma_wait3A_203 = arith.constant 0 : i32
      %dma_wait3A_204 = tpu.memref_slice %arg3[%add3A_68, %dma_wait3A_203] : memref<5120x128xi32, #tpu.memory_space<hbm>> -> memref<40x128xi32, #tpu.memory_space<hbm>>
      %dma_wait3A_205 = arith.constant 0 : i32
      %dma_wait3A_206 = tpu.memref_slice %arg3[%add3A_68, %dma_wait3A_205] : memref<5120x128xi32, #tpu.memory_space<hbm>> -> memref<40x128xi32, #tpu.memory_space<hbm>>
      tpu.wait_dma2 semaphore(%run_scoped3A_198 : memref<!tpu.dma_semaphore, #tpu.memory_space<semaphore_mem>>) src(%dma_wait3A_206 : memref<40x128xi32, #tpu.memory_space<hbm>>) dst(%arg7 : memref<40x128xi32, #tpu.memory_space<vmem>>)
      tpu.yield
    }) : () -> ()
    %add3A_69 = arith.constant 40 : i32
    %add3A_70 = arith.addi %mul3A_28, %add3A_69 : i32
    "tpu.region"() ({
      %run_scoped3A_198 = tpu.sem_alloc : memref<!tpu.dma_semaphore, #tpu.memory_space<semaphore_mem>>
      %dma_start3A_199 = arith.constant 0 : i32
      %dma_start3A_200 = tpu.memref_slice %arg4[%add3A_70, %dma_start3A_199] : memref<5120x128xi32, #tpu.memory_space<hbm>> -> memref<40x128xi32, #tpu.memory_space<hbm>>
      %dma_start3A_201 = arith.constant 0 : i32
      %dma_start3A_202 = tpu.memref_slice %arg4[%add3A_70, %dma_start3A_201] : memref<5120x128xi32, #tpu.memory_space<hbm>> -> memref<40x128xi32, #tpu.memory_space<hbm>>
      tpu.enqueue_dma source(%dma_start3A_202 : memref<40x128xi32, #tpu.memory_space<hbm>>) target(%arg8 : memref<40x128xi32, #tpu.memory_space<vmem>>) target_semaphore(%run_scoped3A_198 : memref<!tpu.dma_semaphore, #tpu.memory_space<semaphore_mem>>)
      %dma_wait3A_203 = arith.constant 0 : i32
      %dma_wait3A_204 = tpu.memref_slice %arg4[%add3A_70, %dma_wait3A_203] : memref<5120x128xi32, #tpu.memory_space<hbm>> -> memref<40x128xi32, #tpu.memory_space<hbm>>
      %dma_wait3A_205 = arith.constant 0 : i32
      %dma_wait3A_206 = tpu.memref_slice %arg4[%add3A_70, %dma_wait3A_205] : memref<5120x128xi32, #tpu.memory_space<hbm>> -> memref<40x128xi32, #tpu.memory_space<hbm>>
      tpu.wait_dma2 semaphore(%run_scoped3A_198 : memref<!tpu.dma_semaphore, #tpu.memory_space<semaphore_mem>>) src(%dma_wait3A_206 : memref<40x128xi32, #tpu.memory_space<hbm>>) dst(%arg8 : memref<40x128xi32, #tpu.memory_space<vmem>>)
      tpu.yield
    }) : () -> ()
    %dma_start3A_71 = arith.constant 0 : i32
    %dma_start3A_72 = arith.constant 0 : i32
    %dma_start3A_73 = tpu.memref_slice %arg7[%dma_start3A_71, %dma_start3A_72] : memref<40x128xi32, #tpu.memory_space<vmem>> -> memref<1x128xi32, #tpu.memory_space<vmem>>
    %dma_start3A_74 = tpu.memref_squeeze %dma_start3A_73 : memref<1x128xi32, #tpu.memory_space<vmem>> -> memref<128xi32, #tpu.memory_space<vmem>>
    %dma_start3A_75 = arith.constant 0 : i32
    %dma_start3A_76 = arith.constant 0 : i32
    %dma_start3A_77 = tpu.memref_slice %arg2[%dma_start3A_75, %dma_start3A_76] : memref<20000x128xf32, #tpu.memory_space<hbm>> -> memref<20000x128xf32, #tpu.memory_space<hbm>>
    tpu.enqueue_indirect_dma source(%dma_start3A_77 : memref<20000x128xf32, #tpu.memory_space<hbm>>) target(%arg9 : memref<128x128xf32, #tpu.memory_space<vmem>>) offsets(%dma_start3A_74 : memref<128xi32, #tpu.memory_space<vmem>>) semaphore(%arg11 : memref<!tpu.dma_semaphore, #tpu.memory_space<semaphore_mem>>)
    %scan3A_78 = arith.constant 0 : i32
    %scan3A_79 = arith.constant 0 : i32
    %scan3A_80 = arith.constant 19 : i32
    %scan3A_81 = arith.addi %scan3A_79, %scan3A_80 : i32
    %scan3A_82 = arith.constant 1 : i32
    %scan3A_83 = scf.for %scan3A_198 = %scan3A_79 to %scan3A_81 step %scan3A_82 iter_args(%scan3A_199 = %scan3A_78) -> (i32)  : i32 {
      %mul3A_200 = arith.constant 2 : i32
      %mul3A_201 = arith.muli %mul3A_200, %scan3A_198 : i32
      %add3A_202 = arith.constant 1 : i32
      %add3A_203 = arith.addi %mul3A_201, %add3A_202 : i32
      %dma_start3A_204 = arith.constant 0 : i32
      %dma_start3A_205 = tpu.memref_slice %arg7[%add3A_203, %dma_start3A_204] : memref<40x128xi32, #tpu.memory_space<vmem>> -> memref<1x128xi32, #tpu.memory_space<vmem>>
      %dma_start3A_206 = tpu.memref_squeeze %dma_start3A_205 : memref<1x128xi32, #tpu.memory_space<vmem>> -> memref<128xi32, #tpu.memory_space<vmem>>
      %dma_start3A_207 = arith.constant 0 : i32
      %dma_start3A_208 = arith.constant 0 : i32
      %dma_start3A_209 = tpu.memref_slice %arg2[%dma_start3A_207, %dma_start3A_208] : memref<20000x128xf32, #tpu.memory_space<hbm>> -> memref<20000x128xf32, #tpu.memory_space<hbm>>
      tpu.enqueue_indirect_dma source(%dma_start3A_209 : memref<20000x128xf32, #tpu.memory_space<hbm>>) target(%arg10 : memref<128x128xf32, #tpu.memory_space<vmem>>) offsets(%dma_start3A_206 : memref<128xi32, #tpu.memory_space<vmem>>) semaphore(%arg12 : memref<!tpu.dma_semaphore, #tpu.memory_space<semaphore_mem>>)
      %dma_wait3A_210 = arith.constant 0 : i32
      %dma_wait3A_211 = tpu.memref_slice %arg7[%mul3A_201, %dma_wait3A_210] : memref<40x128xi32, #tpu.memory_space<vmem>> -> memref<1x128xi32, #tpu.memory_space<vmem>>
      %dma_wait3A_212 = tpu.memref_squeeze %dma_wait3A_211 : memref<1x128xi32, #tpu.memory_space<vmem>> -> memref<128xi32, #tpu.memory_space<vmem>>
      %dma_wait3A_213 = arith.constant 0 : i32
      %dma_wait3A_214 = arith.constant 0 : i32
      %dma_wait3A_215 = tpu.memref_slice %arg2[%dma_wait3A_213, %dma_wait3A_214] : memref<20000x128xf32, #tpu.memory_space<hbm>> -> memref<20000x128xf32, #tpu.memory_space<hbm>>
      tpu.wait_indirect_dma semaphore(%arg11 : memref<!tpu.dma_semaphore, #tpu.memory_space<semaphore_mem>>) src(%dma_wait3A_215 : memref<20000x128xf32, #tpu.memory_space<hbm>>) dst(%arg9 : memref<128x128xf32, #tpu.memory_space<vmem>>)
      "tpu.region"() ({
        %run_scoped3A_235 = tpu.sem_alloc : memref<!tpu.dma_semaphore, #tpu.memory_space<semaphore_mem>>
        %dma_start3A_236 = arith.constant 0 : i32
        %dma_start3A_237 = tpu.memref_slice %arg8[%mul3A_201, %dma_start3A_236] : memref<40x128xi32, #tpu.memory_space<vmem>> -> memref<1x128xi32, #tpu.memory_space<vmem>>
        %dma_start3A_238 = tpu.memref_squeeze %dma_start3A_237 : memref<1x128xi32, #tpu.memory_space<vmem>> -> memref<128xi32, #tpu.memory_space<vmem>>
        %dma_start3A_239 = arith.constant 0 : i32
        %dma_start3A_240 = arith.constant 0 : i32
        %dma_start3A_241 = tpu.memref_slice %arg6[%dma_start3A_239, %dma_start3A_240] : memref<10240x128xf32, #tpu.memory_space<vmem_shared>> -> memref<10240x128xf32, #tpu.memory_space<vmem_shared>>
        tpu.enqueue_indirect_dma source(%arg9 : memref<128x128xf32, #tpu.memory_space<vmem>>) target(%dma_start3A_241 : memref<10240x128xf32, #tpu.memory_space<vmem_shared>>) offsets(%dma_start3A_238 : memref<128xi32, #tpu.memory_space<vmem>>) semaphore(%run_scoped3A_235 : memref<!tpu.dma_semaphore, #tpu.memory_space<semaphore_mem>>) {add = true}
        %dma_wait3A_242 = arith.constant 0 : i32
        %dma_wait3A_243 = tpu.memref_slice %arg8[%mul3A_201, %dma_wait3A_242] : memref<40x128xi32, #tpu.memory_space<vmem>> -> memref<1x128xi32, #tpu.memory_space<vmem>>
        %dma_wait3A_244 = tpu.memref_squeeze %dma_wait3A_243 : memref<1x128xi32, #tpu.memory_space<vmem>> -> memref<128xi32, #tpu.memory_space<vmem>>
        %dma_wait3A_245 = arith.constant 0 : i32
        %dma_wait3A_246 = arith.constant 0 : i32
        %dma_wait3A_247 = tpu.memref_slice %arg6[%dma_wait3A_245, %dma_wait3A_246] : memref<10240x128xf32, #tpu.memory_space<vmem_shared>> -> memref<10240x128xf32, #tpu.memory_space<vmem_shared>>
        tpu.wait_indirect_dma semaphore(%run_scoped3A_235 : memref<!tpu.dma_semaphore, #tpu.memory_space<semaphore_mem>>) src(%arg9 : memref<128x128xf32, #tpu.memory_space<vmem>>) dst(%dma_wait3A_247 : memref<10240x128xf32, #tpu.memory_space<vmem_shared>>)
        tpu.yield
      }) : () -> ()
      %add3A_216 = arith.constant 2 : i32
      %add3A_217 = arith.addi %mul3A_201, %add3A_216 : i32
      %dma_start3A_218 = arith.constant 0 : i32
      %dma_start3A_219 = tpu.memref_slice %arg7[%add3A_217, %dma_start3A_218] : memref<40x128xi32, #tpu.memory_space<vmem>> -> memref<1x128xi32, #tpu.memory_space<vmem>>
      %dma_start3A_220 = tpu.memref_squeeze %dma_start3A_219 : memref<1x128xi32, #tpu.memory_space<vmem>> -> memref<128xi32, #tpu.memory_space<vmem>>
      %dma_start3A_221 = arith.constant 0 : i32
      %dma_start3A_222 = arith.constant 0 : i32
      %dma_start3A_223 = tpu.memref_slice %arg2[%dma_start3A_221, %dma_start3A_222] : memref<20000x128xf32, #tpu.memory_space<hbm>> -> memref<20000x128xf32, #tpu.memory_space<hbm>>
      tpu.enqueue_indirect_dma source(%dma_start3A_223 : memref<20000x128xf32, #tpu.memory_space<hbm>>) target(%arg9 : memref<128x128xf32, #tpu.memory_space<vmem>>) offsets(%dma_start3A_220 : memref<128xi32, #tpu.memory_space<vmem>>) semaphore(%arg11 : memref<!tpu.dma_semaphore, #tpu.memory_space<semaphore_mem>>)
      %add3A_224 = arith.constant 1 : i32
      %add3A_225 = arith.addi %mul3A_201, %add3A_224 : i32
      %dma_wait3A_226 = arith.constant 0 : i32
      %dma_wait3A_227 = tpu.memref_slice %arg7[%add3A_225, %dma_wait3A_226] : memref<40x128xi32, #tpu.memory_space<vmem>> -> memref<1x128xi32, #tpu.memory_space<vmem>>
      %dma_wait3A_228 = tpu.memref_squeeze %dma_wait3A_227 : memref<1x128xi32, #tpu.memory_space<vmem>> -> memref<128xi32, #tpu.memory_space<vmem>>
      %dma_wait3A_229 = arith.constant 0 : i32
      %dma_wait3A_230 = arith.constant 0 : i32
      %dma_wait3A_231 = tpu.memref_slice %arg2[%dma_wait3A_229, %dma_wait3A_230] : memref<20000x128xf32, #tpu.memory_space<hbm>> -> memref<20000x128xf32, #tpu.memory_space<hbm>>
      tpu.wait_indirect_dma semaphore(%arg12 : memref<!tpu.dma_semaphore, #tpu.memory_space<semaphore_mem>>) src(%dma_wait3A_231 : memref<20000x128xf32, #tpu.memory_space<hbm>>) dst(%arg10 : memref<128x128xf32, #tpu.memory_space<vmem>>)
      %add3A_232 = arith.constant 1 : i32
      %add3A_233 = arith.addi %mul3A_201, %add3A_232 : i32
      "tpu.region"() ({
        %run_scoped3A_235 = tpu.sem_alloc : memref<!tpu.dma_semaphore, #tpu.memory_space<semaphore_mem>>
        %dma_start3A_236 = arith.constant 0 : i32
        %dma_start3A_237 = tpu.memref_slice %arg8[%add3A_233, %dma_start3A_236] : memref<40x128xi32, #tpu.memory_space<vmem>> -> memref<1x128xi32, #tpu.memory_space<vmem>>
        %dma_start3A_238 = tpu.memref_squeeze %dma_start3A_237 : memref<1x128xi32, #tpu.memory_space<vmem>> -> memref<128xi32, #tpu.memory_space<vmem>>
        %dma_start3A_239 = arith.constant 0 : i32
        %dma_start3A_240 = arith.constant 0 : i32
        %dma_start3A_241 = tpu.memref_slice %arg6[%dma_start3A_239, %dma_start3A_240] : memref<10240x128xf32, #tpu.memory_space<vmem_shared>> -> memref<10240x128xf32, #tpu.memory_space<vmem_shared>>
        tpu.enqueue_indirect_dma source(%arg10 : memref<128x128xf32, #tpu.memory_space<vmem>>) target(%dma_start3A_241 : memref<10240x128xf32, #tpu.memory_space<vmem_shared>>) offsets(%dma_start3A_238 : memref<128xi32, #tpu.memory_space<vmem>>) semaphore(%run_scoped3A_235 : memref<!tpu.dma_semaphore, #tpu.memory_space<semaphore_mem>>) {add = true}
        %dma_wait3A_242 = arith.constant 0 : i32
        %dma_wait3A_243 = tpu.memref_slice %arg8[%add3A_233, %dma_wait3A_242] : memref<40x128xi32, #tpu.memory_space<vmem>> -> memref<1x128xi32, #tpu.memory_space<vmem>>
        %dma_wait3A_244 = tpu.memref_squeeze %dma_wait3A_243 : memref<1x128xi32, #tpu.memory_space<vmem>> -> memref<128xi32, #tpu.memory_space<vmem>>
        %dma_wait3A_245 = arith.constant 0 : i32
        %dma_wait3A_246 = arith.constant 0 : i32
        %dma_wait3A_247 = tpu.memref_slice %arg6[%dma_wait3A_245, %dma_wait3A_246] : memref<10240x128xf32, #tpu.memory_space<vmem_shared>> -> memref<10240x128xf32, #tpu.memory_space<vmem_shared>>
        tpu.wait_indirect_dma semaphore(%run_scoped3A_235 : memref<!tpu.dma_semaphore, #tpu.memory_space<semaphore_mem>>) src(%arg10 : memref<128x128xf32, #tpu.memory_space<vmem>>) dst(%dma_wait3A_247 : memref<10240x128xf32, #tpu.memory_space<vmem_shared>>)
        tpu.yield
      }) : () -> ()
      %scan3A_234 = arith.constant 0 : i32
      scf.yield %scan3A_234 : i32
    }
    %scan3A_84 = arith.constant 19 : i32
    %dma_start3A_85 = arith.constant 39 : i32
    %dma_start3A_86 = arith.constant 0 : i32
    %dma_start3A_87 = tpu.memref_slice %arg7[%dma_start3A_85, %dma_start3A_86] : memref<40x128xi32, #tpu.memory_space<vmem>> -> memref<1x128xi32, #tpu.memory_space<vmem>>
    %dma_start3A_88 = tpu.memref_squeeze %dma_start3A_87 : memref<1x128xi32, #tpu.memory_space<vmem>> -> memref<128xi32, #tpu.memory_space<vmem>>
    %dma_start3A_89 = arith.constant 0 : i32
    %dma_start3A_90 = arith.constant 0 : i32
    %dma_start3A_91 = tpu.memref_slice %arg2[%dma_start3A_89, %dma_start3A_90] : memref<20000x128xf32, #tpu.memory_space<hbm>> -> memref<20000x128xf32, #tpu.memory_space<hbm>>
    tpu.enqueue_indirect_dma source(%dma_start3A_91 : memref<20000x128xf32, #tpu.memory_space<hbm>>) target(%arg10 : memref<128x128xf32, #tpu.memory_space<vmem>>) offsets(%dma_start3A_88 : memref<128xi32, #tpu.memory_space<vmem>>) semaphore(%arg12 : memref<!tpu.dma_semaphore, #tpu.memory_space<semaphore_mem>>)
    %dma_wait3A_92 = arith.constant 38 : i32
    %dma_wait3A_93 = arith.constant 0 : i32
    %dma_wait3A_94 = tpu.memref_slice %arg7[%dma_wait3A_92, %dma_wait3A_93] : memref<40x128xi32, #tpu.memory_space<vmem>> -> memref<1x128xi32, #tpu.memory_space<vmem>>
    %dma_wait3A_95 = tpu.memref_squeeze %dma_wait3A_94 : memref<1x128xi32, #tpu.memory_space<vmem>> -> memref<128xi32, #tpu.memory_space<vmem>>
    %dma_wait3A_96 = arith.constant 0 : i32
    %dma_wait3A_97 = arith.constant 0 : i32
    %dma_wait3A_98 = tpu.memref_slice %arg2[%dma_wait3A_96, %dma_wait3A_97] : memref<20000x128xf32, #tpu.memory_space<hbm>> -> memref<20000x128xf32, #tpu.memory_space<hbm>>
    tpu.wait_indirect_dma semaphore(%arg11 : memref<!tpu.dma_semaphore, #tpu.memory_space<semaphore_mem>>) src(%dma_wait3A_98 : memref<20000x128xf32, #tpu.memory_space<hbm>>) dst(%arg9 : memref<128x128xf32, #tpu.memory_space<vmem>>)
    %run_scoped3A_99 = arith.constant 38 : i32
    "tpu.region"() ({
      %run_scoped3A_198 = tpu.sem_alloc : memref<!tpu.dma_semaphore, #tpu.memory_space<semaphore_mem>>
      %dma_start3A_199 = arith.constant 0 : i32
      %dma_start3A_200 = tpu.memref_slice %arg8[%run_scoped3A_99, %dma_start3A_199] : memref<40x128xi32, #tpu.memory_space<vmem>> -> memref<1x128xi32, #tpu.memory_space<vmem>>
      %dma_start3A_201 = tpu.memref_squeeze %dma_start3A_200 : memref<1x128xi32, #tpu.memory_space<vmem>> -> memref<128xi32, #tpu.memory_space<vmem>>
      %dma_start3A_202 = arith.constant 0 : i32
      %dma_start3A_203 = arith.constant 0 : i32
      %dma_start3A_204 = tpu.memref_slice %arg6[%dma_start3A_202, %dma_start3A_203] : memref<10240x128xf32, #tpu.memory_space<vmem_shared>> -> memref<10240x128xf32, #tpu.memory_space<vmem_shared>>
      tpu.enqueue_indirect_dma source(%arg9 : memref<128x128xf32, #tpu.memory_space<vmem>>) target(%dma_start3A_204 : memref<10240x128xf32, #tpu.memory_space<vmem_shared>>) offsets(%dma_start3A_201 : memref<128xi32, #tpu.memory_space<vmem>>) semaphore(%run_scoped3A_198 : memref<!tpu.dma_semaphore, #tpu.memory_space<semaphore_mem>>) {add = true}
      %dma_wait3A_205 = arith.constant 0 : i32
      %dma_wait3A_206 = tpu.memref_slice %arg8[%run_scoped3A_99, %dma_wait3A_205] : memref<40x128xi32, #tpu.memory_space<vmem>> -> memref<1x128xi32, #tpu.memory_space<vmem>>
      %dma_wait3A_207 = tpu.memref_squeeze %dma_wait3A_206 : memref<1x128xi32, #tpu.memory_space<vmem>> -> memref<128xi32, #tpu.memory_space<vmem>>
      %dma_wait3A_208 = arith.constant 0 : i32
      %dma_wait3A_209 = arith.constant 0 : i32
      %dma_wait3A_210 = tpu.memref_slice %arg6[%dma_wait3A_208, %dma_wait3A_209] : memref<10240x128xf32, #tpu.memory_space<vmem_shared>> -> memref<10240x128xf32, #tpu.memory_space<vmem_shared>>
      tpu.wait_indirect_dma semaphore(%run_scoped3A_198 : memref<!tpu.dma_semaphore, #tpu.memory_space<semaphore_mem>>) src(%arg9 : memref<128x128xf32, #tpu.memory_space<vmem>>) dst(%dma_wait3A_210 : memref<10240x128xf32, #tpu.memory_space<vmem_shared>>)
      tpu.yield
    }) : () -> ()
    %dma_wait3A_100 = arith.constant 39 : i32
    %dma_wait3A_101 = arith.constant 0 : i32
    %dma_wait3A_102 = tpu.memref_slice %arg7[%dma_wait3A_100, %dma_wait3A_101] : memref<40x128xi32, #tpu.memory_space<vmem>> -> memref<1x128xi32, #tpu.memory_space<vmem>>
    %dma_wait3A_103 = tpu.memref_squeeze %dma_wait3A_102 : memref<1x128xi32, #tpu.memory_space<vmem>> -> memref<128xi32, #tpu.memory_space<vmem>>
    %dma_wait3A_104 = arith.constant 0 : i32
    %dma_wait3A_105 = arith.constant 0 : i32
    %dma_wait3A_106 = tpu.memref_slice %arg2[%dma_wait3A_104, %dma_wait3A_105] : memref<20000x128xf32, #tpu.memory_space<hbm>> -> memref<20000x128xf32, #tpu.memory_space<hbm>>
    tpu.wait_indirect_dma semaphore(%arg12 : memref<!tpu.dma_semaphore, #tpu.memory_space<semaphore_mem>>) src(%dma_wait3A_106 : memref<20000x128xf32, #tpu.memory_space<hbm>>) dst(%arg10 : memref<128x128xf32, #tpu.memory_space<vmem>>)
    %run_scoped3A_107 = arith.constant 39 : i32
    "tpu.region"() ({
      %run_scoped3A_198 = tpu.sem_alloc : memref<!tpu.dma_semaphore, #tpu.memory_space<semaphore_mem>>
      %dma_start3A_199 = arith.constant 0 : i32
      %dma_start3A_200 = tpu.memref_slice %arg8[%run_scoped3A_107, %dma_start3A_199] : memref<40x128xi32, #tpu.memory_space<vmem>> -> memref<1x128xi32, #tpu.memory_space<vmem>>
      %dma_start3A_201 = tpu.memref_squeeze %dma_start3A_200 : memref<1x128xi32, #tpu.memory_space<vmem>> -> memref<128xi32, #tpu.memory_space<vmem>>
      %dma_start3A_202 = arith.constant 0 : i32
      %dma_start3A_203 = arith.constant 0 : i32
      %dma_start3A_204 = tpu.memref_slice %arg6[%dma_start3A_202, %dma_start3A_203] : memref<10240x128xf32, #tpu.memory_space<vmem_shared>> -> memref<10240x128xf32, #tpu.memory_space<vmem_shared>>
      tpu.enqueue_indirect_dma source(%arg10 : memref<128x128xf32, #tpu.memory_space<vmem>>) target(%dma_start3A_204 : memref<10240x128xf32, #tpu.memory_space<vmem_shared>>) offsets(%dma_start3A_201 : memref<128xi32, #tpu.memory_space<vmem>>) semaphore(%run_scoped3A_198 : memref<!tpu.dma_semaphore, #tpu.memory_space<semaphore_mem>>) {add = true}
      %dma_wait3A_205 = arith.constant 0 : i32
      %dma_wait3A_206 = tpu.memref_slice %arg8[%run_scoped3A_107, %dma_wait3A_205] : memref<40x128xi32, #tpu.memory_space<vmem>> -> memref<1x128xi32, #tpu.memory_space<vmem>>
      %dma_wait3A_207 = tpu.memref_squeeze %dma_wait3A_206 : memref<1x128xi32, #tpu.memory_space<vmem>> -> memref<128xi32, #tpu.memory_space<vmem>>
      %dma_wait3A_208 = arith.constant 0 : i32
      %dma_wait3A_209 = arith.constant 0 : i32
      %dma_wait3A_210 = tpu.memref_slice %arg6[%dma_wait3A_208, %dma_wait3A_209] : memref<10240x128xf32, #tpu.memory_space<vmem_shared>> -> memref<10240x128xf32, #tpu.memory_space<vmem_shared>>
      tpu.wait_indirect_dma semaphore(%run_scoped3A_198 : memref<!tpu.dma_semaphore, #tpu.memory_space<semaphore_mem>>) src(%arg10 : memref<128x128xf32, #tpu.memory_space<vmem>>) dst(%dma_wait3A_210 : memref<10240x128xf32, #tpu.memory_space<vmem_shared>>)
      tpu.yield
    }) : () -> ()
    %add3A_108 = arith.constant 80 : i32
    %add3A_109 = arith.addi %mul3A_28, %add3A_108 : i32
    "tpu.region"() ({
      %run_scoped3A_198 = tpu.sem_alloc : memref<!tpu.dma_semaphore, #tpu.memory_space<semaphore_mem>>
      %dma_start3A_199 = arith.constant 0 : i32
      %dma_start3A_200 = tpu.memref_slice %arg3[%add3A_109, %dma_start3A_199] : memref<5120x128xi32, #tpu.memory_space<hbm>> -> memref<40x128xi32, #tpu.memory_space<hbm>>
      %dma_start3A_201 = arith.constant 0 : i32
      %dma_start3A_202 = tpu.memref_slice %arg3[%add3A_109, %dma_start3A_201] : memref<5120x128xi32, #tpu.memory_space<hbm>> -> memref<40x128xi32, #tpu.memory_space<hbm>>
      tpu.enqueue_dma source(%dma_start3A_202 : memref<40x128xi32, #tpu.memory_space<hbm>>) target(%arg7 : memref<40x128xi32, #tpu.memory_space<vmem>>) target_semaphore(%run_scoped3A_198 : memref<!tpu.dma_semaphore, #tpu.memory_space<semaphore_mem>>)
      %dma_wait3A_203 = arith.constant 0 : i32
      %dma_wait3A_204 = tpu.memref_slice %arg3[%add3A_109, %dma_wait3A_203] : memref<5120x128xi32, #tpu.memory_space<hbm>> -> memref<40x128xi32, #tpu.memory_space<hbm>>
      %dma_wait3A_205 = arith.constant 0 : i32
      %dma_wait3A_206 = tpu.memref_slice %arg3[%add3A_109, %dma_wait3A_205] : memref<5120x128xi32, #tpu.memory_space<hbm>> -> memref<40x128xi32, #tpu.memory_space<hbm>>
      tpu.wait_dma2 semaphore(%run_scoped3A_198 : memref<!tpu.dma_semaphore, #tpu.memory_space<semaphore_mem>>) src(%dma_wait3A_206 : memref<40x128xi32, #tpu.memory_space<hbm>>) dst(%arg7 : memref<40x128xi32, #tpu.memory_space<vmem>>)
      tpu.yield
    }) : () -> ()
    %add3A_110 = arith.constant 80 : i32
    %add3A_111 = arith.addi %mul3A_28, %add3A_110 : i32
    "tpu.region"() ({
      %run_scoped3A_198 = tpu.sem_alloc : memref<!tpu.dma_semaphore, #tpu.memory_space<semaphore_mem>>
      %dma_start3A_199 = arith.constant 0 : i32
      %dma_start3A_200 = tpu.memref_slice %arg4[%add3A_111, %dma_start3A_199] : memref<5120x128xi32, #tpu.memory_space<hbm>> -> memref<40x128xi32, #tpu.memory_space<hbm>>
      %dma_start3A_201 = arith.constant 0 : i32
      %dma_start3A_202 = tpu.memref_slice %arg4[%add3A_111, %dma_start3A_201] : memref<5120x128xi32, #tpu.memory_space<hbm>> -> memref<40x128xi32, #tpu.memory_space<hbm>>
      tpu.enqueue_dma source(%dma_start3A_202 : memref<40x128xi32, #tpu.memory_space<hbm>>) target(%arg8 : memref<40x128xi32, #tpu.memory_space<vmem>>) target_semaphore(%run_scoped3A_198 : memref<!tpu.dma_semaphore, #tpu.memory_space<semaphore_mem>>)
      %dma_wait3A_203 = arith.constant 0 : i32
      %dma_wait3A_204 = tpu.memref_slice %arg4[%add3A_111, %dma_wait3A_203] : memref<5120x128xi32, #tpu.memory_space<hbm>> -> memref<40x128xi32, #tpu.memory_space<hbm>>
      %dma_wait3A_205 = arith.constant 0 : i32
      %dma_wait3A_206 = tpu.memref_slice %arg4[%add3A_111, %dma_wait3A_205] : memref<5120x128xi32, #tpu.memory_space<hbm>> -> memref<40x128xi32, #tpu.memory_space<hbm>>
      tpu.wait_dma2 semaphore(%run_scoped3A_198 : memref<!tpu.dma_semaphore, #tpu.memory_space<semaphore_mem>>) src(%dma_wait3A_206 : memref<40x128xi32, #tpu.memory_space<hbm>>) dst(%arg8 : memref<40x128xi32, #tpu.memory_space<vmem>>)
      tpu.yield
    }) : () -> ()
    %dma_start3A_112 = arith.constant 0 : i32
    %dma_start3A_113 = arith.constant 0 : i32
    %dma_start3A_114 = tpu.memref_slice %arg7[%dma_start3A_112, %dma_start3A_113] : memref<40x128xi32, #tpu.memory_space<vmem>> -> memref<1x128xi32, #tpu.memory_space<vmem>>
    %dma_start3A_115 = tpu.memref_squeeze %dma_start3A_114 : memref<1x128xi32, #tpu.memory_space<vmem>> -> memref<128xi32, #tpu.memory_space<vmem>>
    %dma_start3A_116 = arith.constant 0 : i32
    %dma_start3A_117 = arith.constant 0 : i32
    %dma_start3A_118 = tpu.memref_slice %arg2[%dma_start3A_116, %dma_start3A_117] : memref<20000x128xf32, #tpu.memory_space<hbm>> -> memref<20000x128xf32, #tpu.memory_space<hbm>>
    tpu.enqueue_indirect_dma source(%dma_start3A_118 : memref<20000x128xf32, #tpu.memory_space<hbm>>) target(%arg9 : memref<128x128xf32, #tpu.memory_space<vmem>>) offsets(%dma_start3A_115 : memref<128xi32, #tpu.memory_space<vmem>>) semaphore(%arg11 : memref<!tpu.dma_semaphore, #tpu.memory_space<semaphore_mem>>)
    %scan3A_119 = arith.constant 0 : i32
    %scan3A_120 = arith.constant 0 : i32
    %scan3A_121 = arith.constant 19 : i32
    %scan3A_122 = arith.addi %scan3A_120, %scan3A_121 : i32
    %scan3A_123 = arith.constant 1 : i32
    %scan3A_124 = scf.for %scan3A_198 = %scan3A_120 to %scan3A_122 step %scan3A_123 iter_args(%scan3A_199 = %scan3A_119) -> (i32)  : i32 {
      %mul3A_200 = arith.constant 2 : i32
      %mul3A_201 = arith.muli %mul3A_200, %scan3A_198 : i32
      %add3A_202 = arith.constant 1 : i32
      %add3A_203 = arith.addi %mul3A_201, %add3A_202 : i32
      %dma_start3A_204 = arith.constant 0 : i32
      %dma_start3A_205 = tpu.memref_slice %arg7[%add3A_203, %dma_start3A_204] : memref<40x128xi32, #tpu.memory_space<vmem>> -> memref<1x128xi32, #tpu.memory_space<vmem>>
      %dma_start3A_206 = tpu.memref_squeeze %dma_start3A_205 : memref<1x128xi32, #tpu.memory_space<vmem>> -> memref<128xi32, #tpu.memory_space<vmem>>
      %dma_start3A_207 = arith.constant 0 : i32
      %dma_start3A_208 = arith.constant 0 : i32
      %dma_start3A_209 = tpu.memref_slice %arg2[%dma_start3A_207, %dma_start3A_208] : memref<20000x128xf32, #tpu.memory_space<hbm>> -> memref<20000x128xf32, #tpu.memory_space<hbm>>
      tpu.enqueue_indirect_dma source(%dma_start3A_209 : memref<20000x128xf32, #tpu.memory_space<hbm>>) target(%arg10 : memref<128x128xf32, #tpu.memory_space<vmem>>) offsets(%dma_start3A_206 : memref<128xi32, #tpu.memory_space<vmem>>) semaphore(%arg12 : memref<!tpu.dma_semaphore, #tpu.memory_space<semaphore_mem>>)
      %dma_wait3A_210 = arith.constant 0 : i32
      %dma_wait3A_211 = tpu.memref_slice %arg7[%mul3A_201, %dma_wait3A_210] : memref<40x128xi32, #tpu.memory_space<vmem>> -> memref<1x128xi32, #tpu.memory_space<vmem>>
      %dma_wait3A_212 = tpu.memref_squeeze %dma_wait3A_211 : memref<1x128xi32, #tpu.memory_space<vmem>> -> memref<128xi32, #tpu.memory_space<vmem>>
      %dma_wait3A_213 = arith.constant 0 : i32
      %dma_wait3A_214 = arith.constant 0 : i32
      %dma_wait3A_215 = tpu.memref_slice %arg2[%dma_wait3A_213, %dma_wait3A_214] : memref<20000x128xf32, #tpu.memory_space<hbm>> -> memref<20000x128xf32, #tpu.memory_space<hbm>>
      tpu.wait_indirect_dma semaphore(%arg11 : memref<!tpu.dma_semaphore, #tpu.memory_space<semaphore_mem>>) src(%dma_wait3A_215 : memref<20000x128xf32, #tpu.memory_space<hbm>>) dst(%arg9 : memref<128x128xf32, #tpu.memory_space<vmem>>)
      "tpu.region"() ({
        %run_scoped3A_235 = tpu.sem_alloc : memref<!tpu.dma_semaphore, #tpu.memory_space<semaphore_mem>>
        %dma_start3A_236 = arith.constant 0 : i32
        %dma_start3A_237 = tpu.memref_slice %arg8[%mul3A_201, %dma_start3A_236] : memref<40x128xi32, #tpu.memory_space<vmem>> -> memref<1x128xi32, #tpu.memory_space<vmem>>
        %dma_start3A_238 = tpu.memref_squeeze %dma_start3A_237 : memref<1x128xi32, #tpu.memory_space<vmem>> -> memref<128xi32, #tpu.memory_space<vmem>>
        %dma_start3A_239 = arith.constant 0 : i32
        %dma_start3A_240 = arith.constant 0 : i32
        %dma_start3A_241 = tpu.memref_slice %arg6[%dma_start3A_239, %dma_start3A_240] : memref<10240x128xf32, #tpu.memory_space<vmem_shared>> -> memref<10240x128xf32, #tpu.memory_space<vmem_shared>>
        tpu.enqueue_indirect_dma source(%arg9 : memref<128x128xf32, #tpu.memory_space<vmem>>) target(%dma_start3A_241 : memref<10240x128xf32, #tpu.memory_space<vmem_shared>>) offsets(%dma_start3A_238 : memref<128xi32, #tpu.memory_space<vmem>>) semaphore(%run_scoped3A_235 : memref<!tpu.dma_semaphore, #tpu.memory_space<semaphore_mem>>) {add = true}
        %dma_wait3A_242 = arith.constant 0 : i32
        %dma_wait3A_243 = tpu.memref_slice %arg8[%mul3A_201, %dma_wait3A_242] : memref<40x128xi32, #tpu.memory_space<vmem>> -> memref<1x128xi32, #tpu.memory_space<vmem>>
        %dma_wait3A_244 = tpu.memref_squeeze %dma_wait3A_243 : memref<1x128xi32, #tpu.memory_space<vmem>> -> memref<128xi32, #tpu.memory_space<vmem>>
        %dma_wait3A_245 = arith.constant 0 : i32
        %dma_wait3A_246 = arith.constant 0 : i32
        %dma_wait3A_247 = tpu.memref_slice %arg6[%dma_wait3A_245, %dma_wait3A_246] : memref<10240x128xf32, #tpu.memory_space<vmem_shared>> -> memref<10240x128xf32, #tpu.memory_space<vmem_shared>>
        tpu.wait_indirect_dma semaphore(%run_scoped3A_235 : memref<!tpu.dma_semaphore, #tpu.memory_space<semaphore_mem>>) src(%arg9 : memref<128x128xf32, #tpu.memory_space<vmem>>) dst(%dma_wait3A_247 : memref<10240x128xf32, #tpu.memory_space<vmem_shared>>)
        tpu.yield
      }) : () -> ()
      %add3A_216 = arith.constant 2 : i32
      %add3A_217 = arith.addi %mul3A_201, %add3A_216 : i32
      %dma_start3A_218 = arith.constant 0 : i32
      %dma_start3A_219 = tpu.memref_slice %arg7[%add3A_217, %dma_start3A_218] : memref<40x128xi32, #tpu.memory_space<vmem>> -> memref<1x128xi32, #tpu.memory_space<vmem>>
      %dma_start3A_220 = tpu.memref_squeeze %dma_start3A_219 : memref<1x128xi32, #tpu.memory_space<vmem>> -> memref<128xi32, #tpu.memory_space<vmem>>
      %dma_start3A_221 = arith.constant 0 : i32
      %dma_start3A_222 = arith.constant 0 : i32
      %dma_start3A_223 = tpu.memref_slice %arg2[%dma_start3A_221, %dma_start3A_222] : memref<20000x128xf32, #tpu.memory_space<hbm>> -> memref<20000x128xf32, #tpu.memory_space<hbm>>
      tpu.enqueue_indirect_dma source(%dma_start3A_223 : memref<20000x128xf32, #tpu.memory_space<hbm>>) target(%arg9 : memref<128x128xf32, #tpu.memory_space<vmem>>) offsets(%dma_start3A_220 : memref<128xi32, #tpu.memory_space<vmem>>) semaphore(%arg11 : memref<!tpu.dma_semaphore, #tpu.memory_space<semaphore_mem>>)
      %add3A_224 = arith.constant 1 : i32
      %add3A_225 = arith.addi %mul3A_201, %add3A_224 : i32
      %dma_wait3A_226 = arith.constant 0 : i32
      %dma_wait3A_227 = tpu.memref_slice %arg7[%add3A_225, %dma_wait3A_226] : memref<40x128xi32, #tpu.memory_space<vmem>> -> memref<1x128xi32, #tpu.memory_space<vmem>>
      %dma_wait3A_228 = tpu.memref_squeeze %dma_wait3A_227 : memref<1x128xi32, #tpu.memory_space<vmem>> -> memref<128xi32, #tpu.memory_space<vmem>>
      %dma_wait3A_229 = arith.constant 0 : i32
      %dma_wait3A_230 = arith.constant 0 : i32
      %dma_wait3A_231 = tpu.memref_slice %arg2[%dma_wait3A_229, %dma_wait3A_230] : memref<20000x128xf32, #tpu.memory_space<hbm>> -> memref<20000x128xf32, #tpu.memory_space<hbm>>
      tpu.wait_indirect_dma semaphore(%arg12 : memref<!tpu.dma_semaphore, #tpu.memory_space<semaphore_mem>>) src(%dma_wait3A_231 : memref<20000x128xf32, #tpu.memory_space<hbm>>) dst(%arg10 : memref<128x128xf32, #tpu.memory_space<vmem>>)
      %add3A_232 = arith.constant 1 : i32
      %add3A_233 = arith.addi %mul3A_201, %add3A_232 : i32
      "tpu.region"() ({
        %run_scoped3A_235 = tpu.sem_alloc : memref<!tpu.dma_semaphore, #tpu.memory_space<semaphore_mem>>
        %dma_start3A_236 = arith.constant 0 : i32
        %dma_start3A_237 = tpu.memref_slice %arg8[%add3A_233, %dma_start3A_236] : memref<40x128xi32, #tpu.memory_space<vmem>> -> memref<1x128xi32, #tpu.memory_space<vmem>>
        %dma_start3A_238 = tpu.memref_squeeze %dma_start3A_237 : memref<1x128xi32, #tpu.memory_space<vmem>> -> memref<128xi32, #tpu.memory_space<vmem>>
        %dma_start3A_239 = arith.constant 0 : i32
        %dma_start3A_240 = arith.constant 0 : i32
        %dma_start3A_241 = tpu.memref_slice %arg6[%dma_start3A_239, %dma_start3A_240] : memref<10240x128xf32, #tpu.memory_space<vmem_shared>> -> memref<10240x128xf32, #tpu.memory_space<vmem_shared>>
        tpu.enqueue_indirect_dma source(%arg10 : memref<128x128xf32, #tpu.memory_space<vmem>>) target(%dma_start3A_241 : memref<10240x128xf32, #tpu.memory_space<vmem_shared>>) offsets(%dma_start3A_238 : memref<128xi32, #tpu.memory_space<vmem>>) semaphore(%run_scoped3A_235 : memref<!tpu.dma_semaphore, #tpu.memory_space<semaphore_mem>>) {add = true}
        %dma_wait3A_242 = arith.constant 0 : i32
        %dma_wait3A_243 = tpu.memref_slice %arg8[%add3A_233, %dma_wait3A_242] : memref<40x128xi32, #tpu.memory_space<vmem>> -> memref<1x128xi32, #tpu.memory_space<vmem>>
        %dma_wait3A_244 = tpu.memref_squeeze %dma_wait3A_243 : memref<1x128xi32, #tpu.memory_space<vmem>> -> memref<128xi32, #tpu.memory_space<vmem>>
        %dma_wait3A_245 = arith.constant 0 : i32
        %dma_wait3A_246 = arith.constant 0 : i32
        %dma_wait3A_247 = tpu.memref_slice %arg6[%dma_wait3A_245, %dma_wait3A_246] : memref<10240x128xf32, #tpu.memory_space<vmem_shared>> -> memref<10240x128xf32, #tpu.memory_space<vmem_shared>>
        tpu.wait_indirect_dma semaphore(%run_scoped3A_235 : memref<!tpu.dma_semaphore, #tpu.memory_space<semaphore_mem>>) src(%arg10 : memref<128x128xf32, #tpu.memory_space<vmem>>) dst(%dma_wait3A_247 : memref<10240x128xf32, #tpu.memory_space<vmem_shared>>)
        tpu.yield
      }) : () -> ()
      %scan3A_234 = arith.constant 0 : i32
      scf.yield %scan3A_234 : i32
    }
    %scan3A_125 = arith.constant 19 : i32
    %dma_start3A_126 = arith.constant 39 : i32
    %dma_start3A_127 = arith.constant 0 : i32
    %dma_start3A_128 = tpu.memref_slice %arg7[%dma_start3A_126, %dma_start3A_127] : memref<40x128xi32, #tpu.memory_space<vmem>> -> memref<1x128xi32, #tpu.memory_space<vmem>>
    %dma_start3A_129 = tpu.memref_squeeze %dma_start3A_128 : memref<1x128xi32, #tpu.memory_space<vmem>> -> memref<128xi32, #tpu.memory_space<vmem>>
    %dma_start3A_130 = arith.constant 0 : i32
    %dma_start3A_131 = arith.constant 0 : i32
    %dma_start3A_132 = tpu.memref_slice %arg2[%dma_start3A_130, %dma_start3A_131] : memref<20000x128xf32, #tpu.memory_space<hbm>> -> memref<20000x128xf32, #tpu.memory_space<hbm>>
    tpu.enqueue_indirect_dma source(%dma_start3A_132 : memref<20000x128xf32, #tpu.memory_space<hbm>>) target(%arg10 : memref<128x128xf32, #tpu.memory_space<vmem>>) offsets(%dma_start3A_129 : memref<128xi32, #tpu.memory_space<vmem>>) semaphore(%arg12 : memref<!tpu.dma_semaphore, #tpu.memory_space<semaphore_mem>>)
    %dma_wait3A_133 = arith.constant 38 : i32
    %dma_wait3A_134 = arith.constant 0 : i32
    %dma_wait3A_135 = tpu.memref_slice %arg7[%dma_wait3A_133, %dma_wait3A_134] : memref<40x128xi32, #tpu.memory_space<vmem>> -> memref<1x128xi32, #tpu.memory_space<vmem>>
    %dma_wait3A_136 = tpu.memref_squeeze %dma_wait3A_135 : memref<1x128xi32, #tpu.memory_space<vmem>> -> memref<128xi32, #tpu.memory_space<vmem>>
    %dma_wait3A_137 = arith.constant 0 : i32
    %dma_wait3A_138 = arith.constant 0 : i32
    %dma_wait3A_139 = tpu.memref_slice %arg2[%dma_wait3A_137, %dma_wait3A_138] : memref<20000x128xf32, #tpu.memory_space<hbm>> -> memref<20000x128xf32, #tpu.memory_space<hbm>>
    tpu.wait_indirect_dma semaphore(%arg11 : memref<!tpu.dma_semaphore, #tpu.memory_space<semaphore_mem>>) src(%dma_wait3A_139 : memref<20000x128xf32, #tpu.memory_space<hbm>>) dst(%arg9 : memref<128x128xf32, #tpu.memory_space<vmem>>)
    %run_scoped3A_140 = arith.constant 38 : i32
    "tpu.region"() ({
      %run_scoped3A_198 = tpu.sem_alloc : memref<!tpu.dma_semaphore, #tpu.memory_space<semaphore_mem>>
      %dma_start3A_199 = arith.constant 0 : i32
      %dma_start3A_200 = tpu.memref_slice %arg8[%run_scoped3A_140, %dma_start3A_199] : memref<40x128xi32, #tpu.memory_space<vmem>> -> memref<1x128xi32, #tpu.memory_space<vmem>>
      %dma_start3A_201 = tpu.memref_squeeze %dma_start3A_200 : memref<1x128xi32, #tpu.memory_space<vmem>> -> memref<128xi32, #tpu.memory_space<vmem>>
      %dma_start3A_202 = arith.constant 0 : i32
      %dma_start3A_203 = arith.constant 0 : i32
      %dma_start3A_204 = tpu.memref_slice %arg6[%dma_start3A_202, %dma_start3A_203] : memref<10240x128xf32, #tpu.memory_space<vmem_shared>> -> memref<10240x128xf32, #tpu.memory_space<vmem_shared>>
      tpu.enqueue_indirect_dma source(%arg9 : memref<128x128xf32, #tpu.memory_space<vmem>>) target(%dma_start3A_204 : memref<10240x128xf32, #tpu.memory_space<vmem_shared>>) offsets(%dma_start3A_201 : memref<128xi32, #tpu.memory_space<vmem>>) semaphore(%run_scoped3A_198 : memref<!tpu.dma_semaphore, #tpu.memory_space<semaphore_mem>>) {add = true}
      %dma_wait3A_205 = arith.constant 0 : i32
      %dma_wait3A_206 = tpu.memref_slice %arg8[%run_scoped3A_140, %dma_wait3A_205] : memref<40x128xi32, #tpu.memory_space<vmem>> -> memref<1x128xi32, #tpu.memory_space<vmem>>
      %dma_wait3A_207 = tpu.memref_squeeze %dma_wait3A_206 : memref<1x128xi32, #tpu.memory_space<vmem>> -> memref<128xi32, #tpu.memory_space<vmem>>
      %dma_wait3A_208 = arith.constant 0 : i32
      %dma_wait3A_209 = arith.constant 0 : i32
      %dma_wait3A_210 = tpu.memref_slice %arg6[%dma_wait3A_208, %dma_wait3A_209] : memref<10240x128xf32, #tpu.memory_space<vmem_shared>> -> memref<10240x128xf32, #tpu.memory_space<vmem_shared>>
      tpu.wait_indirect_dma semaphore(%run_scoped3A_198 : memref<!tpu.dma_semaphore, #tpu.memory_space<semaphore_mem>>) src(%arg9 : memref<128x128xf32, #tpu.memory_space<vmem>>) dst(%dma_wait3A_210 : memref<10240x128xf32, #tpu.memory_space<vmem_shared>>)
      tpu.yield
    }) : () -> ()
    %dma_wait3A_141 = arith.constant 39 : i32
    %dma_wait3A_142 = arith.constant 0 : i32
    %dma_wait3A_143 = tpu.memref_slice %arg7[%dma_wait3A_141, %dma_wait3A_142] : memref<40x128xi32, #tpu.memory_space<vmem>> -> memref<1x128xi32, #tpu.memory_space<vmem>>
    %dma_wait3A_144 = tpu.memref_squeeze %dma_wait3A_143 : memref<1x128xi32, #tpu.memory_space<vmem>> -> memref<128xi32, #tpu.memory_space<vmem>>
    %dma_wait3A_145 = arith.constant 0 : i32
    %dma_wait3A_146 = arith.constant 0 : i32
    %dma_wait3A_147 = tpu.memref_slice %arg2[%dma_wait3A_145, %dma_wait3A_146] : memref<20000x128xf32, #tpu.memory_space<hbm>> -> memref<20000x128xf32, #tpu.memory_space<hbm>>
    tpu.wait_indirect_dma semaphore(%arg12 : memref<!tpu.dma_semaphore, #tpu.memory_space<semaphore_mem>>) src(%dma_wait3A_147 : memref<20000x128xf32, #tpu.memory_space<hbm>>) dst(%arg10 : memref<128x128xf32, #tpu.memory_space<vmem>>)
    %run_scoped3A_148 = arith.constant 39 : i32
    "tpu.region"() ({
      %run_scoped3A_198 = tpu.sem_alloc : memref<!tpu.dma_semaphore, #tpu.memory_space<semaphore_mem>>
      %dma_start3A_199 = arith.constant 0 : i32
      %dma_start3A_200 = tpu.memref_slice %arg8[%run_scoped3A_148, %dma_start3A_199] : memref<40x128xi32, #tpu.memory_space<vmem>> -> memref<1x128xi32, #tpu.memory_space<vmem>>
      %dma_start3A_201 = tpu.memref_squeeze %dma_start3A_200 : memref<1x128xi32, #tpu.memory_space<vmem>> -> memref<128xi32, #tpu.memory_space<vmem>>
      %dma_start3A_202 = arith.constant 0 : i32
      %dma_start3A_203 = arith.constant 0 : i32
      %dma_start3A_204 = tpu.memref_slice %arg6[%dma_start3A_202, %dma_start3A_203] : memref<10240x128xf32, #tpu.memory_space<vmem_shared>> -> memref<10240x128xf32, #tpu.memory_space<vmem_shared>>
      tpu.enqueue_indirect_dma source(%arg10 : memref<128x128xf32, #tpu.memory_space<vmem>>) target(%dma_start3A_204 : memref<10240x128xf32, #tpu.memory_space<vmem_shared>>) offsets(%dma_start3A_201 : memref<128xi32, #tpu.memory_space<vmem>>) semaphore(%run_scoped3A_198 : memref<!tpu.dma_semaphore, #tpu.memory_space<semaphore_mem>>) {add = true}
      %dma_wait3A_205 = arith.constant 0 : i32
      %dma_wait3A_206 = tpu.memref_slice %arg8[%run_scoped3A_148, %dma_wait3A_205] : memref<40x128xi32, #tpu.memory_space<vmem>> -> memref<1x128xi32, #tpu.memory_space<vmem>>
      %dma_wait3A_207 = tpu.memref_squeeze %dma_wait3A_206 : memref<1x128xi32, #tpu.memory_space<vmem>> -> memref<128xi32, #tpu.memory_space<vmem>>
      %dma_wait3A_208 = arith.constant 0 : i32
      %dma_wait3A_209 = arith.constant 0 : i32
      %dma_wait3A_210 = tpu.memref_slice %arg6[%dma_wait3A_208, %dma_wait3A_209] : memref<10240x128xf32, #tpu.memory_space<vmem_shared>> -> memref<10240x128xf32, #tpu.memory_space<vmem_shared>>
      tpu.wait_indirect_dma semaphore(%run_scoped3A_198 : memref<!tpu.dma_semaphore, #tpu.memory_space<semaphore_mem>>) src(%arg10 : memref<128x128xf32, #tpu.memory_space<vmem>>) dst(%dma_wait3A_210 : memref<10240x128xf32, #tpu.memory_space<vmem_shared>>)
      tpu.yield
    }) : () -> ()
    %add3A_149 = arith.constant 120 : i32
    %add3A_150 = arith.addi %mul3A_28, %add3A_149 : i32
    "tpu.region"() ({
      %run_scoped3A_198 = tpu.sem_alloc : memref<!tpu.dma_semaphore, #tpu.memory_space<semaphore_mem>>
      %dma_start3A_199 = arith.constant 0 : i32
      %dma_start3A_200 = tpu.memref_slice %arg3[%add3A_150, %dma_start3A_199] : memref<5120x128xi32, #tpu.memory_space<hbm>> -> memref<40x128xi32, #tpu.memory_space<hbm>>
      %dma_start3A_201 = arith.constant 0 : i32
      %dma_start3A_202 = tpu.memref_slice %arg3[%add3A_150, %dma_start3A_201] : memref<5120x128xi32, #tpu.memory_space<hbm>> -> memref<40x128xi32, #tpu.memory_space<hbm>>
      tpu.enqueue_dma source(%dma_start3A_202 : memref<40x128xi32, #tpu.memory_space<hbm>>) target(%arg7 : memref<40x128xi32, #tpu.memory_space<vmem>>) target_semaphore(%run_scoped3A_198 : memref<!tpu.dma_semaphore, #tpu.memory_space<semaphore_mem>>)
      %dma_wait3A_203 = arith.constant 0 : i32
      %dma_wait3A_204 = tpu.memref_slice %arg3[%add3A_150, %dma_wait3A_203] : memref<5120x128xi32, #tpu.memory_space<hbm>> -> memref<40x128xi32, #tpu.memory_space<hbm>>
      %dma_wait3A_205 = arith.constant 0 : i32
      %dma_wait3A_206 = tpu.memref_slice %arg3[%add3A_150, %dma_wait3A_205] : memref<5120x128xi32, #tpu.memory_space<hbm>> -> memref<40x128xi32, #tpu.memory_space<hbm>>
      tpu.wait_dma2 semaphore(%run_scoped3A_198 : memref<!tpu.dma_semaphore, #tpu.memory_space<semaphore_mem>>) src(%dma_wait3A_206 : memref<40x128xi32, #tpu.memory_space<hbm>>) dst(%arg7 : memref<40x128xi32, #tpu.memory_space<vmem>>)
      tpu.yield
    }) : () -> ()
    %add3A_151 = arith.constant 120 : i32
    %add3A_152 = arith.addi %mul3A_28, %add3A_151 : i32
    "tpu.region"() ({
      %run_scoped3A_198 = tpu.sem_alloc : memref<!tpu.dma_semaphore, #tpu.memory_space<semaphore_mem>>
      %dma_start3A_199 = arith.constant 0 : i32
      %dma_start3A_200 = tpu.memref_slice %arg4[%add3A_152, %dma_start3A_199] : memref<5120x128xi32, #tpu.memory_space<hbm>> -> memref<40x128xi32, #tpu.memory_space<hbm>>
      %dma_start3A_201 = arith.constant 0 : i32
      %dma_start3A_202 = tpu.memref_slice %arg4[%add3A_152, %dma_start3A_201] : memref<5120x128xi32, #tpu.memory_space<hbm>> -> memref<40x128xi32, #tpu.memory_space<hbm>>
      tpu.enqueue_dma source(%dma_start3A_202 : memref<40x128xi32, #tpu.memory_space<hbm>>) target(%arg8 : memref<40x128xi32, #tpu.memory_space<vmem>>) target_semaphore(%run_scoped3A_198 : memref<!tpu.dma_semaphore, #tpu.memory_space<semaphore_mem>>)
      %dma_wait3A_203 = arith.constant 0 : i32
      %dma_wait3A_204 = tpu.memref_slice %arg4[%add3A_152, %dma_wait3A_203] : memref<5120x128xi32, #tpu.memory_space<hbm>> -> memref<40x128xi32, #tpu.memory_space<hbm>>
      %dma_wait3A_205 = arith.constant 0 : i32
      %dma_wait3A_206 = tpu.memref_slice %arg4[%add3A_152, %dma_wait3A_205] : memref<5120x128xi32, #tpu.memory_space<hbm>> -> memref<40x128xi32, #tpu.memory_space<hbm>>
      tpu.wait_dma2 semaphore(%run_scoped3A_198 : memref<!tpu.dma_semaphore, #tpu.memory_space<semaphore_mem>>) src(%dma_wait3A_206 : memref<40x128xi32, #tpu.memory_space<hbm>>) dst(%arg8 : memref<40x128xi32, #tpu.memory_space<vmem>>)
      tpu.yield
    }) : () -> ()
    %dma_start3A_153 = arith.constant 0 : i32
    %dma_start3A_154 = arith.constant 0 : i32
    %dma_start3A_155 = tpu.memref_slice %arg7[%dma_start3A_153, %dma_start3A_154] : memref<40x128xi32, #tpu.memory_space<vmem>> -> memref<1x128xi32, #tpu.memory_space<vmem>>
    %dma_start3A_156 = tpu.memref_squeeze %dma_start3A_155 : memref<1x128xi32, #tpu.memory_space<vmem>> -> memref<128xi32, #tpu.memory_space<vmem>>
    %dma_start3A_157 = arith.constant 0 : i32
    %dma_start3A_158 = arith.constant 0 : i32
    %dma_start3A_159 = tpu.memref_slice %arg2[%dma_start3A_157, %dma_start3A_158] : memref<20000x128xf32, #tpu.memory_space<hbm>> -> memref<20000x128xf32, #tpu.memory_space<hbm>>
    tpu.enqueue_indirect_dma source(%dma_start3A_159 : memref<20000x128xf32, #tpu.memory_space<hbm>>) target(%arg9 : memref<128x128xf32, #tpu.memory_space<vmem>>) offsets(%dma_start3A_156 : memref<128xi32, #tpu.memory_space<vmem>>) semaphore(%arg11 : memref<!tpu.dma_semaphore, #tpu.memory_space<semaphore_mem>>)
    %scan3A_160 = arith.constant 0 : i32
    %scan3A_161 = arith.constant 0 : i32
    %scan3A_162 = arith.constant 19 : i32
    %scan3A_163 = arith.addi %scan3A_161, %scan3A_162 : i32
    %scan3A_164 = arith.constant 1 : i32
    %scan3A_165 = scf.for %scan3A_198 = %scan3A_161 to %scan3A_163 step %scan3A_164 iter_args(%scan3A_199 = %scan3A_160) -> (i32)  : i32 {
      %mul3A_200 = arith.constant 2 : i32
      %mul3A_201 = arith.muli %mul3A_200, %scan3A_198 : i32
      %add3A_202 = arith.constant 1 : i32
      %add3A_203 = arith.addi %mul3A_201, %add3A_202 : i32
      %dma_start3A_204 = arith.constant 0 : i32
      %dma_start3A_205 = tpu.memref_slice %arg7[%add3A_203, %dma_start3A_204] : memref<40x128xi32, #tpu.memory_space<vmem>> -> memref<1x128xi32, #tpu.memory_space<vmem>>
      %dma_start3A_206 = tpu.memref_squeeze %dma_start3A_205 : memref<1x128xi32, #tpu.memory_space<vmem>> -> memref<128xi32, #tpu.memory_space<vmem>>
      %dma_start3A_207 = arith.constant 0 : i32
      %dma_start3A_208 = arith.constant 0 : i32
      %dma_start3A_209 = tpu.memref_slice %arg2[%dma_start3A_207, %dma_start3A_208] : memref<20000x128xf32, #tpu.memory_space<hbm>> -> memref<20000x128xf32, #tpu.memory_space<hbm>>
      tpu.enqueue_indirect_dma source(%dma_start3A_209 : memref<20000x128xf32, #tpu.memory_space<hbm>>) target(%arg10 : memref<128x128xf32, #tpu.memory_space<vmem>>) offsets(%dma_start3A_206 : memref<128xi32, #tpu.memory_space<vmem>>) semaphore(%arg12 : memref<!tpu.dma_semaphore, #tpu.memory_space<semaphore_mem>>)
      %dma_wait3A_210 = arith.constant 0 : i32
      %dma_wait3A_211 = tpu.memref_slice %arg7[%mul3A_201, %dma_wait3A_210] : memref<40x128xi32, #tpu.memory_space<vmem>> -> memref<1x128xi32, #tpu.memory_space<vmem>>
      %dma_wait3A_212 = tpu.memref_squeeze %dma_wait3A_211 : memref<1x128xi32, #tpu.memory_space<vmem>> -> memref<128xi32, #tpu.memory_space<vmem>>
      %dma_wait3A_213 = arith.constant 0 : i32
      %dma_wait3A_214 = arith.constant 0 : i32
      %dma_wait3A_215 = tpu.memref_slice %arg2[%dma_wait3A_213, %dma_wait3A_214] : memref<20000x128xf32, #tpu.memory_space<hbm>> -> memref<20000x128xf32, #tpu.memory_space<hbm>>
      tpu.wait_indirect_dma semaphore(%arg11 : memref<!tpu.dma_semaphore, #tpu.memory_space<semaphore_mem>>) src(%dma_wait3A_215 : memref<20000x128xf32, #tpu.memory_space<hbm>>) dst(%arg9 : memref<128x128xf32, #tpu.memory_space<vmem>>)
      "tpu.region"() ({
        %run_scoped3A_235 = tpu.sem_alloc : memref<!tpu.dma_semaphore, #tpu.memory_space<semaphore_mem>>
        %dma_start3A_236 = arith.constant 0 : i32
        %dma_start3A_237 = tpu.memref_slice %arg8[%mul3A_201, %dma_start3A_236] : memref<40x128xi32, #tpu.memory_space<vmem>> -> memref<1x128xi32, #tpu.memory_space<vmem>>
        %dma_start3A_238 = tpu.memref_squeeze %dma_start3A_237 : memref<1x128xi32, #tpu.memory_space<vmem>> -> memref<128xi32, #tpu.memory_space<vmem>>
        %dma_start3A_239 = arith.constant 0 : i32
        %dma_start3A_240 = arith.constant 0 : i32
        %dma_start3A_241 = tpu.memref_slice %arg6[%dma_start3A_239, %dma_start3A_240] : memref<10240x128xf32, #tpu.memory_space<vmem_shared>> -> memref<10240x128xf32, #tpu.memory_space<vmem_shared>>
        tpu.enqueue_indirect_dma source(%arg9 : memref<128x128xf32, #tpu.memory_space<vmem>>) target(%dma_start3A_241 : memref<10240x128xf32, #tpu.memory_space<vmem_shared>>) offsets(%dma_start3A_238 : memref<128xi32, #tpu.memory_space<vmem>>) semaphore(%run_scoped3A_235 : memref<!tpu.dma_semaphore, #tpu.memory_space<semaphore_mem>>) {add = true}
        %dma_wait3A_242 = arith.constant 0 : i32
        %dma_wait3A_243 = tpu.memref_slice %arg8[%mul3A_201, %dma_wait3A_242] : memref<40x128xi32, #tpu.memory_space<vmem>> -> memref<1x128xi32, #tpu.memory_space<vmem>>
        %dma_wait3A_244 = tpu.memref_squeeze %dma_wait3A_243 : memref<1x128xi32, #tpu.memory_space<vmem>> -> memref<128xi32, #tpu.memory_space<vmem>>
        %dma_wait3A_245 = arith.constant 0 : i32
        %dma_wait3A_246 = arith.constant 0 : i32
        %dma_wait3A_247 = tpu.memref_slice %arg6[%dma_wait3A_245, %dma_wait3A_246] : memref<10240x128xf32, #tpu.memory_space<vmem_shared>> -> memref<10240x128xf32, #tpu.memory_space<vmem_shared>>
        tpu.wait_indirect_dma semaphore(%run_scoped3A_235 : memref<!tpu.dma_semaphore, #tpu.memory_space<semaphore_mem>>) src(%arg9 : memref<128x128xf32, #tpu.memory_space<vmem>>) dst(%dma_wait3A_247 : memref<10240x128xf32, #tpu.memory_space<vmem_shared>>)
        tpu.yield
      }) : () -> ()
      %add3A_216 = arith.constant 2 : i32
      %add3A_217 = arith.addi %mul3A_201, %add3A_216 : i32
      %dma_start3A_218 = arith.constant 0 : i32
      %dma_start3A_219 = tpu.memref_slice %arg7[%add3A_217, %dma_start3A_218] : memref<40x128xi32, #tpu.memory_space<vmem>> -> memref<1x128xi32, #tpu.memory_space<vmem>>
      %dma_start3A_220 = tpu.memref_squeeze %dma_start3A_219 : memref<1x128xi32, #tpu.memory_space<vmem>> -> memref<128xi32, #tpu.memory_space<vmem>>
      %dma_start3A_221 = arith.constant 0 : i32
      %dma_start3A_222 = arith.constant 0 : i32
      %dma_start3A_223 = tpu.memref_slice %arg2[%dma_start3A_221, %dma_start3A_222] : memref<20000x128xf32, #tpu.memory_space<hbm>> -> memref<20000x128xf32, #tpu.memory_space<hbm>>
      tpu.enqueue_indirect_dma source(%dma_start3A_223 : memref<20000x128xf32, #tpu.memory_space<hbm>>) target(%arg9 : memref<128x128xf32, #tpu.memory_space<vmem>>) offsets(%dma_start3A_220 : memref<128xi32, #tpu.memory_space<vmem>>) semaphore(%arg11 : memref<!tpu.dma_semaphore, #tpu.memory_space<semaphore_mem>>)
      %add3A_224 = arith.constant 1 : i32
      %add3A_225 = arith.addi %mul3A_201, %add3A_224 : i32
      %dma_wait3A_226 = arith.constant 0 : i32
      %dma_wait3A_227 = tpu.memref_slice %arg7[%add3A_225, %dma_wait3A_226] : memref<40x128xi32, #tpu.memory_space<vmem>> -> memref<1x128xi32, #tpu.memory_space<vmem>>
      %dma_wait3A_228 = tpu.memref_squeeze %dma_wait3A_227 : memref<1x128xi32, #tpu.memory_space<vmem>> -> memref<128xi32, #tpu.memory_space<vmem>>
      %dma_wait3A_229 = arith.constant 0 : i32
      %dma_wait3A_230 = arith.constant 0 : i32
      %dma_wait3A_231 = tpu.memref_slice %arg2[%dma_wait3A_229, %dma_wait3A_230] : memref<20000x128xf32, #tpu.memory_space<hbm>> -> memref<20000x128xf32, #tpu.memory_space<hbm>>
      tpu.wait_indirect_dma semaphore(%arg12 : memref<!tpu.dma_semaphore, #tpu.memory_space<semaphore_mem>>) src(%dma_wait3A_231 : memref<20000x128xf32, #tpu.memory_space<hbm>>) dst(%arg10 : memref<128x128xf32, #tpu.memory_space<vmem>>)
      %add3A_232 = arith.constant 1 : i32
      %add3A_233 = arith.addi %mul3A_201, %add3A_232 : i32
      "tpu.region"() ({
        %run_scoped3A_235 = tpu.sem_alloc : memref<!tpu.dma_semaphore, #tpu.memory_space<semaphore_mem>>
        %dma_start3A_236 = arith.constant 0 : i32
        %dma_start3A_237 = tpu.memref_slice %arg8[%add3A_233, %dma_start3A_236] : memref<40x128xi32, #tpu.memory_space<vmem>> -> memref<1x128xi32, #tpu.memory_space<vmem>>
        %dma_start3A_238 = tpu.memref_squeeze %dma_start3A_237 : memref<1x128xi32, #tpu.memory_space<vmem>> -> memref<128xi32, #tpu.memory_space<vmem>>
        %dma_start3A_239 = arith.constant 0 : i32
        %dma_start3A_240 = arith.constant 0 : i32
        %dma_start3A_241 = tpu.memref_slice %arg6[%dma_start3A_239, %dma_start3A_240] : memref<10240x128xf32, #tpu.memory_space<vmem_shared>> -> memref<10240x128xf32, #tpu.memory_space<vmem_shared>>
        tpu.enqueue_indirect_dma source(%arg10 : memref<128x128xf32, #tpu.memory_space<vmem>>) target(%dma_start3A_241 : memref<10240x128xf32, #tpu.memory_space<vmem_shared>>) offsets(%dma_start3A_238 : memref<128xi32, #tpu.memory_space<vmem>>) semaphore(%run_scoped3A_235 : memref<!tpu.dma_semaphore, #tpu.memory_space<semaphore_mem>>) {add = true}
        %dma_wait3A_242 = arith.constant 0 : i32
        %dma_wait3A_243 = tpu.memref_slice %arg8[%add3A_233, %dma_wait3A_242] : memref<40x128xi32, #tpu.memory_space<vmem>> -> memref<1x128xi32, #tpu.memory_space<vmem>>
        %dma_wait3A_244 = tpu.memref_squeeze %dma_wait3A_243 : memref<1x128xi32, #tpu.memory_space<vmem>> -> memref<128xi32, #tpu.memory_space<vmem>>
        %dma_wait3A_245 = arith.constant 0 : i32
        %dma_wait3A_246 = arith.constant 0 : i32
        %dma_wait3A_247 = tpu.memref_slice %arg6[%dma_wait3A_245, %dma_wait3A_246] : memref<10240x128xf32, #tpu.memory_space<vmem_shared>> -> memref<10240x128xf32, #tpu.memory_space<vmem_shared>>
        tpu.wait_indirect_dma semaphore(%run_scoped3A_235 : memref<!tpu.dma_semaphore, #tpu.memory_space<semaphore_mem>>) src(%arg10 : memref<128x128xf32, #tpu.memory_space<vmem>>) dst(%dma_wait3A_247 : memref<10240x128xf32, #tpu.memory_space<vmem_shared>>)
        tpu.yield
      }) : () -> ()
      %scan3A_234 = arith.constant 0 : i32
      scf.yield %scan3A_234 : i32
    }
    %scan3A_166 = arith.constant 19 : i32
    %dma_start3A_167 = arith.constant 39 : i32
    %dma_start3A_168 = arith.constant 0 : i32
    %dma_start3A_169 = tpu.memref_slice %arg7[%dma_start3A_167, %dma_start3A_168] : memref<40x128xi32, #tpu.memory_space<vmem>> -> memref<1x128xi32, #tpu.memory_space<vmem>>
    %dma_start3A_170 = tpu.memref_squeeze %dma_start3A_169 : memref<1x128xi32, #tpu.memory_space<vmem>> -> memref<128xi32, #tpu.memory_space<vmem>>
    %dma_start3A_171 = arith.constant 0 : i32
    %dma_start3A_172 = arith.constant 0 : i32
    %dma_start3A_173 = tpu.memref_slice %arg2[%dma_start3A_171, %dma_start3A_172] : memref<20000x128xf32, #tpu.memory_space<hbm>> -> memref<20000x128xf32, #tpu.memory_space<hbm>>
    tpu.enqueue_indirect_dma source(%dma_start3A_173 : memref<20000x128xf32, #tpu.memory_space<hbm>>) target(%arg10 : memref<128x128xf32, #tpu.memory_space<vmem>>) offsets(%dma_start3A_170 : memref<128xi32, #tpu.memory_space<vmem>>) semaphore(%arg12 : memref<!tpu.dma_semaphore, #tpu.memory_space<semaphore_mem>>)
    %dma_wait3A_174 = arith.constant 38 : i32
    %dma_wait3A_175 = arith.constant 0 : i32
    %dma_wait3A_176 = tpu.memref_slice %arg7[%dma_wait3A_174, %dma_wait3A_175] : memref<40x128xi32, #tpu.memory_space<vmem>> -> memref<1x128xi32, #tpu.memory_space<vmem>>
    %dma_wait3A_177 = tpu.memref_squeeze %dma_wait3A_176 : memref<1x128xi32, #tpu.memory_space<vmem>> -> memref<128xi32, #tpu.memory_space<vmem>>
    %dma_wait3A_178 = arith.constant 0 : i32
    %dma_wait3A_179 = arith.constant 0 : i32
    %dma_wait3A_180 = tpu.memref_slice %arg2[%dma_wait3A_178, %dma_wait3A_179] : memref<20000x128xf32, #tpu.memory_space<hbm>> -> memref<20000x128xf32, #tpu.memory_space<hbm>>
    tpu.wait_indirect_dma semaphore(%arg11 : memref<!tpu.dma_semaphore, #tpu.memory_space<semaphore_mem>>) src(%dma_wait3A_180 : memref<20000x128xf32, #tpu.memory_space<hbm>>) dst(%arg9 : memref<128x128xf32, #tpu.memory_space<vmem>>)
    %run_scoped3A_181 = arith.constant 38 : i32
    "tpu.region"() ({
      %run_scoped3A_198 = tpu.sem_alloc : memref<!tpu.dma_semaphore, #tpu.memory_space<semaphore_mem>>
      %dma_start3A_199 = arith.constant 0 : i32
      %dma_start3A_200 = tpu.memref_slice %arg8[%run_scoped3A_181, %dma_start3A_199] : memref<40x128xi32, #tpu.memory_space<vmem>> -> memref<1x128xi32, #tpu.memory_space<vmem>>
      %dma_start3A_201 = tpu.memref_squeeze %dma_start3A_200 : memref<1x128xi32, #tpu.memory_space<vmem>> -> memref<128xi32, #tpu.memory_space<vmem>>
      %dma_start3A_202 = arith.constant 0 : i32
      %dma_start3A_203 = arith.constant 0 : i32
      %dma_start3A_204 = tpu.memref_slice %arg6[%dma_start3A_202, %dma_start3A_203] : memref<10240x128xf32, #tpu.memory_space<vmem_shared>> -> memref<10240x128xf32, #tpu.memory_space<vmem_shared>>
      tpu.enqueue_indirect_dma source(%arg9 : memref<128x128xf32, #tpu.memory_space<vmem>>) target(%dma_start3A_204 : memref<10240x128xf32, #tpu.memory_space<vmem_shared>>) offsets(%dma_start3A_201 : memref<128xi32, #tpu.memory_space<vmem>>) semaphore(%run_scoped3A_198 : memref<!tpu.dma_semaphore, #tpu.memory_space<semaphore_mem>>) {add = true}
      %dma_wait3A_205 = arith.constant 0 : i32
      %dma_wait3A_206 = tpu.memref_slice %arg8[%run_scoped3A_181, %dma_wait3A_205] : memref<40x128xi32, #tpu.memory_space<vmem>> -> memref<1x128xi32, #tpu.memory_space<vmem>>
      %dma_wait3A_207 = tpu.memref_squeeze %dma_wait3A_206 : memref<1x128xi32, #tpu.memory_space<vmem>> -> memref<128xi32, #tpu.memory_space<vmem>>
      %dma_wait3A_208 = arith.constant 0 : i32
      %dma_wait3A_209 = arith.constant 0 : i32
      %dma_wait3A_210 = tpu.memref_slice %arg6[%dma_wait3A_208, %dma_wait3A_209] : memref<10240x128xf32, #tpu.memory_space<vmem_shared>> -> memref<10240x128xf32, #tpu.memory_space<vmem_shared>>
      tpu.wait_indirect_dma semaphore(%run_scoped3A_198 : memref<!tpu.dma_semaphore, #tpu.memory_space<semaphore_mem>>) src(%arg9 : memref<128x128xf32, #tpu.memory_space<vmem>>) dst(%dma_wait3A_210 : memref<10240x128xf32, #tpu.memory_space<vmem_shared>>)
      tpu.yield
    }) : () -> ()
    %dma_wait3A_182 = arith.constant 39 : i32
    %dma_wait3A_183 = arith.constant 0 : i32
    %dma_wait3A_184 = tpu.memref_slice %arg7[%dma_wait3A_182, %dma_wait3A_183] : memref<40x128xi32, #tpu.memory_space<vmem>> -> memref<1x128xi32, #tpu.memory_space<vmem>>
    %dma_wait3A_185 = tpu.memref_squeeze %dma_wait3A_184 : memref<1x128xi32, #tpu.memory_space<vmem>> -> memref<128xi32, #tpu.memory_space<vmem>>
    %dma_wait3A_186 = arith.constant 0 : i32
    %dma_wait3A_187 = arith.constant 0 : i32
    %dma_wait3A_188 = tpu.memref_slice %arg2[%dma_wait3A_186, %dma_wait3A_187] : memref<20000x128xf32, #tpu.memory_space<hbm>> -> memref<20000x128xf32, #tpu.memory_space<hbm>>
    tpu.wait_indirect_dma semaphore(%arg12 : memref<!tpu.dma_semaphore, #tpu.memory_space<semaphore_mem>>) src(%dma_wait3A_188 : memref<20000x128xf32, #tpu.memory_space<hbm>>) dst(%arg10 : memref<128x128xf32, #tpu.memory_space<vmem>>)
    %run_scoped3A_189 = arith.constant 39 : i32
    "tpu.region"() ({
      %run_scoped3A_198 = tpu.sem_alloc : memref<!tpu.dma_semaphore, #tpu.memory_space<semaphore_mem>>
      %dma_start3A_199 = arith.constant 0 : i32
      %dma_start3A_200 = tpu.memref_slice %arg8[%run_scoped3A_189, %dma_start3A_199] : memref<40x128xi32, #tpu.memory_space<vmem>> -> memref<1x128xi32, #tpu.memory_space<vmem>>
      %dma_start3A_201 = tpu.memref_squeeze %dma_start3A_200 : memref<1x128xi32, #tpu.memory_space<vmem>> -> memref<128xi32, #tpu.memory_space<vmem>>
      %dma_start3A_202 = arith.constant 0 : i32
      %dma_start3A_203 = arith.constant 0 : i32
      %dma_start3A_204 = tpu.memref_slice %arg6[%dma_start3A_202, %dma_start3A_203] : memref<10240x128xf32, #tpu.memory_space<vmem_shared>> -> memref<10240x128xf32, #tpu.memory_space<vmem_shared>>
      tpu.enqueue_indirect_dma source(%arg10 : memref<128x128xf32, #tpu.memory_space<vmem>>) target(%dma_start3A_204 : memref<10240x128xf32, #tpu.memory_space<vmem_shared>>) offsets(%dma_start3A_201 : memref<128xi32, #tpu.memory_space<vmem>>) semaphore(%run_scoped3A_198 : memref<!tpu.dma_semaphore, #tpu.memory_space<semaphore_mem>>) {add = true}
      %dma_wait3A_205 = arith.constant 0 : i32
      %dma_wait3A_206 = tpu.memref_slice %arg8[%run_scoped3A_189, %dma_wait3A_205] : memref<40x128xi32, #tpu.memory_space<vmem>> -> memref<1x128xi32, #tpu.memory_space<vmem>>
      %dma_wait3A_207 = tpu.memref_squeeze %dma_wait3A_206 : memref<1x128xi32, #tpu.memory_space<vmem>> -> memref<128xi32, #tpu.memory_space<vmem>>
      %dma_wait3A_208 = arith.constant 0 : i32
      %dma_wait3A_209 = arith.constant 0 : i32
      %dma_wait3A_210 = tpu.memref_slice %arg6[%dma_wait3A_208, %dma_wait3A_209] : memref<10240x128xf32, #tpu.memory_space<vmem_shared>> -> memref<10240x128xf32, #tpu.memory_space<vmem_shared>>
      tpu.wait_indirect_dma semaphore(%run_scoped3A_198 : memref<!tpu.dma_semaphore, #tpu.memory_space<semaphore_mem>>) src(%arg10 : memref<128x128xf32, #tpu.memory_space<vmem>>) dst(%dma_wait3A_210 : memref<10240x128xf32, #tpu.memory_space<vmem_shared>>)
      tpu.yield
    }) : () -> ()
    %barrier3A_190 = arith.constant 0 : index
    tpu.barrier barrier_id(%barrier3A_190)
    %mul3A_191 = arith.constant 640 : i32
    %mul3A_192 = arith.muli %arg1, %mul3A_191 : i32
    %mul3A_193 = arith.constant 10240 : i32
    %mul3A_194 = arith.muli %arg0, %mul3A_193 : i32
    %mul3A_195 = arith.constant 640 : i32
    %mul3A_196 = arith.muli %arg1, %mul3A_195 : i32
    %add3A_197 = arith.addi %mul3A_194, %mul3A_196 : i32
    "tpu.region"() ({
      %run_scoped3A_198 = tpu.sem_alloc : memref<!tpu.dma_semaphore, #tpu.memory_space<semaphore_mem>>
      %dma_start3A_199 = arith.constant 0 : i32
      %dma_start3A_200 = tpu.memref_slice %arg5[%add3A_197, %dma_start3A_199] : memref<20480x128xf32, #tpu.memory_space<hbm>> -> memref<640x128xf32, #tpu.memory_space<hbm>>
      %dma_start3A_201 = arith.constant 0 : i32
      %dma_start3A_202 = tpu.memref_slice %arg6[%mul3A_192, %dma_start3A_201] : memref<10240x128xf32, #tpu.memory_space<vmem_shared>> -> memref<640x128xf32, #tpu.memory_space<vmem_shared>>
      tpu.enqueue_dma source(%dma_start3A_202 : memref<640x128xf32, #tpu.memory_space<vmem_shared>>) target(%dma_start3A_200 : memref<640x128xf32, #tpu.memory_space<hbm>>) target_semaphore(%run_scoped3A_198 : memref<!tpu.dma_semaphore, #tpu.memory_space<semaphore_mem>>)
      %dma_wait3A_203 = arith.constant 0 : i32
      %dma_wait3A_204 = tpu.memref_slice %arg5[%add3A_197, %dma_wait3A_203] : memref<20480x128xf32, #tpu.memory_space<hbm>> -> memref<640x128xf32, #tpu.memory_space<hbm>>
      %dma_wait3A_205 = arith.constant 0 : i32
      %dma_wait3A_206 = tpu.memref_slice %arg6[%mul3A_192, %dma_wait3A_205] : memref<10240x128xf32, #tpu.memory_space<vmem_shared>> -> memref<640x128xf32, #tpu.memory_space<vmem_shared>>
      tpu.wait_dma2 semaphore(%run_scoped3A_198 : memref<!tpu.dma_semaphore, #tpu.memory_space<semaphore_mem>>) src(%dma_wait3A_206 : memref<640x128xf32, #tpu.memory_space<vmem_shared>>) dst(%dma_wait3A_204 : memref<640x128xf32, #tpu.memory_space<hbm>>)
      tpu.yield
    }) : () -> ()
    return
  }
}

#map = affine_map<(d0, d1) -> (0, 0)>
module attributes {stable_mosaic.version = 14 : i64} {
  func.func @_sc_scatter_body(%arg0: i32, %arg1: i32, %arg2: memref<20000x128xf32, #tpu.memory_space<hbm>>, %arg3: memref<5120x128xi32, #tpu.memory_space<hbm>>, %arg4: memref<5120x128xi32, #tpu.memory_space<hbm>>, %arg5: memref<20480x128xf32, #tpu.memory_space<hbm>>, %arg6: memref<10240x128xf32, #tpu.memory_space<vmem_shared>>, %arg7: memref<40x128xi32, #tpu.memory_space<vmem>>, %arg8: memref<40x128xi32, #tpu.memory_space<vmem>>, %arg9: memref<128x128xf32, #tpu.memory_space<vmem>>, %arg10: memref<128x128xf32, #tpu.memory_space<vmem>>, %arg11: memref<!tpu.dma_semaphore, #tpu.memory_space<semaphore_mem>>, %arg12: memref<!tpu.dma_semaphore, #tpu.memory_space<semaphore_mem>>) attributes {dimension_semantics = [#tpu.dimension_semantics<core_parallel>, #tpu.dimension_semantics<subcore_parallel>], iteration_bounds = array<i64: 2, 16>, scalar_prefetch = 0 : i64, scratch_operands = 7 : i64, tpu.core_type = #tpu.core_type<sc_vector_subcore>, window_params = [{transform_indices = #map}, {transform_indices = #map}, {transform_indices = #map}, {transform_indices = #map}]} {
    %scan3A = arith.constant 0 : i32
    %scan3A_0 = arith.constant 0 : i32
    %scan3A_1 = arith.constant 128 : i32
    %scan3A_2 = arith.addi %scan3A_0, %scan3A_1 : i32
    %scan3A_3 = arith.constant 1 : i32
    %scan3A_4 = scf.for %scan3A_198 = %scan3A_0 to %scan3A_2 step %scan3A_3 iter_args(%scan3A_199 = %scan3A) -> (i32)  : i32 {
      %broadcast_in_dim3A = arith.constant 0.000000e+00 : f32
      %broadcast_in_dim3A_200 = vector.broadcast %broadcast_in_dim3A : f32 to vector<16xf32>
      %swap3A = arith.index_cast %scan3A_198 : i32 to index
      %swap3A_201 = arith.constant 0 : index
      %swap3A_202 = tpu.vector_load %arg9[%swap3A, %swap3A_201] {strides = array<i32>} : memref<128x128xf32, #tpu.memory_space<vmem>>, vector<1x16xf32>,
      %swap3A_203 = vector.shape_cast %swap3A_202 : vector<1x16xf32> to vector<16xf32>
      %swap3A_204 = vector.shape_cast %broadcast_in_dim3A_200 : vector<16xf32> to vector<1x16xf32>
      tpu.vector_store %arg9[%swap3A, %swap3A_201], %swap3A_204 {strides = array<i32>} : memref<128x128xf32, #tpu.memory_space<vmem>>, vector<1x16xf32>,
      %broadcast_in_dim3A_205 = arith.constant 0.000000e+00 : f32
      %broadcast_in_dim3A_206 = vector.broadcast %broadcast_in_dim3A_205 : f32 to vector<16xf32>
      %swap3A_207 = arith.index_cast %scan3A_198 : i32 to index
      %swap3A_208 = arith.constant 16 : index
      %swap3A_209 = tpu.vector_load %arg9[%swap3A_207, %swap3A_208] {strides = array<i32>} : memref<128x128xf32, #tpu.memory_space<vmem>>, vector<1x16xf32>,
      %swap3A_210 = vector.shape_cast %swap3A_209 : vector<1x16xf32> to vector<16xf32>
      %swap3A_211 = vector.shape_cast %broadcast_in_dim3A_206 : vector<16xf32> to vector<1x16xf32>
      tpu.vector_store %arg9[%swap3A_207, %swap3A_208], %swap3A_211 {strides = array<i32>} : memref<128x128xf32, #tpu.memory_space<vmem>>, vector<1x16xf32>,
      %broadcast_in_dim3A_212 = arith.constant 0.000000e+00 : f32
      %broadcast_in_dim3A_213 = vector.broadcast %broadcast_in_dim3A_212 : f32 to vector<16xf32>
      %swap3A_214 = arith.index_cast %scan3A_198 : i32 to index
      %swap3A_215 = arith.constant 32 : index
      %swap3A_216 = tpu.vector_load %arg9[%swap3A_214, %swap3A_215] {strides = array<i32>} : memref<128x128xf32, #tpu.memory_space<vmem>>, vector<1x16xf32>,
      %swap3A_217 = vector.shape_cast %swap3A_216 : vector<1x16xf32> to vector<16xf32>
      %swap3A_218 = vector.shape_cast %broadcast_in_dim3A_213 : vector<16xf32> to vector<1x16xf32>
      tpu.vector_store %arg9[%swap3A_214, %swap3A_215], %swap3A_218 {strides = array<i32>} : memref<128x128xf32, #tpu.memory_space<vmem>>, vector<1x16xf32>,
      %broadcast_in_dim3A_219 = arith.constant 0.000000e+00 : f32
      %broadcast_in_dim3A_220 = vector.broadcast %broadcast_in_dim3A_219 : f32 to vector<16xf32>
      %swap3A_221 = arith.index_cast %scan3A_198 : i32 to index
      %swap3A_222 = arith.constant 48 : index
      %swap3A_223 = tpu.vector_load %arg9[%swap3A_221, %swap3A_222] {strides = array<i32>} : memref<128x128xf32, #tpu.memory_space<vmem>>, vector<1x16xf32>,
      %swap3A_224 = vector.shape_cast %swap3A_223 : vector<1x16xf32> to vector<16xf32>
      %swap3A_225 = vector.shape_cast %broadcast_in_dim3A_220 : vector<16xf32> to vector<1x16xf32>
      tpu.vector_store %arg9[%swap3A_221, %swap3A_222], %swap3A_225 {strides = array<i32>} : memref<128x128xf32, #tpu.memory_space<vmem>>, vector<1x16xf32>,
      %broadcast_in_dim3A_226 = arith.constant 0.000000e+00 : f32
      %broadcast_in_dim3A_227 = vector.broadcast %broadcast_in_dim3A_226 : f32 to vector<16xf32>
      %swap3A_228 = arith.index_cast %scan3A_198 : i32 to index
      %swap3A_229 = arith.constant 64 : index
      %swap3A_230 = tpu.vector_load %arg9[%swap3A_228, %swap3A_229] {strides = array<i32>} : memref<128x128xf32, #tpu.memory_space<vmem>>, vector<1x16xf32>,
      %swap3A_231 = vector.shape_cast %swap3A_230 : vector<1x16xf32> to vector<16xf32>
      %swap3A_232 = vector.shape_cast %broadcast_in_dim3A_227 : vector<16xf32> to vector<1x16xf32>
      tpu.vector_store %arg9[%swap3A_228, %swap3A_229], %swap3A_232 {strides = array<i32>} : memref<128x128xf32, #tpu.memory_space<vmem>>, vector<1x16xf32>,
      %broadcast_in_dim3A_233 = arith.constant 0.000000e+00 : f32
      %broadcast_in_dim3A_234 = vector.broadcast %broadcast_in_dim3A_233 : f32 to vector<16xf32>
      %swap3A_235 = arith.index_cast %scan3A_198 : i32 to index
      %swap3A_236 = arith.constant 80 : index
      %swap3A_237 = tpu.vector_load %arg9[%swap3A_235, %swap3A_236] {strides = array<i32>} : memref<128x128xf32, #tpu.memory_space<vmem>>, vector<1x16xf32>,
      %swap3A_238 = vector.shape_cast %swap3A_237 : vector<1x16xf32> to vector<16xf32>
      %swap3A_239 = vector.shape_cast %broadcast_in_dim3A_234 : vector<16xf32> to vector<1x16xf32>
      tpu.vector_store %arg9[%swap3A_235, %swap3A_236], %swap3A_239 {strides = array<i32>} : memref<128x128xf32, #tpu.memory_space<vmem>>, vector<1x16xf32>,
      %broadcast_in_dim3A_240 = arith.constant 0.000000e+00 : f32
      %broadcast_in_dim3A_241 = vector.broadcast %broadcast_in_dim3A_240 : f32 to vector<16xf32>
      %swap3A_242 = arith.index_cast %scan3A_198 : i32 to index
      %swap3A_243 = arith.constant 96 : index
      %swap3A_244 = tpu.vector_load %arg9[%swap3A_242, %swap3A_243] {strides = array<i32>} : memref<128x128xf32, #tpu.memory_space<vmem>>, vector<1x16xf32>,
      %swap3A_245 = vector.shape_cast %swap3A_244 : vector<1x16xf32> to vector<16xf32>
      %swap3A_246 = vector.shape_cast %broadcast_in_dim3A_241 : vector<16xf32> to vector<1x16xf32>
      tpu.vector_store %arg9[%swap3A_242, %swap3A_243], %swap3A_246 {strides = array<i32>} : memref<128x128xf32, #tpu.memory_space<vmem>>, vector<1x16xf32>,
      %broadcast_in_dim3A_247 = arith.constant 0.000000e+00 : f32
      %broadcast_in_dim3A_248 = vector.broadcast %broadcast_in_dim3A_247 : f32 to vector<16xf32>
      %swap3A_249 = arith.index_cast %scan3A_198 : i32 to index
      %swap3A_250 = arith.constant 112 : index
      %swap3A_251 = tpu.vector_load %arg9[%swap3A_249, %swap3A_250] {strides = array<i32>} : memref<128x128xf32, #tpu.memory_space<vmem>>, vector<1x16xf32>,
      %swap3A_252 = vector.shape_cast %swap3A_251 : vector<1x16xf32> to vector<16xf32>
      %swap3A_253 = vector.shape_cast %broadcast_in_dim3A_248 : vector<16xf32> to vector<1x16xf32>
      tpu.vector_store %arg9[%swap3A_249, %swap3A_250], %swap3A_253 {strides = array<i32>} : memref<128x128xf32, #tpu.memory_space<vmem>>, vector<1x16xf32>,
      %scan3A_254 = arith.constant 0 : i32
      scf.yield %scan3A_254 : i32
    }
    %scan3A_5 = arith.constant 128 : i32
    %mul3A = arith.constant 640 : i32
    %mul3A_6 = arith.muli %arg1, %mul3A : i32
    %add3A = arith.constant 0 : i32
    %add3A_7 = arith.addi %mul3A_6, %add3A : i32
    "tpu.region"() ({
      %run_scoped3A_198 = tpu.sem_alloc : memref<!tpu.dma_semaphore, #tpu.memory_space<semaphore_mem>>
      %dma_start3A_199 = arith.constant 0 : i32
      %dma_start3A_200 = tpu.memref_slice %arg6[%add3A_7, %dma_start3A_199] : memref<10240x128xf32, #tpu.memory_space<vmem_shared>> -> memref<128x128xf32, #tpu.memory_space<vmem_shared>>
      %dma_start3A_201 = arith.constant 0 : i32
      %dma_start3A_202 = tpu.memref_slice %arg6[%add3A_7, %dma_start3A_201] : memref<10240x128xf32, #tpu.memory_space<vmem_shared>> -> memref<128x128xf32, #tpu.memory_space<vmem_shared>>
      tpu.enqueue_dma source(%arg9 : memref<128x128xf32, #tpu.memory_space<vmem>>) target(%dma_start3A_202 : memref<128x128xf32, #tpu.memory_space<vmem_shared>>) target_semaphore(%run_scoped3A_198 : memref<!tpu.dma_semaphore, #tpu.memory_space<semaphore_mem>>)
      %dma_wait3A_203 = arith.constant 0 : i32
      %dma_wait3A_204 = tpu.memref_slice %arg6[%add3A_7, %dma_wait3A_203] : memref<10240x128xf32, #tpu.memory_space<vmem_shared>> -> memref<128x128xf32, #tpu.memory_space<vmem_shared>>
      %dma_wait3A_205 = arith.constant 0 : i32
      %dma_wait3A_206 = tpu.memref_slice %arg6[%add3A_7, %dma_wait3A_205] : memref<10240x128xf32, #tpu.memory_space<vmem_shared>> -> memref<128x128xf32, #tpu.memory_space<vmem_shared>>
      tpu.wait_dma2 semaphore(%run_scoped3A_198 : memref<!tpu.dma_semaphore, #tpu.memory_space<semaphore_mem>>) src(%arg9 : memref<128x128xf32, #tpu.memory_space<vmem>>) dst(%dma_wait3A_206 : memref<128x128xf32, #tpu.memory_space<vmem_shared>>)
      tpu.yield
    }) : () -> ()
    %mul3A_8 = arith.constant 640 : i32
    %mul3A_9 = arith.muli %arg1, %mul3A_8 : i32
    %add3A_10 = arith.constant 128 : i32
    %add3A_11 = arith.addi %mul3A_9, %add3A_10 : i32
    "tpu.region"() ({
      %run_scoped3A_198 = tpu.sem_alloc : memref<!tpu.dma_semaphore, #tpu.memory_space<semaphore_mem>>
      %dma_start3A_199 = arith.constant 0 : i32
      %dma_start3A_200 = tpu.memref_slice %arg6[%add3A_11, %dma_start3A_199] : memref<10240x128xf32, #tpu.memory_space<vmem_shared>> -> memref<128x128xf32, #tpu.memory_space<vmem_shared>>
      %dma_start3A_201 = arith.constant 0 : i32
      %dma_start3A_202 = tpu.memref_slice %arg6[%add3A_11, %dma_start3A_201] : memref<10240x128xf32, #tpu.memory_space<vmem_shared>> -> memref<128x128xf32, #tpu.memory_space<vmem_shared>>
      tpu.enqueue_dma source(%arg9 : memref<128x128xf32, #tpu.memory_space<vmem>>) target(%dma_start3A_202 : memref<128x128xf32, #tpu.memory_space<vmem_shared>>) target_semaphore(%run_scoped3A_198 : memref<!tpu.dma_semaphore, #tpu.memory_space<semaphore_mem>>)
      %dma_wait3A_203 = arith.constant 0 : i32
      %dma_wait3A_204 = tpu.memref_slice %arg6[%add3A_11, %dma_wait3A_203] : memref<10240x128xf32, #tpu.memory_space<vmem_shared>> -> memref<128x128xf32, #tpu.memory_space<vmem_shared>>
      %dma_wait3A_205 = arith.constant 0 : i32
      %dma_wait3A_206 = tpu.memref_slice %arg6[%add3A_11, %dma_wait3A_205] : memref<10240x128xf32, #tpu.memory_space<vmem_shared>> -> memref<128x128xf32, #tpu.memory_space<vmem_shared>>
      tpu.wait_dma2 semaphore(%run_scoped3A_198 : memref<!tpu.dma_semaphore, #tpu.memory_space<semaphore_mem>>) src(%arg9 : memref<128x128xf32, #tpu.memory_space<vmem>>) dst(%dma_wait3A_206 : memref<128x128xf32, #tpu.memory_space<vmem_shared>>)
      tpu.yield
    }) : () -> ()
    %mul3A_12 = arith.constant 640 : i32
    %mul3A_13 = arith.muli %arg1, %mul3A_12 : i32
    %add3A_14 = arith.constant 256 : i32
    %add3A_15 = arith.addi %mul3A_13, %add3A_14 : i32
    "tpu.region"() ({
      %run_scoped3A_198 = tpu.sem_alloc : memref<!tpu.dma_semaphore, #tpu.memory_space<semaphore_mem>>
      %dma_start3A_199 = arith.constant 0 : i32
      %dma_start3A_200 = tpu.memref_slice %arg6[%add3A_15, %dma_start3A_199] : memref<10240x128xf32, #tpu.memory_space<vmem_shared>> -> memref<128x128xf32, #tpu.memory_space<vmem_shared>>
      %dma_start3A_201 = arith.constant 0 : i32
      %dma_start3A_202 = tpu.memref_slice %arg6[%add3A_15, %dma_start3A_201] : memref<10240x128xf32, #tpu.memory_space<vmem_shared>> -> memref<128x128xf32, #tpu.memory_space<vmem_shared>>
      tpu.enqueue_dma source(%arg9 : memref<128x128xf32, #tpu.memory_space<vmem>>) target(%dma_start3A_202 : memref<128x128xf32, #tpu.memory_space<vmem_shared>>) target_semaphore(%run_scoped3A_198 : memref<!tpu.dma_semaphore, #tpu.memory_space<semaphore_mem>>)
      %dma_wait3A_203 = arith.constant 0 : i32
      %dma_wait3A_204 = tpu.memref_slice %arg6[%add3A_15, %dma_wait3A_203] : memref<10240x128xf32, #tpu.memory_space<vmem_shared>> -> memref<128x128xf32, #tpu.memory_space<vmem_shared>>
      %dma_wait3A_205 = arith.constant 0 : i32
      %dma_wait3A_206 = tpu.memref_slice %arg6[%add3A_15, %dma_wait3A_205] : memref<10240x128xf32, #tpu.memory_space<vmem_shared>> -> memref<128x128xf32, #tpu.memory_space<vmem_shared>>
      tpu.wait_dma2 semaphore(%run_scoped3A_198 : memref<!tpu.dma_semaphore, #tpu.memory_space<semaphore_mem>>) src(%arg9 : memref<128x128xf32, #tpu.memory_space<vmem>>) dst(%dma_wait3A_206 : memref<128x128xf32, #tpu.memory_space<vmem_shared>>)
      tpu.yield
    }) : () -> ()
    %mul3A_16 = arith.constant 640 : i32
    %mul3A_17 = arith.muli %arg1, %mul3A_16 : i32
    %add3A_18 = arith.constant 384 : i32
    %add3A_19 = arith.addi %mul3A_17, %add3A_18 : i32
    "tpu.region"() ({
      %run_scoped3A_198 = tpu.sem_alloc : memref<!tpu.dma_semaphore, #tpu.memory_space<semaphore_mem>>
      %dma_start3A_199 = arith.constant 0 : i32
      %dma_start3A_200 = tpu.memref_slice %arg6[%add3A_19, %dma_start3A_199] : memref<10240x128xf32, #tpu.memory_space<vmem_shared>> -> memref<128x128xf32, #tpu.memory_space<vmem_shared>>
      %dma_start3A_201 = arith.constant 0 : i32
      %dma_start3A_202 = tpu.memref_slice %arg6[%add3A_19, %dma_start3A_201] : memref<10240x128xf32, #tpu.memory_space<vmem_shared>> -> memref<128x128xf32, #tpu.memory_space<vmem_shared>>
      tpu.enqueue_dma source(%arg9 : memref<128x128xf32, #tpu.memory_space<vmem>>) target(%dma_start3A_202 : memref<128x128xf32, #tpu.memory_space<vmem_shared>>) target_semaphore(%run_scoped3A_198 : memref<!tpu.dma_semaphore, #tpu.memory_space<semaphore_mem>>)
      %dma_wait3A_203 = arith.constant 0 : i32
      %dma_wait3A_204 = tpu.memref_slice %arg6[%add3A_19, %dma_wait3A_203] : memref<10240x128xf32, #tpu.memory_space<vmem_shared>> -> memref<128x128xf32, #tpu.memory_space<vmem_shared>>
      %dma_wait3A_205 = arith.constant 0 : i32
      %dma_wait3A_206 = tpu.memref_slice %arg6[%add3A_19, %dma_wait3A_205] : memref<10240x128xf32, #tpu.memory_space<vmem_shared>> -> memref<128x128xf32, #tpu.memory_space<vmem_shared>>
      tpu.wait_dma2 semaphore(%run_scoped3A_198 : memref<!tpu.dma_semaphore, #tpu.memory_space<semaphore_mem>>) src(%arg9 : memref<128x128xf32, #tpu.memory_space<vmem>>) dst(%dma_wait3A_206 : memref<128x128xf32, #tpu.memory_space<vmem_shared>>)
      tpu.yield
    }) : () -> ()
    %mul3A_20 = arith.constant 640 : i32
    %mul3A_21 = arith.muli %arg1, %mul3A_20 : i32
    %add3A_22 = arith.constant 512 : i32
    %add3A_23 = arith.addi %mul3A_21, %add3A_22 : i32
    "tpu.region"() ({
      %run_scoped3A_198 = tpu.sem_alloc : memref<!tpu.dma_semaphore, #tpu.memory_space<semaphore_mem>>
      %dma_start3A_199 = arith.constant 0 : i32
      %dma_start3A_200 = tpu.memref_slice %arg6[%add3A_23, %dma_start3A_199] : memref<10240x128xf32, #tpu.memory_space<vmem_shared>> -> memref<128x128xf32, #tpu.memory_space<vmem_shared>>
      %dma_start3A_201 = arith.constant 0 : i32
      %dma_start3A_202 = tpu.memref_slice %arg6[%add3A_23, %dma_start3A_201] : memref<10240x128xf32, #tpu.memory_space<vmem_shared>> -> memref<128x128xf32, #tpu.memory_space<vmem_shared>>
      tpu.enqueue_dma source(%arg9 : memref<128x128xf32, #tpu.memory_space<vmem>>) target(%dma_start3A_202 : memref<128x128xf32, #tpu.memory_space<vmem_shared>>) target_semaphore(%run_scoped3A_198 : memref<!tpu.dma_semaphore, #tpu.memory_space<semaphore_mem>>)
      %dma_wait3A_203 = arith.constant 0 : i32
      %dma_wait3A_204 = tpu.memref_slice %arg6[%add3A_23, %dma_wait3A_203] : memref<10240x128xf32, #tpu.memory_space<vmem_shared>> -> memref<128x128xf32, #tpu.memory_space<vmem_shared>>
      %dma_wait3A_205 = arith.constant 0 : i32
      %dma_wait3A_206 = tpu.memref_slice %arg6[%add3A_23, %dma_wait3A_205] : memref<10240x128xf32, #tpu.memory_space<vmem_shared>> -> memref<128x128xf32, #tpu.memory_space<vmem_shared>>
      tpu.wait_dma2 semaphore(%run_scoped3A_198 : memref<!tpu.dma_semaphore, #tpu.memory_space<semaphore_mem>>) src(%arg9 : memref<128x128xf32, #tpu.memory_space<vmem>>) dst(%dma_wait3A_206 : memref<128x128xf32, #tpu.memory_space<vmem_shared>>)
      tpu.yield
    }) : () -> ()
    %mul3A_24 = arith.constant 16 : i32
    %mul3A_25 = arith.muli %arg0, %mul3A_24 : i32
    %add3A_26 = arith.addi %mul3A_25, %arg1 : i32
    %mul3A_27 = arith.constant 160 : i32
    %mul3A_28 = arith.muli %add3A_26, %mul3A_27 : i32
    %barrier3A = arith.constant 0 : index
    tpu.barrier barrier_id(%barrier3A)
    %add3A_29 = arith.constant 0 : i32
    %add3A_30 = arith.addi %mul3A_28, %add3A_29 : i32
    "tpu.region"() ({
      %run_scoped3A_198 = tpu.sem_alloc : memref<!tpu.dma_semaphore, #tpu.memory_space<semaphore_mem>>
      %dma_start3A_199 = arith.constant 0 : i32
      %dma_start3A_200 = tpu.memref_slice %arg3[%add3A_30, %dma_start3A_199] : memref<5120x128xi32, #tpu.memory_space<hbm>> -> memref<40x128xi32, #tpu.memory_space<hbm>>
      %dma_start3A_201 = arith.constant 0 : i32
      %dma_start3A_202 = tpu.memref_slice %arg3[%add3A_30, %dma_start3A_201] : memref<5120x128xi32, #tpu.memory_space<hbm>> -> memref<40x128xi32, #tpu.memory_space<hbm>>
      tpu.enqueue_dma source(%dma_start3A_202 : memref<40x128xi32, #tpu.memory_space<hbm>>) target(%arg7 : memref<40x128xi32, #tpu.memory_space<vmem>>) target_semaphore(%run_scoped3A_198 : memref<!tpu.dma_semaphore, #tpu.memory_space<semaphore_mem>>)
      %dma_wait3A_203 = arith.constant 0 : i32
      %dma_wait3A_204 = tpu.memref_slice %arg3[%add3A_30, %dma_wait3A_203] : memref<5120x128xi32, #tpu.memory_space<hbm>> -> memref<40x128xi32, #tpu.memory_space<hbm>>
      %dma_wait3A_205 = arith.constant 0 : i32
      %dma_wait3A_206 = tpu.memref_slice %arg3[%add3A_30, %dma_wait3A_205] : memref<5120x128xi32, #tpu.memory_space<hbm>> -> memref<40x128xi32, #tpu.memory_space<hbm>>
      tpu.wait_dma2 semaphore(%run_scoped3A_198 : memref<!tpu.dma_semaphore, #tpu.memory_space<semaphore_mem>>) src(%dma_wait3A_206 : memref<40x128xi32, #tpu.memory_space<hbm>>) dst(%arg7 : memref<40x128xi32, #tpu.memory_space<vmem>>)
      tpu.yield
    }) : () -> ()
    %add3A_31 = arith.constant 0 : i32
    %add3A_32 = arith.addi %mul3A_28, %add3A_31 : i32
    "tpu.region"() ({
      %run_scoped3A_198 = tpu.sem_alloc : memref<!tpu.dma_semaphore, #tpu.memory_space<semaphore_mem>>
      %dma_start3A_199 = arith.constant 0 : i32
      %dma_start3A_200 = tpu.memref_slice %arg4[%add3A_32, %dma_start3A_199] : memref<5120x128xi32, #tpu.memory_space<hbm>> -> memref<40x128xi32, #tpu.memory_space<hbm>>
      %dma_start3A_201 = arith.constant 0 : i32
      %dma_start3A_202 = tpu.memref_slice %arg4[%add3A_32, %dma_start3A_201] : memref<5120x128xi32, #tpu.memory_space<hbm>> -> memref<40x128xi32, #tpu.memory_space<hbm>>
      tpu.enqueue_dma source(%dma_start3A_202 : memref<40x128xi32, #tpu.memory_space<hbm>>) target(%arg8 : memref<40x128xi32, #tpu.memory_space<vmem>>) target_semaphore(%run_scoped3A_198 : memref<!tpu.dma_semaphore, #tpu.memory_space<semaphore_mem>>)
      %dma_wait3A_203 = arith.constant 0 : i32
      %dma_wait3A_204 = tpu.memref_slice %arg4[%add3A_32, %dma_wait3A_203] : memref<5120x128xi32, #tpu.memory_space<hbm>> -> memref<40x128xi32, #tpu.memory_space<hbm>>
      %dma_wait3A_205 = arith.constant 0 : i32
      %dma_wait3A_206 = tpu.memref_slice %arg4[%add3A_32, %dma_wait3A_205] : memref<5120x128xi32, #tpu.memory_space<hbm>> -> memref<40x128xi32, #tpu.memory_space<hbm>>
      tpu.wait_dma2 semaphore(%run_scoped3A_198 : memref<!tpu.dma_semaphore, #tpu.memory_space<semaphore_mem>>) src(%dma_wait3A_206 : memref<40x128xi32, #tpu.memory_space<hbm>>) dst(%arg8 : memref<40x128xi32, #tpu.memory_space<vmem>>)
      tpu.yield
    }) : () -> ()
    %dma_start3A = arith.constant 0 : i32
    %dma_start3A_33 = arith.constant 0 : i32
    %dma_start3A_34 = tpu.memref_slice %arg7[%dma_start3A, %dma_start3A_33] : memref<40x128xi32, #tpu.memory_space<vmem>> -> memref<1x128xi32, #tpu.memory_space<vmem>>
    %dma_start3A_35 = tpu.memref_squeeze %dma_start3A_34 : memref<1x128xi32, #tpu.memory_space<vmem>> -> memref<128xi32, #tpu.memory_space<vmem>>
    %dma_start3A_36 = arith.constant 0 : i32
    %dma_start3A_37 = arith.constant 0 : i32
    %dma_start3A_38 = tpu.memref_slice %arg2[%dma_start3A_36, %dma_start3A_37] : memref<20000x128xf32, #tpu.memory_space<hbm>> -> memref<20000x128xf32, #tpu.memory_space<hbm>>
    tpu.enqueue_indirect_dma source(%dma_start3A_38 : memref<20000x128xf32, #tpu.memory_space<hbm>>) target(%arg9 : memref<128x128xf32, #tpu.memory_space<vmem>>) offsets(%dma_start3A_35 : memref<128xi32, #tpu.memory_space<vmem>>) semaphore(%arg11 : memref<!tpu.dma_semaphore, #tpu.memory_space<semaphore_mem>>)
    %scan3A_39 = arith.constant 0 : i32
    %scan3A_40 = arith.constant 0 : i32
    %scan3A_41 = arith.constant 19 : i32
    %scan3A_42 = arith.addi %scan3A_40, %scan3A_41 : i32
    %scan3A_43 = arith.constant 1 : i32
    %scan3A_44 = scf.for %scan3A_198 = %scan3A_40 to %scan3A_42 step %scan3A_43 iter_args(%scan3A_199 = %scan3A_39) -> (i32)  : i32 {
      %mul3A_200 = arith.constant 2 : i32
      %mul3A_201 = arith.muli %mul3A_200, %scan3A_198 : i32
      %add3A_202 = arith.constant 1 : i32
      %add3A_203 = arith.addi %mul3A_201, %add3A_202 : i32
      %dma_start3A_204 = arith.constant 0 : i32
      %dma_start3A_205 = tpu.memref_slice %arg7[%add3A_203, %dma_start3A_204] : memref<40x128xi32, #tpu.memory_space<vmem>> -> memref<1x128xi32, #tpu.memory_space<vmem>>
      %dma_start3A_206 = tpu.memref_squeeze %dma_start3A_205 : memref<1x128xi32, #tpu.memory_space<vmem>> -> memref<128xi32, #tpu.memory_space<vmem>>
      %dma_start3A_207 = arith.constant 0 : i32
      %dma_start3A_208 = arith.constant 0 : i32
      %dma_start3A_209 = tpu.memref_slice %arg2[%dma_start3A_207, %dma_start3A_208] : memref<20000x128xf32, #tpu.memory_space<hbm>> -> memref<20000x128xf32, #tpu.memory_space<hbm>>
      tpu.enqueue_indirect_dma source(%dma_start3A_209 : memref<20000x128xf32, #tpu.memory_space<hbm>>) target(%arg10 : memref<128x128xf32, #tpu.memory_space<vmem>>) offsets(%dma_start3A_206 : memref<128xi32, #tpu.memory_space<vmem>>) semaphore(%arg12 : memref<!tpu.dma_semaphore, #tpu.memory_space<semaphore_mem>>)
      %dma_wait3A_210 = arith.constant 0 : i32
      %dma_wait3A_211 = tpu.memref_slice %arg7[%mul3A_201, %dma_wait3A_210] : memref<40x128xi32, #tpu.memory_space<vmem>> -> memref<1x128xi32, #tpu.memory_space<vmem>>
      %dma_wait3A_212 = tpu.memref_squeeze %dma_wait3A_211 : memref<1x128xi32, #tpu.memory_space<vmem>> -> memref<128xi32, #tpu.memory_space<vmem>>
      %dma_wait3A_213 = arith.constant 0 : i32
      %dma_wait3A_214 = arith.constant 0 : i32
      %dma_wait3A_215 = tpu.memref_slice %arg2[%dma_wait3A_213, %dma_wait3A_214] : memref<20000x128xf32, #tpu.memory_space<hbm>> -> memref<20000x128xf32, #tpu.memory_space<hbm>>
      tpu.wait_indirect_dma semaphore(%arg11 : memref<!tpu.dma_semaphore, #tpu.memory_space<semaphore_mem>>) src(%dma_wait3A_215 : memref<20000x128xf32, #tpu.memory_space<hbm>>) dst(%arg9 : memref<128x128xf32, #tpu.memory_space<vmem>>)
      "tpu.region"() ({
        %run_scoped3A_235 = tpu.sem_alloc : memref<!tpu.dma_semaphore, #tpu.memory_space<semaphore_mem>>
        %dma_start3A_236 = arith.constant 0 : i32
        %dma_start3A_237 = tpu.memref_slice %arg8[%mul3A_201, %dma_start3A_236] : memref<40x128xi32, #tpu.memory_space<vmem>> -> memref<1x128xi32, #tpu.memory_space<vmem>>
        %dma_start3A_238 = tpu.memref_squeeze %dma_start3A_237 : memref<1x128xi32, #tpu.memory_space<vmem>> -> memref<128xi32, #tpu.memory_space<vmem>>
        %dma_start3A_239 = arith.constant 0 : i32
        %dma_start3A_240 = arith.constant 0 : i32
        %dma_start3A_241 = tpu.memref_slice %arg6[%dma_start3A_239, %dma_start3A_240] : memref<10240x128xf32, #tpu.memory_space<vmem_shared>> -> memref<10240x128xf32, #tpu.memory_space<vmem_shared>>
        tpu.enqueue_indirect_dma source(%arg9 : memref<128x128xf32, #tpu.memory_space<vmem>>) target(%dma_start3A_241 : memref<10240x128xf32, #tpu.memory_space<vmem_shared>>) offsets(%dma_start3A_238 : memref<128xi32, #tpu.memory_space<vmem>>) semaphore(%run_scoped3A_235 : memref<!tpu.dma_semaphore, #tpu.memory_space<semaphore_mem>>) {add = true}
        %dma_wait3A_242 = arith.constant 0 : i32
        %dma_wait3A_243 = tpu.memref_slice %arg8[%mul3A_201, %dma_wait3A_242] : memref<40x128xi32, #tpu.memory_space<vmem>> -> memref<1x128xi32, #tpu.memory_space<vmem>>
        %dma_wait3A_244 = tpu.memref_squeeze %dma_wait3A_243 : memref<1x128xi32, #tpu.memory_space<vmem>> -> memref<128xi32, #tpu.memory_space<vmem>>
        %dma_wait3A_245 = arith.constant 0 : i32
        %dma_wait3A_246 = arith.constant 0 : i32
        %dma_wait3A_247 = tpu.memref_slice %arg6[%dma_wait3A_245, %dma_wait3A_246] : memref<10240x128xf32, #tpu.memory_space<vmem_shared>> -> memref<10240x128xf32, #tpu.memory_space<vmem_shared>>
        tpu.wait_indirect_dma semaphore(%run_scoped3A_235 : memref<!tpu.dma_semaphore, #tpu.memory_space<semaphore_mem>>) src(%arg9 : memref<128x128xf32, #tpu.memory_space<vmem>>) dst(%dma_wait3A_247 : memref<10240x128xf32, #tpu.memory_space<vmem_shared>>)
        tpu.yield
      }) : () -> ()
      %add3A_216 = arith.constant 2 : i32
      %add3A_217 = arith.addi %mul3A_201, %add3A_216 : i32
      %dma_start3A_218 = arith.constant 0 : i32
      %dma_start3A_219 = tpu.memref_slice %arg7[%add3A_217, %dma_start3A_218] : memref<40x128xi32, #tpu.memory_space<vmem>> -> memref<1x128xi32, #tpu.memory_space<vmem>>
      %dma_start3A_220 = tpu.memref_squeeze %dma_start3A_219 : memref<1x128xi32, #tpu.memory_space<vmem>> -> memref<128xi32, #tpu.memory_space<vmem>>
      %dma_start3A_221 = arith.constant 0 : i32
      %dma_start3A_222 = arith.constant 0 : i32
      %dma_start3A_223 = tpu.memref_slice %arg2[%dma_start3A_221, %dma_start3A_222] : memref<20000x128xf32, #tpu.memory_space<hbm>> -> memref<20000x128xf32, #tpu.memory_space<hbm>>
      tpu.enqueue_indirect_dma source(%dma_start3A_223 : memref<20000x128xf32, #tpu.memory_space<hbm>>) target(%arg9 : memref<128x128xf32, #tpu.memory_space<vmem>>) offsets(%dma_start3A_220 : memref<128xi32, #tpu.memory_space<vmem>>) semaphore(%arg11 : memref<!tpu.dma_semaphore, #tpu.memory_space<semaphore_mem>>)
      %add3A_224 = arith.constant 1 : i32
      %add3A_225 = arith.addi %mul3A_201, %add3A_224 : i32
      %dma_wait3A_226 = arith.constant 0 : i32
      %dma_wait3A_227 = tpu.memref_slice %arg7[%add3A_225, %dma_wait3A_226] : memref<40x128xi32, #tpu.memory_space<vmem>> -> memref<1x128xi32, #tpu.memory_space<vmem>>
      %dma_wait3A_228 = tpu.memref_squeeze %dma_wait3A_227 : memref<1x128xi32, #tpu.memory_space<vmem>> -> memref<128xi32, #tpu.memory_space<vmem>>
      %dma_wait3A_229 = arith.constant 0 : i32
      %dma_wait3A_230 = arith.constant 0 : i32
      %dma_wait3A_231 = tpu.memref_slice %arg2[%dma_wait3A_229, %dma_wait3A_230] : memref<20000x128xf32, #tpu.memory_space<hbm>> -> memref<20000x128xf32, #tpu.memory_space<hbm>>
      tpu.wait_indirect_dma semaphore(%arg12 : memref<!tpu.dma_semaphore, #tpu.memory_space<semaphore_mem>>) src(%dma_wait3A_231 : memref<20000x128xf32, #tpu.memory_space<hbm>>) dst(%arg10 : memref<128x128xf32, #tpu.memory_space<vmem>>)
      %add3A_232 = arith.constant 1 : i32
      %add3A_233 = arith.addi %mul3A_201, %add3A_232 : i32
      "tpu.region"() ({
        %run_scoped3A_235 = tpu.sem_alloc : memref<!tpu.dma_semaphore, #tpu.memory_space<semaphore_mem>>
        %dma_start3A_236 = arith.constant 0 : i32
        %dma_start3A_237 = tpu.memref_slice %arg8[%add3A_233, %dma_start3A_236] : memref<40x128xi32, #tpu.memory_space<vmem>> -> memref<1x128xi32, #tpu.memory_space<vmem>>
        %dma_start3A_238 = tpu.memref_squeeze %dma_start3A_237 : memref<1x128xi32, #tpu.memory_space<vmem>> -> memref<128xi32, #tpu.memory_space<vmem>>
        %dma_start3A_239 = arith.constant 0 : i32
        %dma_start3A_240 = arith.constant 0 : i32
        %dma_start3A_241 = tpu.memref_slice %arg6[%dma_start3A_239, %dma_start3A_240] : memref<10240x128xf32, #tpu.memory_space<vmem_shared>> -> memref<10240x128xf32, #tpu.memory_space<vmem_shared>>
        tpu.enqueue_indirect_dma source(%arg10 : memref<128x128xf32, #tpu.memory_space<vmem>>) target(%dma_start3A_241 : memref<10240x128xf32, #tpu.memory_space<vmem_shared>>) offsets(%dma_start3A_238 : memref<128xi32, #tpu.memory_space<vmem>>) semaphore(%run_scoped3A_235 : memref<!tpu.dma_semaphore, #tpu.memory_space<semaphore_mem>>) {add = true}
        %dma_wait3A_242 = arith.constant 0 : i32
        %dma_wait3A_243 = tpu.memref_slice %arg8[%add3A_233, %dma_wait3A_242] : memref<40x128xi32, #tpu.memory_space<vmem>> -> memref<1x128xi32, #tpu.memory_space<vmem>>
        %dma_wait3A_244 = tpu.memref_squeeze %dma_wait3A_243 : memref<1x128xi32, #tpu.memory_space<vmem>> -> memref<128xi32, #tpu.memory_space<vmem>>
        %dma_wait3A_245 = arith.constant 0 : i32
        %dma_wait3A_246 = arith.constant 0 : i32
        %dma_wait3A_247 = tpu.memref_slice %arg6[%dma_wait3A_245, %dma_wait3A_246] : memref<10240x128xf32, #tpu.memory_space<vmem_shared>> -> memref<10240x128xf32, #tpu.memory_space<vmem_shared>>
        tpu.wait_indirect_dma semaphore(%run_scoped3A_235 : memref<!tpu.dma_semaphore, #tpu.memory_space<semaphore_mem>>) src(%arg10 : memref<128x128xf32, #tpu.memory_space<vmem>>) dst(%dma_wait3A_247 : memref<10240x128xf32, #tpu.memory_space<vmem_shared>>)
        tpu.yield
      }) : () -> ()
      %scan3A_234 = arith.constant 0 : i32
      scf.yield %scan3A_234 : i32
    }
    %scan3A_45 = arith.constant 19 : i32
    %dma_start3A_46 = arith.constant 39 : i32
    %dma_start3A_47 = arith.constant 0 : i32
    %dma_start3A_48 = tpu.memref_slice %arg7[%dma_start3A_46, %dma_start3A_47] : memref<40x128xi32, #tpu.memory_space<vmem>> -> memref<1x128xi32, #tpu.memory_space<vmem>>
    %dma_start3A_49 = tpu.memref_squeeze %dma_start3A_48 : memref<1x128xi32, #tpu.memory_space<vmem>> -> memref<128xi32, #tpu.memory_space<vmem>>
    %dma_start3A_50 = arith.constant 0 : i32
    %dma_start3A_51 = arith.constant 0 : i32
    %dma_start3A_52 = tpu.memref_slice %arg2[%dma_start3A_50, %dma_start3A_51] : memref<20000x128xf32, #tpu.memory_space<hbm>> -> memref<20000x128xf32, #tpu.memory_space<hbm>>
    tpu.enqueue_indirect_dma source(%dma_start3A_52 : memref<20000x128xf32, #tpu.memory_space<hbm>>) target(%arg10 : memref<128x128xf32, #tpu.memory_space<vmem>>) offsets(%dma_start3A_49 : memref<128xi32, #tpu.memory_space<vmem>>) semaphore(%arg12 : memref<!tpu.dma_semaphore, #tpu.memory_space<semaphore_mem>>)
    %dma_wait3A = arith.constant 38 : i32
    %dma_wait3A_53 = arith.constant 0 : i32
    %dma_wait3A_54 = tpu.memref_slice %arg7[%dma_wait3A, %dma_wait3A_53] : memref<40x128xi32, #tpu.memory_space<vmem>> -> memref<1x128xi32, #tpu.memory_space<vmem>>
    %dma_wait3A_55 = tpu.memref_squeeze %dma_wait3A_54 : memref<1x128xi32, #tpu.memory_space<vmem>> -> memref<128xi32, #tpu.memory_space<vmem>>
    %dma_wait3A_56 = arith.constant 0 : i32
    %dma_wait3A_57 = arith.constant 0 : i32
    %dma_wait3A_58 = tpu.memref_slice %arg2[%dma_wait3A_56, %dma_wait3A_57] : memref<20000x128xf32, #tpu.memory_space<hbm>> -> memref<20000x128xf32, #tpu.memory_space<hbm>>
    tpu.wait_indirect_dma semaphore(%arg11 : memref<!tpu.dma_semaphore, #tpu.memory_space<semaphore_mem>>) src(%dma_wait3A_58 : memref<20000x128xf32, #tpu.memory_space<hbm>>) dst(%arg9 : memref<128x128xf32, #tpu.memory_space<vmem>>)
    %run_scoped3A = arith.constant 38 : i32
    "tpu.region"() ({
      %run_scoped3A_198 = tpu.sem_alloc : memref<!tpu.dma_semaphore, #tpu.memory_space<semaphore_mem>>
      %dma_start3A_199 = arith.constant 0 : i32
      %dma_start3A_200 = tpu.memref_slice %arg8[%run_scoped3A, %dma_start3A_199] : memref<40x128xi32, #tpu.memory_space<vmem>> -> memref<1x128xi32, #tpu.memory_space<vmem>>
      %dma_start3A_201 = tpu.memref_squeeze %dma_start3A_200 : memref<1x128xi32, #tpu.memory_space<vmem>> -> memref<128xi32, #tpu.memory_space<vmem>>
      %dma_start3A_202 = arith.constant 0 : i32
      %dma_start3A_203 = arith.constant 0 : i32
      %dma_start3A_204 = tpu.memref_slice %arg6[%dma_start3A_202, %dma_start3A_203] : memref<10240x128xf32, #tpu.memory_space<vmem_shared>> -> memref<10240x128xf32, #tpu.memory_space<vmem_shared>>
      tpu.enqueue_indirect_dma source(%arg9 : memref<128x128xf32, #tpu.memory_space<vmem>>) target(%dma_start3A_204 : memref<10240x128xf32, #tpu.memory_space<vmem_shared>>) offsets(%dma_start3A_201 : memref<128xi32, #tpu.memory_space<vmem>>) semaphore(%run_scoped3A_198 : memref<!tpu.dma_semaphore, #tpu.memory_space<semaphore_mem>>) {add = true}
      %dma_wait3A_205 = arith.constant 0 : i32
      %dma_wait3A_206 = tpu.memref_slice %arg8[%run_scoped3A, %dma_wait3A_205] : memref<40x128xi32, #tpu.memory_space<vmem>> -> memref<1x128xi32, #tpu.memory_space<vmem>>
      %dma_wait3A_207 = tpu.memref_squeeze %dma_wait3A_206 : memref<1x128xi32, #tpu.memory_space<vmem>> -> memref<128xi32, #tpu.memory_space<vmem>>
      %dma_wait3A_208 = arith.constant 0 : i32
      %dma_wait3A_209 = arith.constant 0 : i32
      %dma_wait3A_210 = tpu.memref_slice %arg6[%dma_wait3A_208, %dma_wait3A_209] : memref<10240x128xf32, #tpu.memory_space<vmem_shared>> -> memref<10240x128xf32, #tpu.memory_space<vmem_shared>>
      tpu.wait_indirect_dma semaphore(%run_scoped3A_198 : memref<!tpu.dma_semaphore, #tpu.memory_space<semaphore_mem>>) src(%arg9 : memref<128x128xf32, #tpu.memory_space<vmem>>) dst(%dma_wait3A_210 : memref<10240x128xf32, #tpu.memory_space<vmem_shared>>)
      tpu.yield
    }) : () -> ()
    %dma_wait3A_59 = arith.constant 39 : i32
    %dma_wait3A_60 = arith.constant 0 : i32
    %dma_wait3A_61 = tpu.memref_slice %arg7[%dma_wait3A_59, %dma_wait3A_60] : memref<40x128xi32, #tpu.memory_space<vmem>> -> memref<1x128xi32, #tpu.memory_space<vmem>>
    %dma_wait3A_62 = tpu.memref_squeeze %dma_wait3A_61 : memref<1x128xi32, #tpu.memory_space<vmem>> -> memref<128xi32, #tpu.memory_space<vmem>>
    %dma_wait3A_63 = arith.constant 0 : i32
    %dma_wait3A_64 = arith.constant 0 : i32
    %dma_wait3A_65 = tpu.memref_slice %arg2[%dma_wait3A_63, %dma_wait3A_64] : memref<20000x128xf32, #tpu.memory_space<hbm>> -> memref<20000x128xf32, #tpu.memory_space<hbm>>
    tpu.wait_indirect_dma semaphore(%arg12 : memref<!tpu.dma_semaphore, #tpu.memory_space<semaphore_mem>>) src(%dma_wait3A_65 : memref<20000x128xf32, #tpu.memory_space<hbm>>) dst(%arg10 : memref<128x128xf32, #tpu.memory_space<vmem>>)
    %run_scoped3A_66 = arith.constant 39 : i32
    "tpu.region"() ({
      %run_scoped3A_198 = tpu.sem_alloc : memref<!tpu.dma_semaphore, #tpu.memory_space<semaphore_mem>>
      %dma_start3A_199 = arith.constant 0 : i32
      %dma_start3A_200 = tpu.memref_slice %arg8[%run_scoped3A_66, %dma_start3A_199] : memref<40x128xi32, #tpu.memory_space<vmem>> -> memref<1x128xi32, #tpu.memory_space<vmem>>
      %dma_start3A_201 = tpu.memref_squeeze %dma_start3A_200 : memref<1x128xi32, #tpu.memory_space<vmem>> -> memref<128xi32, #tpu.memory_space<vmem>>
      %dma_start3A_202 = arith.constant 0 : i32
      %dma_start3A_203 = arith.constant 0 : i32
      %dma_start3A_204 = tpu.memref_slice %arg6[%dma_start3A_202, %dma_start3A_203] : memref<10240x128xf32, #tpu.memory_space<vmem_shared>> -> memref<10240x128xf32, #tpu.memory_space<vmem_shared>>
      tpu.enqueue_indirect_dma source(%arg10 : memref<128x128xf32, #tpu.memory_space<vmem>>) target(%dma_start3A_204 : memref<10240x128xf32, #tpu.memory_space<vmem_shared>>) offsets(%dma_start3A_201 : memref<128xi32, #tpu.memory_space<vmem>>) semaphore(%run_scoped3A_198 : memref<!tpu.dma_semaphore, #tpu.memory_space<semaphore_mem>>) {add = true}
      %dma_wait3A_205 = arith.constant 0 : i32
      %dma_wait3A_206 = tpu.memref_slice %arg8[%run_scoped3A_66, %dma_wait3A_205] : memref<40x128xi32, #tpu.memory_space<vmem>> -> memref<1x128xi32, #tpu.memory_space<vmem>>
      %dma_wait3A_207 = tpu.memref_squeeze %dma_wait3A_206 : memref<1x128xi32, #tpu.memory_space<vmem>> -> memref<128xi32, #tpu.memory_space<vmem>>
      %dma_wait3A_208 = arith.constant 0 : i32
      %dma_wait3A_209 = arith.constant 0 : i32
      %dma_wait3A_210 = tpu.memref_slice %arg6[%dma_wait3A_208, %dma_wait3A_209] : memref<10240x128xf32, #tpu.memory_space<vmem_shared>> -> memref<10240x128xf32, #tpu.memory_space<vmem_shared>>
      tpu.wait_indirect_dma semaphore(%run_scoped3A_198 : memref<!tpu.dma_semaphore, #tpu.memory_space<semaphore_mem>>) src(%arg10 : memref<128x128xf32, #tpu.memory_space<vmem>>) dst(%dma_wait3A_210 : memref<10240x128xf32, #tpu.memory_space<vmem_shared>>)
      tpu.yield
    }) : () -> ()
    %add3A_67 = arith.constant 40 : i32
    %add3A_68 = arith.addi %mul3A_28, %add3A_67 : i32
    "tpu.region"() ({
      %run_scoped3A_198 = tpu.sem_alloc : memref<!tpu.dma_semaphore, #tpu.memory_space<semaphore_mem>>
      %dma_start3A_199 = arith.constant 0 : i32
      %dma_start3A_200 = tpu.memref_slice %arg3[%add3A_68, %dma_start3A_199] : memref<5120x128xi32, #tpu.memory_space<hbm>> -> memref<40x128xi32, #tpu.memory_space<hbm>>
      %dma_start3A_201 = arith.constant 0 : i32
      %dma_start3A_202 = tpu.memref_slice %arg3[%add3A_68, %dma_start3A_201] : memref<5120x128xi32, #tpu.memory_space<hbm>> -> memref<40x128xi32, #tpu.memory_space<hbm>>
      tpu.enqueue_dma source(%dma_start3A_202 : memref<40x128xi32, #tpu.memory_space<hbm>>) target(%arg7 : memref<40x128xi32, #tpu.memory_space<vmem>>) target_semaphore(%run_scoped3A_198 : memref<!tpu.dma_semaphore, #tpu.memory_space<semaphore_mem>>)
      %dma_wait3A_203 = arith.constant 0 : i32
      %dma_wait3A_204 = tpu.memref_slice %arg3[%add3A_68, %dma_wait3A_203] : memref<5120x128xi32, #tpu.memory_space<hbm>> -> memref<40x128xi32, #tpu.memory_space<hbm>>
      %dma_wait3A_205 = arith.constant 0 : i32
      %dma_wait3A_206 = tpu.memref_slice %arg3[%add3A_68, %dma_wait3A_205] : memref<5120x128xi32, #tpu.memory_space<hbm>> -> memref<40x128xi32, #tpu.memory_space<hbm>>
      tpu.wait_dma2 semaphore(%run_scoped3A_198 : memref<!tpu.dma_semaphore, #tpu.memory_space<semaphore_mem>>) src(%dma_wait3A_206 : memref<40x128xi32, #tpu.memory_space<hbm>>) dst(%arg7 : memref<40x128xi32, #tpu.memory_space<vmem>>)
      tpu.yield
    }) : () -> ()
    %add3A_69 = arith.constant 40 : i32
    %add3A_70 = arith.addi %mul3A_28, %add3A_69 : i32
    "tpu.region"() ({
      %run_scoped3A_198 = tpu.sem_alloc : memref<!tpu.dma_semaphore, #tpu.memory_space<semaphore_mem>>
      %dma_start3A_199 = arith.constant 0 : i32
      %dma_start3A_200 = tpu.memref_slice %arg4[%add3A_70, %dma_start3A_199] : memref<5120x128xi32, #tpu.memory_space<hbm>> -> memref<40x128xi32, #tpu.memory_space<hbm>>
      %dma_start3A_201 = arith.constant 0 : i32
      %dma_start3A_202 = tpu.memref_slice %arg4[%add3A_70, %dma_start3A_201] : memref<5120x128xi32, #tpu.memory_space<hbm>> -> memref<40x128xi32, #tpu.memory_space<hbm>>
      tpu.enqueue_dma source(%dma_start3A_202 : memref<40x128xi32, #tpu.memory_space<hbm>>) target(%arg8 : memref<40x128xi32, #tpu.memory_space<vmem>>) target_semaphore(%run_scoped3A_198 : memref<!tpu.dma_semaphore, #tpu.memory_space<semaphore_mem>>)
      %dma_wait3A_203 = arith.constant 0 : i32
      %dma_wait3A_204 = tpu.memref_slice %arg4[%add3A_70, %dma_wait3A_203] : memref<5120x128xi32, #tpu.memory_space<hbm>> -> memref<40x128xi32, #tpu.memory_space<hbm>>
      %dma_wait3A_205 = arith.constant 0 : i32
      %dma_wait3A_206 = tpu.memref_slice %arg4[%add3A_70, %dma_wait3A_205] : memref<5120x128xi32, #tpu.memory_space<hbm>> -> memref<40x128xi32, #tpu.memory_space<hbm>>
      tpu.wait_dma2 semaphore(%run_scoped3A_198 : memref<!tpu.dma_semaphore, #tpu.memory_space<semaphore_mem>>) src(%dma_wait3A_206 : memref<40x128xi32, #tpu.memory_space<hbm>>) dst(%arg8 : memref<40x128xi32, #tpu.memory_space<vmem>>)
      tpu.yield
    }) : () -> ()
    %dma_start3A_71 = arith.constant 0 : i32
    %dma_start3A_72 = arith.constant 0 : i32
    %dma_start3A_73 = tpu.memref_slice %arg7[%dma_start3A_71, %dma_start3A_72] : memref<40x128xi32, #tpu.memory_space<vmem>> -> memref<1x128xi32, #tpu.memory_space<vmem>>
    %dma_start3A_74 = tpu.memref_squeeze %dma_start3A_73 : memref<1x128xi32, #tpu.memory_space<vmem>> -> memref<128xi32, #tpu.memory_space<vmem>>
    %dma_start3A_75 = arith.constant 0 : i32
    %dma_start3A_76 = arith.constant 0 : i32
    %dma_start3A_77 = tpu.memref_slice %arg2[%dma_start3A_75, %dma_start3A_76] : memref<20000x128xf32, #tpu.memory_space<hbm>> -> memref<20000x128xf32, #tpu.memory_space<hbm>>
    tpu.enqueue_indirect_dma source(%dma_start3A_77 : memref<20000x128xf32, #tpu.memory_space<hbm>>) target(%arg9 : memref<128x128xf32, #tpu.memory_space<vmem>>) offsets(%dma_start3A_74 : memref<128xi32, #tpu.memory_space<vmem>>) semaphore(%arg11 : memref<!tpu.dma_semaphore, #tpu.memory_space<semaphore_mem>>)
    %scan3A_78 = arith.constant 0 : i32
    %scan3A_79 = arith.constant 0 : i32
    %scan3A_80 = arith.constant 19 : i32
    %scan3A_81 = arith.addi %scan3A_79, %scan3A_80 : i32
    %scan3A_82 = arith.constant 1 : i32
    %scan3A_83 = scf.for %scan3A_198 = %scan3A_79 to %scan3A_81 step %scan3A_82 iter_args(%scan3A_199 = %scan3A_78) -> (i32)  : i32 {
      %mul3A_200 = arith.constant 2 : i32
      %mul3A_201 = arith.muli %mul3A_200, %scan3A_198 : i32
      %add3A_202 = arith.constant 1 : i32
      %add3A_203 = arith.addi %mul3A_201, %add3A_202 : i32
      %dma_start3A_204 = arith.constant 0 : i32
      %dma_start3A_205 = tpu.memref_slice %arg7[%add3A_203, %dma_start3A_204] : memref<40x128xi32, #tpu.memory_space<vmem>> -> memref<1x128xi32, #tpu.memory_space<vmem>>
      %dma_start3A_206 = tpu.memref_squeeze %dma_start3A_205 : memref<1x128xi32, #tpu.memory_space<vmem>> -> memref<128xi32, #tpu.memory_space<vmem>>
      %dma_start3A_207 = arith.constant 0 : i32
      %dma_start3A_208 = arith.constant 0 : i32
      %dma_start3A_209 = tpu.memref_slice %arg2[%dma_start3A_207, %dma_start3A_208] : memref<20000x128xf32, #tpu.memory_space<hbm>> -> memref<20000x128xf32, #tpu.memory_space<hbm>>
      tpu.enqueue_indirect_dma source(%dma_start3A_209 : memref<20000x128xf32, #tpu.memory_space<hbm>>) target(%arg10 : memref<128x128xf32, #tpu.memory_space<vmem>>) offsets(%dma_start3A_206 : memref<128xi32, #tpu.memory_space<vmem>>) semaphore(%arg12 : memref<!tpu.dma_semaphore, #tpu.memory_space<semaphore_mem>>)
      %dma_wait3A_210 = arith.constant 0 : i32
      %dma_wait3A_211 = tpu.memref_slice %arg7[%mul3A_201, %dma_wait3A_210] : memref<40x128xi32, #tpu.memory_space<vmem>> -> memref<1x128xi32, #tpu.memory_space<vmem>>
      %dma_wait3A_212 = tpu.memref_squeeze %dma_wait3A_211 : memref<1x128xi32, #tpu.memory_space<vmem>> -> memref<128xi32, #tpu.memory_space<vmem>>
      %dma_wait3A_213 = arith.constant 0 : i32
      %dma_wait3A_214 = arith.constant 0 : i32
      %dma_wait3A_215 = tpu.memref_slice %arg2[%dma_wait3A_213, %dma_wait3A_214] : memref<20000x128xf32, #tpu.memory_space<hbm>> -> memref<20000x128xf32, #tpu.memory_space<hbm>>
      tpu.wait_indirect_dma semaphore(%arg11 : memref<!tpu.dma_semaphore, #tpu.memory_space<semaphore_mem>>) src(%dma_wait3A_215 : memref<20000x128xf32, #tpu.memory_space<hbm>>) dst(%arg9 : memref<128x128xf32, #tpu.memory_space<vmem>>)
      "tpu.region"() ({
        %run_scoped3A_235 = tpu.sem_alloc : memref<!tpu.dma_semaphore, #tpu.memory_space<semaphore_mem>>
        %dma_start3A_236 = arith.constant 0 : i32
        %dma_start3A_237 = tpu.memref_slice %arg8[%mul3A_201, %dma_start3A_236] : memref<40x128xi32, #tpu.memory_space<vmem>> -> memref<1x128xi32, #tpu.memory_space<vmem>>
        %dma_start3A_238 = tpu.memref_squeeze %dma_start3A_237 : memref<1x128xi32, #tpu.memory_space<vmem>> -> memref<128xi32, #tpu.memory_space<vmem>>
        %dma_start3A_239 = arith.constant 0 : i32
        %dma_start3A_240 = arith.constant 0 : i32
        %dma_start3A_241 = tpu.memref_slice %arg6[%dma_start3A_239, %dma_start3A_240] : memref<10240x128xf32, #tpu.memory_space<vmem_shared>> -> memref<10240x128xf32, #tpu.memory_space<vmem_shared>>
        tpu.enqueue_indirect_dma source(%arg9 : memref<128x128xf32, #tpu.memory_space<vmem>>) target(%dma_start3A_241 : memref<10240x128xf32, #tpu.memory_space<vmem_shared>>) offsets(%dma_start3A_238 : memref<128xi32, #tpu.memory_space<vmem>>) semaphore(%run_scoped3A_235 : memref<!tpu.dma_semaphore, #tpu.memory_space<semaphore_mem>>) {add = true}
        %dma_wait3A_242 = arith.constant 0 : i32
        %dma_wait3A_243 = tpu.memref_slice %arg8[%mul3A_201, %dma_wait3A_242] : memref<40x128xi32, #tpu.memory_space<vmem>> -> memref<1x128xi32, #tpu.memory_space<vmem>>
        %dma_wait3A_244 = tpu.memref_squeeze %dma_wait3A_243 : memref<1x128xi32, #tpu.memory_space<vmem>> -> memref<128xi32, #tpu.memory_space<vmem>>
        %dma_wait3A_245 = arith.constant 0 : i32
        %dma_wait3A_246 = arith.constant 0 : i32
        %dma_wait3A_247 = tpu.memref_slice %arg6[%dma_wait3A_245, %dma_wait3A_246] : memref<10240x128xf32, #tpu.memory_space<vmem_shared>> -> memref<10240x128xf32, #tpu.memory_space<vmem_shared>>
        tpu.wait_indirect_dma semaphore(%run_scoped3A_235 : memref<!tpu.dma_semaphore, #tpu.memory_space<semaphore_mem>>) src(%arg9 : memref<128x128xf32, #tpu.memory_space<vmem>>) dst(%dma_wait3A_247 : memref<10240x128xf32, #tpu.memory_space<vmem_shared>>)
        tpu.yield
      }) : () -> ()
      %add3A_216 = arith.constant 2 : i32
      %add3A_217 = arith.addi %mul3A_201, %add3A_216 : i32
      %dma_start3A_218 = arith.constant 0 : i32
      %dma_start3A_219 = tpu.memref_slice %arg7[%add3A_217, %dma_start3A_218] : memref<40x128xi32, #tpu.memory_space<vmem>> -> memref<1x128xi32, #tpu.memory_space<vmem>>
      %dma_start3A_220 = tpu.memref_squeeze %dma_start3A_219 : memref<1x128xi32, #tpu.memory_space<vmem>> -> memref<128xi32, #tpu.memory_space<vmem>>
      %dma_start3A_221 = arith.constant 0 : i32
      %dma_start3A_222 = arith.constant 0 : i32
      %dma_start3A_223 = tpu.memref_slice %arg2[%dma_start3A_221, %dma_start3A_222] : memref<20000x128xf32, #tpu.memory_space<hbm>> -> memref<20000x128xf32, #tpu.memory_space<hbm>>
      tpu.enqueue_indirect_dma source(%dma_start3A_223 : memref<20000x128xf32, #tpu.memory_space<hbm>>) target(%arg9 : memref<128x128xf32, #tpu.memory_space<vmem>>) offsets(%dma_start3A_220 : memref<128xi32, #tpu.memory_space<vmem>>) semaphore(%arg11 : memref<!tpu.dma_semaphore, #tpu.memory_space<semaphore_mem>>)
      %add3A_224 = arith.constant 1 : i32
      %add3A_225 = arith.addi %mul3A_201, %add3A_224 : i32
      %dma_wait3A_226 = arith.constant 0 : i32
      %dma_wait3A_227 = tpu.memref_slice %arg7[%add3A_225, %dma_wait3A_226] : memref<40x128xi32, #tpu.memory_space<vmem>> -> memref<1x128xi32, #tpu.memory_space<vmem>>
      %dma_wait3A_228 = tpu.memref_squeeze %dma_wait3A_227 : memref<1x128xi32, #tpu.memory_space<vmem>> -> memref<128xi32, #tpu.memory_space<vmem>>
      %dma_wait3A_229 = arith.constant 0 : i32
      %dma_wait3A_230 = arith.constant 0 : i32
      %dma_wait3A_231 = tpu.memref_slice %arg2[%dma_wait3A_229, %dma_wait3A_230] : memref<20000x128xf32, #tpu.memory_space<hbm>> -> memref<20000x128xf32, #tpu.memory_space<hbm>>
      tpu.wait_indirect_dma semaphore(%arg12 : memref<!tpu.dma_semaphore, #tpu.memory_space<semaphore_mem>>) src(%dma_wait3A_231 : memref<20000x128xf32, #tpu.memory_space<hbm>>) dst(%arg10 : memref<128x128xf32, #tpu.memory_space<vmem>>)
      %add3A_232 = arith.constant 1 : i32
      %add3A_233 = arith.addi %mul3A_201, %add3A_232 : i32
      "tpu.region"() ({
        %run_scoped3A_235 = tpu.sem_alloc : memref<!tpu.dma_semaphore, #tpu.memory_space<semaphore_mem>>
        %dma_start3A_236 = arith.constant 0 : i32
        %dma_start3A_237 = tpu.memref_slice %arg8[%add3A_233, %dma_start3A_236] : memref<40x128xi32, #tpu.memory_space<vmem>> -> memref<1x128xi32, #tpu.memory_space<vmem>>
        %dma_start3A_238 = tpu.memref_squeeze %dma_start3A_237 : memref<1x128xi32, #tpu.memory_space<vmem>> -> memref<128xi32, #tpu.memory_space<vmem>>
        %dma_start3A_239 = arith.constant 0 : i32
        %dma_start3A_240 = arith.constant 0 : i32
        %dma_start3A_241 = tpu.memref_slice %arg6[%dma_start3A_239, %dma_start3A_240] : memref<10240x128xf32, #tpu.memory_space<vmem_shared>> -> memref<10240x128xf32, #tpu.memory_space<vmem_shared>>
        tpu.enqueue_indirect_dma source(%arg10 : memref<128x128xf32, #tpu.memory_space<vmem>>) target(%dma_start3A_241 : memref<10240x128xf32, #tpu.memory_space<vmem_shared>>) offsets(%dma_start3A_238 : memref<128xi32, #tpu.memory_space<vmem>>) semaphore(%run_scoped3A_235 : memref<!tpu.dma_semaphore, #tpu.memory_space<semaphore_mem>>) {add = true}
        %dma_wait3A_242 = arith.constant 0 : i32
        %dma_wait3A_243 = tpu.memref_slice %arg8[%add3A_233, %dma_wait3A_242] : memref<40x128xi32, #tpu.memory_space<vmem>> -> memref<1x128xi32, #tpu.memory_space<vmem>>
        %dma_wait3A_244 = tpu.memref_squeeze %dma_wait3A_243 : memref<1x128xi32, #tpu.memory_space<vmem>> -> memref<128xi32, #tpu.memory_space<vmem>>
        %dma_wait3A_245 = arith.constant 0 : i32
        %dma_wait3A_246 = arith.constant 0 : i32
        %dma_wait3A_247 = tpu.memref_slice %arg6[%dma_wait3A_245, %dma_wait3A_246] : memref<10240x128xf32, #tpu.memory_space<vmem_shared>> -> memref<10240x128xf32, #tpu.memory_space<vmem_shared>>
        tpu.wait_indirect_dma semaphore(%run_scoped3A_235 : memref<!tpu.dma_semaphore, #tpu.memory_space<semaphore_mem>>) src(%arg10 : memref<128x128xf32, #tpu.memory_space<vmem>>) dst(%dma_wait3A_247 : memref<10240x128xf32, #tpu.memory_space<vmem_shared>>)
        tpu.yield
      }) : () -> ()
      %scan3A_234 = arith.constant 0 : i32
      scf.yield %scan3A_234 : i32
    }
    %scan3A_84 = arith.constant 19 : i32
    %dma_start3A_85 = arith.constant 39 : i32
    %dma_start3A_86 = arith.constant 0 : i32
    %dma_start3A_87 = tpu.memref_slice %arg7[%dma_start3A_85, %dma_start3A_86] : memref<40x128xi32, #tpu.memory_space<vmem>> -> memref<1x128xi32, #tpu.memory_space<vmem>>
    %dma_start3A_88 = tpu.memref_squeeze %dma_start3A_87 : memref<1x128xi32, #tpu.memory_space<vmem>> -> memref<128xi32, #tpu.memory_space<vmem>>
    %dma_start3A_89 = arith.constant 0 : i32
    %dma_start3A_90 = arith.constant 0 : i32
    %dma_start3A_91 = tpu.memref_slice %arg2[%dma_start3A_89, %dma_start3A_90] : memref<20000x128xf32, #tpu.memory_space<hbm>> -> memref<20000x128xf32, #tpu.memory_space<hbm>>
    tpu.enqueue_indirect_dma source(%dma_start3A_91 : memref<20000x128xf32, #tpu.memory_space<hbm>>) target(%arg10 : memref<128x128xf32, #tpu.memory_space<vmem>>) offsets(%dma_start3A_88 : memref<128xi32, #tpu.memory_space<vmem>>) semaphore(%arg12 : memref<!tpu.dma_semaphore, #tpu.memory_space<semaphore_mem>>)
    %dma_wait3A_92 = arith.constant 38 : i32
    %dma_wait3A_93 = arith.constant 0 : i32
    %dma_wait3A_94 = tpu.memref_slice %arg7[%dma_wait3A_92, %dma_wait3A_93] : memref<40x128xi32, #tpu.memory_space<vmem>> -> memref<1x128xi32, #tpu.memory_space<vmem>>
    %dma_wait3A_95 = tpu.memref_squeeze %dma_wait3A_94 : memref<1x128xi32, #tpu.memory_space<vmem>> -> memref<128xi32, #tpu.memory_space<vmem>>
    %dma_wait3A_96 = arith.constant 0 : i32
    %dma_wait3A_97 = arith.constant 0 : i32
    %dma_wait3A_98 = tpu.memref_slice %arg2[%dma_wait3A_96, %dma_wait3A_97] : memref<20000x128xf32, #tpu.memory_space<hbm>> -> memref<20000x128xf32, #tpu.memory_space<hbm>>
    tpu.wait_indirect_dma semaphore(%arg11 : memref<!tpu.dma_semaphore, #tpu.memory_space<semaphore_mem>>) src(%dma_wait3A_98 : memref<20000x128xf32, #tpu.memory_space<hbm>>) dst(%arg9 : memref<128x128xf32, #tpu.memory_space<vmem>>)
    %run_scoped3A_99 = arith.constant 38 : i32
    "tpu.region"() ({
      %run_scoped3A_198 = tpu.sem_alloc : memref<!tpu.dma_semaphore, #tpu.memory_space<semaphore_mem>>
      %dma_start3A_199 = arith.constant 0 : i32
      %dma_start3A_200 = tpu.memref_slice %arg8[%run_scoped3A_99, %dma_start3A_199] : memref<40x128xi32, #tpu.memory_space<vmem>> -> memref<1x128xi32, #tpu.memory_space<vmem>>
      %dma_start3A_201 = tpu.memref_squeeze %dma_start3A_200 : memref<1x128xi32, #tpu.memory_space<vmem>> -> memref<128xi32, #tpu.memory_space<vmem>>
      %dma_start3A_202 = arith.constant 0 : i32
      %dma_start3A_203 = arith.constant 0 : i32
      %dma_start3A_204 = tpu.memref_slice %arg6[%dma_start3A_202, %dma_start3A_203] : memref<10240x128xf32, #tpu.memory_space<vmem_shared>> -> memref<10240x128xf32, #tpu.memory_space<vmem_shared>>
      tpu.enqueue_indirect_dma source(%arg9 : memref<128x128xf32, #tpu.memory_space<vmem>>) target(%dma_start3A_204 : memref<10240x128xf32, #tpu.memory_space<vmem_shared>>) offsets(%dma_start3A_201 : memref<128xi32, #tpu.memory_space<vmem>>) semaphore(%run_scoped3A_198 : memref<!tpu.dma_semaphore, #tpu.memory_space<semaphore_mem>>) {add = true}
      %dma_wait3A_205 = arith.constant 0 : i32
      %dma_wait3A_206 = tpu.memref_slice %arg8[%run_scoped3A_99, %dma_wait3A_205] : memref<40x128xi32, #tpu.memory_space<vmem>> -> memref<1x128xi32, #tpu.memory_space<vmem>>
      %dma_wait3A_207 = tpu.memref_squeeze %dma_wait3A_206 : memref<1x128xi32, #tpu.memory_space<vmem>> -> memref<128xi32, #tpu.memory_space<vmem>>
      %dma_wait3A_208 = arith.constant 0 : i32
      %dma_wait3A_209 = arith.constant 0 : i32
      %dma_wait3A_210 = tpu.memref_slice %arg6[%dma_wait3A_208, %dma_wait3A_209] : memref<10240x128xf32, #tpu.memory_space<vmem_shared>> -> memref<10240x128xf32, #tpu.memory_space<vmem_shared>>
      tpu.wait_indirect_dma semaphore(%run_scoped3A_198 : memref<!tpu.dma_semaphore, #tpu.memory_space<semaphore_mem>>) src(%arg9 : memref<128x128xf32, #tpu.memory_space<vmem>>) dst(%dma_wait3A_210 : memref<10240x128xf32, #tpu.memory_space<vmem_shared>>)
      tpu.yield
    }) : () -> ()
    %dma_wait3A_100 = arith.constant 39 : i32
    %dma_wait3A_101 = arith.constant 0 : i32
    %dma_wait3A_102 = tpu.memref_slice %arg7[%dma_wait3A_100, %dma_wait3A_101] : memref<40x128xi32, #tpu.memory_space<vmem>> -> memref<1x128xi32, #tpu.memory_space<vmem>>
    %dma_wait3A_103 = tpu.memref_squeeze %dma_wait3A_102 : memref<1x128xi32, #tpu.memory_space<vmem>> -> memref<128xi32, #tpu.memory_space<vmem>>
    %dma_wait3A_104 = arith.constant 0 : i32
    %dma_wait3A_105 = arith.constant 0 : i32
    %dma_wait3A_106 = tpu.memref_slice %arg2[%dma_wait3A_104, %dma_wait3A_105] : memref<20000x128xf32, #tpu.memory_space<hbm>> -> memref<20000x128xf32, #tpu.memory_space<hbm>>
    tpu.wait_indirect_dma semaphore(%arg12 : memref<!tpu.dma_semaphore, #tpu.memory_space<semaphore_mem>>) src(%dma_wait3A_106 : memref<20000x128xf32, #tpu.memory_space<hbm>>) dst(%arg10 : memref<128x128xf32, #tpu.memory_space<vmem>>)
    %run_scoped3A_107 = arith.constant 39 : i32
    "tpu.region"() ({
      %run_scoped3A_198 = tpu.sem_alloc : memref<!tpu.dma_semaphore, #tpu.memory_space<semaphore_mem>>
      %dma_start3A_199 = arith.constant 0 : i32
      %dma_start3A_200 = tpu.memref_slice %arg8[%run_scoped3A_107, %dma_start3A_199] : memref<40x128xi32, #tpu.memory_space<vmem>> -> memref<1x128xi32, #tpu.memory_space<vmem>>
      %dma_start3A_201 = tpu.memref_squeeze %dma_start3A_200 : memref<1x128xi32, #tpu.memory_space<vmem>> -> memref<128xi32, #tpu.memory_space<vmem>>
      %dma_start3A_202 = arith.constant 0 : i32
      %dma_start3A_203 = arith.constant 0 : i32
      %dma_start3A_204 = tpu.memref_slice %arg6[%dma_start3A_202, %dma_start3A_203] : memref<10240x128xf32, #tpu.memory_space<vmem_shared>> -> memref<10240x128xf32, #tpu.memory_space<vmem_shared>>
      tpu.enqueue_indirect_dma source(%arg10 : memref<128x128xf32, #tpu.memory_space<vmem>>) target(%dma_start3A_204 : memref<10240x128xf32, #tpu.memory_space<vmem_shared>>) offsets(%dma_start3A_201 : memref<128xi32, #tpu.memory_space<vmem>>) semaphore(%run_scoped3A_198 : memref<!tpu.dma_semaphore, #tpu.memory_space<semaphore_mem>>) {add = true}
      %dma_wait3A_205 = arith.constant 0 : i32
      %dma_wait3A_206 = tpu.memref_slice %arg8[%run_scoped3A_107, %dma_wait3A_205] : memref<40x128xi32, #tpu.memory_space<vmem>> -> memref<1x128xi32, #tpu.memory_space<vmem>>
      %dma_wait3A_207 = tpu.memref_squeeze %dma_wait3A_206 : memref<1x128xi32, #tpu.memory_space<vmem>> -> memref<128xi32, #tpu.memory_space<vmem>>
      %dma_wait3A_208 = arith.constant 0 : i32
      %dma_wait3A_209 = arith.constant 0 : i32
      %dma_wait3A_210 = tpu.memref_slice %arg6[%dma_wait3A_208, %dma_wait3A_209] : memref<10240x128xf32, #tpu.memory_space<vmem_shared>> -> memref<10240x128xf32, #tpu.memory_space<vmem_shared>>
      tpu.wait_indirect_dma semaphore(%run_scoped3A_198 : memref<!tpu.dma_semaphore, #tpu.memory_space<semaphore_mem>>) src(%arg10 : memref<128x128xf32, #tpu.memory_space<vmem>>) dst(%dma_wait3A_210 : memref<10240x128xf32, #tpu.memory_space<vmem_shared>>)
      tpu.yield
    }) : () -> ()
    %add3A_108 = arith.constant 80 : i32
    %add3A_109 = arith.addi %mul3A_28, %add3A_108 : i32
    "tpu.region"() ({
      %run_scoped3A_198 = tpu.sem_alloc : memref<!tpu.dma_semaphore, #tpu.memory_space<semaphore_mem>>
      %dma_start3A_199 = arith.constant 0 : i32
      %dma_start3A_200 = tpu.memref_slice %arg3[%add3A_109, %dma_start3A_199] : memref<5120x128xi32, #tpu.memory_space<hbm>> -> memref<40x128xi32, #tpu.memory_space<hbm>>
      %dma_start3A_201 = arith.constant 0 : i32
      %dma_start3A_202 = tpu.memref_slice %arg3[%add3A_109, %dma_start3A_201] : memref<5120x128xi32, #tpu.memory_space<hbm>> -> memref<40x128xi32, #tpu.memory_space<hbm>>
      tpu.enqueue_dma source(%dma_start3A_202 : memref<40x128xi32, #tpu.memory_space<hbm>>) target(%arg7 : memref<40x128xi32, #tpu.memory_space<vmem>>) target_semaphore(%run_scoped3A_198 : memref<!tpu.dma_semaphore, #tpu.memory_space<semaphore_mem>>)
      %dma_wait3A_203 = arith.constant 0 : i32
      %dma_wait3A_204 = tpu.memref_slice %arg3[%add3A_109, %dma_wait3A_203] : memref<5120x128xi32, #tpu.memory_space<hbm>> -> memref<40x128xi32, #tpu.memory_space<hbm>>
      %dma_wait3A_205 = arith.constant 0 : i32
      %dma_wait3A_206 = tpu.memref_slice %arg3[%add3A_109, %dma_wait3A_205] : memref<5120x128xi32, #tpu.memory_space<hbm>> -> memref<40x128xi32, #tpu.memory_space<hbm>>
      tpu.wait_dma2 semaphore(%run_scoped3A_198 : memref<!tpu.dma_semaphore, #tpu.memory_space<semaphore_mem>>) src(%dma_wait3A_206 : memref<40x128xi32, #tpu.memory_space<hbm>>) dst(%arg7 : memref<40x128xi32, #tpu.memory_space<vmem>>)
      tpu.yield
    }) : () -> ()
    %add3A_110 = arith.constant 80 : i32
    %add3A_111 = arith.addi %mul3A_28, %add3A_110 : i32
    "tpu.region"() ({
      %run_scoped3A_198 = tpu.sem_alloc : memref<!tpu.dma_semaphore, #tpu.memory_space<semaphore_mem>>
      %dma_start3A_199 = arith.constant 0 : i32
      %dma_start3A_200 = tpu.memref_slice %arg4[%add3A_111, %dma_start3A_199] : memref<5120x128xi32, #tpu.memory_space<hbm>> -> memref<40x128xi32, #tpu.memory_space<hbm>>
      %dma_start3A_201 = arith.constant 0 : i32
      %dma_start3A_202 = tpu.memref_slice %arg4[%add3A_111, %dma_start3A_201] : memref<5120x128xi32, #tpu.memory_space<hbm>> -> memref<40x128xi32, #tpu.memory_space<hbm>>
      tpu.enqueue_dma source(%dma_start3A_202 : memref<40x128xi32, #tpu.memory_space<hbm>>) target(%arg8 : memref<40x128xi32, #tpu.memory_space<vmem>>) target_semaphore(%run_scoped3A_198 : memref<!tpu.dma_semaphore, #tpu.memory_space<semaphore_mem>>)
      %dma_wait3A_203 = arith.constant 0 : i32
      %dma_wait3A_204 = tpu.memref_slice %arg4[%add3A_111, %dma_wait3A_203] : memref<5120x128xi32, #tpu.memory_space<hbm>> -> memref<40x128xi32, #tpu.memory_space<hbm>>
      %dma_wait3A_205 = arith.constant 0 : i32
      %dma_wait3A_206 = tpu.memref_slice %arg4[%add3A_111, %dma_wait3A_205] : memref<5120x128xi32, #tpu.memory_space<hbm>> -> memref<40x128xi32, #tpu.memory_space<hbm>>
      tpu.wait_dma2 semaphore(%run_scoped3A_198 : memref<!tpu.dma_semaphore, #tpu.memory_space<semaphore_mem>>) src(%dma_wait3A_206 : memref<40x128xi32, #tpu.memory_space<hbm>>) dst(%arg8 : memref<40x128xi32, #tpu.memory_space<vmem>>)
      tpu.yield
    }) : () -> ()
    %dma_start3A_112 = arith.constant 0 : i32
    %dma_start3A_113 = arith.constant 0 : i32
    %dma_start3A_114 = tpu.memref_slice %arg7[%dma_start3A_112, %dma_start3A_113] : memref<40x128xi32, #tpu.memory_space<vmem>> -> memref<1x128xi32, #tpu.memory_space<vmem>>
    %dma_start3A_115 = tpu.memref_squeeze %dma_start3A_114 : memref<1x128xi32, #tpu.memory_space<vmem>> -> memref<128xi32, #tpu.memory_space<vmem>>
    %dma_start3A_116 = arith.constant 0 : i32
    %dma_start3A_117 = arith.constant 0 : i32
    %dma_start3A_118 = tpu.memref_slice %arg2[%dma_start3A_116, %dma_start3A_117] : memref<20000x128xf32, #tpu.memory_space<hbm>> -> memref<20000x128xf32, #tpu.memory_space<hbm>>
    tpu.enqueue_indirect_dma source(%dma_start3A_118 : memref<20000x128xf32, #tpu.memory_space<hbm>>) target(%arg9 : memref<128x128xf32, #tpu.memory_space<vmem>>) offsets(%dma_start3A_115 : memref<128xi32, #tpu.memory_space<vmem>>) semaphore(%arg11 : memref<!tpu.dma_semaphore, #tpu.memory_space<semaphore_mem>>)
    %scan3A_119 = arith.constant 0 : i32
    %scan3A_120 = arith.constant 0 : i32
    %scan3A_121 = arith.constant 19 : i32
    %scan3A_122 = arith.addi %scan3A_120, %scan3A_121 : i32
    %scan3A_123 = arith.constant 1 : i32
    %scan3A_124 = scf.for %scan3A_198 = %scan3A_120 to %scan3A_122 step %scan3A_123 iter_args(%scan3A_199 = %scan3A_119) -> (i32)  : i32 {
      %mul3A_200 = arith.constant 2 : i32
      %mul3A_201 = arith.muli %mul3A_200, %scan3A_198 : i32
      %add3A_202 = arith.constant 1 : i32
      %add3A_203 = arith.addi %mul3A_201, %add3A_202 : i32
      %dma_start3A_204 = arith.constant 0 : i32
      %dma_start3A_205 = tpu.memref_slice %arg7[%add3A_203, %dma_start3A_204] : memref<40x128xi32, #tpu.memory_space<vmem>> -> memref<1x128xi32, #tpu.memory_space<vmem>>
      %dma_start3A_206 = tpu.memref_squeeze %dma_start3A_205 : memref<1x128xi32, #tpu.memory_space<vmem>> -> memref<128xi32, #tpu.memory_space<vmem>>
      %dma_start3A_207 = arith.constant 0 : i32
      %dma_start3A_208 = arith.constant 0 : i32
      %dma_start3A_209 = tpu.memref_slice %arg2[%dma_start3A_207, %dma_start3A_208] : memref<20000x128xf32, #tpu.memory_space<hbm>> -> memref<20000x128xf32, #tpu.memory_space<hbm>>
      tpu.enqueue_indirect_dma source(%dma_start3A_209 : memref<20000x128xf32, #tpu.memory_space<hbm>>) target(%arg10 : memref<128x128xf32, #tpu.memory_space<vmem>>) offsets(%dma_start3A_206 : memref<128xi32, #tpu.memory_space<vmem>>) semaphore(%arg12 : memref<!tpu.dma_semaphore, #tpu.memory_space<semaphore_mem>>)
      %dma_wait3A_210 = arith.constant 0 : i32
      %dma_wait3A_211 = tpu.memref_slice %arg7[%mul3A_201, %dma_wait3A_210] : memref<40x128xi32, #tpu.memory_space<vmem>> -> memref<1x128xi32, #tpu.memory_space<vmem>>
      %dma_wait3A_212 = tpu.memref_squeeze %dma_wait3A_211 : memref<1x128xi32, #tpu.memory_space<vmem>> -> memref<128xi32, #tpu.memory_space<vmem>>
      %dma_wait3A_213 = arith.constant 0 : i32
      %dma_wait3A_214 = arith.constant 0 : i32
      %dma_wait3A_215 = tpu.memref_slice %arg2[%dma_wait3A_213, %dma_wait3A_214] : memref<20000x128xf32, #tpu.memory_space<hbm>> -> memref<20000x128xf32, #tpu.memory_space<hbm>>
      tpu.wait_indirect_dma semaphore(%arg11 : memref<!tpu.dma_semaphore, #tpu.memory_space<semaphore_mem>>) src(%dma_wait3A_215 : memref<20000x128xf32, #tpu.memory_space<hbm>>) dst(%arg9 : memref<128x128xf32, #tpu.memory_space<vmem>>)
      "tpu.region"() ({
        %run_scoped3A_235 = tpu.sem_alloc : memref<!tpu.dma_semaphore, #tpu.memory_space<semaphore_mem>>
        %dma_start3A_236 = arith.constant 0 : i32
        %dma_start3A_237 = tpu.memref_slice %arg8[%mul3A_201, %dma_start3A_236] : memref<40x128xi32, #tpu.memory_space<vmem>> -> memref<1x128xi32, #tpu.memory_space<vmem>>
        %dma_start3A_238 = tpu.memref_squeeze %dma_start3A_237 : memref<1x128xi32, #tpu.memory_space<vmem>> -> memref<128xi32, #tpu.memory_space<vmem>>
        %dma_start3A_239 = arith.constant 0 : i32
        %dma_start3A_240 = arith.constant 0 : i32
        %dma_start3A_241 = tpu.memref_slice %arg6[%dma_start3A_239, %dma_start3A_240] : memref<10240x128xf32, #tpu.memory_space<vmem_shared>> -> memref<10240x128xf32, #tpu.memory_space<vmem_shared>>
        tpu.enqueue_indirect_dma source(%arg9 : memref<128x128xf32, #tpu.memory_space<vmem>>) target(%dma_start3A_241 : memref<10240x128xf32, #tpu.memory_space<vmem_shared>>) offsets(%dma_start3A_238 : memref<128xi32, #tpu.memory_space<vmem>>) semaphore(%run_scoped3A_235 : memref<!tpu.dma_semaphore, #tpu.memory_space<semaphore_mem>>) {add = true}
        %dma_wait3A_242 = arith.constant 0 : i32
        %dma_wait3A_243 = tpu.memref_slice %arg8[%mul3A_201, %dma_wait3A_242] : memref<40x128xi32, #tpu.memory_space<vmem>> -> memref<1x128xi32, #tpu.memory_space<vmem>>
        %dma_wait3A_244 = tpu.memref_squeeze %dma_wait3A_243 : memref<1x128xi32, #tpu.memory_space<vmem>> -> memref<128xi32, #tpu.memory_space<vmem>>
        %dma_wait3A_245 = arith.constant 0 : i32
        %dma_wait3A_246 = arith.constant 0 : i32
        %dma_wait3A_247 = tpu.memref_slice %arg6[%dma_wait3A_245, %dma_wait3A_246] : memref<10240x128xf32, #tpu.memory_space<vmem_shared>> -> memref<10240x128xf32, #tpu.memory_space<vmem_shared>>
        tpu.wait_indirect_dma semaphore(%run_scoped3A_235 : memref<!tpu.dma_semaphore, #tpu.memory_space<semaphore_mem>>) src(%arg9 : memref<128x128xf32, #tpu.memory_space<vmem>>) dst(%dma_wait3A_247 : memref<10240x128xf32, #tpu.memory_space<vmem_shared>>)
        tpu.yield
      }) : () -> ()
      %add3A_216 = arith.constant 2 : i32
      %add3A_217 = arith.addi %mul3A_201, %add3A_216 : i32
      %dma_start3A_218 = arith.constant 0 : i32
      %dma_start3A_219 = tpu.memref_slice %arg7[%add3A_217, %dma_start3A_218] : memref<40x128xi32, #tpu.memory_space<vmem>> -> memref<1x128xi32, #tpu.memory_space<vmem>>
      %dma_start3A_220 = tpu.memref_squeeze %dma_start3A_219 : memref<1x128xi32, #tpu.memory_space<vmem>> -> memref<128xi32, #tpu.memory_space<vmem>>
      %dma_start3A_221 = arith.constant 0 : i32
      %dma_start3A_222 = arith.constant 0 : i32
      %dma_start3A_223 = tpu.memref_slice %arg2[%dma_start3A_221, %dma_start3A_222] : memref<20000x128xf32, #tpu.memory_space<hbm>> -> memref<20000x128xf32, #tpu.memory_space<hbm>>
      tpu.enqueue_indirect_dma source(%dma_start3A_223 : memref<20000x128xf32, #tpu.memory_space<hbm>>) target(%arg9 : memref<128x128xf32, #tpu.memory_space<vmem>>) offsets(%dma_start3A_220 : memref<128xi32, #tpu.memory_space<vmem>>) semaphore(%arg11 : memref<!tpu.dma_semaphore, #tpu.memory_space<semaphore_mem>>)
      %add3A_224 = arith.constant 1 : i32
      %add3A_225 = arith.addi %mul3A_201, %add3A_224 : i32
      %dma_wait3A_226 = arith.constant 0 : i32
      %dma_wait3A_227 = tpu.memref_slice %arg7[%add3A_225, %dma_wait3A_226] : memref<40x128xi32, #tpu.memory_space<vmem>> -> memref<1x128xi32, #tpu.memory_space<vmem>>
      %dma_wait3A_228 = tpu.memref_squeeze %dma_wait3A_227 : memref<1x128xi32, #tpu.memory_space<vmem>> -> memref<128xi32, #tpu.memory_space<vmem>>
      %dma_wait3A_229 = arith.constant 0 : i32
      %dma_wait3A_230 = arith.constant 0 : i32
      %dma_wait3A_231 = tpu.memref_slice %arg2[%dma_wait3A_229, %dma_wait3A_230] : memref<20000x128xf32, #tpu.memory_space<hbm>> -> memref<20000x128xf32, #tpu.memory_space<hbm>>
      tpu.wait_indirect_dma semaphore(%arg12 : memref<!tpu.dma_semaphore, #tpu.memory_space<semaphore_mem>>) src(%dma_wait3A_231 : memref<20000x128xf32, #tpu.memory_space<hbm>>) dst(%arg10 : memref<128x128xf32, #tpu.memory_space<vmem>>)
      %add3A_232 = arith.constant 1 : i32
      %add3A_233 = arith.addi %mul3A_201, %add3A_232 : i32
      "tpu.region"() ({
        %run_scoped3A_235 = tpu.sem_alloc : memref<!tpu.dma_semaphore, #tpu.memory_space<semaphore_mem>>
        %dma_start3A_236 = arith.constant 0 : i32
        %dma_start3A_237 = tpu.memref_slice %arg8[%add3A_233, %dma_start3A_236] : memref<40x128xi32, #tpu.memory_space<vmem>> -> memref<1x128xi32, #tpu.memory_space<vmem>>
        %dma_start3A_238 = tpu.memref_squeeze %dma_start3A_237 : memref<1x128xi32, #tpu.memory_space<vmem>> -> memref<128xi32, #tpu.memory_space<vmem>>
        %dma_start3A_239 = arith.constant 0 : i32
        %dma_start3A_240 = arith.constant 0 : i32
        %dma_start3A_241 = tpu.memref_slice %arg6[%dma_start3A_239, %dma_start3A_240] : memref<10240x128xf32, #tpu.memory_space<vmem_shared>> -> memref<10240x128xf32, #tpu.memory_space<vmem_shared>>
        tpu.enqueue_indirect_dma source(%arg10 : memref<128x128xf32, #tpu.memory_space<vmem>>) target(%dma_start3A_241 : memref<10240x128xf32, #tpu.memory_space<vmem_shared>>) offsets(%dma_start3A_238 : memref<128xi32, #tpu.memory_space<vmem>>) semaphore(%run_scoped3A_235 : memref<!tpu.dma_semaphore, #tpu.memory_space<semaphore_mem>>) {add = true}
        %dma_wait3A_242 = arith.constant 0 : i32
        %dma_wait3A_243 = tpu.memref_slice %arg8[%add3A_233, %dma_wait3A_242] : memref<40x128xi32, #tpu.memory_space<vmem>> -> memref<1x128xi32, #tpu.memory_space<vmem>>
        %dma_wait3A_244 = tpu.memref_squeeze %dma_wait3A_243 : memref<1x128xi32, #tpu.memory_space<vmem>> -> memref<128xi32, #tpu.memory_space<vmem>>
        %dma_wait3A_245 = arith.constant 0 : i32
        %dma_wait3A_246 = arith.constant 0 : i32
        %dma_wait3A_247 = tpu.memref_slice %arg6[%dma_wait3A_245, %dma_wait3A_246] : memref<10240x128xf32, #tpu.memory_space<vmem_shared>> -> memref<10240x128xf32, #tpu.memory_space<vmem_shared>>
        tpu.wait_indirect_dma semaphore(%run_scoped3A_235 : memref<!tpu.dma_semaphore, #tpu.memory_space<semaphore_mem>>) src(%arg10 : memref<128x128xf32, #tpu.memory_space<vmem>>) dst(%dma_wait3A_247 : memref<10240x128xf32, #tpu.memory_space<vmem_shared>>)
        tpu.yield
      }) : () -> ()
      %scan3A_234 = arith.constant 0 : i32
      scf.yield %scan3A_234 : i32
    }
    %scan3A_125 = arith.constant 19 : i32
    %dma_start3A_126 = arith.constant 39 : i32
    %dma_start3A_127 = arith.constant 0 : i32
    %dma_start3A_128 = tpu.memref_slice %arg7[%dma_start3A_126, %dma_start3A_127] : memref<40x128xi32, #tpu.memory_space<vmem>> -> memref<1x128xi32, #tpu.memory_space<vmem>>
    %dma_start3A_129 = tpu.memref_squeeze %dma_start3A_128 : memref<1x128xi32, #tpu.memory_space<vmem>> -> memref<128xi32, #tpu.memory_space<vmem>>
    %dma_start3A_130 = arith.constant 0 : i32
    %dma_start3A_131 = arith.constant 0 : i32
    %dma_start3A_132 = tpu.memref_slice %arg2[%dma_start3A_130, %dma_start3A_131] : memref<20000x128xf32, #tpu.memory_space<hbm>> -> memref<20000x128xf32, #tpu.memory_space<hbm>>
    tpu.enqueue_indirect_dma source(%dma_start3A_132 : memref<20000x128xf32, #tpu.memory_space<hbm>>) target(%arg10 : memref<128x128xf32, #tpu.memory_space<vmem>>) offsets(%dma_start3A_129 : memref<128xi32, #tpu.memory_space<vmem>>) semaphore(%arg12 : memref<!tpu.dma_semaphore, #tpu.memory_space<semaphore_mem>>)
    %dma_wait3A_133 = arith.constant 38 : i32
    %dma_wait3A_134 = arith.constant 0 : i32
    %dma_wait3A_135 = tpu.memref_slice %arg7[%dma_wait3A_133, %dma_wait3A_134] : memref<40x128xi32, #tpu.memory_space<vmem>> -> memref<1x128xi32, #tpu.memory_space<vmem>>
    %dma_wait3A_136 = tpu.memref_squeeze %dma_wait3A_135 : memref<1x128xi32, #tpu.memory_space<vmem>> -> memref<128xi32, #tpu.memory_space<vmem>>
    %dma_wait3A_137 = arith.constant 0 : i32
    %dma_wait3A_138 = arith.constant 0 : i32
    %dma_wait3A_139 = tpu.memref_slice %arg2[%dma_wait3A_137, %dma_wait3A_138] : memref<20000x128xf32, #tpu.memory_space<hbm>> -> memref<20000x128xf32, #tpu.memory_space<hbm>>
    tpu.wait_indirect_dma semaphore(%arg11 : memref<!tpu.dma_semaphore, #tpu.memory_space<semaphore_mem>>) src(%dma_wait3A_139 : memref<20000x128xf32, #tpu.memory_space<hbm>>) dst(%arg9 : memref<128x128xf32, #tpu.memory_space<vmem>>)
    %run_scoped3A_140 = arith.constant 38 : i32
    "tpu.region"() ({
      %run_scoped3A_198 = tpu.sem_alloc : memref<!tpu.dma_semaphore, #tpu.memory_space<semaphore_mem>>
      %dma_start3A_199 = arith.constant 0 : i32
      %dma_start3A_200 = tpu.memref_slice %arg8[%run_scoped3A_140, %dma_start3A_199] : memref<40x128xi32, #tpu.memory_space<vmem>> -> memref<1x128xi32, #tpu.memory_space<vmem>>
      %dma_start3A_201 = tpu.memref_squeeze %dma_start3A_200 : memref<1x128xi32, #tpu.memory_space<vmem>> -> memref<128xi32, #tpu.memory_space<vmem>>
      %dma_start3A_202 = arith.constant 0 : i32
      %dma_start3A_203 = arith.constant 0 : i32
      %dma_start3A_204 = tpu.memref_slice %arg6[%dma_start3A_202, %dma_start3A_203] : memref<10240x128xf32, #tpu.memory_space<vmem_shared>> -> memref<10240x128xf32, #tpu.memory_space<vmem_shared>>
      tpu.enqueue_indirect_dma source(%arg9 : memref<128x128xf32, #tpu.memory_space<vmem>>) target(%dma_start3A_204 : memref<10240x128xf32, #tpu.memory_space<vmem_shared>>) offsets(%dma_start3A_201 : memref<128xi32, #tpu.memory_space<vmem>>) semaphore(%run_scoped3A_198 : memref<!tpu.dma_semaphore, #tpu.memory_space<semaphore_mem>>) {add = true}
      %dma_wait3A_205 = arith.constant 0 : i32
      %dma_wait3A_206 = tpu.memref_slice %arg8[%run_scoped3A_140, %dma_wait3A_205] : memref<40x128xi32, #tpu.memory_space<vmem>> -> memref<1x128xi32, #tpu.memory_space<vmem>>
      %dma_wait3A_207 = tpu.memref_squeeze %dma_wait3A_206 : memref<1x128xi32, #tpu.memory_space<vmem>> -> memref<128xi32, #tpu.memory_space<vmem>>
      %dma_wait3A_208 = arith.constant 0 : i32
      %dma_wait3A_209 = arith.constant 0 : i32
      %dma_wait3A_210 = tpu.memref_slice %arg6[%dma_wait3A_208, %dma_wait3A_209] : memref<10240x128xf32, #tpu.memory_space<vmem_shared>> -> memref<10240x128xf32, #tpu.memory_space<vmem_shared>>
      tpu.wait_indirect_dma semaphore(%run_scoped3A_198 : memref<!tpu.dma_semaphore, #tpu.memory_space<semaphore_mem>>) src(%arg9 : memref<128x128xf32, #tpu.memory_space<vmem>>) dst(%dma_wait3A_210 : memref<10240x128xf32, #tpu.memory_space<vmem_shared>>)
      tpu.yield
    }) : () -> ()
    %dma_wait3A_141 = arith.constant 39 : i32
    %dma_wait3A_142 = arith.constant 0 : i32
    %dma_wait3A_143 = tpu.memref_slice %arg7[%dma_wait3A_141, %dma_wait3A_142] : memref<40x128xi32, #tpu.memory_space<vmem>> -> memref<1x128xi32, #tpu.memory_space<vmem>>
    %dma_wait3A_144 = tpu.memref_squeeze %dma_wait3A_143 : memref<1x128xi32, #tpu.memory_space<vmem>> -> memref<128xi32, #tpu.memory_space<vmem>>
    %dma_wait3A_145 = arith.constant 0 : i32
    %dma_wait3A_146 = arith.constant 0 : i32
    %dma_wait3A_147 = tpu.memref_slice %arg2[%dma_wait3A_145, %dma_wait3A_146] : memref<20000x128xf32, #tpu.memory_space<hbm>> -> memref<20000x128xf32, #tpu.memory_space<hbm>>
    tpu.wait_indirect_dma semaphore(%arg12 : memref<!tpu.dma_semaphore, #tpu.memory_space<semaphore_mem>>) src(%dma_wait3A_147 : memref<20000x128xf32, #tpu.memory_space<hbm>>) dst(%arg10 : memref<128x128xf32, #tpu.memory_space<vmem>>)
    %run_scoped3A_148 = arith.constant 39 : i32
    "tpu.region"() ({
      %run_scoped3A_198 = tpu.sem_alloc : memref<!tpu.dma_semaphore, #tpu.memory_space<semaphore_mem>>
      %dma_start3A_199 = arith.constant 0 : i32
      %dma_start3A_200 = tpu.memref_slice %arg8[%run_scoped3A_148, %dma_start3A_199] : memref<40x128xi32, #tpu.memory_space<vmem>> -> memref<1x128xi32, #tpu.memory_space<vmem>>
      %dma_start3A_201 = tpu.memref_squeeze %dma_start3A_200 : memref<1x128xi32, #tpu.memory_space<vmem>> -> memref<128xi32, #tpu.memory_space<vmem>>
      %dma_start3A_202 = arith.constant 0 : i32
      %dma_start3A_203 = arith.constant 0 : i32
      %dma_start3A_204 = tpu.memref_slice %arg6[%dma_start3A_202, %dma_start3A_203] : memref<10240x128xf32, #tpu.memory_space<vmem_shared>> -> memref<10240x128xf32, #tpu.memory_space<vmem_shared>>
      tpu.enqueue_indirect_dma source(%arg10 : memref<128x128xf32, #tpu.memory_space<vmem>>) target(%dma_start3A_204 : memref<10240x128xf32, #tpu.memory_space<vmem_shared>>) offsets(%dma_start3A_201 : memref<128xi32, #tpu.memory_space<vmem>>) semaphore(%run_scoped3A_198 : memref<!tpu.dma_semaphore, #tpu.memory_space<semaphore_mem>>) {add = true}
      %dma_wait3A_205 = arith.constant 0 : i32
      %dma_wait3A_206 = tpu.memref_slice %arg8[%run_scoped3A_148, %dma_wait3A_205] : memref<40x128xi32, #tpu.memory_space<vmem>> -> memref<1x128xi32, #tpu.memory_space<vmem>>
      %dma_wait3A_207 = tpu.memref_squeeze %dma_wait3A_206 : memref<1x128xi32, #tpu.memory_space<vmem>> -> memref<128xi32, #tpu.memory_space<vmem>>
      %dma_wait3A_208 = arith.constant 0 : i32
      %dma_wait3A_209 = arith.constant 0 : i32
      %dma_wait3A_210 = tpu.memref_slice %arg6[%dma_wait3A_208, %dma_wait3A_209] : memref<10240x128xf32, #tpu.memory_space<vmem_shared>> -> memref<10240x128xf32, #tpu.memory_space<vmem_shared>>
      tpu.wait_indirect_dma semaphore(%run_scoped3A_198 : memref<!tpu.dma_semaphore, #tpu.memory_space<semaphore_mem>>) src(%arg10 : memref<128x128xf32, #tpu.memory_space<vmem>>) dst(%dma_wait3A_210 : memref<10240x128xf32, #tpu.memory_space<vmem_shared>>)
      tpu.yield
    }) : () -> ()
    %add3A_149 = arith.constant 120 : i32
    %add3A_150 = arith.addi %mul3A_28, %add3A_149 : i32
    "tpu.region"() ({
      %run_scoped3A_198 = tpu.sem_alloc : memref<!tpu.dma_semaphore, #tpu.memory_space<semaphore_mem>>
      %dma_start3A_199 = arith.constant 0 : i32
      %dma_start3A_200 = tpu.memref_slice %arg3[%add3A_150, %dma_start3A_199] : memref<5120x128xi32, #tpu.memory_space<hbm>> -> memref<40x128xi32, #tpu.memory_space<hbm>>
      %dma_start3A_201 = arith.constant 0 : i32
      %dma_start3A_202 = tpu.memref_slice %arg3[%add3A_150, %dma_start3A_201] : memref<5120x128xi32, #tpu.memory_space<hbm>> -> memref<40x128xi32, #tpu.memory_space<hbm>>
      tpu.enqueue_dma source(%dma_start3A_202 : memref<40x128xi32, #tpu.memory_space<hbm>>) target(%arg7 : memref<40x128xi32, #tpu.memory_space<vmem>>) target_semaphore(%run_scoped3A_198 : memref<!tpu.dma_semaphore, #tpu.memory_space<semaphore_mem>>)
      %dma_wait3A_203 = arith.constant 0 : i32
      %dma_wait3A_204 = tpu.memref_slice %arg3[%add3A_150, %dma_wait3A_203] : memref<5120x128xi32, #tpu.memory_space<hbm>> -> memref<40x128xi32, #tpu.memory_space<hbm>>
      %dma_wait3A_205 = arith.constant 0 : i32
      %dma_wait3A_206 = tpu.memref_slice %arg3[%add3A_150, %dma_wait3A_205] : memref<5120x128xi32, #tpu.memory_space<hbm>> -> memref<40x128xi32, #tpu.memory_space<hbm>>
      tpu.wait_dma2 semaphore(%run_scoped3A_198 : memref<!tpu.dma_semaphore, #tpu.memory_space<semaphore_mem>>) src(%dma_wait3A_206 : memref<40x128xi32, #tpu.memory_space<hbm>>) dst(%arg7 : memref<40x128xi32, #tpu.memory_space<vmem>>)
      tpu.yield
    }) : () -> ()
    %add3A_151 = arith.constant 120 : i32
    %add3A_152 = arith.addi %mul3A_28, %add3A_151 : i32
    "tpu.region"() ({
      %run_scoped3A_198 = tpu.sem_alloc : memref<!tpu.dma_semaphore, #tpu.memory_space<semaphore_mem>>
      %dma_start3A_199 = arith.constant 0 : i32
      %dma_start3A_200 = tpu.memref_slice %arg4[%add3A_152, %dma_start3A_199] : memref<5120x128xi32, #tpu.memory_space<hbm>> -> memref<40x128xi32, #tpu.memory_space<hbm>>
      %dma_start3A_201 = arith.constant 0 : i32
      %dma_start3A_202 = tpu.memref_slice %arg4[%add3A_152, %dma_start3A_201] : memref<5120x128xi32, #tpu.memory_space<hbm>> -> memref<40x128xi32, #tpu.memory_space<hbm>>
      tpu.enqueue_dma source(%dma_start3A_202 : memref<40x128xi32, #tpu.memory_space<hbm>>) target(%arg8 : memref<40x128xi32, #tpu.memory_space<vmem>>) target_semaphore(%run_scoped3A_198 : memref<!tpu.dma_semaphore, #tpu.memory_space<semaphore_mem>>)
      %dma_wait3A_203 = arith.constant 0 : i32
      %dma_wait3A_204 = tpu.memref_slice %arg4[%add3A_152, %dma_wait3A_203] : memref<5120x128xi32, #tpu.memory_space<hbm>> -> memref<40x128xi32, #tpu.memory_space<hbm>>
      %dma_wait3A_205 = arith.constant 0 : i32
      %dma_wait3A_206 = tpu.memref_slice %arg4[%add3A_152, %dma_wait3A_205] : memref<5120x128xi32, #tpu.memory_space<hbm>> -> memref<40x128xi32, #tpu.memory_space<hbm>>
      tpu.wait_dma2 semaphore(%run_scoped3A_198 : memref<!tpu.dma_semaphore, #tpu.memory_space<semaphore_mem>>) src(%dma_wait3A_206 : memref<40x128xi32, #tpu.memory_space<hbm>>) dst(%arg8 : memref<40x128xi32, #tpu.memory_space<vmem>>)
      tpu.yield
    }) : () -> ()
    %dma_start3A_153 = arith.constant 0 : i32
    %dma_start3A_154 = arith.constant 0 : i32
    %dma_start3A_155 = tpu.memref_slice %arg7[%dma_start3A_153, %dma_start3A_154] : memref<40x128xi32, #tpu.memory_space<vmem>> -> memref<1x128xi32, #tpu.memory_space<vmem>>
    %dma_start3A_156 = tpu.memref_squeeze %dma_start3A_155 : memref<1x128xi32, #tpu.memory_space<vmem>> -> memref<128xi32, #tpu.memory_space<vmem>>
    %dma_start3A_157 = arith.constant 0 : i32
    %dma_start3A_158 = arith.constant 0 : i32
    %dma_start3A_159 = tpu.memref_slice %arg2[%dma_start3A_157, %dma_start3A_158] : memref<20000x128xf32, #tpu.memory_space<hbm>> -> memref<20000x128xf32, #tpu.memory_space<hbm>>
    tpu.enqueue_indirect_dma source(%dma_start3A_159 : memref<20000x128xf32, #tpu.memory_space<hbm>>) target(%arg9 : memref<128x128xf32, #tpu.memory_space<vmem>>) offsets(%dma_start3A_156 : memref<128xi32, #tpu.memory_space<vmem>>) semaphore(%arg11 : memref<!tpu.dma_semaphore, #tpu.memory_space<semaphore_mem>>)
    %scan3A_160 = arith.constant 0 : i32
    %scan3A_161 = arith.constant 0 : i32
    %scan3A_162 = arith.constant 19 : i32
    %scan3A_163 = arith.addi %scan3A_161, %scan3A_162 : i32
    %scan3A_164 = arith.constant 1 : i32
    %scan3A_165 = scf.for %scan3A_198 = %scan3A_161 to %scan3A_163 step %scan3A_164 iter_args(%scan3A_199 = %scan3A_160) -> (i32)  : i32 {
      %mul3A_200 = arith.constant 2 : i32
      %mul3A_201 = arith.muli %mul3A_200, %scan3A_198 : i32
      %add3A_202 = arith.constant 1 : i32
      %add3A_203 = arith.addi %mul3A_201, %add3A_202 : i32
      %dma_start3A_204 = arith.constant 0 : i32
      %dma_start3A_205 = tpu.memref_slice %arg7[%add3A_203, %dma_start3A_204] : memref<40x128xi32, #tpu.memory_space<vmem>> -> memref<1x128xi32, #tpu.memory_space<vmem>>
      %dma_start3A_206 = tpu.memref_squeeze %dma_start3A_205 : memref<1x128xi32, #tpu.memory_space<vmem>> -> memref<128xi32, #tpu.memory_space<vmem>>
      %dma_start3A_207 = arith.constant 0 : i32
      %dma_start3A_208 = arith.constant 0 : i32
      %dma_start3A_209 = tpu.memref_slice %arg2[%dma_start3A_207, %dma_start3A_208] : memref<20000x128xf32, #tpu.memory_space<hbm>> -> memref<20000x128xf32, #tpu.memory_space<hbm>>
      tpu.enqueue_indirect_dma source(%dma_start3A_209 : memref<20000x128xf32, #tpu.memory_space<hbm>>) target(%arg10 : memref<128x128xf32, #tpu.memory_space<vmem>>) offsets(%dma_start3A_206 : memref<128xi32, #tpu.memory_space<vmem>>) semaphore(%arg12 : memref<!tpu.dma_semaphore, #tpu.memory_space<semaphore_mem>>)
      %dma_wait3A_210 = arith.constant 0 : i32
      %dma_wait3A_211 = tpu.memref_slice %arg7[%mul3A_201, %dma_wait3A_210] : memref<40x128xi32, #tpu.memory_space<vmem>> -> memref<1x128xi32, #tpu.memory_space<vmem>>
      %dma_wait3A_212 = tpu.memref_squeeze %dma_wait3A_211 : memref<1x128xi32, #tpu.memory_space<vmem>> -> memref<128xi32, #tpu.memory_space<vmem>>
      %dma_wait3A_213 = arith.constant 0 : i32
      %dma_wait3A_214 = arith.constant 0 : i32
      %dma_wait3A_215 = tpu.memref_slice %arg2[%dma_wait3A_213, %dma_wait3A_214] : memref<20000x128xf32, #tpu.memory_space<hbm>> -> memref<20000x128xf32, #tpu.memory_space<hbm>>
      tpu.wait_indirect_dma semaphore(%arg11 : memref<!tpu.dma_semaphore, #tpu.memory_space<semaphore_mem>>) src(%dma_wait3A_215 : memref<20000x128xf32, #tpu.memory_space<hbm>>) dst(%arg9 : memref<128x128xf32, #tpu.memory_space<vmem>>)
      "tpu.region"() ({
        %run_scoped3A_235 = tpu.sem_alloc : memref<!tpu.dma_semaphore, #tpu.memory_space<semaphore_mem>>
        %dma_start3A_236 = arith.constant 0 : i32
        %dma_start3A_237 = tpu.memref_slice %arg8[%mul3A_201, %dma_start3A_236] : memref<40x128xi32, #tpu.memory_space<vmem>> -> memref<1x128xi32, #tpu.memory_space<vmem>>
        %dma_start3A_238 = tpu.memref_squeeze %dma_start3A_237 : memref<1x128xi32, #tpu.memory_space<vmem>> -> memref<128xi32, #tpu.memory_space<vmem>>
        %dma_start3A_239 = arith.constant 0 : i32
        %dma_start3A_240 = arith.constant 0 : i32
        %dma_start3A_241 = tpu.memref_slice %arg6[%dma_start3A_239, %dma_start3A_240] : memref<10240x128xf32, #tpu.memory_space<vmem_shared>> -> memref<10240x128xf32, #tpu.memory_space<vmem_shared>>
        tpu.enqueue_indirect_dma source(%arg9 : memref<128x128xf32, #tpu.memory_space<vmem>>) target(%dma_start3A_241 : memref<10240x128xf32, #tpu.memory_space<vmem_shared>>) offsets(%dma_start3A_238 : memref<128xi32, #tpu.memory_space<vmem>>) semaphore(%run_scoped3A_235 : memref<!tpu.dma_semaphore, #tpu.memory_space<semaphore_mem>>) {add = true}
        %dma_wait3A_242 = arith.constant 0 : i32
        %dma_wait3A_243 = tpu.memref_slice %arg8[%mul3A_201, %dma_wait3A_242] : memref<40x128xi32, #tpu.memory_space<vmem>> -> memref<1x128xi32, #tpu.memory_space<vmem>>
        %dma_wait3A_244 = tpu.memref_squeeze %dma_wait3A_243 : memref<1x128xi32, #tpu.memory_space<vmem>> -> memref<128xi32, #tpu.memory_space<vmem>>
        %dma_wait3A_245 = arith.constant 0 : i32
        %dma_wait3A_246 = arith.constant 0 : i32
        %dma_wait3A_247 = tpu.memref_slice %arg6[%dma_wait3A_245, %dma_wait3A_246] : memref<10240x128xf32, #tpu.memory_space<vmem_shared>> -> memref<10240x128xf32, #tpu.memory_space<vmem_shared>>
        tpu.wait_indirect_dma semaphore(%run_scoped3A_235 : memref<!tpu.dma_semaphore, #tpu.memory_space<semaphore_mem>>) src(%arg9 : memref<128x128xf32, #tpu.memory_space<vmem>>) dst(%dma_wait3A_247 : memref<10240x128xf32, #tpu.memory_space<vmem_shared>>)
        tpu.yield
      }) : () -> ()
      %add3A_216 = arith.constant 2 : i32
      %add3A_217 = arith.addi %mul3A_201, %add3A_216 : i32
      %dma_start3A_218 = arith.constant 0 : i32
      %dma_start3A_219 = tpu.memref_slice %arg7[%add3A_217, %dma_start3A_218] : memref<40x128xi32, #tpu.memory_space<vmem>> -> memref<1x128xi32, #tpu.memory_space<vmem>>
      %dma_start3A_220 = tpu.memref_squeeze %dma_start3A_219 : memref<1x128xi32, #tpu.memory_space<vmem>> -> memref<128xi32, #tpu.memory_space<vmem>>
      %dma_start3A_221 = arith.constant 0 : i32
      %dma_start3A_222 = arith.constant 0 : i32
      %dma_start3A_223 = tpu.memref_slice %arg2[%dma_start3A_221, %dma_start3A_222] : memref<20000x128xf32, #tpu.memory_space<hbm>> -> memref<20000x128xf32, #tpu.memory_space<hbm>>
      tpu.enqueue_indirect_dma source(%dma_start3A_223 : memref<20000x128xf32, #tpu.memory_space<hbm>>) target(%arg9 : memref<128x128xf32, #tpu.memory_space<vmem>>) offsets(%dma_start3A_220 : memref<128xi32, #tpu.memory_space<vmem>>) semaphore(%arg11 : memref<!tpu.dma_semaphore, #tpu.memory_space<semaphore_mem>>)
      %add3A_224 = arith.constant 1 : i32
      %add3A_225 = arith.addi %mul3A_201, %add3A_224 : i32
      %dma_wait3A_226 = arith.constant 0 : i32
      %dma_wait3A_227 = tpu.memref_slice %arg7[%add3A_225, %dma_wait3A_226] : memref<40x128xi32, #tpu.memory_space<vmem>> -> memref<1x128xi32, #tpu.memory_space<vmem>>
      %dma_wait3A_228 = tpu.memref_squeeze %dma_wait3A_227 : memref<1x128xi32, #tpu.memory_space<vmem>> -> memref<128xi32, #tpu.memory_space<vmem>>
      %dma_wait3A_229 = arith.constant 0 : i32
      %dma_wait3A_230 = arith.constant 0 : i32
      %dma_wait3A_231 = tpu.memref_slice %arg2[%dma_wait3A_229, %dma_wait3A_230] : memref<20000x128xf32, #tpu.memory_space<hbm>> -> memref<20000x128xf32, #tpu.memory_space<hbm>>
      tpu.wait_indirect_dma semaphore(%arg12 : memref<!tpu.dma_semaphore, #tpu.memory_space<semaphore_mem>>) src(%dma_wait3A_231 : memref<20000x128xf32, #tpu.memory_space<hbm>>) dst(%arg10 : memref<128x128xf32, #tpu.memory_space<vmem>>)
      %add3A_232 = arith.constant 1 : i32
      %add3A_233 = arith.addi %mul3A_201, %add3A_232 : i32
      "tpu.region"() ({
        %run_scoped3A_235 = tpu.sem_alloc : memref<!tpu.dma_semaphore, #tpu.memory_space<semaphore_mem>>
        %dma_start3A_236 = arith.constant 0 : i32
        %dma_start3A_237 = tpu.memref_slice %arg8[%add3A_233, %dma_start3A_236] : memref<40x128xi32, #tpu.memory_space<vmem>> -> memref<1x128xi32, #tpu.memory_space<vmem>>
        %dma_start3A_238 = tpu.memref_squeeze %dma_start3A_237 : memref<1x128xi32, #tpu.memory_space<vmem>> -> memref<128xi32, #tpu.memory_space<vmem>>
        %dma_start3A_239 = arith.constant 0 : i32
        %dma_start3A_240 = arith.constant 0 : i32
        %dma_start3A_241 = tpu.memref_slice %arg6[%dma_start3A_239, %dma_start3A_240] : memref<10240x128xf32, #tpu.memory_space<vmem_shared>> -> memref<10240x128xf32, #tpu.memory_space<vmem_shared>>
        tpu.enqueue_indirect_dma source(%arg10 : memref<128x128xf32, #tpu.memory_space<vmem>>) target(%dma_start3A_241 : memref<10240x128xf32, #tpu.memory_space<vmem_shared>>) offsets(%dma_start3A_238 : memref<128xi32, #tpu.memory_space<vmem>>) semaphore(%run_scoped3A_235 : memref<!tpu.dma_semaphore, #tpu.memory_space<semaphore_mem>>) {add = true}
        %dma_wait3A_242 = arith.constant 0 : i32
        %dma_wait3A_243 = tpu.memref_slice %arg8[%add3A_233, %dma_wait3A_242] : memref<40x128xi32, #tpu.memory_space<vmem>> -> memref<1x128xi32, #tpu.memory_space<vmem>>
        %dma_wait3A_244 = tpu.memref_squeeze %dma_wait3A_243 : memref<1x128xi32, #tpu.memory_space<vmem>> -> memref<128xi32, #tpu.memory_space<vmem>>
        %dma_wait3A_245 = arith.constant 0 : i32
        %dma_wait3A_246 = arith.constant 0 : i32
        %dma_wait3A_247 = tpu.memref_slice %arg6[%dma_wait3A_245, %dma_wait3A_246] : memref<10240x128xf32, #tpu.memory_space<vmem_shared>> -> memref<10240x128xf32, #tpu.memory_space<vmem_shared>>
        tpu.wait_indirect_dma semaphore(%run_scoped3A_235 : memref<!tpu.dma_semaphore, #tpu.memory_space<semaphore_mem>>) src(%arg10 : memref<128x128xf32, #tpu.memory_space<vmem>>) dst(%dma_wait3A_247 : memref<10240x128xf32, #tpu.memory_space<vmem_shared>>)
        tpu.yield
      }) : () -> ()
      %scan3A_234 = arith.constant 0 : i32
      scf.yield %scan3A_234 : i32
    }
    %scan3A_166 = arith.constant 19 : i32
    %dma_start3A_167 = arith.constant 39 : i32
    %dma_start3A_168 = arith.constant 0 : i32
    %dma_start3A_169 = tpu.memref_slice %arg7[%dma_start3A_167, %dma_start3A_168] : memref<40x128xi32, #tpu.memory_space<vmem>> -> memref<1x128xi32, #tpu.memory_space<vmem>>
    %dma_start3A_170 = tpu.memref_squeeze %dma_start3A_169 : memref<1x128xi32, #tpu.memory_space<vmem>> -> memref<128xi32, #tpu.memory_space<vmem>>
    %dma_start3A_171 = arith.constant 0 : i32
    %dma_start3A_172 = arith.constant 0 : i32
    %dma_start3A_173 = tpu.memref_slice %arg2[%dma_start3A_171, %dma_start3A_172] : memref<20000x128xf32, #tpu.memory_space<hbm>> -> memref<20000x128xf32, #tpu.memory_space<hbm>>
    tpu.enqueue_indirect_dma source(%dma_start3A_173 : memref<20000x128xf32, #tpu.memory_space<hbm>>) target(%arg10 : memref<128x128xf32, #tpu.memory_space<vmem>>) offsets(%dma_start3A_170 : memref<128xi32, #tpu.memory_space<vmem>>) semaphore(%arg12 : memref<!tpu.dma_semaphore, #tpu.memory_space<semaphore_mem>>)
    %dma_wait3A_174 = arith.constant 38 : i32
    %dma_wait3A_175 = arith.constant 0 : i32
    %dma_wait3A_176 = tpu.memref_slice %arg7[%dma_wait3A_174, %dma_wait3A_175] : memref<40x128xi32, #tpu.memory_space<vmem>> -> memref<1x128xi32, #tpu.memory_space<vmem>>
    %dma_wait3A_177 = tpu.memref_squeeze %dma_wait3A_176 : memref<1x128xi32, #tpu.memory_space<vmem>> -> memref<128xi32, #tpu.memory_space<vmem>>
    %dma_wait3A_178 = arith.constant 0 : i32
    %dma_wait3A_179 = arith.constant 0 : i32
    %dma_wait3A_180 = tpu.memref_slice %arg2[%dma_wait3A_178, %dma_wait3A_179] : memref<20000x128xf32, #tpu.memory_space<hbm>> -> memref<20000x128xf32, #tpu.memory_space<hbm>>
    tpu.wait_indirect_dma semaphore(%arg11 : memref<!tpu.dma_semaphore, #tpu.memory_space<semaphore_mem>>) src(%dma_wait3A_180 : memref<20000x128xf32, #tpu.memory_space<hbm>>) dst(%arg9 : memref<128x128xf32, #tpu.memory_space<vmem>>)
    %run_scoped3A_181 = arith.constant 38 : i32
    "tpu.region"() ({
      %run_scoped3A_198 = tpu.sem_alloc : memref<!tpu.dma_semaphore, #tpu.memory_space<semaphore_mem>>
      %dma_start3A_199 = arith.constant 0 : i32
      %dma_start3A_200 = tpu.memref_slice %arg8[%run_scoped3A_181, %dma_start3A_199] : memref<40x128xi32, #tpu.memory_space<vmem>> -> memref<1x128xi32, #tpu.memory_space<vmem>>
      %dma_start3A_201 = tpu.memref_squeeze %dma_start3A_200 : memref<1x128xi32, #tpu.memory_space<vmem>> -> memref<128xi32, #tpu.memory_space<vmem>>
      %dma_start3A_202 = arith.constant 0 : i32
      %dma_start3A_203 = arith.constant 0 : i32
      %dma_start3A_204 = tpu.memref_slice %arg6[%dma_start3A_202, %dma_start3A_203] : memref<10240x128xf32, #tpu.memory_space<vmem_shared>> -> memref<10240x128xf32, #tpu.memory_space<vmem_shared>>
      tpu.enqueue_indirect_dma source(%arg9 : memref<128x128xf32, #tpu.memory_space<vmem>>) target(%dma_start3A_204 : memref<10240x128xf32, #tpu.memory_space<vmem_shared>>) offsets(%dma_start3A_201 : memref<128xi32, #tpu.memory_space<vmem>>) semaphore(%run_scoped3A_198 : memref<!tpu.dma_semaphore, #tpu.memory_space<semaphore_mem>>) {add = true}
      %dma_wait3A_205 = arith.constant 0 : i32
      %dma_wait3A_206 = tpu.memref_slice %arg8[%run_scoped3A_181, %dma_wait3A_205] : memref<40x128xi32, #tpu.memory_space<vmem>> -> memref<1x128xi32, #tpu.memory_space<vmem>>
      %dma_wait3A_207 = tpu.memref_squeeze %dma_wait3A_206 : memref<1x128xi32, #tpu.memory_space<vmem>> -> memref<128xi32, #tpu.memory_space<vmem>>
      %dma_wait3A_208 = arith.constant 0 : i32
      %dma_wait3A_209 = arith.constant 0 : i32
      %dma_wait3A_210 = tpu.memref_slice %arg6[%dma_wait3A_208, %dma_wait3A_209] : memref<10240x128xf32, #tpu.memory_space<vmem_shared>> -> memref<10240x128xf32, #tpu.memory_space<vmem_shared>>
      tpu.wait_indirect_dma semaphore(%run_scoped3A_198 : memref<!tpu.dma_semaphore, #tpu.memory_space<semaphore_mem>>) src(%arg9 : memref<128x128xf32, #tpu.memory_space<vmem>>) dst(%dma_wait3A_210 : memref<10240x128xf32, #tpu.memory_space<vmem_shared>>)
      tpu.yield
    }) : () -> ()
    %dma_wait3A_182 = arith.constant 39 : i32
    %dma_wait3A_183 = arith.constant 0 : i32
    %dma_wait3A_184 = tpu.memref_slice %arg7[%dma_wait3A_182, %dma_wait3A_183] : memref<40x128xi32, #tpu.memory_space<vmem>> -> memref<1x128xi32, #tpu.memory_space<vmem>>
    %dma_wait3A_185 = tpu.memref_squeeze %dma_wait3A_184 : memref<1x128xi32, #tpu.memory_space<vmem>> -> memref<128xi32, #tpu.memory_space<vmem>>
    %dma_wait3A_186 = arith.constant 0 : i32
    %dma_wait3A_187 = arith.constant 0 : i32
    %dma_wait3A_188 = tpu.memref_slice %arg2[%dma_wait3A_186, %dma_wait3A_187] : memref<20000x128xf32, #tpu.memory_space<hbm>> -> memref<20000x128xf32, #tpu.memory_space<hbm>>
    tpu.wait_indirect_dma semaphore(%arg12 : memref<!tpu.dma_semaphore, #tpu.memory_space<semaphore_mem>>) src(%dma_wait3A_188 : memref<20000x128xf32, #tpu.memory_space<hbm>>) dst(%arg10 : memref<128x128xf32, #tpu.memory_space<vmem>>)
    %run_scoped3A_189 = arith.constant 39 : i32
    "tpu.region"() ({
      %run_scoped3A_198 = tpu.sem_alloc : memref<!tpu.dma_semaphore, #tpu.memory_space<semaphore_mem>>
      %dma_start3A_199 = arith.constant 0 : i32
      %dma_start3A_200 = tpu.memref_slice %arg8[%run_scoped3A_189, %dma_start3A_199] : memref<40x128xi32, #tpu.memory_space<vmem>> -> memref<1x128xi32, #tpu.memory_space<vmem>>
      %dma_start3A_201 = tpu.memref_squeeze %dma_start3A_200 : memref<1x128xi32, #tpu.memory_space<vmem>> -> memref<128xi32, #tpu.memory_space<vmem>>
      %dma_start3A_202 = arith.constant 0 : i32
      %dma_start3A_203 = arith.constant 0 : i32
      %dma_start3A_204 = tpu.memref_slice %arg6[%dma_start3A_202, %dma_start3A_203] : memref<10240x128xf32, #tpu.memory_space<vmem_shared>> -> memref<10240x128xf32, #tpu.memory_space<vmem_shared>>
      tpu.enqueue_indirect_dma source(%arg10 : memref<128x128xf32, #tpu.memory_space<vmem>>) target(%dma_start3A_204 : memref<10240x128xf32, #tpu.memory_space<vmem_shared>>) offsets(%dma_start3A_201 : memref<128xi32, #tpu.memory_space<vmem>>) semaphore(%run_scoped3A_198 : memref<!tpu.dma_semaphore, #tpu.memory_space<semaphore_mem>>) {add = true}
      %dma_wait3A_205 = arith.constant 0 : i32
      %dma_wait3A_206 = tpu.memref_slice %arg8[%run_scoped3A_189, %dma_wait3A_205] : memref<40x128xi32, #tpu.memory_space<vmem>> -> memref<1x128xi32, #tpu.memory_space<vmem>>
      %dma_wait3A_207 = tpu.memref_squeeze %dma_wait3A_206 : memref<1x128xi32, #tpu.memory_space<vmem>> -> memref<128xi32, #tpu.memory_space<vmem>>
      %dma_wait3A_208 = arith.constant 0 : i32
      %dma_wait3A_209 = arith.constant 0 : i32
      %dma_wait3A_210 = tpu.memref_slice %arg6[%dma_wait3A_208, %dma_wait3A_209] : memref<10240x128xf32, #tpu.memory_space<vmem_shared>> -> memref<10240x128xf32, #tpu.memory_space<vmem_shared>>
      tpu.wait_indirect_dma semaphore(%run_scoped3A_198 : memref<!tpu.dma_semaphore, #tpu.memory_space<semaphore_mem>>) src(%arg10 : memref<128x128xf32, #tpu.memory_space<vmem>>) dst(%dma_wait3A_210 : memref<10240x128xf32, #tpu.memory_space<vmem_shared>>)
      tpu.yield
    }) : () -> ()
    %barrier3A_190 = arith.constant 0 : index
    tpu.barrier barrier_id(%barrier3A_190)
    %mul3A_191 = arith.constant 640 : i32
    %mul3A_192 = arith.muli %arg1, %mul3A_191 : i32
    %mul3A_193 = arith.constant 10240 : i32
    %mul3A_194 = arith.muli %arg0, %mul3A_193 : i32
    %mul3A_195 = arith.constant 640 : i32
    %mul3A_196 = arith.muli %arg1, %mul3A_195 : i32
    %add3A_197 = arith.addi %mul3A_194, %mul3A_196 : i32
    "tpu.region"() ({
      %run_scoped3A_198 = tpu.sem_alloc : memref<!tpu.dma_semaphore, #tpu.memory_space<semaphore_mem>>
      %dma_start3A_199 = arith.constant 0 : i32
      %dma_start3A_200 = tpu.memref_slice %arg5[%add3A_197, %dma_start3A_199] : memref<20480x128xf32, #tpu.memory_space<hbm>> -> memref<640x128xf32, #tpu.memory_space<hbm>>
      %dma_start3A_201 = arith.constant 0 : i32
      %dma_start3A_202 = tpu.memref_slice %arg6[%mul3A_192, %dma_start3A_201] : memref<10240x128xf32, #tpu.memory_space<vmem_shared>> -> memref<640x128xf32, #tpu.memory_space<vmem_shared>>
      tpu.enqueue_dma source(%dma_start3A_202 : memref<640x128xf32, #tpu.memory_space<vmem_shared>>) target(%dma_start3A_200 : memref<640x128xf32, #tpu.memory_space<hbm>>) target_semaphore(%run_scoped3A_198 : memref<!tpu.dma_semaphore, #tpu.memory_space<semaphore_mem>>)
      %dma_wait3A_203 = arith.constant 0 : i32
      %dma_wait3A_204 = tpu.memref_slice %arg5[%add3A_197, %dma_wait3A_203] : memref<20480x128xf32, #tpu.memory_space<hbm>> -> memref<640x128xf32, #tpu.memory_space<hbm>>
      %dma_wait3A_205 = arith.constant 0 : i32
      %dma_wait3A_206 = tpu.memref_slice %arg6[%mul3A_192, %dma_wait3A_205] : memref<10240x128xf32, #tpu.memory_space<vmem_shared>> -> memref<640x128xf32, #tpu.memory_space<vmem_shared>>
      tpu.wait_dma2 semaphore(%run_scoped3A_198 : memref<!tpu.dma_semaphore, #tpu.memory_space<semaphore_mem>>) src(%dma_wait3A_206 : memref<640x128xf32, #tpu.memory_space<vmem_shared>>) dst(%dma_wait3A_204 : memref<640x128xf32, #tpu.memory_space<hbm>>)
      tpu.yield
    }) : () -> ()
    return
  }
}

module attributes {stable_mosaic.version = 14 : i64} {
  func.func @_mm_scale_body(%arg0: i32, %arg1: i32, %arg2: memref<80x128xf32, #tpu.memory_space<vmem>>, %arg3: memref<128x128xf32, #tpu.memory_space<vmem>>, %arg4: memref<80x128xf32, #tpu.memory_space<vmem>>, %arg5: memref<80x128xf32, #tpu.memory_space<vmem>>) attributes {dimension_semantics = [#tpu.dimension_semantics<arbitrary>, #tpu.dimension_semantics<arbitrary>], iteration_bounds = array<i64: 2, 125>, scalar_prefetch = 0 : i64, scratch_operands = 0 : i64, tpu.core_type = #tpu.core_type<tc>, window_params = [{transform_indices = @transform_0, window_bounds = array<i64: 80, 128>}, {pipeline_mode = #tpu.pipeline_mode<synchronous>, transform_indices = @transform_1, window_bounds = array<i64: 128, 128>}, {transform_indices = @transform_2, window_bounds = array<i64: 80, 128>}, {transform_indices = @transform_3, window_bounds = array<i64: 80, 128>}]} {
    %get3A = arith.constant 0 : index
    %get3A_0 = arith.constant 0 : index
    %get3A_1 = vector.load %arg4[%get3A, %get3A_0] : memref<80x128xf32, #tpu.memory_space<vmem>>, vector<80x1xf32>
    %add3A = arith.constant 1.000000e+00 : f32
    %add3A_2 = vector.broadcast %add3A : f32 to vector<80x1xf32>
    %add3A_3 = arith.addf %add3A_2, %get3A_1 : vector<80x1xf32>
    %rsqrt3A = math.rsqrt %add3A_3 : vector<80x1xf32>
    %get3A_4 = arith.constant 0 : index
    %get3A_5 = arith.constant 0 : index
    %get3A_6 = vector.load %arg2[%get3A_4, %get3A_5] : memref<80x128xf32, #tpu.memory_space<vmem>>, vector<80x128xf32>
    %get3A_7 = arith.constant 0 : index
    %get3A_8 = arith.constant 0 : index
    %get3A_9 = vector.load %arg3[%get3A_7, %get3A_8] : memref<128x128xf32, #tpu.memory_space<vmem>>, vector<128x128xf32>
    %dot_general3A = arith.constant dense<0.000000e+00> : vector<80x128xf32>
    %dot_general3A_10 = tpu.matmul %get3A_6, %get3A_9, %dot_general3A {dimension_numbers = #tpu.dot_dimension_numbers<[1], [1], [0], [0], [0, 0, 1, 0], [], []>, transpose_lhs_hint = false} : vector<80x128xf32>, vector<128x128xf32>, vector<80x128xf32> -> vector<80x128xf32>
    %mul3A = vector.broadcast %rsqrt3A : vector<80x1xf32> to vector<80x128xf32>
    %mul3A_11 = arith.mulf %dot_general3A_10, %mul3A : vector<80x128xf32>
    %swap3A = arith.constant 0 : index
    %swap3A_12 = arith.constant 0 : index
    %swap3A_13 = vector.load %arg5[%swap3A, %swap3A_12] : memref<80x128xf32, #tpu.memory_space<vmem>>, vector<80x128xf32>
    tpu.vector_store %arg5[%swap3A, %swap3A_12], %mul3A_11 {strides = array<i32>} : memref<80x128xf32, #tpu.memory_space<vmem>>, vector<80x128xf32>,
    return
  }
  func.func @transform_0(%arg0: i32, %arg1: i32) -> (i32, i32) {
    %mul3A = arith.constant 125 : i32
    %mul3A_0 = arith.muli %arg0, %mul3A : i32
    %add3A = arith.addi %mul3A_0, %arg1 : i32
    %c0_i32 = arith.constant 0 : i32
    %c0_i32_1 = arith.constant 0 : i32
    return %add3A, %c0_i32 : i32, i32
  }
  func.func @transform_1(%arg0: i32, %arg1: i32) -> (i32, i32) {
    %c0_i32 = arith.constant 0 : i32
    %c0_i32_0 = arith.constant 0 : i32
    %c0_i32_1 = arith.constant 0 : i32
    return %c0_i32, %c0_i32_0 : i32, i32
  }
  func.func @transform_2(%arg0: i32, %arg1: i32) -> (i32, i32) {
    %mul3A = arith.constant 128 : i32
    %mul3A_0 = arith.muli %arg0, %mul3A : i32
    %add3A = arith.addi %mul3A_0, %arg1 : i32
    %c0_i32 = arith.constant 0 : i32
    %c0_i32_1 = arith.constant 0 : i32
    return %add3A, %c0_i32 : i32, i32
  }
  func.func @transform_3(%arg0: i32, %arg1: i32) -> (i32, i32) {
    %mul3A = arith.constant 125 : i32
    %mul3A_0 = arith.muli %arg0, %mul3A : i32
    %add3A = arith.addi %mul3A_0, %arg1 : i32
    %c0_i32 = arith.constant 0 : i32
    %c0_i32_1 = arith.constant 0 : i32
    return %add3A, %c0_i32 : i32, i32
  }
}

module attributes {stable_mosaic.version = 14 : i64} {
  func.func @_combine_mm_body(%arg0: i32, %arg1: i32, %arg2: memref<80x128xf32, #tpu.memory_space<vmem>>, %arg3: memref<80x128xf32, #tpu.memory_space<vmem>>, %arg4: memref<80x128xf32, #tpu.memory_space<vmem>>, %arg5: memref<1x128xf32, #tpu.memory_space<vmem>>, %arg6: memref<1x128xf32, #tpu.memory_space<vmem>>, %arg7: memref<128x128xf32, #tpu.memory_space<vmem>>, %arg8: memref<80x128xf32, #tpu.memory_space<vmem>>) attributes {dimension_semantics = [#tpu.dimension_semantics<arbitrary>, #tpu.dimension_semantics<arbitrary>], iteration_bounds = array<i64: 2, 125>, scalar_prefetch = 0 : i64, scratch_operands = 0 : i64, tpu.core_type = #tpu.core_type<tc>, window_params = [{transform_indices = @transform_0, window_bounds = array<i64: 80, 128>}, {transform_indices = @transform_1, window_bounds = array<i64: 80, 128>}, {transform_indices = @transform_2, window_bounds = array<i64: 80, 128>}, {pipeline_mode = #tpu.pipeline_mode<synchronous>, transform_indices = @transform_3, window_bounds = array<i64: 1, 128>}, {pipeline_mode = #tpu.pipeline_mode<synchronous>, transform_indices = @transform_4, window_bounds = array<i64: 1, 128>}, {pipeline_mode = #tpu.pipeline_mode<synchronous>, transform_indices = @transform_5, window_bounds = array<i64: 128, 128>}, {transform_indices = @transform_6, window_bounds = array<i64: 80, 128>}]} {
    %get3A = arith.constant 0 : index
    %get3A_0 = arith.constant 0 : index
    %get3A_1 = vector.load %arg4[%get3A, %get3A_0] : memref<80x128xf32, #tpu.memory_space<vmem>>, vector<80x1xf32>
    %add3A = arith.constant 1.000000e+00 : f32
    %add3A_2 = vector.broadcast %add3A : f32 to vector<80x1xf32>
    %add3A_3 = arith.addf %add3A_2, %get3A_1 : vector<80x1xf32>
    %rsqrt3A = math.rsqrt %add3A_3 : vector<80x1xf32>
    %get3A_4 = arith.constant 0 : index
    %get3A_5 = arith.constant 0 : index
    %get3A_6 = vector.load %arg2[%get3A_4, %get3A_5] : memref<80x128xf32, #tpu.memory_space<vmem>>, vector<80x128xf32>
    %get3A_7 = arith.constant 0 : index
    %get3A_8 = arith.constant 0 : index
    %get3A_9 = vector.load %arg3[%get3A_7, %get3A_8] : memref<80x128xf32, #tpu.memory_space<vmem>>, vector<80x128xf32>
    %add3A_10 = arith.addf %get3A_6, %get3A_9 : vector<80x128xf32>
    %mul3A = vector.broadcast %rsqrt3A : vector<80x1xf32> to vector<80x128xf32>
    %mul3A_11 = arith.mulf %mul3A, %add3A_10 : vector<80x128xf32>
    %get3A_12 = arith.constant 0 : index
    %get3A_13 = arith.constant 0 : index
    %get3A_14 = vector.load %arg5[%get3A_12, %get3A_13] : memref<1x128xf32, #tpu.memory_space<vmem>>, vector<1x128xf32>
    %add3A_15 = vector.broadcast %get3A_14 : vector<1x128xf32> to vector<80x128xf32>
    %add3A_16 = arith.addf %mul3A_11, %add3A_15 : vector<80x128xf32>
    %ge3A = arith.constant 0.000000e+00 : f32
    %ge3A_17 = vector.broadcast %ge3A : f32 to vector<80x128xf32>
    %ge3A_18 = arith.cmpf oge, %add3A_16, %ge3A_17 : vector<80x128xf32>
    %get3A_19 = arith.constant 0 : index
    %get3A_20 = arith.constant 0 : index
    %get3A_21 = vector.load %arg6[%get3A_19, %get3A_20] : memref<1x128xf32, #tpu.memory_space<vmem>>, vector<1x128xf32>
    %mul3A_22 = vector.broadcast %get3A_21 : vector<1x128xf32> to vector<80x128xf32>
    %mul3A_23 = arith.mulf %mul3A_22, %add3A_16 : vector<80x128xf32>
    %select_n3A = arith.select %ge3A_18, %add3A_16, %mul3A_23 : vector<80x128xi1>, vector<80x128xf32>
    %get3A_24 = arith.constant 0 : index
    %get3A_25 = arith.constant 0 : index
    %get3A_26 = vector.load %arg7[%get3A_24, %get3A_25] : memref<128x128xf32, #tpu.memory_space<vmem>>, vector<128x128xf32>
    %dot_general3A = arith.constant dense<0.000000e+00> : vector<80x128xf32>
    %dot_general3A_27 = tpu.matmul %select_n3A, %get3A_26, %dot_general3A {dimension_numbers = #tpu.dot_dimension_numbers<[1], [1], [0], [0], [0, 0, 1, 0], [], []>, transpose_lhs_hint = false} : vector<80x128xf32>, vector<128x128xf32>, vector<80x128xf32> -> vector<80x128xf32>
    %mul3A_28 = vector.broadcast %rsqrt3A : vector<80x1xf32> to vector<80x128xf32>
    %mul3A_29 = arith.mulf %dot_general3A_27, %mul3A_28 : vector<80x128xf32>
    %swap3A = arith.constant 0 : index
    %swap3A_30 = arith.constant 0 : index
    %swap3A_31 = vector.load %arg8[%swap3A, %swap3A_30] : memref<80x128xf32, #tpu.memory_space<vmem>>, vector<80x128xf32>
    tpu.vector_store %arg8[%swap3A, %swap3A_30], %mul3A_29 {strides = array<i32>} : memref<80x128xf32, #tpu.memory_space<vmem>>, vector<80x128xf32>,
    return
  }
  func.func @transform_0(%arg0: i32, %arg1: i32) -> (i32, i32) {
    %mul3A = arith.constant 128 : i32
    %mul3A_0 = arith.muli %arg0, %mul3A : i32
    %add3A = arith.addi %mul3A_0, %arg1 : i32
    %c0_i32 = arith.constant 0 : i32
    %c0_i32_1 = arith.constant 0 : i32
    return %add3A, %c0_i32 : i32, i32
  }
  func.func @transform_1(%arg0: i32, %arg1: i32) -> (i32, i32) {
    %mul3A = arith.constant 125 : i32
    %mul3A_0 = arith.muli %arg0, %mul3A : i32
    %add3A = arith.addi %mul3A_0, %arg1 : i32
    %c0_i32 = arith.constant 0 : i32
    %c0_i32_1 = arith.constant 0 : i32
    return %add3A, %c0_i32 : i32, i32
  }
  func.func @transform_2(%arg0: i32, %arg1: i32) -> (i32, i32) {
    %mul3A = arith.constant 128 : i32
    %mul3A_0 = arith.muli %arg0, %mul3A : i32
    %add3A = arith.addi %mul3A_0, %arg1 : i32
    %c0_i32 = arith.constant 0 : i32
    %c0_i32_1 = arith.constant 0 : i32
    return %add3A, %c0_i32 : i32, i32
  }
  func.func @transform_3(%arg0: i32, %arg1: i32) -> (i32, i32) {
    %c0_i32 = arith.constant 0 : i32
    %c0_i32_0 = arith.constant 0 : i32
    %c0_i32_1 = arith.constant 0 : i32
    return %c0_i32, %c0_i32_0 : i32, i32
  }
  func.func @transform_4(%arg0: i32, %arg1: i32) -> (i32, i32) {
    %c0_i32 = arith.constant 0 : i32
    %c0_i32_0 = arith.constant 0 : i32
    %c0_i32_1 = arith.constant 0 : i32
    return %c0_i32, %c0_i32_0 : i32, i32
  }
  func.func @transform_5(%arg0: i32, %arg1: i32) -> (i32, i32) {
    %c0_i32 = arith.constant 0 : i32
    %c0_i32_0 = arith.constant 0 : i32
    %c0_i32_1 = arith.constant 0 : i32
    return %c0_i32, %c0_i32_0 : i32, i32
  }
  func.func @transform_6(%arg0: i32, %arg1: i32) -> (i32, i32) {
    %mul3A = arith.constant 125 : i32
    %mul3A_0 = arith.muli %arg0, %mul3A : i32
    %add3A = arith.addi %mul3A_0, %arg1 : i32
    %c0_i32 = arith.constant 0 : i32
    %c0_i32_1 = arith.constant 0 : i32
    return %add3A, %c0_i32 : i32, i32
  }
}

module attributes {stable_mosaic.version = 14 : i64} {
  func.func @_combine_segmax_body(%arg0: i32, %arg1: i32, %arg2: memref<80x128xf32, #tpu.memory_space<vmem>>, %arg3: memref<80x128xf32, #tpu.memory_space<vmem>>, %arg4: memref<80x128xf32, #tpu.memory_space<vmem>>, %arg5: memref<1x128xf32, #tpu.memory_space<vmem>>, %arg6: memref<1x128xf32, #tpu.memory_space<vmem>>, %arg7: memref<1x80x1xi32, #tpu.memory_space<vmem>>, %arg8: memref<80x128xf32, #tpu.memory_space<vmem>>, %arg9: memref<1x64x128xf32, #tpu.memory_space<vmem>>) attributes {dimension_semantics = [#tpu.dimension_semantics<arbitrary>, #tpu.dimension_semantics<arbitrary>], iteration_bounds = array<i64: 2, 125>, scalar_prefetch = 0 : i64, scratch_operands = 0 : i64, tpu.core_type = #tpu.core_type<tc>, window_params = [{transform_indices = @transform_0, window_bounds = array<i64: 80, 128>}, {transform_indices = @transform_1, window_bounds = array<i64: 80, 128>}, {transform_indices = @transform_2, window_bounds = array<i64: 80, 128>}, {pipeline_mode = #tpu.pipeline_mode<synchronous>, transform_indices = @transform_3, window_bounds = array<i64: 1, 128>}, {pipeline_mode = #tpu.pipeline_mode<synchronous>, transform_indices = @transform_4, window_bounds = array<i64: 1, 128>}, {transform_indices = @transform_5, window_bounds = array<i64: 1, 80, 1>}, {transform_indices = @transform_6, window_bounds = array<i64: 80, 128>}, {transform_indices = @transform_7, window_bounds = array<i64: 1, 64, 128>}]} {
    %get3A = arith.constant 0 : index
    %get3A_0 = arith.constant 0 : index
    %get3A_1 = vector.load %arg4[%get3A, %get3A_0] : memref<80x128xf32, #tpu.memory_space<vmem>>, vector<80x1xf32>
    %add3A = arith.constant 1.000000e+00 : f32
    %add3A_2 = vector.broadcast %add3A : f32 to vector<80x1xf32>
    %add3A_3 = arith.addf %add3A_2, %get3A_1 : vector<80x1xf32>
    %rsqrt3A = math.rsqrt %add3A_3 : vector<80x1xf32>
    %get3A_4 = arith.constant 0 : index
    %get3A_5 = arith.constant 0 : index
    %get3A_6 = vector.load %arg2[%get3A_4, %get3A_5] : memref<80x128xf32, #tpu.memory_space<vmem>>, vector<80x128xf32>
    %get3A_7 = arith.constant 0 : index
    %get3A_8 = arith.constant 0 : index
    %get3A_9 = vector.load %arg3[%get3A_7, %get3A_8] : memref<80x128xf32, #tpu.memory_space<vmem>>, vector<80x128xf32>
    %add3A_10 = arith.addf %get3A_6, %get3A_9 : vector<80x128xf32>
    %mul3A = vector.broadcast %rsqrt3A : vector<80x1xf32> to vector<80x128xf32>
    %mul3A_11 = arith.mulf %mul3A, %add3A_10 : vector<80x128xf32>
    %get3A_12 = arith.constant 0 : index
    %get3A_13 = arith.constant 0 : index
    %get3A_14 = vector.load %arg5[%get3A_12, %get3A_13] : memref<1x128xf32, #tpu.memory_space<vmem>>, vector<1x128xf32>
    %add3A_15 = vector.broadcast %get3A_14 : vector<1x128xf32> to vector<80x128xf32>
    %add3A_16 = arith.addf %mul3A_11, %add3A_15 : vector<80x128xf32>
    %ge3A = arith.constant 0.000000e+00 : f32
    %ge3A_17 = vector.broadcast %ge3A : f32 to vector<80x128xf32>
    %ge3A_18 = arith.cmpf oge, %add3A_16, %ge3A_17 : vector<80x128xf32>
    %get3A_19 = arith.constant 0 : index
    %get3A_20 = arith.constant 0 : index
    %get3A_21 = vector.load %arg6[%get3A_19, %get3A_20] : memref<1x128xf32, #tpu.memory_space<vmem>>, vector<1x128xf32>
    %mul3A_22 = vector.broadcast %get3A_21 : vector<1x128xf32> to vector<80x128xf32>
    %mul3A_23 = arith.mulf %mul3A_22, %add3A_16 : vector<80x128xf32>
    %select_n3A = arith.select %ge3A_18, %add3A_16, %mul3A_23 : vector<80x128xi1>, vector<80x128xf32>
    %swap3A = arith.constant 0 : index
    %swap3A_24 = arith.constant 0 : index
    %swap3A_25 = vector.load %arg8[%swap3A, %swap3A_24] : memref<80x128xf32, #tpu.memory_space<vmem>>, vector<80x128xf32>
    tpu.vector_store %arg8[%swap3A, %swap3A_24], %select_n3A {strides = array<i32>} : memref<80x128xf32, #tpu.memory_space<vmem>>, vector<80x128xf32>,
    %eq3A = arith.constant 0 : i32
    %eq3A_26 = arith.cmpi eq, %arg1, %eq3A : i32
    %convert_element_type3A = arith.extui %eq3A_26 : i1 to i32
    %cond3A = arith.constant 0 : i32
    %cond3A_27 = arith.cmpi ne, %convert_element_type3A, %cond3A : i32
    scf.if %cond3A_27 {
      %broadcast_in_dim3A = arith.constant 0xFF800000 : f32
      %broadcast_in_dim3A_63 = vector.broadcast %broadcast_in_dim3A : f32 to vector<1x64x128xf32>
      %swap3A_64 = arith.constant 0 : index
      %swap3A_65 = arith.constant 0 : index
      %swap3A_66 = arith.constant 0 : index
      %swap3A_67 = vector.load %arg9[%swap3A_64, %swap3A_65, %swap3A_66] : memref<1x64x128xf32, #tpu.memory_space<vmem>>, vector<1x64x128xf32>
      tpu.vector_store %arg9[%swap3A_64, %swap3A_65, %swap3A_66], %broadcast_in_dim3A_63 {strides = array<i32>} : memref<1x64x128xf32, #tpu.memory_space<vmem>>, vector<1x64x128xf32>,
    } else {
    }
    %get3A_28 = arith.constant 0 : index
    %get3A_29 = arith.constant 0 : index
    %get3A_30 = arith.constant 0 : index
    %get3A_31 = vector.load %arg7[%get3A_28, %get3A_29, %get3A_30] : memref<1x80x1xi32, #tpu.memory_space<vmem>>, vector<1x80x1xi32>
    %get3A_32 = vector.shape_cast %get3A_31 : vector<1x80x1xi32> to vector<80x1xi32>
    %reduce_min3A = vector.shape_cast %get3A_32 : vector<80x1xi32> to vector<1x80x1xi32>
    %reduce_min3A_33 = arith.constant dense<2147483647> : vector<1xi32>
    %reduce_min3A_34 = vector.multi_reduction <minsi>, %reduce_min3A, %reduce_min3A_33 [1, 2] : vector<1x80x1xi32> to vector<1xi32>
    %reduce_min3A_35 = vector.shape_cast %reduce_min3A_34 : vector<1xi32> to vector<1x1x1xi32>
    %reduce_min3A_36 = vector.extract %reduce_min3A_35[0, 0, 0] : i32 from vector<1x1x1xi32>
    %reduce_max3A = vector.shape_cast %get3A_32 : vector<80x1xi32> to vector<1x80x1xi32>
    %reduce_max3A_37 = arith.constant dense<-2147483648> : vector<1xi32>
    %reduce_max3A_38 = vector.multi_reduction <maxsi>, %reduce_max3A, %reduce_max3A_37 [1, 2] : vector<1x80x1xi32> to vector<1xi32>
    %reduce_max3A_39 = vector.shape_cast %reduce_max3A_38 : vector<1xi32> to vector<1x1x1xi32>
    %reduce_max3A_40 = vector.extract %reduce_max3A_39[0, 0, 0] : i32 from vector<1x1x1xi32>
    %add3A_41 = arith.constant 1 : i32
    %add3A_42 = arith.addi %reduce_max3A_40, %add3A_41 : i32
    %get3A_43 = arith.constant 0 : index
    %get3A_44 = arith.constant 0 : index
    %get3A_45 = arith.constant 0 : index
    %get3A_46 = vector.load %arg9[%get3A_43, %get3A_44, %get3A_45] : memref<1x64x128xf32, #tpu.memory_space<vmem>>, vector<1x64x128xf32>
    %get3A_47 = vector.shape_cast %get3A_46 : vector<1x64x128xf32> to vector<64x128xf32>
    %while3A = arith.subi %add3A_42, %reduce_min3A_36 : i32
    %while3A_48 = arith.addi %reduce_min3A_36, %while3A : i32
    %while3A_49 = arith.constant 1 : i32
    %while3A_50 = arith.divsi %while3A, %while3A_49 : i32
    %while3A_51 = arith.muli %while3A_50, %while3A_49 : i32
    %while3A_52 = arith.addi %reduce_min3A_36, %while3A_51 : i32
    %while3A_53 = arith.constant 1 : i32
    %while3A_54 = scf.for %while3A_63 = %reduce_min3A_36 to %while3A_52 step %while3A_53 iter_args(%while3A_64 = %get3A_47) -> (vector<64x128xf32>)  : i32 {
      %eq3A_65 = vector.broadcast %while3A_63 : i32 to vector<80x1xi32>
      %eq3A_66 = arith.cmpi eq, %get3A_32, %eq3A_65 : vector<80x1xi32>
      %jit3A = arith.constant 0xFF800000 : f32
      %broadcast_in_dim3A = vector.shape_cast %eq3A_66 : vector<80x1xi1> to vector<80x1xi1>
      %broadcast_in_dim3A_67 = vector.broadcast %broadcast_in_dim3A : vector<80x1xi1> to vector<80x128xi1>
      %broadcast_in_dim3A_68 = vector.broadcast %jit3A : f32 to vector<80x128xf32>
      %select_n3A_69 = arith.select %broadcast_in_dim3A_67, %select_n3A, %broadcast_in_dim3A_68 : vector<80x128xi1>, vector<80x128xf32>
      %reduce_max3A_70 = arith.constant dense<0xFF800000> : vector<128xf32>
      %reduce_max3A_71 = vector.multi_reduction <maximumf>, %select_n3A_69, %reduce_max3A_70 [0] : vector<80x128xf32> to vector<128xf32>
      %broadcast_in_dim3A_72 = vector.shape_cast %reduce_max3A_71 : vector<128xf32> to vector<1x128xf32>
      %iota3A = tpu.iota {dimensions = array<i32: 0>} : vector<64x1xi32>
      %eq3A_73 = vector.broadcast %while3A_63 : i32 to vector<64x1xi32>
      %eq3A_74 = arith.cmpi eq, %iota3A, %eq3A_73 : vector<64x1xi32>
      %max3A = vector.broadcast %broadcast_in_dim3A_72 : vector<1x128xf32> to vector<64x128xf32>
      %max3A_75 = arith.maximumf %while3A_64, %max3A : vector<64x128xf32>
      %broadcast_in_dim3A_76 = vector.shape_cast %eq3A_74 : vector<64x1xi1> to vector<64x1xi1>
      %broadcast_in_dim3A_77 = vector.broadcast %broadcast_in_dim3A_76 : vector<64x1xi1> to vector<64x128xi1>
      %select_n3A_78 = arith.select %broadcast_in_dim3A_77, %max3A_75, %while3A_64 : vector<64x128xi1>, vector<64x128xf32>
      scf.yield %select_n3A_78 : vector<64x128xf32>
    }
    %while3A_55 = arith.constant 1 : i32
    %while3A_56 = scf.for %while3A_63 = %while3A_52 to %while3A_48 step %while3A_55 iter_args(%while3A_64 = %while3A_54) -> (vector<64x128xf32>)  : i32 {
      %eq3A_65 = vector.broadcast %while3A_63 : i32 to vector<80x1xi32>
      %eq3A_66 = arith.cmpi eq, %get3A_32, %eq3A_65 : vector<80x1xi32>
      %jit3A = arith.constant 0xFF800000 : f32
      %broadcast_in_dim3A = vector.shape_cast %eq3A_66 : vector<80x1xi1> to vector<80x1xi1>
      %broadcast_in_dim3A_67 = vector.broadcast %broadcast_in_dim3A : vector<80x1xi1> to vector<80x128xi1>
      %broadcast_in_dim3A_68 = vector.broadcast %jit3A : f32 to vector<80x128xf32>
      %select_n3A_69 = arith.select %broadcast_in_dim3A_67, %select_n3A, %broadcast_in_dim3A_68 : vector<80x128xi1>, vector<80x128xf32>
      %reduce_max3A_70 = arith.constant dense<0xFF800000> : vector<128xf32>
      %reduce_max3A_71 = vector.multi_reduction <maximumf>, %select_n3A_69, %reduce_max3A_70 [0] : vector<80x128xf32> to vector<128xf32>
      %broadcast_in_dim3A_72 = vector.shape_cast %reduce_max3A_71 : vector<128xf32> to vector<1x128xf32>
      %iota3A = tpu.iota {dimensions = array<i32: 0>} : vector<64x1xi32>
      %eq3A_73 = vector.broadcast %while3A_63 : i32 to vector<64x1xi32>
      %eq3A_74 = arith.cmpi eq, %iota3A, %eq3A_73 : vector<64x1xi32>
      %max3A = vector.broadcast %broadcast_in_dim3A_72 : vector<1x128xf32> to vector<64x128xf32>
      %max3A_75 = arith.maximumf %while3A_64, %max3A : vector<64x128xf32>
      %broadcast_in_dim3A_76 = vector.shape_cast %eq3A_74 : vector<64x1xi1> to vector<64x1xi1>
      %broadcast_in_dim3A_77 = vector.broadcast %broadcast_in_dim3A_76 : vector<64x1xi1> to vector<64x128xi1>
      %select_n3A_78 = arith.select %broadcast_in_dim3A_77, %max3A_75, %while3A_64 : vector<64x128xi1>, vector<64x128xf32>
      scf.yield %select_n3A_78 : vector<64x128xf32>
    }
    %swap3A_57 = arith.constant 0 : index
    %swap3A_58 = arith.constant 0 : index
    %swap3A_59 = arith.constant 0 : index
    %swap3A_60 = vector.load %arg9[%swap3A_57, %swap3A_58, %swap3A_59] : memref<1x64x128xf32, #tpu.memory_space<vmem>>, vector<1x64x128xf32>
    %swap3A_61 = vector.shape_cast %swap3A_60 : vector<1x64x128xf32> to vector<64x128xf32>
    %swap3A_62 = vector.shape_cast %while3A_56 : vector<64x128xf32> to vector<1x64x128xf32>
    tpu.vector_store %arg9[%swap3A_57, %swap3A_58, %swap3A_59], %swap3A_62 {strides = array<i32>} : memref<1x64x128xf32, #tpu.memory_space<vmem>>, vector<1x64x128xf32>,
    return
  }
  func.func @transform_0(%arg0: i32, %arg1: i32) -> (i32, i32) {
    %mul3A = arith.constant 128 : i32
    %mul3A_0 = arith.muli %arg0, %mul3A : i32
    %add3A = arith.addi %mul3A_0, %arg1 : i32
    %c0_i32 = arith.constant 0 : i32
    %c0_i32_1 = arith.constant 0 : i32
    return %add3A, %c0_i32 : i32, i32
  }
  func.func @transform_1(%arg0: i32, %arg1: i32) -> (i32, i32) {
    %mul3A = arith.constant 125 : i32
    %mul3A_0 = arith.muli %arg0, %mul3A : i32
    %add3A = arith.addi %mul3A_0, %arg1 : i32
    %c0_i32 = arith.constant 0 : i32
    %c0_i32_1 = arith.constant 0 : i32
    return %add3A, %c0_i32 : i32, i32
  }
  func.func @transform_2(%arg0: i32, %arg1: i32) -> (i32, i32) {
    %mul3A = arith.constant 128 : i32
    %mul3A_0 = arith.muli %arg0, %mul3A : i32
    %add3A = arith.addi %mul3A_0, %arg1 : i32
    %c0_i32 = arith.constant 0 : i32
    %c0_i32_1 = arith.constant 0 : i32
    return %add3A, %c0_i32 : i32, i32
  }
  func.func @transform_3(%arg0: i32, %arg1: i32) -> (i32, i32) {
    %c0_i32 = arith.constant 0 : i32
    %c0_i32_0 = arith.constant 0 : i32
    %c0_i32_1 = arith.constant 0 : i32
    return %c0_i32, %c0_i32_0 : i32, i32
  }
  func.func @transform_4(%arg0: i32, %arg1: i32) -> (i32, i32) {
    %c0_i32 = arith.constant 0 : i32
    %c0_i32_0 = arith.constant 0 : i32
    %c0_i32_1 = arith.constant 0 : i32
    return %c0_i32, %c0_i32_0 : i32, i32
  }
  func.func @transform_5(%arg0: i32, %arg1: i32) -> (i32, i32, i32) {
    %c0_i32 = arith.constant 0 : i32
    %c0_i32_0 = arith.constant 0 : i32
    %c0_i32_1 = arith.constant 0 : i32
    return %arg1, %c0_i32, %c0_i32_0 : i32, i32, i32
  }
  func.func @transform_6(%arg0: i32, %arg1: i32) -> (i32, i32) {
    %mul3A = arith.constant 125 : i32
    %mul3A_0 = arith.muli %arg0, %mul3A : i32
    %add3A = arith.addi %mul3A_0, %arg1 : i32
    %c0_i32 = arith.constant 0 : i32
    %c0_i32_1 = arith.constant 0 : i32
    return %add3A, %c0_i32 : i32, i32
  }
  func.func @transform_7(%arg0: i32, %arg1: i32) -> (i32, i32, i32) {
    %c0_i32 = arith.constant 0 : i32
    %c0_i32_0 = arith.constant 0 : i32
    %c0_i32_1 = arith.constant 0 : i32
    return %arg0, %c0_i32, %c0_i32_0 : i32, i32, i32
  }
}

module attributes {stable_mosaic.version = 14 : i64} {
  func.func @_fc_body(%arg0: i32, %arg1: memref<128x128xf32, #tpu.memory_space<vmem>>, %arg2: memref<128x128xf32, #tpu.memory_space<vmem>>, %arg3: memref<1x128xf32, #tpu.memory_space<vmem>>, %arg4: memref<128x128xf32, #tpu.memory_space<vmem>>, %arg5: memref<1x128xf32, #tpu.memory_space<vmem>>, %arg6: memref<128x128xf32, #tpu.memory_space<vmem>>, %arg7: memref<1x128xf32, #tpu.memory_space<vmem>>, %arg8: memref<128x128xf32, #tpu.memory_space<vmem>>, %arg9: memref<1x128xf32, #tpu.memory_space<vmem>>, %arg10: memref<128x128xf32, #tpu.memory_space<vmem>>) attributes {dimension_semantics = [#tpu.dimension_semantics<arbitrary>], iteration_bounds = array<i64: 1>, scalar_prefetch = 0 : i64, scratch_operands = 0 : i64, tpu.core_type = #tpu.core_type<tc>, window_params = [{transform_indices = @transform_0, window_bounds = array<i64: 128, 128>}, {pipeline_mode = #tpu.pipeline_mode<synchronous>, transform_indices = @transform_1, window_bounds = array<i64: 128, 128>}, {pipeline_mode = #tpu.pipeline_mode<synchronous>, transform_indices = @transform_2, window_bounds = array<i64: 1, 128>}, {pipeline_mode = #tpu.pipeline_mode<synchronous>, transform_indices = @transform_3, window_bounds = array<i64: 128, 128>}, {pipeline_mode = #tpu.pipeline_mode<synchronous>, transform_indices = @transform_4, window_bounds = array<i64: 1, 128>}, {pipeline_mode = #tpu.pipeline_mode<synchronous>, transform_indices = @transform_5, window_bounds = array<i64: 128, 128>}, {pipeline_mode = #tpu.pipeline_mode<synchronous>, transform_indices = @transform_6, window_bounds = array<i64: 1, 128>}, {pipeline_mode = #tpu.pipeline_mode<synchronous>, transform_indices = @transform_7, window_bounds = array<i64: 128, 128>}, {pipeline_mode = #tpu.pipeline_mode<synchronous>, transform_indices = @transform_8, window_bounds = array<i64: 1, 128>}, {transform_indices = @transform_9, window_bounds = array<i64: 128, 128>}]} {
    %get3A = arith.constant 0 : index
    %get3A_0 = arith.constant 0 : index
    %get3A_1 = vector.load %arg1[%get3A, %get3A_0] : memref<128x128xf32, #tpu.memory_space<vmem>>, vector<128x128xf32>
    %get3A_2 = arith.constant 0 : index
    %get3A_3 = arith.constant 0 : index
    %get3A_4 = vector.load %arg2[%get3A_2, %get3A_3] : memref<128x128xf32, #tpu.memory_space<vmem>>, vector<128x128xf32>
    %dot_general3A = arith.constant dense<0.000000e+00> : vector<128x128xf32>
    %dot_general3A_5 = tpu.matmul %get3A_1, %get3A_4, %dot_general3A {dimension_numbers = #tpu.dot_dimension_numbers<[1], [1], [0], [0], [0, 0, 1, 0], [], []>, transpose_lhs_hint = false} : vector<128x128xf32>, vector<128x128xf32>, vector<128x128xf32> -> vector<128x128xf32>
    %get3A_6 = arith.constant 0 : index
    %get3A_7 = arith.constant 0 : index
    %get3A_8 = vector.load %arg3[%get3A_6, %get3A_7] : memref<1x128xf32, #tpu.memory_space<vmem>>, vector<1x128xf32>
    %add3A = vector.broadcast %get3A_8 : vector<1x128xf32> to vector<128x128xf32>
    %add3A_9 = arith.addf %dot_general3A_5, %add3A : vector<128x128xf32>
    %max3A = arith.constant 0.000000e+00 : f32
    %max3A_10 = vector.broadcast %max3A : f32 to vector<128x128xf32>
    %max3A_11 = arith.maximumf %add3A_9, %max3A_10 : vector<128x128xf32>
    %get3A_12 = arith.constant 0 : index
    %get3A_13 = arith.constant 0 : index
    %get3A_14 = vector.load %arg4[%get3A_12, %get3A_13] : memref<128x128xf32, #tpu.memory_space<vmem>>, vector<128x128xf32>
    %dot_general3A_15 = arith.constant dense<0.000000e+00> : vector<128x128xf32>
    %dot_general3A_16 = tpu.matmul %max3A_11, %get3A_14, %dot_general3A_15 {dimension_numbers = #tpu.dot_dimension_numbers<[1], [1], [0], [0], [0, 0, 1, 0], [], []>, transpose_lhs_hint = false} : vector<128x128xf32>, vector<128x128xf32>, vector<128x128xf32> -> vector<128x128xf32>
    %get3A_17 = arith.constant 0 : index
    %get3A_18 = arith.constant 0 : index
    %get3A_19 = vector.load %arg5[%get3A_17, %get3A_18] : memref<1x128xf32, #tpu.memory_space<vmem>>, vector<1x128xf32>
    %add3A_20 = vector.broadcast %get3A_19 : vector<1x128xf32> to vector<128x128xf32>
    %add3A_21 = arith.addf %dot_general3A_16, %add3A_20 : vector<128x128xf32>
    %max3A_22 = arith.constant 0.000000e+00 : f32
    %max3A_23 = vector.broadcast %max3A_22 : f32 to vector<128x128xf32>
    %max3A_24 = arith.maximumf %add3A_21, %max3A_23 : vector<128x128xf32>
    %get3A_25 = arith.constant 0 : index
    %get3A_26 = arith.constant 0 : index
    %get3A_27 = vector.load %arg6[%get3A_25, %get3A_26] : memref<128x128xf32, #tpu.memory_space<vmem>>, vector<128x128xf32>
    %dot_general3A_28 = arith.constant dense<0.000000e+00> : vector<128x128xf32>
    %dot_general3A_29 = tpu.matmul %max3A_24, %get3A_27, %dot_general3A_28 {dimension_numbers = #tpu.dot_dimension_numbers<[1], [1], [0], [0], [0, 0, 1, 0], [], []>, transpose_lhs_hint = false} : vector<128x128xf32>, vector<128x128xf32>, vector<128x128xf32> -> vector<128x128xf32>
    %get3A_30 = arith.constant 0 : index
    %get3A_31 = arith.constant 0 : index
    %get3A_32 = vector.load %arg7[%get3A_30, %get3A_31] : memref<1x128xf32, #tpu.memory_space<vmem>>, vector<1x128xf32>
    %add3A_33 = vector.broadcast %get3A_32 : vector<1x128xf32> to vector<128x128xf32>
    %add3A_34 = arith.addf %dot_general3A_29, %add3A_33 : vector<128x128xf32>
    %max3A_35 = arith.constant 0.000000e+00 : f32
    %max3A_36 = vector.broadcast %max3A_35 : f32 to vector<128x128xf32>
    %max3A_37 = arith.maximumf %add3A_34, %max3A_36 : vector<128x128xf32>
    %get3A_38 = arith.constant 0 : index
    %get3A_39 = arith.constant 0 : index
    %get3A_40 = vector.load %arg8[%get3A_38, %get3A_39] : memref<128x128xf32, #tpu.memory_space<vmem>>, vector<128x128xf32>
    %dot_general3A_41 = arith.constant dense<0.000000e+00> : vector<128x128xf32>
    %dot_general3A_42 = tpu.matmul %get3A_1, %get3A_40, %dot_general3A_41 {dimension_numbers = #tpu.dot_dimension_numbers<[1], [1], [0], [0], [0, 0, 1, 0], [], []>, transpose_lhs_hint = false} : vector<128x128xf32>, vector<128x128xf32>, vector<128x128xf32> -> vector<128x128xf32>
    %add3A_43 = arith.addf %max3A_37, %dot_general3A_42 : vector<128x128xf32>
    %get3A_44 = arith.constant 0 : index
    %get3A_45 = arith.constant 0 : index
    %get3A_46 = vector.load %arg9[%get3A_44, %get3A_45] : memref<1x128xf32, #tpu.memory_space<vmem>>, vector<1x128xf32>
    %add3A_47 = vector.broadcast %get3A_46 : vector<1x128xf32> to vector<128x128xf32>
    %add3A_48 = arith.addf %add3A_43, %add3A_47 : vector<128x128xf32>
    %swap3A = arith.constant 0 : index
    %swap3A_49 = arith.constant 0 : index
    %swap3A_50 = vector.load %arg10[%swap3A, %swap3A_49] : memref<128x128xf32, #tpu.memory_space<vmem>>, vector<128x128xf32>
    tpu.vector_store %arg10[%swap3A, %swap3A_49], %add3A_48 {strides = array<i32>} : memref<128x128xf32, #tpu.memory_space<vmem>>, vector<128x128xf32>,
    return
  }
  func.func @transform_0(%arg0: i32) -> (i32, i32) {
    %c0_i32 = arith.constant 0 : i32
    %c0_i32_0 = arith.constant 0 : i32
    return %arg0, %c0_i32 : i32, i32
  }
  func.func @transform_1(%arg0: i32) -> (i32, i32) {
    %c0_i32 = arith.constant 0 : i32
    %c0_i32_0 = arith.constant 0 : i32
    %c0_i32_1 = arith.constant 0 : i32
    return %c0_i32, %c0_i32_0 : i32, i32
  }
  func.func @transform_2(%arg0: i32) -> (i32, i32) {
    %c0_i32 = arith.constant 0 : i32
    %c0_i32_0 = arith.constant 0 : i32
    %c0_i32_1 = arith.constant 0 : i32
    return %c0_i32, %c0_i32_0 : i32, i32
  }
  func.func @transform_3(%arg0: i32) -> (i32, i32) {
    %c0_i32 = arith.constant 0 : i32
    %c0_i32_0 = arith.constant 0 : i32
    %c0_i32_1 = arith.constant 0 : i32
    return %c0_i32, %c0_i32_0 : i32, i32
  }
  func.func @transform_4(%arg0: i32) -> (i32, i32) {
    %c0_i32 = arith.constant 0 : i32
    %c0_i32_0 = arith.constant 0 : i32
    %c0_i32_1 = arith.constant 0 : i32
    return %c0_i32, %c0_i32_0 : i32, i32
  }
  func.func @transform_5(%arg0: i32) -> (i32, i32) {
    %c0_i32 = arith.constant 0 : i32
    %c0_i32_0 = arith.constant 0 : i32
    %c0_i32_1 = arith.constant 0 : i32
    return %c0_i32, %c0_i32_0 : i32, i32
  }
  func.func @transform_6(%arg0: i32) -> (i32, i32) {
    %c0_i32 = arith.constant 0 : i32
    %c0_i32_0 = arith.constant 0 : i32
    %c0_i32_1 = arith.constant 0 : i32
    return %c0_i32, %c0_i32_0 : i32, i32
  }
  func.func @transform_7(%arg0: i32) -> (i32, i32) {
    %c0_i32 = arith.constant 0 : i32
    %c0_i32_0 = arith.constant 0 : i32
    %c0_i32_1 = arith.constant 0 : i32
    return %c0_i32, %c0_i32_0 : i32, i32
  }
  func.func @transform_8(%arg0: i32) -> (i32, i32) {
    %c0_i32 = arith.constant 0 : i32
    %c0_i32_0 = arith.constant 0 : i32
    %c0_i32_1 = arith.constant 0 : i32
    return %c0_i32, %c0_i32_0 : i32, i32
  }
  func.func @transform_9(%arg0: i32) -> (i32, i32) {
    %c0_i32 = arith.constant 0 : i32
    %c0_i32_0 = arith.constant 0 : i32
    return %arg0, %c0_i32 : i32, i32
  }
}

module attributes {stable_mosaic.version = 14 : i64} {
  func.func @_infonce_body(%arg0: i32, %arg1: i32, %arg2: memref<1x64x128xf32, #tpu.memory_space<vmem>>, %arg3: memref<80x128xf32, #tpu.memory_space<vmem>>, %arg4: memref<1x1x80xi32, #tpu.memory_space<vmem>>, %arg5: memref<128x128xf32, #tpu.memory_space<vmem>>, %arg6: memref<1x128xf32, #tpu.memory_space<vmem>>, %arg7: memref<128x128xf32, #tpu.memory_space<vmem>>, %arg8: memref<1x128xf32, #tpu.memory_space<vmem>>, %arg9: memref<128x128xf32, #tpu.memory_space<vmem>>, %arg10: memref<1x128xf32, #tpu.memory_space<vmem>>, %arg11: memref<128x128xf32, #tpu.memory_space<vmem>>, %arg12: memref<1x128xf32, #tpu.memory_space<vmem>>, %arg13: memref<1x8x128xf32, #tpu.memory_space<vmem>>, %arg14: memref<64x1xf32, #tpu.memory_space<vmem>>, %arg15: memref<64x1xf32, #tpu.memory_space<vmem>>, %arg16: memref<64x1xf32, #tpu.memory_space<vmem>>) attributes {dimension_semantics = [#tpu.dimension_semantics<arbitrary>, #tpu.dimension_semantics<arbitrary>], iteration_bounds = array<i64: 2, 125>, scalar_prefetch = 0 : i64, scratch_operands = 3 : i64, tpu.core_type = #tpu.core_type<tc>, window_params = [{transform_indices = @transform_0, window_bounds = array<i64: 1, 64, 128>}, {transform_indices = @transform_1, window_bounds = array<i64: 80, 128>}, {transform_indices = @transform_2, window_bounds = array<i64: 1, 1, 80>}, {pipeline_mode = #tpu.pipeline_mode<synchronous>, transform_indices = @transform_3, window_bounds = array<i64: 128, 128>}, {pipeline_mode = #tpu.pipeline_mode<synchronous>, transform_indices = @transform_4, window_bounds = array<i64: 1, 128>}, {pipeline_mode = #tpu.pipeline_mode<synchronous>, transform_indices = @transform_5, window_bounds = array<i64: 128, 128>}, {pipeline_mode = #tpu.pipeline_mode<synchronous>, transform_indices = @transform_6, window_bounds = array<i64: 1, 128>}, {pipeline_mode = #tpu.pipeline_mode<synchronous>, transform_indices = @transform_7, window_bounds = array<i64: 128, 128>}, {pipeline_mode = #tpu.pipeline_mode<synchronous>, transform_indices = @transform_8, window_bounds = array<i64: 1, 128>}, {pipeline_mode = #tpu.pipeline_mode<synchronous>, transform_indices = @transform_9, window_bounds = array<i64: 128, 128>}, {pipeline_mode = #tpu.pipeline_mode<synchronous>, transform_indices = @transform_10, window_bounds = array<i64: 1, 128>}, {transform_indices = @transform_11, window_bounds = array<i64: 1, 8, 128>}]} {
    %eq3A = arith.constant 0 : i32
    %eq3A_0 = arith.cmpi eq, %arg1, %eq3A : i32
    %convert_element_type3A = arith.extui %eq3A_0 : i1 to i32
    %cond3A = arith.constant 0 : i32
    %cond3A_1 = arith.cmpi ne, %convert_element_type3A, %cond3A : i32
    scf.if %cond3A_1 {
      %broadcast_in_dim3A_121 = arith.constant 0.000000e+00 : f32
      %broadcast_in_dim3A_122 = vector.broadcast %broadcast_in_dim3A_121 : f32 to vector<64x1xf32>
      %swap3A_123 = arith.constant 0 : index
      %swap3A_124 = arith.constant 0 : index
      %swap3A_125 = vector.load %arg14[%swap3A_123, %swap3A_124] : memref<64x1xf32, #tpu.memory_space<vmem>>, vector<64x1xf32>
      tpu.vector_store %arg14[%swap3A_123, %swap3A_124], %broadcast_in_dim3A_122 {strides = array<i32>} : memref<64x1xf32, #tpu.memory_space<vmem>>, vector<64x1xf32>,
      %broadcast_in_dim3A_126 = arith.constant 0.000000e+00 : f32
      %broadcast_in_dim3A_127 = vector.broadcast %broadcast_in_dim3A_126 : f32 to vector<64x1xf32>
      %swap3A_128 = arith.constant 0 : index
      %swap3A_129 = arith.constant 0 : index
      %swap3A_130 = vector.load %arg15[%swap3A_128, %swap3A_129] : memref<64x1xf32, #tpu.memory_space<vmem>>, vector<64x1xf32>
      tpu.vector_store %arg15[%swap3A_128, %swap3A_129], %broadcast_in_dim3A_127 {strides = array<i32>} : memref<64x1xf32, #tpu.memory_space<vmem>>, vector<64x1xf32>,
      %broadcast_in_dim3A_131 = arith.constant 0.000000e+00 : f32
      %broadcast_in_dim3A_132 = vector.broadcast %broadcast_in_dim3A_131 : f32 to vector<64x1xf32>
      %swap3A_133 = arith.constant 0 : index
      %swap3A_134 = arith.constant 0 : index
      %swap3A_135 = vector.load %arg16[%swap3A_133, %swap3A_134] : memref<64x1xf32, #tpu.memory_space<vmem>>, vector<64x1xf32>
      tpu.vector_store %arg16[%swap3A_133, %swap3A_134], %broadcast_in_dim3A_132 {strides = array<i32>} : memref<64x1xf32, #tpu.memory_space<vmem>>, vector<64x1xf32>,
    } else {
    }
    %get3A = arith.constant 0 : index
    %get3A_2 = arith.constant 0 : index
    %get3A_3 = arith.constant 0 : index
    %get3A_4 = vector.load %arg2[%get3A, %get3A_2, %get3A_3] : memref<1x64x128xf32, #tpu.memory_space<vmem>>, vector<1x64x128xf32>
    %get3A_5 = vector.shape_cast %get3A_4 : vector<1x64x128xf32> to vector<64x128xf32>
    %mul3A = arith.mulf %get3A_5, %get3A_5 : vector<64x128xf32>
    %reduce_sum3A = arith.constant dense<0.000000e+00> : vector<64xf32>
    %reduce_sum3A_6 = vector.multi_reduction <add>, %mul3A, %reduce_sum3A [1] : vector<64x128xf32> to vector<64xf32>
    %broadcast_in_dim3A = vector.shape_cast %reduce_sum3A_6 : vector<64xf32> to vector<64x1xf32>
    %sqrt3A = math.sqrt %broadcast_in_dim3A : vector<64x1xf32>
    %add3A = arith.constant 9.99999996E-13 : f32
    %add3A_7 = vector.broadcast %add3A : f32 to vector<64x1xf32>
    %add3A_8 = arith.addf %sqrt3A, %add3A_7 : vector<64x1xf32>
    %div3A = vector.broadcast %add3A_8 : vector<64x1xf32> to vector<64x128xf32>
    %div3A_9 = arith.divf %get3A_5, %div3A : vector<64x128xf32>
    %get3A_10 = arith.constant 0 : index
    %get3A_11 = arith.constant 0 : index
    %get3A_12 = vector.load %arg3[%get3A_10, %get3A_11] : memref<80x128xf32, #tpu.memory_space<vmem>>, vector<80x128xf32>
    %get3A_13 = arith.constant 0 : index
    %get3A_14 = arith.constant 0 : index
    %get3A_15 = vector.load %arg5[%get3A_13, %get3A_14] : memref<128x128xf32, #tpu.memory_space<vmem>>, vector<128x128xf32>
    %dot_general3A = arith.constant dense<0.000000e+00> : vector<80x128xf32>
    %dot_general3A_16 = tpu.matmul %get3A_12, %get3A_15, %dot_general3A {dimension_numbers = #tpu.dot_dimension_numbers<[1], [1], [0], [0], [0, 0, 1, 0], [], []>, transpose_lhs_hint = false} : vector<80x128xf32>, vector<128x128xf32>, vector<80x128xf32> -> vector<80x128xf32>
    %get3A_17 = arith.constant 0 : index
    %get3A_18 = arith.constant 0 : index
    %get3A_19 = vector.load %arg6[%get3A_17, %get3A_18] : memref<1x128xf32, #tpu.memory_space<vmem>>, vector<1x128xf32>
    %add3A_20 = vector.broadcast %get3A_19 : vector<1x128xf32> to vector<80x128xf32>
    %add3A_21 = arith.addf %dot_general3A_16, %add3A_20 : vector<80x128xf32>
    %max3A = arith.constant 0.000000e+00 : f32
    %max3A_22 = vector.broadcast %max3A : f32 to vector<80x128xf32>
    %max3A_23 = arith.maximumf %add3A_21, %max3A_22 : vector<80x128xf32>
    %get3A_24 = arith.constant 0 : index
    %get3A_25 = arith.constant 0 : index
    %get3A_26 = vector.load %arg7[%get3A_24, %get3A_25] : memref<128x128xf32, #tpu.memory_space<vmem>>, vector<128x128xf32>
    %dot_general3A_27 = arith.constant dense<0.000000e+00> : vector<80x128xf32>
    %dot_general3A_28 = tpu.matmul %max3A_23, %get3A_26, %dot_general3A_27 {dimension_numbers = #tpu.dot_dimension_numbers<[1], [1], [0], [0], [0, 0, 1, 0], [], []>, transpose_lhs_hint = false} : vector<80x128xf32>, vector<128x128xf32>, vector<80x128xf32> -> vector<80x128xf32>
    %get3A_29 = arith.constant 0 : index
    %get3A_30 = arith.constant 0 : index
    %get3A_31 = vector.load %arg8[%get3A_29, %get3A_30] : memref<1x128xf32, #tpu.memory_space<vmem>>, vector<1x128xf32>
    %add3A_32 = vector.broadcast %get3A_31 : vector<1x128xf32> to vector<80x128xf32>
    %add3A_33 = arith.addf %dot_general3A_28, %add3A_32 : vector<80x128xf32>
    %max3A_34 = arith.constant 0.000000e+00 : f32
    %max3A_35 = vector.broadcast %max3A_34 : f32 to vector<80x128xf32>
    %max3A_36 = arith.maximumf %add3A_33, %max3A_35 : vector<80x128xf32>
    %get3A_37 = arith.constant 0 : index
    %get3A_38 = arith.constant 0 : index
    %get3A_39 = vector.load %arg9[%get3A_37, %get3A_38] : memref<128x128xf32, #tpu.memory_space<vmem>>, vector<128x128xf32>
    %dot_general3A_40 = arith.constant dense<0.000000e+00> : vector<80x128xf32>
    %dot_general3A_41 = tpu.matmul %max3A_36, %get3A_39, %dot_general3A_40 {dimension_numbers = #tpu.dot_dimension_numbers<[1], [1], [0], [0], [0, 0, 1, 0], [], []>, transpose_lhs_hint = false} : vector<80x128xf32>, vector<128x128xf32>, vector<80x128xf32> -> vector<80x128xf32>
    %get3A_42 = arith.constant 0 : index
    %get3A_43 = arith.constant 0 : index
    %get3A_44 = vector.load %arg10[%get3A_42, %get3A_43] : memref<1x128xf32, #tpu.memory_space<vmem>>, vector<1x128xf32>
    %add3A_45 = vector.broadcast %get3A_44 : vector<1x128xf32> to vector<80x128xf32>
    %add3A_46 = arith.addf %dot_general3A_41, %add3A_45 : vector<80x128xf32>
    %max3A_47 = arith.constant 0.000000e+00 : f32
    %max3A_48 = vector.broadcast %max3A_47 : f32 to vector<80x128xf32>
    %max3A_49 = arith.maximumf %add3A_46, %max3A_48 : vector<80x128xf32>
    %get3A_50 = arith.constant 0 : index
    %get3A_51 = arith.constant 0 : index
    %get3A_52 = vector.load %arg11[%get3A_50, %get3A_51] : memref<128x128xf32, #tpu.memory_space<vmem>>, vector<128x128xf32>
    %dot_general3A_53 = arith.constant dense<0.000000e+00> : vector<80x128xf32>
    %dot_general3A_54 = tpu.matmul %get3A_12, %get3A_52, %dot_general3A_53 {dimension_numbers = #tpu.dot_dimension_numbers<[1], [1], [0], [0], [0, 0, 1, 0], [], []>, transpose_lhs_hint = false} : vector<80x128xf32>, vector<128x128xf32>, vector<80x128xf32> -> vector<80x128xf32>
    %add3A_55 = arith.addf %max3A_49, %dot_general3A_54 : vector<80x128xf32>
    %get3A_56 = arith.constant 0 : index
    %get3A_57 = arith.constant 0 : index
    %get3A_58 = vector.load %arg12[%get3A_56, %get3A_57] : memref<1x128xf32, #tpu.memory_space<vmem>>, vector<1x128xf32>
    %add3A_59 = vector.broadcast %get3A_58 : vector<1x128xf32> to vector<80x128xf32>
    %add3A_60 = arith.addf %add3A_55, %add3A_59 : vector<80x128xf32>
    %mul3A_61 = arith.mulf %add3A_60, %add3A_60 : vector<80x128xf32>
    %reduce_sum3A_62 = arith.constant dense<0.000000e+00> : vector<80xf32>
    %reduce_sum3A_63 = vector.multi_reduction <add>, %mul3A_61, %reduce_sum3A_62 [1] : vector<80x128xf32> to vector<80xf32>
    %broadcast_in_dim3A_64 = vector.shape_cast %reduce_sum3A_63 : vector<80xf32> to vector<80x1xf32>
    %sqrt3A_65 = math.sqrt %broadcast_in_dim3A_64 : vector<80x1xf32>
    %add3A_66 = arith.constant 9.99999996E-13 : f32
    %add3A_67 = vector.broadcast %add3A_66 : f32 to vector<80x1xf32>
    %add3A_68 = arith.addf %sqrt3A_65, %add3A_67 : vector<80x1xf32>
    %div3A_69 = vector.broadcast %add3A_68 : vector<80x1xf32> to vector<80x128xf32>
    %div3A_70 = arith.divf %add3A_60, %div3A_69 : vector<80x128xf32>
    %dot_general3A_71 = arith.constant dense<0.000000e+00> : vector<64x80xf32>
    %dot_general3A_72 = tpu.matmul %div3A_9, %div3A_70, %dot_general3A_71 {dimension_numbers = #tpu.dot_dimension_numbers<[1], [1], [0], [0], [0, 0, 1, 0], [], []>, transpose_lhs_hint = false} : vector<64x128xf32>, vector<80x128xf32>, vector<64x80xf32> -> vector<64x80xf32>
    %div3A_73 = arith.constant 2.000000e-01 : f32
    %div3A_74 = vector.broadcast %div3A_73 : f32 to vector<64x80xf32>
    %div3A_75 = arith.divf %dot_general3A_72, %div3A_74 : vector<64x80xf32>
    %get3A_76 = arith.constant 0 : index
    %get3A_77 = arith.constant 0 : index
    %get3A_78 = arith.constant 0 : index
    %get3A_79 = vector.load %arg4[%get3A_76, %get3A_77, %get3A_78] : memref<1x1x80xi32, #tpu.memory_space<vmem>>, vector<1x1x80xi32>
    %get3A_80 = vector.shape_cast %get3A_79 : vector<1x1x80xi32> to vector<1x80xi32>
    %iota3A = tpu.iota {dimensions = array<i32: 0>} : vector<64x1xi32>
    %eq3A_81 = vector.broadcast %get3A_80 : vector<1x80xi32> to vector<64x80xi32>
    %eq3A_82 = vector.broadcast %iota3A : vector<64x1xi32> to vector<64x80xi32>
    %eq3A_83 = arith.cmpi eq, %eq3A_81, %eq3A_82 : vector<64x80xi32>
    %get3A_84 = arith.constant 0 : index
    %get3A_85 = arith.constant 0 : index
    %get3A_86 = vector.load %arg14[%get3A_84, %get3A_85] : memref<64x1xf32, #tpu.memory_space<vmem>>, vector<64x1xf32>
    %exp3A = math.exp %div3A_75 : vector<64x80xf32>
    %reduce_sum3A_87 = arith.constant dense<0.000000e+00> : vector<64xf32>
    %reduce_sum3A_88 = vector.multi_reduction <add>, %exp3A, %reduce_sum3A_87 [1] : vector<64x80xf32> to vector<64xf32>
    %broadcast_in_dim3A_89 = vector.shape_cast %reduce_sum3A_88 : vector<64xf32> to vector<64x1xf32>
    %add3A_90 = arith.addf %get3A_86, %broadcast_in_dim3A_89 : vector<64x1xf32>
    %swap3A = arith.constant 0 : index
    %swap3A_91 = arith.constant 0 : index
    %swap3A_92 = vector.load %arg14[%swap3A, %swap3A_91] : memref<64x1xf32, #tpu.memory_space<vmem>>, vector<64x1xf32>
    tpu.vector_store %arg14[%swap3A, %swap3A_91], %add3A_90 {strides = array<i32>} : memref<64x1xf32, #tpu.memory_space<vmem>>, vector<64x1xf32>,
    %get3A_93 = arith.constant 0 : index
    %get3A_94 = arith.constant 0 : index
    %get3A_95 = vector.load %arg15[%get3A_93, %get3A_94] : memref<64x1xf32, #tpu.memory_space<vmem>>, vector<64x1xf32>
    %jit3A = arith.constant 0.000000e+00 : f32
    %broadcast_in_dim3A_96 = vector.broadcast %jit3A : f32 to vector<64x80xf32>
    %select_n3A = arith.select %eq3A_83, %div3A_75, %broadcast_in_dim3A_96 : vector<64x80xi1>, vector<64x80xf32>
    %reduce_sum3A_97 = arith.constant dense<0.000000e+00> : vector<64xf32>
    %reduce_sum3A_98 = vector.multi_reduction <add>, %select_n3A, %reduce_sum3A_97 [1] : vector<64x80xf32> to vector<64xf32>
    %broadcast_in_dim3A_99 = vector.shape_cast %reduce_sum3A_98 : vector<64xf32> to vector<64x1xf32>
    %add3A_100 = arith.addf %get3A_95, %broadcast_in_dim3A_99 : vector<64x1xf32>
    %swap3A_101 = arith.constant 0 : index
    %swap3A_102 = arith.constant 0 : index
    %swap3A_103 = vector.load %arg15[%swap3A_101, %swap3A_102] : memref<64x1xf32, #tpu.memory_space<vmem>>, vector<64x1xf32>
    tpu.vector_store %arg15[%swap3A_101, %swap3A_102], %add3A_100 {strides = array<i32>} : memref<64x1xf32, #tpu.memory_space<vmem>>, vector<64x1xf32>,
    %get3A_104 = arith.constant 0 : index
    %get3A_105 = arith.constant 0 : index
    %get3A_106 = vector.load %arg16[%get3A_104, %get3A_105] : memref<64x1xf32, #tpu.memory_space<vmem>>, vector<64x1xf32>
    %convert_element_type3A_107 = arith.extui %eq3A_83 : vector<64x80xi1> to vector<64x80xi32>
    %convert_element_type3A_108 = arith.sitofp %convert_element_type3A_107 : vector<64x80xi32> to vector<64x80xf32>
    %reduce_sum3A_109 = arith.constant dense<0.000000e+00> : vector<64xf32>
    %reduce_sum3A_110 = vector.multi_reduction <add>, %convert_element_type3A_108, %reduce_sum3A_109 [1] : vector<64x80xf32> to vector<64xf32>
    %broadcast_in_dim3A_111 = vector.shape_cast %reduce_sum3A_110 : vector<64xf32> to vector<64x1xf32>
    %add3A_112 = arith.addf %get3A_106, %broadcast_in_dim3A_111 : vector<64x1xf32>
    %swap3A_113 = arith.constant 0 : index
    %swap3A_114 = arith.constant 0 : index
    %swap3A_115 = vector.load %arg16[%swap3A_113, %swap3A_114] : memref<64x1xf32, #tpu.memory_space<vmem>>, vector<64x1xf32>
    tpu.vector_store %arg16[%swap3A_113, %swap3A_114], %add3A_112 {strides = array<i32>} : memref<64x1xf32, #tpu.memory_space<vmem>>, vector<64x1xf32>,
    %eq3A_116 = arith.constant 124 : i32
    %eq3A_117 = arith.cmpi eq, %arg1, %eq3A_116 : i32
    %convert_element_type3A_118 = arith.extui %eq3A_117 : i1 to i32
    %cond3A_119 = arith.constant 0 : i32
    %cond3A_120 = arith.cmpi ne, %convert_element_type3A_118, %cond3A_119 : i32
    scf.if %cond3A_120 {
      %get3A_121 = arith.constant 0 : index
      %get3A_122 = arith.constant 0 : index
      %get3A_123 = vector.load %arg15[%get3A_121, %get3A_122] : memref<64x1xf32, #tpu.memory_space<vmem>>, vector<64x1xf32>
      %get3A_124 = arith.constant 0 : index
      %get3A_125 = arith.constant 0 : index
      %get3A_126 = vector.load %arg16[%get3A_124, %get3A_125] : memref<64x1xf32, #tpu.memory_space<vmem>>, vector<64x1xf32>
      %div3A_127 = arith.divf %get3A_123, %get3A_126 : vector<64x1xf32>
      %get3A_128 = arith.constant 0 : index
      %get3A_129 = arith.constant 0 : index
      %get3A_130 = vector.load %arg14[%get3A_128, %get3A_129] : memref<64x1xf32, #tpu.memory_space<vmem>>, vector<64x1xf32>
      %log3A = math.log %get3A_130 : vector<64x1xf32>
      %sub3A = arith.subf %div3A_127, %log3A : vector<64x1xf32>
      %reduce_sum3A_131 = vector.shape_cast %sub3A : vector<64x1xf32> to vector<1x64x1xf32>
      %reduce_sum3A_132 = arith.constant dense<0.000000e+00> : vector<1xf32>
      %reduce_sum3A_133 = vector.multi_reduction <add>, %reduce_sum3A_131, %reduce_sum3A_132 [1, 2] : vector<1x64x1xf32> to vector<1xf32>
      %reduce_sum3A_134 = vector.shape_cast %reduce_sum3A_133 : vector<1xf32> to vector<1x1x1xf32>
      %reduce_sum3A_135 = vector.extract %reduce_sum3A_134[0, 0, 0] : f32 from vector<1x1x1xf32>
      %neg3A = arith.constant 0.000000e+00 : f32
      %neg3A_136 = arith.subf %neg3A, %reduce_sum3A_135 : f32
      %div3A_137 = arith.constant 6.400000e+01 : f32
      %div3A_138 = arith.divf %neg3A_136, %div3A_137 : f32
      %broadcast_in_dim3A_139 = vector.broadcast %div3A_138 : f32 to vector<1x8x128xf32>
      %swap3A_140 = arith.constant 0 : index
      %swap3A_141 = arith.constant 0 : index
      %swap3A_142 = arith.constant 0 : index
      %swap3A_143 = vector.load %arg13[%swap3A_140, %swap3A_141, %swap3A_142] : memref<1x8x128xf32, #tpu.memory_space<vmem>>, vector<1x8x128xf32>
      tpu.vector_store %arg13[%swap3A_140, %swap3A_141, %swap3A_142], %broadcast_in_dim3A_139 {strides = array<i32>} : memref<1x8x128xf32, #tpu.memory_space<vmem>>, vector<1x8x128xf32>,
    } else {
    }
    return
  }
  func.func @transform_0(%arg0: i32, %arg1: i32) -> (i32, i32, i32) {
    %c0_i32 = arith.constant 0 : i32
    %c0_i32_0 = arith.constant 0 : i32
    %c0_i32_1 = arith.constant 0 : i32
    return %arg0, %c0_i32, %c0_i32_0 : i32, i32, i32
  }
  func.func @transform_1(%arg0: i32, %arg1: i32) -> (i32, i32) {
    %sub3A = arith.constant 1 : i32
    %sub3A_0 = arith.subi %sub3A, %arg0 : i32
    %mul3A = arith.constant 125 : i32
    %mul3A_1 = arith.muli %sub3A_0, %mul3A : i32
    %add3A = arith.addi %mul3A_1, %arg1 : i32
    %c0_i32 = arith.constant 0 : i32
    %c0_i32_2 = arith.constant 0 : i32
    return %add3A, %c0_i32 : i32, i32
  }
  func.func @transform_2(%arg0: i32, %arg1: i32) -> (i32, i32, i32) {
    %c0_i32 = arith.constant 0 : i32
    %c0_i32_0 = arith.constant 0 : i32
    %c0_i32_1 = arith.constant 0 : i32
    return %arg1, %c0_i32, %c0_i32_0 : i32, i32, i32
  }
  func.func @transform_3(%arg0: i32, %arg1: i32) -> (i32, i32) {
    %c0_i32 = arith.constant 0 : i32
    %c0_i32_0 = arith.constant 0 : i32
    %c0_i32_1 = arith.constant 0 : i32
    return %c0_i32, %c0_i32_0 : i32, i32
  }
  func.func @transform_4(%arg0: i32, %arg1: i32) -> (i32, i32) {
    %c0_i32 = arith.constant 0 : i32
    %c0_i32_0 = arith.constant 0 : i32
    %c0_i32_1 = arith.constant 0 : i32
    return %c0_i32, %c0_i32_0 : i32, i32
  }
  func.func @transform_5(%arg0: i32, %arg1: i32) -> (i32, i32) {
    %c0_i32 = arith.constant 0 : i32
    %c0_i32_0 = arith.constant 0 : i32
    %c0_i32_1 = arith.constant 0 : i32
    return %c0_i32, %c0_i32_0 : i32, i32
  }
  func.func @transform_6(%arg0: i32, %arg1: i32) -> (i32, i32) {
    %c0_i32 = arith.constant 0 : i32
    %c0_i32_0 = arith.constant 0 : i32
    %c0_i32_1 = arith.constant 0 : i32
    return %c0_i32, %c0_i32_0 : i32, i32
  }
  func.func @transform_7(%arg0: i32, %arg1: i32) -> (i32, i32) {
    %c0_i32 = arith.constant 0 : i32
    %c0_i32_0 = arith.constant 0 : i32
    %c0_i32_1 = arith.constant 0 : i32
    return %c0_i32, %c0_i32_0 : i32, i32
  }
  func.func @transform_8(%arg0: i32, %arg1: i32) -> (i32, i32) {
    %c0_i32 = arith.constant 0 : i32
    %c0_i32_0 = arith.constant 0 : i32
    %c0_i32_1 = arith.constant 0 : i32
    return %c0_i32, %c0_i32_0 : i32, i32
  }
  func.func @transform_9(%arg0: i32, %arg1: i32) -> (i32, i32) {
    %c0_i32 = arith.constant 0 : i32
    %c0_i32_0 = arith.constant 0 : i32
    %c0_i32_1 = arith.constant 0 : i32
    return %c0_i32, %c0_i32_0 : i32, i32
  }
  func.func @transform_10(%arg0: i32, %arg1: i32) -> (i32, i32) {
    %c0_i32 = arith.constant 0 : i32
    %c0_i32_0 = arith.constant 0 : i32
    %c0_i32_1 = arith.constant 0 : i32
    return %c0_i32, %c0_i32_0 : i32, i32
  }
  func.func @transform_11(%arg0: i32, %arg1: i32) -> (i32, i32, i32) {
    %c0_i32 = arith.constant 0 : i32
    %c0_i32_0 = arith.constant 0 : i32
    %c0_i32_1 = arith.constant 0 : i32
    return %arg0, %c0_i32, %c0_i32_0 : i32, i32, i32
  }
}

</mosaic_0001>

<sc_bundles>
// kernel: kernel.10.cloned.1.call-start
scs
__scs_entry_jumppad:
0x0: {  	(pc) =	sbr.rel $0x88, $3  }
0x1: {  	(tag) =	ssettag $0x0;
	lr =	simm.s32 $0x1  }
0x2: {  	[smem:$0x3F87] =	sst lr;
	_ =	strace $0xD0000000  }
0x3: {  	_ = 	snop  }
0x4: {  	_ = 	snop  }
0x5: {  	_ = 	snop  }
0x6: {  	_ = 	snop  }
0x7: {  	_ = 	snop  }
__scs_overlays_trampoline_lowered:
0x8: {  	[smem:$0x3F96] =	sst s0  }
0x9: {  	[smem:$0x3F97] =	sst s1  }
0xa: {  	[smem:$0x3F98] =	sst s2  }
0xb: {  	[smem:$0x3F99] =	sst s3  }
0xc: {  	[smem:$0x3F9A] =	sst s4  }
0xd: {  	[smem:$0x3F9B] =	sst s5  }
0xe: {  	[smem:$0x3F9C] =	sst s6  }
0xf: {  	[smem:$0x3F9D] =	sst s7  }
0x10: {  	[smem:$0x3F9E] =	sst s8  }
0x11: {  	[smem:$0x3F9F] =	sst s9;
	s0 =	simm.s32 @!p0 $0x0  }
0x12: {  	s1 =	sld [smem:$0x3F85];
	s0 =	simm.s32 @p0 $0x1  }
0x13: {  	[smem:$0x3FA0] =	sst s0;
	s0 =	simm.s32 @!p1 $0x0  }
0x14: {  	s2 =	sld [smem:$0x3F84];
	s0 =	simm.s32 @p1 $0x1  }
0x15: {  	[smem:$0x3FA1] =	sst s0;
	s0 =	simm.s32 @!p2 $0x0  }
0x16: {  	s3 =	sld [smem:$0x3FDB];
	s0 =	simm.s32 @p2 $0x1  }
0x17: {  	s4 =	simm.s32 $0x1BF5;
	[smem:$0x3FA3] =	sst s0  }
0x18: {  	s0 =	sld [smem:$0x3F86];
	_ =	swait.ge [sflag:s4], $0x0  }
0x19: {  	s7 =	sld [smem:$0x3F87]  }
0x1a: {  	s8 =	sadd.s32 $0xFFFFE003, lr  }
0x1b: {  	s9 =	sadd.s32 $0xFFFFFEF7, lr;
	s5 =	simm.s32 $0xFFFFFFFF;
	p2 =	slt.u32 s8, $0xFFFFF086  }
0x1c: {  	p1 =	slt.u32 s9, $0xF7A;
	s5 =	simm.s32 @!p2 $0x0  }
0x1d: {  	s5 =	simm.s32 @p1 $0x1;
	p0 =	seq.s32 s7, s2  }
0x1e: {  	s7 =	smul.u32 @!p0 $0xF7A, s2;
	p2 =	seq.s32 @!p0 s5, $0x0  }
0x1f: {  	s9 =	smul.u32 $0xF7A, s1;
	s8 =	simm.s32 @!p0 $0x1BF5;
	p2 =	por !p2, p0  }
0x20: {  	[sflag:s8] =	ssyncset.s32 @!p0 $0xFFFFF086;
	s6 =	sadd.s32 @!p0 s3, s7;
	s7 =	simm.s32 @!p0 $0x108  }
0x21: {  	s3 =	sadd.s32 s3, s9;
	s6 =	sadd.s32 @!p0 $0x88, s6;
	s7 =	simm.s32 @p2 $0x1082  }
0x22: {  	[simem:s7], [sflag:s8] =	dma.local @!p0 [hbm:s6], $0xF7A  }
0x23: {  	s9 =	sor.u32 $0xD0000000, s2;
	s6 =	simm.s32 $0x108;
	_ =	swait.ge @!p0 [sflag:s8], $0x0  }
0x24: {  	s3 =	sadd.s32 $0x88, s3;
	s6 =	simm.s32 @!p1 $0x1082;
	[sflag:s4] =	ssyncset.s32 $0xFFFFF086  }
0x25: {  	[simem:s6], [sflag:s4] =	dma.local [hbm:s3], $0xF7A  }
0x26: {  	[smem:$0x3F87] =	sst s1;
	(tag) =	ssettag s2;
	_ =	strace s9  }
0x27: {  	s1 =	sld [smem:$0x3F97]  }
0x28: {  	s2 =	sld [smem:$0x3F98]  }
0x29: {  	s4 =	sld [smem:$0x3F9A]  }
0x2a: {  	p0 =	seq.s32 s5, $0x0;
	s5 =	sld [smem:$0x3F9B]  }
0x2b: {  	s6 =	sld [smem:$0x3F9C]  }
0x2c: {  	s7 =	sld [smem:$0x3F9D]  }
0x2d: {  	s3 =	simm.s32 $0x108;
	s8 =	sld [smem:$0x3F9E]  }
0x2e: {  	s3 =	simm.s32 @!p0 $0x1082;
	s9 =	sld [smem:$0x3F9F]  }
0x2f: {  	lr =	sadd.s32 s0, s3;
	s0 =	sld [smem:$0x3F96]  }
0x30: {  	s3 =	sld [smem:$0x3F99]  }
0x31: {  	[smem:$0x3FA2] =	sst s10  }
0x32: {  	s10 =	sld [smem:$0x3FA0];
	_ =	sdelay $0x3  }
0x33: {  	p0 =	seq.s32 s10, $0x1;
	s10 =	sld [smem:$0x3FA2];
	_ =	sdelay $0x3  }
0x34: {  	[smem:$0x3FA2] =	sst s10  }
0x35: {  	s10 =	sld [smem:$0x3FA1];
	_ =	sdelay $0x3  }
0x36: {  	p1 =	seq.s32 s10, $0x1;
	s10 =	sld [smem:$0x3FA2];
	_ =	sdelay $0x3  }
0x37: {  	[smem:$0x3FA2] =	sst s10  }
0x38: {  	s10 =	sld [smem:$0x3FA3]  }
0x39: {  	_ = 	snop;
	(pc) =	sbr.ind lr, $3  }
0x3a: {  	_ = 	snop  }
0x3b: {  	_ = 	snop  }
0x3c: {  	p2 =	seq.s32 s10, $0x1;
	s10 =	sld [smem:$0x3FA2]  }
0x3d: {  	_ =	shalt  }
0x3e: {  	_ =	shalt  }
0x3f: {  	_ =	shalt  }
0x40: {  	_ =	shalt  }
0x41: {  	_ =	shalt  }
0x42: {  	_ =	shalt  }
0x43: {  	_ =	shalt  }
0x44: {  	_ =	shalt  }
0x45: {  	_ =	shalt  }
0x46: {  	_ =	shalt  }
0x47: {  	_ =	shalt  }
0x48: {  	_ =	shalt  }
0x49: {  	_ =	shalt  }
0x4a: {  	_ =	shalt  }
0x4b: {  	_ =	shalt  }
0x4c: {  	_ =	shalt  }
0x4d: {  	_ =	shalt  }
0x4e: {  	_ =	shalt  }
0x4f: {  	_ =	shalt  }
0x50: {  	_ =	shalt  }
0x51: {  	_ =	shalt  }
0x52: {  	_ =	shalt  }
0x53: {  	_ =	shalt  }
0x54: {  	_ =	shalt  }
0x55: {  	_ =	shalt  }
0x56: {  	_ =	shalt  }
0x57: {  	_ =	shalt  }
0x58: {  	_ =	shalt  }
0x59: {  	_ =	shalt  }
0x5a: {  	_ =	shalt  }
0x5b: {  	_ =	shalt  }
0x5c: {  	_ =	shalt  }
0x5d: {  	_ =	shalt  }
0x5e: {  	_ =	shalt  }
0x5f: {  	_ =	shalt  }
0x60: {  	_ =	shalt  }
0x61: {  	_ =	shalt  }
0x62: {  	_ =	shalt  }
0x63: {  	_ =	shalt  }
0x64: {  	_ =	shalt  }
0x65: {  	_ =	shalt  }
0x66: {  	_ =	shalt  }
0x67: {  	_ =	shalt  }
0x68: {  	_ =	shalt  }
0x69: {  	_ =	shalt  }
0x6a: {  	_ =	shalt  }
0x6b: {  	_ =	shalt  }
0x6c: {  	_ =	shalt  }
0x6d: {  	_ =	shalt  }
0x6e: {  	_ =	shalt  }
0x6f: {  	_ =	shalt  }
0x70: {  	_ =	shalt  }
0x71: {  	_ =	shalt  }
0x72: {  	_ =	shalt  }
0x73: {  	_ =	shalt  }
0x74: {  	_ =	shalt  }
0x75: {  	_ =	shalt  }
0x76: {  	_ =	shalt  }
0x77: {  	_ =	shalt  }
0x78: {  	_ =	shalt  }
0x79: {  	_ =	shalt  }
0x7a: {  	_ =	shalt  }
0x7b: {  	_ =	shalt  }
0x7c: {  	_ =	shalt  }
0x7d: {  	_ =	shalt  }
0x7e: {  	_ =	shalt  }
0x7f: {  	_ =	shalt  }
0x80: {  	_ =	shalt  }
0x81: {  	_ =	shalt  }
0x82: {  	_ =	shalt  }
0x83: {  	_ =	shalt  }
0x84: {  	_ =	shalt  }
0x85: {  	_ =	shalt  }
0x86: {  	_ =	shalt  }
0x87: {  	_ =	shalt  }
.Lfunc_end0:
.L_simem_size_0:
called_computation_lowered:
.L_overlay_start_0:
0x88: {  	s2 =	sld [smem:$0x3FD9]  }
0x89: {  	s3 =	sld [smem:$0x3FFE];
	_ =	sdelay $0x1  }
0x8a: {  	s1 =	srdreg.scid  }
0x8b: {  	s0 =	sand.u32 $0x1, s1  }
0x8c: {  	s14 =	sshll.u32 s0, $0xA;
	s2 =	sadd.s32 s3, s2  }
0x8d: {  	s2 =	sadd.s32 s2, s14  }
0x8e: {  	[smem:$0x3FAE] =	sst s2  }
0x8f: {  	_ = 	snop  }
0x90: {  	s2 =	sld [smem:$0x3FD0];
	_ =	sdelay $0x2  }
0x91: {  	s15 =	simm.s32 $0xA;
	s4 =	simm.s32 $0x10  }
0x92: {  	[smem:s4], [sflag:s15] =	dma.local [hbm:s2], $0x1  }
0x93: {  	_ =	swait.eq [sflag:s15], $0x1  }
0x94: {  	[sflag:s15] =	ssyncset.done $0x0  }
0x95: {  	[sflag:s15] =	ssyncadd.s32 $0xFFFFFFFF  }
0x96: {  	s16 =	sld [smem:$0x11];
	(tm) =	ssettm $0x1  }
0x97: {  	s17 =	sld [smem:$0x3FFB];
	_ =	sdelay $0x3  }
0x98: {  	_ =	strace s17  }
0x99: {  	s3 =	sld [smem:$0x3FFC];
	_ =	sdelay $0x3  }
0x9a: {  	_ =	strace s3  }
0x9b: {  	s3 =	sld [smem:$0x3FFD];
	_ =	sdelay $0x3  }
0x9c: {  	_ =	strace s3  }
0x9d: {  	_ =	strace $0x8FFFFFFF  }
0x9e: {  	s18 =	sld [smem:$0x3FDB];
	_ =	sdelay $0x1  }
0x9f: {  	s19 =	simm.s32 $_scs_section_size  }
0xa0: {  	s5 =	simm.s32 $_size__tile_overlayer_lowered;
	s6 =	simm.s32 $_tile_overlayer_lowered  }
0xa1: {  	s22 =	simm.s32 $0x1BFF;
	s21 =	sshll.u32 s6, $0x1;
	s3 =	sadd.s32 s19, s18  }
0xa2: {  	s7 =	simm.s32 $0x0;
	s20 =	sshll.u32 s5, $0x1;
	s5 =	sadd.s32 s21, s3  }
0xa3: {  	[timem:s7], [sflag:s22] =	dma.local [hbm:s5], s20  }
0xa4: {  	_ =	swait.ge [sflag:s22], s20  }
0xa5: {  	s4 =	ssub.s32 $0x0, s20;
	[sflag:s22] =	ssyncset.done $0x0  }
0xa6: {  	[sflag:s22] =	ssyncadd.s32 s4;
	_ =	sdelay $0x1  }
0xa7: {  	s23 =	simm.s32 $0x1B8B  }
0xa8: {  	_ =	swait.ge [sflag:s23], $0x1  }
0xa9: {  	[sflag:s23] =	ssyncset.done $0x0  }
0xaa: {  	s25 =	simm.s32 $0x1B8E;
	s24 =	sld [smem:$0x3FFE];
	[sflag:s23] =	ssyncadd.s32 $0xFFFFFFFF  }
0xab: {  	s26 =	simm.s32 $execute0_lowered;
	[smem:$0x3FD2] =	sst s25  }
0xac: {  	s5 =	sshll.u32 s26, $0x1;
	_ =	strace $0x80000046;
	[dreg:$0x1] =	wrdreg $0xFFFFFFFF  }
0xad: {  	s28 =	simm.s32 $_size_execute0_lowered;
	s3 =	sadd.s32 s3, s5;
	[dreg:$0x0] =	wrdreg $0x0  }
0xae: {  	s5 =	sshll.u32 s28, $0x1;
	[dreg:$0x2] =	wrdreg s3  }
0xaf: {  	[dreg:$0x3] =	wrdreg s5  }
0xb0: {  	[dreg:$0x4] =	wrdreg $0xC0  }
0xb1: {  	_ =	task [dreg:s7], $0x5FFFF  }
0xb2: {  	[dreg:$0x1] =	wrdreg $0xFFFFFFFF  }
0xb3: {  	[dreg:$0x0] =	wrdreg $0x60  }
0xb4: {  	[dreg:$0x2] =	wrdreg s16  }
0xb5: {  	[dreg:$0x3] =	wrdreg s24  }
0xb6: {  	[dreg:$0x4] =	wrdreg $0x0  }
0xb7: {  	[dreg:$0x5] =	wrdreg $0x9  }
0xb8: {  	_ =	task.clear_ibuf [dreg:s7], $0x6FFFF;
	_ =	strace $0x90000046  }
0xb9: {  	s29 =	simm.s32 $0x9;
	_ =	strace $0x80000048  }
0xba: {  	_ =	swait.ge [sflag:s29], $0x1  }
0xbb: {  	[sflag:s29] =	ssyncadd.s32 $0xFFFFFFFF  }
0xbc: {  	_ =	strace $0x90000048  }
0xbd: {  	_ =	sfence  }
0xbe: {  	s30 =	sld [smem:$0x0];
	_ =	sdelay $0x2  }
0xbf: {  	s31 =	sshll.u32 s1, $0xD;
	s1 =	sshrl.u32 s1, $0x2  }
0xc0: {  	s3 =	sand.u32 $0x4000, s31;
	s1 =	sadd.s32 s1, s30  }
0xc1: {  	s0 =	sor.u32 s3, s0;
	s1 =	sshll.u32 s1, $0x11  }
0xc2: {  	s0 =	sor.u32 s1, s0  }
0xc3: {  	s0 =	sadd.s32 $0x8F2B, s0  }
0xc4: {  	[sflag:s0] =	ssyncadd.remote.s32 $0x1  }
0xc5: {  	_ =	sfence.sel $0xFFFF  }
0xc6: {  	[dreg:$0x0] =	wrdreg $0xFFFFFFFF;
	(pc) =	sbr.abs _section_cstart, $3  }
0xc7: {  	[dreg:$0x1] =	wrdreg $0xFFFFFFFF  }
0xc8: {  	_ =	task.clear_ibuf [dreg:s7], $0x2FFFF;
	_ =	strace $0x9FFFFFFF  }
0xc9: {  	(tm) =	ssettm $0x7FFFFFFF  }
tec
execute0_lowered:
.L_overlay_start_1:
0x0: {  	(tag) =	ssettag $0x1  }
0x1: {  	s10 =	rddreg [dreg:$0x0];
	s1 =	srdreg.scid  }
0x2: {  	s0 =	stileid.u32;
	s4 =	rddreg [dreg:$0x1]  }
0x3: {  	s2 =	rddreg [dreg:$0x2];
	s3 =	simm.s32 $0x0;
	s15 =	simm.s32 $0x15400  }
0x4: {  	s16 =	simm.s32 $0x1;
	s17 =	simm.s32 $0x14000;
	s6 =	smul.u32 $0x2800, s0  }
0x5: {  	s5 =	sand.u32 $0x1, s1;
	s1 =	rddreg [dreg:$0x3];
	s28 =	smul.u32 $0x50000, s0  }
0x6: {  	s18 =	simm.s32 $0x80;
	[smem:$0x7FF] =	sst s3;
	s7 =	smul.u32 $0x28000, s5  }
0x7: {  	_ =	strace $0x80000047;
	s29 =	sshll.u32 s5, $0x4;
	s5 =	ssub.s32 $0x2, s5  }
0x8: {  	s30 =	sshrl.u32 s28, $0x2;
	s31 =	sor.u32 s0, s29;
	s8 =	sshrl.u32 s5, $0x1  }
0x9: {  	s6 =	sadd.s32 s6, s7;
	s9 =	smul.u32 $0x5000, s31;
	s14 =	ssub.s32 s5, s8  }
0xa: {  	s11 =	smul.u32 $0xA00, s31;
	s13 =	sadd.s32 s6, s4;
	s4 =	sadd.s32 s30, s2  }
0xb: {  	s14 =	smax.u32 s14, $0x1;
	s5 =	sadd.s32 $0x4000, s4;
	s6 =	sadd.s32 $0x8000, s4  }
0xc: {  	s7 =	sadd.s32 $0xC000, s4;
	s12 =	sshrl.u32 s9, $0x3;
	s8 =	sadd.s32 $0x10000, s4  }
0xd: {  	s9 =	sadd.s32 s10, s11;
	s13 =	sadd.s32 $0x19400, s13;
	s12 =	sadd.s32 s10, s12  }
0xe: {  	v0 =	vimm.f32 $0.0e+00;
	v1 =	vimm.f32 $1.000000000e+00;
	s10 =	sadd.s32 $0x280, s12;
	s11 =	sadd.s32 $0x500, s12;
	s12 =	sadd.s32 $0x780, s12  }
.LBB2_1:
0xf: {  	s19 =	simm.s32 $0x0;
	s20 =	simm.s32 $0x200  }
.LBB2_2:
0x10: {  	p0 =	sne.s32 s20, $0xFE00;
	[tilespmem:s19+$0x15470] =	vst v0  }
0x11: {  	[tilespmem:s19+$0x15400] =	vst v0  }
0x12: {  	[tilespmem:s19+$0x15410] =	vst v0  }
.Ltmp0:
0x13: {  	[tilespmem:s19+$0x15420] =	vst v0;
	(pc) =	sbr.rel @p0 .LBB2_2-.Ltmp0, $4  }
0x14: {  	[tilespmem:s19+$0x15430] =	vst v0  }
0x15: {  	[tilespmem:s19+$0x15440] =	vst v0  }
0x16: {  	[tilespmem:s19+$0x15450] =	vst v0  }
0x17: {  	[tilespmem:s19+$0x15460] =	vst v0;
	s19 =	sshra.s32 s20, $0x2;
	s20 =	sadd.s32 $0x200, s20  }
0x18: {  	[tilespmem:s19+$0x15470] =	vst v0  }
0x19: {  	[tilespmem:s19+$0x15400] =	vst v0  }
0x1a: {  	[tilespmem:s19+$0x15410] =	vst v0  }
0x1b: {  	[tilespmem:s19+$0x15420] =	vst v0  }
0x1c: {  	[tilespmem:s19+$0x15430] =	vst v0  }
0x1d: {  	[tilespmem:s19+$0x15440] =	vst v0  }
0x1e: {  	[tilespmem:s19+$0x15450] =	vst v0  }
0x1f: {  	[tilespmem:s19+$0x15460] =	vst v0  }
0x20: {  	[spmem:s4] =	stream.linear.scatter [tilespmem:s15], [sflag:$0x1], $0x4000, $0x38;
	[tilespmem:$0x19400] =	vst v63  }
0x21: {  	_ =	swait.ge [sflag:s16], $0x4000  }
0x22: {  	[sflag:s16] =	ssyncset.done $0x0  }
0x23: {  	[sflag:s16] =	ssyncadd.s32 $0xFFFFC000  }
0x24: {  	[spmem:s5] =	stream.linear.scatter [tilespmem:s15], [sflag:$0x1], $0x4000, $0x38;
	[tilespmem:$0x19400] =	vst v63  }
0x25: {  	_ =	swait.ge [sflag:s16], $0x4000  }
0x26: {  	[sflag:s16] =	ssyncset.done $0x0  }
0x27: {  	[sflag:s16] =	ssyncadd.s32 $0xFFFFC000  }
0x28: {  	[spmem:s6] =	stream.linear.scatter [tilespmem:s15], [sflag:$0x1], $0x4000, $0x38;
	[tilespmem:$0x19400] =	vst v63  }
0x29: {  	_ =	swait.ge [sflag:s16], $0x4000  }
0x2a: {  	[sflag:s16] =	ssyncset.done $0x0  }
0x2b: {  	[sflag:s16] =	ssyncadd.s32 $0xFFFFC000  }
0x2c: {  	[spmem:s7] =	stream.linear.scatter [tilespmem:s15], [sflag:$0x1], $0x4000, $0x38;
	[tilespmem:$0x19400] =	vst v63  }
0x2d: {  	_ =	swait.ge [sflag:s16], $0x4000  }
0x2e: {  	[sflag:s16] =	ssyncset.done $0x0  }
0x2f: {  	[sflag:s16] =	ssyncadd.s32 $0xFFFFC000  }
0x30: {  	[spmem:s8] =	stream.linear.scatter [tilespmem:s15], [sflag:$0x1], $0x4000, $0x38;
	[tilespmem:$0x19400] =	vst v63  }
0x31: {  	_ =	swait.ge [sflag:s16], $0x4000  }
0x32: {  	[sflag:s16] =	ssyncset.done $0x0  }
0x33: {  	s19 =	simm.s32 $0x0;
	s20 =	simm.s32 $0x200;
	[sflag:s16] =	ssyncadd.s32 $0xFFFFC000  }
.LBB2_4:
0x34: {  	p0 =	sne.s32 s20, $0xFE00;
	[tilespmem:s19+$0x15470] =	vst v1  }
0x35: {  	[tilespmem:s19+$0x15400] =	vst v1  }
0x36: {  	[tilespmem:s19+$0x15410] =	vst v1  }
.Ltmp1:
0x37: {  	[tilespmem:s19+$0x15420] =	vst v1;
	(pc) =	sbr.rel @p0 .LBB2_4-.Ltmp1, $4  }
0x38: {  	[tilespmem:s19+$0x15430] =	vst v1  }
0x39: {  	[tilespmem:s19+$0x15440] =	vst v1  }
0x3a: {  	[tilespmem:s19+$0x15450] =	vst v1  }
0x3b: {  	[tilespmem:s19+$0x15460] =	vst v1;
	s19 =	sshra.s32 s20, $0x2;
	s20 =	sadd.s32 $0x200, s20  }
0x3c: {  	[tilespmem:s19+$0x15470] =	vst v1  }
0x3d: {  	[tilespmem:s19+$0x15400] =	vst v1  }
0x3e: {  	[tilespmem:s19+$0x15410] =	vst v1  }
0x3f: {  	[tilespmem:s19+$0x15420] =	vst v1  }
0x40: {  	[tilespmem:s19+$0x15430] =	vst v1  }
0x41: {  	[tilespmem:s19+$0x15440] =	vst v1  }
0x42: {  	[tilespmem:s19+$0x15450] =	vst v1  }
0x43: {  	[tilespmem:s19+$0x15460] =	vst v1  }
0x44: {  	s30 =	simm.s32 $0x0;
	[bflag:$0x0] =	sbarrier.arrive $0xFFFF  }
0x45: {  	[tilespmem:s17], [sflag:$0x1] =	stream.linear.gather [hbm4b:s9+s30], $0x1400, $0x38;
	[tilespmem:$0x19400] =	vst v63  }
0x46: {  	_ =	swait.ge [sflag:s16], $0x1400  }
0x47: {  	[sflag:s16] =	ssyncset.done $0x0  }
0x48: {  	s31 =	simm.s32 $0x14000;
	[sflag:s16] =	ssyncadd.s32 $0xFFFFEC00  }
0x49: {  	[spmem:s2] =	stream.indirect.scatter.add.f32 [tilespmem:s15], [sflag:$0x1], $0x80, s31, s18, $0xb8;
	[tilespmem:$0x19400] =	vst v63  }
0x4a: {  	s19 =	simm.s32 $0x200;
	_ =	swait.ge [sflag:s16], $0x4000  }
.LBB2_6:
0x4b: {  	s20 =	sshra.s32 s19, $0x2;
	[sflag:s16] =	ssyncset.done $0x0;
	p0 =	sne.s32 s19, $0x4E00  }
.Ltmp2:
0x4c: {  	s20 =	sadd.s32 $0x14000, s20;
	[sflag:s16] =	ssyncadd.s32 $0xFFFFC000;
	(pc) =	sbr.rel @p0 .LBB2_6-.Ltmp2, $3  }
0x4d: {  	[spmem:s2] =	stream.indirect.scatter.add.f32 [tilespmem:s15], [sflag:$0x1], $0x80, s20, s18, $0xb8;
	[tilespmem:$0x19400] =	vst v63  }
0x4e: {  	s19 =	sadd.s32 $0x200, s19;
	_ =	sdelay $0x1  }
0x4f: {  	_ =	swait.ge [sflag:s16], $0x4000  }
0x50: {  	[sflag:s16] =	ssyncset.done $0x0  }
0x51: {  	s19 =	simm.s32 $0x0;
	[sflag:s16] =	ssyncadd.s32 $0xFFFFC000  }
0x52: {  	[tilespmem:s17], [sflag:$0x1] =	stream.linear.gather [hbm4b:s10+s19], $0x1400, $0x38;
	[tilespmem:$0x19400] =	vst v63  }
0x53: {  	_ =	swait.ge [sflag:s16], $0x1400  }
0x54: {  	[sflag:s16] =	ssyncset.done $0x0  }
0x55: {  	s31 =	simm.s32 $0x14000;
	[sflag:s16] =	ssyncadd.s32 $0xFFFFEC00  }
0x56: {  	[spmem:s2] =	stream.indirect.scatter.add.f32 [tilespmem:s15], [sflag:$0x1], $0x80, s31, s18, $0xb8;
	[tilespmem:$0x19400] =	vst v63  }
0x57: {  	s19 =	simm.s32 $0x200;
	_ =	swait.ge [sflag:s16], $0x4000  }
.LBB2_8:
0x58: {  	s20 =	sshra.s32 s19, $0x2;
	[sflag:s16] =	ssyncset.done $0x0;
	p0 =	sne.s32 s19, $0x4E00  }
.Ltmp3:
0x59: {  	s20 =	sadd.s32 $0x14000, s20;
	[sflag:s16] =	ssyncadd.s32 $0xFFFFC000;
	(pc) =	sbr.rel @p0 .LBB2_8-.Ltmp3, $3  }
0x5a: {  	[spmem:s2] =	stream.indirect.scatter.add.f32 [tilespmem:s15], [sflag:$0x1], $0x80, s20, s18, $0xb8;
	[tilespmem:$0x19400] =	vst v63  }
0x5b: {  	s19 =	sadd.s32 $0x200, s19;
	_ =	sdelay $0x1  }
0x5c: {  	_ =	swait.ge [sflag:s16], $0x4000  }
0x5d: {  	[sflag:s16] =	ssyncset.done $0x0  }
0x5e: {  	s19 =	simm.s32 $0x0;
	[sflag:s16] =	ssyncadd.s32 $0xFFFFC000  }
0x5f: {  	[tilespmem:s17], [sflag:$0x1] =	stream.linear.gather [hbm4b:s11+s19], $0x1400, $0x38;
	[tilespmem:$0x19400] =	vst v63  }
0x60: {  	_ =	swait.ge [sflag:s16], $0x1400  }
0x61: {  	[sflag:s16] =	ssyncset.done $0x0  }
0x62: {  	s31 =	simm.s32 $0x14000;
	[sflag:s16] =	ssyncadd.s32 $0xFFFFEC00  }
0x63: {  	[spmem:s2] =	stream.indirect.scatter.add.f32 [tilespmem:s15], [sflag:$0x1], $0x80, s31, s18, $0xb8;
	[tilespmem:$0x19400] =	vst v63  }
0x64: {  	s19 =	simm.s32 $0x200;
	_ =	swait.ge [sflag:s16], $0x4000  }
.LBB2_10:
0x65: {  	s20 =	sshra.s32 s19, $0x2;
	[sflag:s16] =	ssyncset.done $0x0;
	p0 =	sne.s32 s19, $0x4E00  }
.Ltmp4:
0x66: {  	s20 =	sadd.s32 $0x14000, s20;
	[sflag:s16] =	ssyncadd.s32 $0xFFFFC000;
	(pc) =	sbr.rel @p0 .LBB2_10-.Ltmp4, $3  }
0x67: {  	[spmem:s2] =	stream.indirect.scatter.add.f32 [tilespmem:s15], [sflag:$0x1], $0x80, s20, s18, $0xb8;
	[tilespmem:$0x19400] =	vst v63  }
0x68: {  	s19 =	sadd.s32 $0x200, s19;
	_ =	sdelay $0x1  }
0x69: {  	_ =	swait.ge [sflag:s16], $0x4000  }
0x6a: {  	[sflag:s16] =	ssyncset.done $0x0  }
0x6b: {  	s19 =	simm.s32 $0x0;
	[sflag:s16] =	ssyncadd.s32 $0xFFFFC000  }
0x6c: {  	[tilespmem:s17], [sflag:$0x1] =	stream.linear.gather [hbm4b:s12+s19], $0x1400, $0x38;
	[tilespmem:$0x19400] =	vst v63  }
0x6d: {  	_ =	swait.ge [sflag:s16], $0x1400  }
0x6e: {  	[sflag:s16] =	ssyncset.done $0x0  }
0x6f: {  	s31 =	simm.s32 $0x14000;
	[sflag:s16] =	ssyncadd.s32 $0xFFFFEC00  }
0x70: {  	[spmem:s2] =	stream.indirect.scatter.add.f32 [tilespmem:s15], [sflag:$0x1], $0x80, s31, s18, $0xb8;
	[tilespmem:$0x19400] =	vst v63  }
0x71: {  	s19 =	simm.s32 $0x200;
	_ =	swait.ge [sflag:s16], $0x4000  }
.LBB2_12:
0x72: {  	s20 =	sshra.s32 s19, $0x2;
	[sflag:s16] =	ssyncset.done $0x0;
	p0 =	sne.s32 s19, $0x4E00  }
.Ltmp5:
0x73: {  	s20 =	sadd.s32 $0x14000, s20;
	[sflag:s16] =	ssyncadd.s32 $0xFFFFC000;
	(pc) =	sbr.rel @p0 .LBB2_12-.Ltmp5, $3  }
0x74: {  	[spmem:s2] =	stream.indirect.scatter.add.f32 [tilespmem:s15], [sflag:$0x1], $0x80, s20, s18, $0xb8;
	[tilespmem:$0x19400] =	vst v63  }
0x75: {  	s19 =	sadd.s32 $0x200, s19;
	_ =	sdelay $0x1  }
0x76: {  	_ =	swait.ge [sflag:s16], $0x4000  }
0x77: {  	[sflag:s16] =	ssyncset.done $0x0;
	s19 =	sshll.u32 s0, $0x6;
	s3 =	sadd.s32 $0x1, s3  }
0x78: {  	s20 =	sshrl.u32 s4, $0x3;
	[sflag:s16] =	ssyncadd.s32 $0xFFFFC000;
	p0 =	sne.s32 s3, s14  }
.Ltmp6:
0x79: {  	s19 =	sor.u32 $0x1C01, s19;
	[bflag:$0x0] =	sbarrier.arrive $0xFFFF;
	(pc) =	sbr.rel @p0 .LBB2_1-.Ltmp6, $4  }
0x7a: {  	[hbm:s13], [sflag:s19] =	dma.local [spmem:s20], $0x2800  }
0x7b: {  	_ =	swait.ge [sflag:s16], $0x2800  }
0x7c: {  	[sflag:s16] =	ssyncset.done $0x0  }
0x7d: {  	[sflag:s16] =	ssyncadd.s32 $0xFFFFD800  }
0x7e: {  	_ =	sfence.sel $0x180000  }
0x7f: {  	[bflag:$0x0] =	sbarrier.arrive $0xFFFF  }
0x80: {  	p0 =	sne.s32 s0, $0x0;
	_ =	strace $0x90000047  }
0x81: {  	s0 =	sadd.s32 @!p0 $0x100000, s1;
	[bflag:$0x2] =	sbarrier.arrive $0xFFFF  }
0x82: {  	[sflag:s0] =	ssyncadd.tile.s32 @!p0 $0x1;
	_ =	shalt  }
.Lfunc_end2:
_tile_overlayer_lowered:
.L_overlay_start_2:
0x83: {  	(tag) =	ssettag $0x2  }
0x84: {  	s0 =	rddreg [dreg:$0x0];
	s2 =	stileid.u32  }
0x85: {  	s1 =	rddreg [dreg:$0x1];
	p0 =	sne.s32 s2, $0x0  }
0x86: {  	s3 =	rddreg [dreg:$0x2];
	[bflag:$0x3] =	sbarrier.arrive $0xFFFF;
	s2 =	simm.s32 @!p0 $0x1C01  }
0x87: {  	[timem:s3], [sflag:s2] =	dma.local @!p0 [hbm:s0], s1  }
0x88: {  	s0 =	simm.s32 @!p0 $0x1  }
0x89: {  	_ =	swait.ge @!p0 [sflag:s0], s1  }
0x8a: {  	s1 =	ssub.s32 @!p0 $0x0, s1;
	[sflag:s0] =	ssyncset.done @!p0 $0x0  }
0x8b: {  	[sflag:s0] =	ssyncadd.s32 @!p0 s1  }
0x8c: {  	[bflag:$0x3] =	sbarrier.arrive $0xFFFF  }
0x8d: {  	_ =	shalt  }

// kernel: kernel.13.cloned.1.call-start
scs
__scs_entry_jumppad:
0x0: {  	(pc) =	sbr.rel $0x88, $3  }
0x1: {  	(tag) =	ssettag $0x0;
	lr =	simm.s32 $0x1  }
0x2: {  	[smem:$0x3F87] =	sst lr;
	_ =	strace $0xD0000000  }
0x3: {  	_ = 	snop  }
0x4: {  	_ = 	snop  }
0x5: {  	_ = 	snop  }
0x6: {  	_ = 	snop  }
0x7: {  	_ = 	snop  }
__scs_overlays_trampoline_lowered:
0x8: {  	[smem:$0x3F96] =	sst s0  }
0x9: {  	[smem:$0x3F97] =	sst s1  }
0xa: {  	[smem:$0x3F98] =	sst s2  }
0xb: {  	[smem:$0x3F99] =	sst s3  }
0xc: {  	[smem:$0x3F9A] =	sst s4  }
0xd: {  	[smem:$0x3F9B] =	sst s5  }
0xe: {  	[smem:$0x3F9C] =	sst s6  }
0xf: {  	[smem:$0x3F9D] =	sst s7  }
0x10: {  	[smem:$0x3F9E] =	sst s8  }
0x11: {  	[smem:$0x3F9F] =	sst s9;
	s0 =	simm.s32 @!p0 $0x0  }
0x12: {  	s1 =	sld [smem:$0x3F85];
	s0 =	simm.s32 @p0 $0x1  }
0x13: {  	[smem:$0x3FA0] =	sst s0;
	s0 =	simm.s32 @!p1 $0x0  }
0x14: {  	s2 =	sld [smem:$0x3F84];
	s0 =	simm.s32 @p1 $0x1  }
0x15: {  	[smem:$0x3FA1] =	sst s0;
	s0 =	simm.s32 @!p2 $0x0  }
0x16: {  	s3 =	sld [smem:$0x3FDB];
	s0 =	simm.s32 @p2 $0x1  }
0x17: {  	s4 =	simm.s32 $0x1BF5;
	[smem:$0x3FA3] =	sst s0  }
0x18: {  	s0 =	sld [smem:$0x3F86];
	_ =	swait.ge [sflag:s4], $0x0  }
0x19: {  	s7 =	sld [smem:$0x3F87]  }
0x1a: {  	s8 =	sadd.s32 $0xFFFFE003, lr  }
0x1b: {  	s9 =	sadd.s32 $0xFFFFFEF7, lr;
	s5 =	simm.s32 $0xFFFFFFFF;
	p2 =	slt.u32 s8, $0xFFFFF086  }
0x1c: {  	p1 =	slt.u32 s9, $0xF7A;
	s5 =	simm.s32 @!p2 $0x0  }
0x1d: {  	s5 =	simm.s32 @p1 $0x1;
	p0 =	seq.s32 s7, s2  }
0x1e: {  	s7 =	smul.u32 @!p0 $0xF7A, s2;
	p2 =	seq.s32 @!p0 s5, $0x0  }
0x1f: {  	s9 =	smul.u32 $0xF7A, s1;
	s8 =	simm.s32 @!p0 $0x1BF5;
	p2 =	por !p2, p0  }
0x20: {  	[sflag:s8] =	ssyncset.s32 @!p0 $0xFFFFF086;
	s6 =	sadd.s32 @!p0 s3, s7;
	s7 =	simm.s32 @!p0 $0x108  }
0x21: {  	s3 =	sadd.s32 s3, s9;
	s6 =	sadd.s32 @!p0 $0x88, s6;
	s7 =	simm.s32 @p2 $0x1082  }
0x22: {  	[simem:s7], [sflag:s8] =	dma.local @!p0 [hbm:s6], $0xF7A  }
0x23: {  	s9 =	sor.u32 $0xD0000000, s2;
	s6 =	simm.s32 $0x108;
	_ =	swait.ge @!p0 [sflag:s8], $0x0  }
0x24: {  	s3 =	sadd.s32 $0x88, s3;
	s6 =	simm.s32 @!p1 $0x1082;
	[sflag:s4] =	ssyncset.s32 $0xFFFFF086  }
0x25: {  	[simem:s6], [sflag:s4] =	dma.local [hbm:s3], $0xF7A  }
0x26: {  	[smem:$0x3F87] =	sst s1;
	(tag) =	ssettag s2;
	_ =	strace s9  }
0x27: {  	s1 =	sld [smem:$0x3F97]  }
0x28: {  	s2 =	sld [smem:$0x3F98]  }
0x29: {  	s4 =	sld [smem:$0x3F9A]  }
0x2a: {  	p0 =	seq.s32 s5, $0x0;
	s5 =	sld [smem:$0x3F9B]  }
0x2b: {  	s6 =	sld [smem:$0x3F9C]  }
0x2c: {  	s7 =	sld [smem:$0x3F9D]  }
0x2d: {  	s3 =	simm.s32 $0x108;
	s8 =	sld [smem:$0x3F9E]  }
0x2e: {  	s3 =	simm.s32 @!p0 $0x1082;
	s9 =	sld [smem:$0x3F9F]  }
0x2f: {  	lr =	sadd.s32 s0, s3;
	s0 =	sld [smem:$0x3F96]  }
0x30: {  	s3 =	sld [smem:$0x3F99]  }
0x31: {  	[smem:$0x3FA2] =	sst s10  }
0x32: {  	s10 =	sld [smem:$0x3FA0];
	_ =	sdelay $0x3  }
0x33: {  	p0 =	seq.s32 s10, $0x1;
	s10 =	sld [smem:$0x3FA2];
	_ =	sdelay $0x3  }
0x34: {  	[smem:$0x3FA2] =	sst s10  }
0x35: {  	s10 =	sld [smem:$0x3FA1];
	_ =	sdelay $0x3  }
0x36: {  	p1 =	seq.s32 s10, $0x1;
	s10 =	sld [smem:$0x3FA2];
	_ =	sdelay $0x3  }
0x37: {  	[smem:$0x3FA2] =	sst s10  }
0x38: {  	s10 =	sld [smem:$0x3FA3]  }
0x39: {  	_ = 	snop;
	(pc) =	sbr.ind lr, $3  }
0x3a: {  	_ = 	snop  }
0x3b: {  	_ = 	snop  }
0x3c: {  	p2 =	seq.s32 s10, $0x1;
	s10 =	sld [smem:$0x3FA2]  }
0x3d: {  	_ =	shalt  }
0x3e: {  	_ =	shalt  }
0x3f: {  	_ =	shalt  }
0x40: {  	_ =	shalt  }
0x41: {  	_ =	shalt  }
0x42: {  	_ =	shalt  }
0x43: {  	_ =	shalt  }
0x44: {  	_ =	shalt  }
0x45: {  	_ =	shalt  }
0x46: {  	_ =	shalt  }
0x47: {  	_ =	shalt  }
0x48: {  	_ =	shalt  }
0x49: {  	_ =	shalt  }
0x4a: {  	_ =	shalt  }
0x4b: {  	_ =	shalt  }
0x4c: {  	_ =	shalt  }
0x4d: {  	_ =	shalt  }
0x4e: {  	_ =	shalt  }
0x4f: {  	_ =	shalt  }
0x50: {  	_ =	shalt  }
0x51: {  	_ =	shalt  }
0x52: {  	_ =	shalt  }
0x53: {  	_ =	shalt  }
0x54: {  	_ =	shalt  }
0x55: {  	_ =	shalt  }
0x56: {  	_ =	shalt  }
0x57: {  	_ =	shalt  }
0x58: {  	_ =	shalt  }
0x59: {  	_ =	shalt  }
0x5a: {  	_ =	shalt  }
0x5b: {  	_ =	shalt  }
0x5c: {  	_ =	shalt  }
0x5d: {  	_ =	shalt  }
0x5e: {  	_ =	shalt  }
0x5f: {  	_ =	shalt  }
0x60: {  	_ =	shalt  }
0x61: {  	_ =	shalt  }
0x62: {  	_ =	shalt  }
0x63: {  	_ =	shalt  }
0x64: {  	_ =	shalt  }
0x65: {  	_ =	shalt  }
0x66: {  	_ =	shalt  }
0x67: {  	_ =	shalt  }
0x68: {  	_ =	shalt  }
0x69: {  	_ =	shalt  }
0x6a: {  	_ =	shalt  }
0x6b: {  	_ =	shalt  }
0x6c: {  	_ =	shalt  }
0x6d: {  	_ =	shalt  }
0x6e: {  	_ =	shalt  }
0x6f: {  	_ =	shalt  }
0x70: {  	_ =	shalt  }
0x71: {  	_ =	shalt  }
0x72: {  	_ =	shalt  }
0x73: {  	_ =	shalt  }
0x74: {  	_ =	shalt  }
0x75: {  	_ =	shalt  }
0x76: {  	_ =	shalt  }
0x77: {  	_ =	shalt  }
0x78: {  	_ =	shalt  }
0x79: {  	_ =	shalt  }
0x7a: {  	_ =	shalt  }
0x7b: {  	_ =	shalt  }
0x7c: {  	_ =	shalt  }
0x7d: {  	_ =	shalt  }
0x7e: {  	_ =	shalt  }
0x7f: {  	_ =	shalt  }
0x80: {  	_ =	shalt  }
0x81: {  	_ =	shalt  }
0x82: {  	_ =	shalt  }
0x83: {  	_ =	shalt  }
0x84: {  	_ =	shalt  }
0x85: {  	_ =	shalt  }
0x86: {  	_ =	shalt  }
0x87: {  	_ =	shalt  }
.Lfunc_end0:
.L_simem_size_0:
called_computation.1_lowered:
.L_overlay_start_0:
0x88: {  	s2 =	sld [smem:$0x3FD9]  }
0x89: {  	s3 =	sld [smem:$0x3FFE];
	_ =	sdelay $0x1  }
0x8a: {  	s1 =	srdreg.scid  }
0x8b: {  	s0 =	sand.u32 $0x1, s1  }
0x8c: {  	s14 =	sshll.u32 s0, $0xA;
	s2 =	sadd.s32 s3, s2  }
0x8d: {  	s2 =	sadd.s32 s2, s14  }
0x8e: {  	[smem:$0x3FAE] =	sst s2  }
0x8f: {  	_ = 	snop  }
0x90: {  	s2 =	sld [smem:$0x3FD0];
	_ =	sdelay $0x2  }
0x91: {  	s15 =	simm.s32 $0xA;
	s4 =	simm.s32 $0x10  }
0x92: {  	[smem:s4], [sflag:s15] =	dma.local [hbm:s2], $0x1  }
0x93: {  	_ =	swait.eq [sflag:s15], $0x1  }
0x94: {  	[sflag:s15] =	ssyncset.done $0x0  }
0x95: {  	[sflag:s15] =	ssyncadd.s32 $0xFFFFFFFF  }
0x96: {  	s16 =	sld [smem:$0x11];
	(tm) =	ssettm $0x1  }
0x97: {  	s17 =	sld [smem:$0x3FFB];
	_ =	sdelay $0x3  }
0x98: {  	_ =	strace s17  }
0x99: {  	s3 =	sld [smem:$0x3FFC];
	_ =	sdelay $0x3  }
0x9a: {  	_ =	strace s3  }
0x9b: {  	s3 =	sld [smem:$0x3FFD];
	_ =	sdelay $0x3  }
0x9c: {  	_ =	strace s3  }
0x9d: {  	_ =	strace $0x8FFFFFFF  }
0x9e: {  	s18 =	sld [smem:$0x3FDB];
	_ =	sdelay $0x1  }
0x9f: {  	s19 =	simm.s32 $_scs_section_size  }
0xa0: {  	s5 =	simm.s32 $_size__tile_overlayer_lowered;
	s6 =	simm.s32 $_tile_overlayer_lowered  }
0xa1: {  	s22 =	simm.s32 $0x1BFF;
	s21 =	sshll.u32 s6, $0x1;
	s3 =	sadd.s32 s19, s18  }
0xa2: {  	s7 =	simm.s32 $0x0;
	s20 =	sshll.u32 s5, $0x1;
	s5 =	sadd.s32 s21, s3  }
0xa3: {  	[timem:s7], [sflag:s22] =	dma.local [hbm:s5], s20  }
0xa4: {  	_ =	swait.ge [sflag:s22], s20  }
0xa5: {  	s4 =	ssub.s32 $0x0, s20;
	[sflag:s22] =	ssyncset.done $0x0  }
0xa6: {  	[sflag:s22] =	ssyncadd.s32 s4;
	_ =	sdelay $0x1  }
0xa7: {  	s23 =	simm.s32 $0x1B8B  }
0xa8: {  	_ =	swait.ge [sflag:s23], $0x1  }
0xa9: {  	[sflag:s23] =	ssyncset.done $0x0  }
0xaa: {  	s25 =	simm.s32 $0x1B8E;
	s24 =	sld [smem:$0x3FFE];
	[sflag:s23] =	ssyncadd.s32 $0xFFFFFFFF  }
0xab: {  	s26 =	simm.s32 $execute0_lowered;
	[smem:$0x3FD2] =	sst s25  }
0xac: {  	s5 =	sshll.u32 s26, $0x1;
	_ =	strace $0x80000049;
	[dreg:$0x1] =	wrdreg $0xFFFFFFFF  }
0xad: {  	s28 =	simm.s32 $_size_execute0_lowered;
	s3 =	sadd.s32 s3, s5;
	[dreg:$0x0] =	wrdreg $0x0  }
0xae: {  	s5 =	sshll.u32 s28, $0x1;
	[dreg:$0x2] =	wrdreg s3  }
0xaf: {  	[dreg:$0x3] =	wrdreg s5  }
0xb0: {  	[dreg:$0x4] =	wrdreg $0xC0  }
0xb1: {  	_ =	task [dreg:s7], $0x5FFFF  }
0xb2: {  	[dreg:$0x1] =	wrdreg $0xFFFFFFFF  }
0xb3: {  	[dreg:$0x0] =	wrdreg $0x60  }
0xb4: {  	[dreg:$0x2] =	wrdreg s24  }
0xb5: {  	[dreg:$0x3] =	wrdreg s16  }
0xb6: {  	[dreg:$0x4] =	wrdreg $0x0  }
0xb7: {  	[dreg:$0x5] =	wrdreg $0x9  }
0xb8: {  	_ =	task.clear_ibuf [dreg:s7], $0x6FFFF;
	_ =	strace $0x90000049  }
0xb9: {  	s29 =	simm.s32 $0x9;
	_ =	strace $0x8000004B  }
0xba: {  	_ =	swait.ge [sflag:s29], $0x1  }
0xbb: {  	[sflag:s29] =	ssyncadd.s32 $0xFFFFFFFF  }
0xbc: {  	_ =	strace $0x9000004B  }
0xbd: {  	_ =	sfence  }
0xbe: {  	s30 =	sld [smem:$0x0];
	_ =	sdelay $0x2  }
0xbf: {  	s31 =	sshll.u32 s1, $0xD;
	s1 =	sshrl.u32 s1, $0x2  }
0xc0: {  	s3 =	sand.u32 $0x4000, s31;
	s1 =	sadd.s32 s1, s30  }
0xc1: {  	s0 =	sor.u32 s3, s0;
	s1 =	sshll.u32 s1, $0x11  }
0xc2: {  	s0 =	sor.u32 s1, s0  }
0xc3: {  	s0 =	sadd.s32 $0x8F2B, s0  }
0xc4: {  	[sflag:s0] =	ssyncadd.remote.s32 $0x1  }
0xc5: {  	_ =	sfence.sel $0xFFFF  }
0xc6: {  	[dreg:$0x0] =	wrdreg $0xFFFFFFFF;
	(pc) =	sbr.abs _section_cstart, $3  }
0xc7: {  	[dreg:$0x1] =	wrdreg $0xFFFFFFFF  }
0xc8: {  	_ =	task.clear_ibuf [dreg:s7], $0x2FFFF;
	_ =	strace $0x9FFFFFFF  }
0xc9: {  	(tm) =	ssettm $0x7FFFFFFF  }
tec
execute0_lowered:
.L_overlay_start_1:
0x0: {  	(tag) =	ssettag $0x1  }
0x1: {  	s0 =	rddreg [dreg:$0x0]  }
0x2: {  	s1 =	rddreg [dreg:$0x1]  }
0x3: {  	s2 =	rddreg [dreg:$0x2]  }
0x4: {  	s4 =	srdreg.scid;
	s9 =	stileid.u32;
	s3 =	simm.s32 $0x0  }
0x5: {  	s20 =	simm.s32 $0x16800;
	s21 =	simm.s32 $0x3;
	s28 =	simm.s32 $0x2  }
0x6: {  	s29 =	simm.s32 $0x15380;
	s30 =	simm.s32 $0x16700;
	s31 =	simm.s32 $0x16780  }
0x7: {  	s5 =	sand.u32 $0x1, s4;
	s6 =	smul.u32 $0x2800, s9;
	[smem:$0x7FF] =	sst s3  }
0x8: {  	s4 =	sadd.s32 $0x69400, s0;
	s16 =	sadd.s32 $0x5400, s0;
	s22 =	smul.u32 $0x50000, s9  }
0x9: {  	s7 =	smul.u32 $0x28000, s5;
	s23 =	ssub.s32 $0x2, s5;
	s5 =	sshll.u32 s5, $0x4  }
0xa: {  	_ =	strace $0x8000004A;
	s8 =	sshrl.u32 s23, $0x1;
	s9 =	sor.u32 s9, s5  }
0xb: {  	s6 =	sadd.s32 s6, s7;
	s7 =	sshrl.u32 s22, $0x2;
	s10 =	smul.u32 $0x5000, s9  }
0xc: {  	s19 =	ssub.s32 s23, s8;
	s11 =	smul.u32 $0xA00, s9;
	s22 =	simm.s32 $0x14000  }
0xd: {  	s23 =	simm.s32 $0x15400;
	s0 =	sadd.s32 s6, s0;
	s5 =	sadd.s32 s7, s2  }
0xe: {  	s19 =	smax.u32 s19, $0x1;
	s24 =	sadd.s32 $0x4000, s5;
	s25 =	sadd.s32 $0x8000, s5  }
0xf: {  	s26 =	sadd.s32 $0xC000, s5;
	s9 =	sadd.s32 $0x10000, s5;
	[dreg:$0x4] =	wrdreg s24  }
0x10: {  	s17 =	sshrl.u32 s10, $0x3;
	s10 =	sadd.s32 s16, s11;
	[dreg:$0x5] =	wrdreg s25  }
0x11: {  	s11 =	sadd.s32 s1, s11;
	s18 =	sadd.s32 $0xB7600, s0;
	[dreg:$0x6] =	wrdreg s26  }
0x12: {  	s13 =	sadd.s32 $0x280, s17;
	s15 =	sadd.s32 $0x500, s17;
	s17 =	sadd.s32 $0x780, s17  }
0x13: {  	s24 =	simm.s32 $0x80;
	s25 =	simm.s32 $0x1A800;
	s26 =	simm.s32 $0x1  }
0x14: {  	s12 =	sadd.s32 s16, s13;
	s13 =	sadd.s32 s1, s13;
	s14 =	sadd.s32 s16, s15  }
0x15: {  	v0 =	vimm.f32 $0.0e+00;
	s15 =	sadd.s32 s1, s15;
	s16 =	sadd.s32 s16, s17;
	s17 =	sadd.s32 s1, s17  }
.LBB2_1:
0x16: {  	s0 =	simm.s32 $0x0;
	s1 =	simm.s32 $0x200  }
.LBB2_2:
0x17: {  	p0 =	sne.s32 s1, $0xFE00;
	[tilespmem:s0+$0x16870] =	vst v0  }
0x18: {  	[tilespmem:s0+$0x16800] =	vst v0  }
0x19: {  	[tilespmem:s0+$0x16810] =	vst v0  }
.Ltmp0:
0x1a: {  	[tilespmem:s0+$0x16820] =	vst v0;
	(pc) =	sbr.rel @p0 .LBB2_2-.Ltmp0, $4  }
0x1b: {  	[tilespmem:s0+$0x16830] =	vst v0  }
0x1c: {  	[tilespmem:s0+$0x16840] =	vst v0  }
0x1d: {  	[tilespmem:s0+$0x16850] =	vst v0  }
0x1e: {  	[tilespmem:s0+$0x16860] =	vst v0;
	s0 =	sshra.s32 s1, $0x2;
	s1 =	sadd.s32 $0x200, s1  }
0x1f: {  	[tilespmem:s0+$0x16870] =	vst v0  }
0x20: {  	[tilespmem:s0+$0x16800] =	vst v0  }
0x21: {  	[tilespmem:s0+$0x16810] =	vst v0  }
0x22: {  	[tilespmem:s0+$0x16820] =	vst v0  }
0x23: {  	[tilespmem:s0+$0x16830] =	vst v0  }
0x24: {  	[tilespmem:s0+$0x16840] =	vst v0  }
0x25: {  	[tilespmem:s0+$0x16850] =	vst v0  }
0x26: {  	[tilespmem:s0+$0x16860] =	vst v0  }
0x27: {  	[spmem:s5] =	stream.linear.scatter [tilespmem:s20], [sflag:$0x3], $0x4000, $0x38;
	[tilespmem:$0x1E800] =	vst v63  }
0x28: {  	_ =	swait.ge [sflag:s21], $0x4000  }
0x29: {  	[sflag:s21] =	ssyncset.done $0x0  }
0x2a: {  	s1 =	rddreg [dreg:$0x4];
	[sflag:s21] =	ssyncadd.s32 $0xFFFFC000  }
0x2b: {  	[spmem:s1] =	stream.linear.scatter [tilespmem:s20], [sflag:$0x3], $0x4000, $0x38;
	[tilespmem:$0x1E800] =	vst v63  }
0x2c: {  	_ =	swait.ge [sflag:s21], $0x4000  }
0x2d: {  	[sflag:s21] =	ssyncset.done $0x0  }
0x2e: {  	s6 =	rddreg [dreg:$0x5];
	[sflag:s21] =	ssyncadd.s32 $0xFFFFC000  }
0x2f: {  	[spmem:s6] =	stream.linear.scatter [tilespmem:s20], [sflag:$0x3], $0x4000, $0x38;
	[tilespmem:$0x1E800] =	vst v63  }
0x30: {  	_ =	swait.ge [sflag:s21], $0x4000  }
0x31: {  	[sflag:s21] =	ssyncset.done $0x0  }
0x32: {  	s7 =	rddreg [dreg:$0x6];
	[sflag:s21] =	ssyncadd.s32 $0xFFFFC000  }
0x33: {  	[spmem:s7] =	stream.linear.scatter [tilespmem:s20], [sflag:$0x3], $0x4000, $0x38;
	[tilespmem:$0x1E800] =	vst v63  }
0x34: {  	_ =	swait.ge [sflag:s21], $0x4000  }
0x35: {  	[sflag:s21] =	ssyncset.done $0x0  }
0x36: {  	[sflag:s21] =	ssyncadd.s32 $0xFFFFC000  }
0x37: {  	[spmem:s9] =	stream.linear.scatter [tilespmem:s20], [sflag:$0x3], $0x4000, $0x38;
	[tilespmem:$0x1E800] =	vst v63  }
0x38: {  	_ =	swait.ge [sflag:s21], $0x4000  }
0x39: {  	[sflag:s21] =	ssyncset.done $0x0  }
0x3a: {  	[sflag:s21] =	ssyncadd.s32 $0xFFFFC000  }
0x3b: {  	s8 =	simm.s32 $0x0;
	[bflag:$0x0] =	sbarrier.arrive $0xFFFF  }
0x3c: {  	[tilespmem:s22], [sflag:$0x3] =	stream.linear.gather [hbm4b:s10+s8], $0x1400, $0x38;
	[tilespmem:$0x1E800] =	vst v63  }
0x3d: {  	_ =	swait.ge [sflag:s21], $0x1400  }
0x3e: {  	[sflag:s21] =	ssyncset.done $0x0  }
0x3f: {  	[sflag:s21] =	ssyncadd.s32 $0xFFFFEC00  }
0x40: {  	[tilespmem:s23], [sflag:$0x3] =	stream.linear.gather [hbm4b:s11+s8], $0x1400, $0x38;
	[tilespmem:$0x1E800] =	vst v63  }
0x41: {  	_ =	swait.ge [sflag:s21], $0x1400  }
0x42: {  	[sflag:s21] =	ssyncset.done $0x0  }
0x43: {  	[sflag:s21] =	ssyncadd.s32 $0xFFFFEC00  }
0x44: {  	[tilespmem:s20], [sflag:$0x1] =	stream.indirect.gather [hbm4b:s4+s24], $0x80, s22, s24, $0xb8;
	[tilespmem:$0x1E800] =	vst v63  }
0x45: {  	s1 =	simm.s32 $0x14080  }
0x46: {  	[tilespmem:s25], [sflag:$0x2] =	stream.indirect.gather [hbm4b:s4+s24], $0x80, s1, s24, $0xb8;
	[tilespmem:$0x1E800] =	vst v63  }
0x47: {  	_ =	swait.ge [sflag:s26], $0x4000  }
0x48: {  	[sflag:s26] =	ssyncset.done $0x0  }
0x49: {  	s6 =	simm.s32 $0x15400;
	[sflag:s26] =	ssyncadd.s32 $0xFFFFC000  }
0x4a: {  	[spmem:s2] =	stream.indirect.scatter.add.f32 [tilespmem:s20], [sflag:$0x3], $0x80, s6, s24, $0xb8;
	[tilespmem:$0x1E800] =	vst v63  }
0x4b: {  	_ =	swait.ge [sflag:s21], $0x4000  }
0x4c: {  	[sflag:s21] =	ssyncset.done $0x0  }
0x4d: {  	s7 =	simm.s32 $0x14100;
	[sflag:s21] =	ssyncadd.s32 $0xFFFFC000  }
0x4e: {  	[tilespmem:s20], [sflag:$0x1] =	stream.indirect.gather [hbm4b:s4+s24], $0x80, s7, s24, $0xb8;
	[tilespmem:$0x1E800] =	vst v63  }
0x4f: {  	_ =	swait.ge [sflag:s28], $0x4000  }
0x50: {  	[sflag:s28] =	ssyncset.done $0x0  }
0x51: {  	s8 =	simm.s32 $0x15480;
	[sflag:s28] =	ssyncadd.s32 $0xFFFFC000  }
0x52: {  	[spmem:s2] =	stream.indirect.scatter.add.f32 [tilespmem:s25], [sflag:$0x3], $0x80, s8, s24, $0xb8;
	[tilespmem:$0x1E800] =	vst v63  }
0x53: {  	_ =	swait.ge [sflag:s21], $0x4000  }
0x54: {  	s0 =	simm.s32 $0x100;
	s1 =	simm.s32 $0x800;
	[sflag:s21] =	ssyncset.done $0x0  }
.LBB2_4:
0x55: {  	s6 =	sadd.s32 $0x14080, s0  }
0x56: {  	[sflag:s21] =	ssyncadd.s32 $0xFFFFC000;
	s7 =	smov.u32 s1;
	s8 =	sadd.s32 $0x400, s1  }
0x57: {  	[tilespmem:s25], [sflag:$0x2] =	stream.indirect.gather [hbm4b:s4+s24], $0x80, s6, s24, $0xb8;
	[tilespmem:$0x1E800] =	vst v63  }
0x58: {  	p0 =	sne.s32 s1, $0x4800;
	_ =	swait.ge [sflag:s26], $0x4000  }
0x59: {  	[sflag:s26] =	ssyncset.done $0x0  }
0x5a: {  	s1 =	sadd.s32 $0x15400, s0;
	[sflag:s26] =	ssyncadd.s32 $0xFFFFC000  }
0x5b: {  	[spmem:s2] =	stream.indirect.scatter.add.f32 [tilespmem:s20], [sflag:$0x3], $0x80, s1, s24, $0xb8;
	[tilespmem:$0x1E800] =	vst v63  }
0x5c: {  	_ =	swait.ge [sflag:s21], $0x4000  }
0x5d: {  	[sflag:s21] =	ssyncset.done $0x0  }
0x5e: {  	s1 =	sadd.s32 $0x14100, s0;
	[sflag:s21] =	ssyncadd.s32 $0xFFFFC000  }
0x5f: {  	[tilespmem:s20], [sflag:$0x1] =	stream.indirect.gather [hbm4b:s4+s24], $0x80, s1, s24, $0xb8;
	[tilespmem:$0x1E800] =	vst v63  }
0x60: {  	_ =	swait.ge [sflag:s28], $0x4000  }
.Ltmp1:
0x61: {  	[sflag:s28] =	ssyncset.done $0x0;
	(pc) =	sbr.rel @p0 .LBB2_4-.Ltmp1, $4  }
0x62: {  	s0 =	sadd.s32 $0x15480, s0;
	[sflag:s28] =	ssyncadd.s32 $0xFFFFC000  }
0x63: {  	[spmem:s2] =	stream.indirect.scatter.add.f32 [tilespmem:s25], [sflag:$0x3], $0x80, s0, s24, $0xb8;
	[tilespmem:$0x1E800] =	vst v63  }
0x64: {  	_ =	swait.ge [sflag:s21], $0x4000  }
0x65: {  	s1 =	smov.u32 s8;
	s0 =	sshra.s32 s7, $0x2;
	[sflag:s21] =	ssyncset.done $0x0  }
0x66: {  	s1 =	sadd.s32 $0x14080, s0;
	[sflag:s21] =	ssyncadd.s32 $0xFFFFC000  }
0x67: {  	[tilespmem:s25], [sflag:$0x2] =	stream.indirect.gather [hbm4b:s4+s24], $0x80, s1, s24, $0xb8;
	[tilespmem:$0x1E800] =	vst v63  }
0x68: {  	_ =	swait.ge [sflag:s26], $0x4000  }
0x69: {  	[sflag:s26] =	ssyncset.done $0x0  }
0x6a: {  	s8 =	sadd.s32 $0x15400, s0;
	[sflag:s26] =	ssyncadd.s32 $0xFFFFC000  }
0x6b: {  	[spmem:s2] =	stream.indirect.scatter.add.f32 [tilespmem:s20], [sflag:$0x3], $0x80, s8, s24, $0xb8;
	[tilespmem:$0x1E800] =	vst v63  }
0x6c: {  	_ =	swait.ge [sflag:s21], $0x4000  }
0x6d: {  	[sflag:s21] =	ssyncset.done $0x0  }
0x6e: {  	s6 =	sadd.s32 $0x14100, s0;
	[sflag:s21] =	ssyncadd.s32 $0xFFFFC000  }
0x6f: {  	[tilespmem:s20], [sflag:$0x1] =	stream.indirect.gather [hbm4b:s4+s24], $0x80, s6, s24, $0xb8;
	[tilespmem:$0x1E800] =	vst v63  }
0x70: {  	_ =	swait.ge [sflag:s28], $0x4000  }
0x71: {  	[sflag:s28] =	ssyncset.done $0x0  }
0x72: {  	s7 =	sadd.s32 $0x15480, s0;
	[sflag:s28] =	ssyncadd.s32 $0xFFFFC000  }
0x73: {  	[spmem:s2] =	stream.indirect.scatter.add.f32 [tilespmem:s25], [sflag:$0x3], $0x80, s7, s24, $0xb8;
	[tilespmem:$0x1E800] =	vst v63  }
0x74: {  	_ =	swait.ge [sflag:s21], $0x4000  }
0x75: {  	[sflag:s21] =	ssyncset.done $0x0  }
0x76: {  	[sflag:s21] =	ssyncadd.s32 $0xFFFFC000  }
0x77: {  	[tilespmem:s25], [sflag:$0x2] =	stream.indirect.gather [hbm4b:s4+s24], $0x80, s29, s24, $0xb8;
	[tilespmem:$0x1E800] =	vst v63  }
0x78: {  	_ =	swait.ge [sflag:s26], $0x4000  }
0x79: {  	[sflag:s26] =	ssyncset.done $0x0  }
0x7a: {  	[sflag:s26] =	ssyncadd.s32 $0xFFFFC000  }
0x7b: {  	[spmem:s2] =	stream.indirect.scatter.add.f32 [tilespmem:s20], [sflag:$0x3], $0x80, s30, s24, $0xb8;
	[tilespmem:$0x1E800] =	vst v63  }
0x7c: {  	_ =	swait.ge [sflag:s21], $0x4000  }
0x7d: {  	[sflag:s21] =	ssyncset.done $0x0  }
0x7e: {  	[sflag:s21] =	ssyncadd.s32 $0xFFFFC000  }
0x7f: {  	_ =	swait.ge [sflag:s28], $0x4000  }
0x80: {  	[sflag:s28] =	ssyncset.done $0x0  }
0x81: {  	[sflag:s28] =	ssyncadd.s32 $0xFFFFC000  }
0x82: {  	[spmem:s2] =	stream.indirect.scatter.add.f32 [tilespmem:s25], [sflag:$0x3], $0x80, s31, s24, $0xb8;
	[tilespmem:$0x1E800] =	vst v63  }
0x83: {  	_ =	swait.ge [sflag:s21], $0x4000  }
0x84: {  	[sflag:s21] =	ssyncset.done $0x0  }
0x85: {  	s8 =	simm.s32 $0x0;
	[sflag:s21] =	ssyncadd.s32 $0xFFFFC000  }
0x86: {  	[tilespmem:s22], [sflag:$0x3] =	stream.linear.gather [hbm4b:s12+s8], $0x1400, $0x38;
	[tilespmem:$0x1E800] =	vst v63  }
0x87: {  	_ =	swait.ge [sflag:s21], $0x1400  }
0x88: {  	[sflag:s21] =	ssyncset.done $0x0  }
0x89: {  	[sflag:s21] =	ssyncadd.s32 $0xFFFFEC00  }
0x8a: {  	[tilespmem:s23], [sflag:$0x3] =	stream.linear.gather [hbm4b:s13+s8], $0x1400, $0x38;
	[tilespmem:$0x1E800] =	vst v63  }
0x8b: {  	_ =	swait.ge [sflag:s21], $0x1400  }
0x8c: {  	[sflag:s21] =	ssyncset.done $0x0  }
0x8d: {  	[sflag:s21] =	ssyncadd.s32 $0xFFFFEC00  }
0x8e: {  	[tilespmem:s20], [sflag:$0x1] =	stream.indirect.gather [hbm4b:s4+s24], $0x80, s22, s24, $0xb8;
	[tilespmem:$0x1E800] =	vst v63  }
0x8f: {  	s1 =	simm.s32 $0x14080  }
0x90: {  	[tilespmem:s25], [sflag:$0x2] =	stream.indirect.gather [hbm4b:s4+s24], $0x80, s1, s24, $0xb8;
	[tilespmem:$0x1E800] =	vst v63  }
0x91: {  	_ =	swait.ge [sflag:s26], $0x4000  }
0x92: {  	[sflag:s26] =	ssyncset.done $0x0  }
0x93: {  	s6 =	simm.s32 $0x15400;
	[sflag:s26] =	ssyncadd.s32 $0xFFFFC000  }
0x94: {  	[spmem:s2] =	stream.indirect.scatter.add.f32 [tilespmem:s20], [sflag:$0x3], $0x80, s6, s24, $0xb8;
	[tilespmem:$0x1E800] =	vst v63  }
0x95: {  	_ =	swait.ge [sflag:s21], $0x4000  }
0x96: {  	[sflag:s21] =	ssyncset.done $0x0  }
0x97: {  	s7 =	simm.s32 $0x14100;
	[sflag:s21] =	ssyncadd.s32 $0xFFFFC000  }
0x98: {  	[tilespmem:s20], [sflag:$0x1] =	stream.indirect.gather [hbm4b:s4+s24], $0x80, s7, s24, $0xb8;
	[tilespmem:$0x1E800] =	vst v63  }
0x99: {  	_ =	swait.ge [sflag:s28], $0x4000  }
0x9a: {  	[sflag:s28] =	ssyncset.done $0x0  }
0x9b: {  	s8 =	simm.s32 $0x15480;
	[sflag:s28] =	ssyncadd.s32 $0xFFFFC000  }
0x9c: {  	[spmem:s2] =	stream.indirect.scatter.add.f32 [tilespmem:s25], [sflag:$0x3], $0x80, s8, s24, $0xb8;
	[tilespmem:$0x1E800] =	vst v63  }
0x9d: {  	_ =	swait.ge [sflag:s21], $0x4000  }
0x9e: {  	s0 =	simm.s32 $0x100;
	s1 =	simm.s32 $0x800;
	[sflag:s21] =	ssyncset.done $0x0  }
.LBB2_6:
0x9f: {  	s6 =	sadd.s32 $0x14080, s0  }
0xa0: {  	[sflag:s21] =	ssyncadd.s32 $0xFFFFC000;
	s7 =	smov.u32 s1;
	s8 =	sadd.s32 $0x400, s1  }
0xa1: {  	[tilespmem:s25], [sflag:$0x2] =	stream.indirect.gather [hbm4b:s4+s24], $0x80, s6, s24, $0xb8;
	[tilespmem:$0x1E800] =	vst v63  }
0xa2: {  	p0 =	sne.s32 s1, $0x4800;
	_ =	swait.ge [sflag:s26], $0x4000  }
0xa3: {  	[sflag:s26] =	ssyncset.done $0x0  }
0xa4: {  	s1 =	sadd.s32 $0x15400, s0;
	[sflag:s26] =	ssyncadd.s32 $0xFFFFC000  }
0xa5: {  	[spmem:s2] =	stream.indirect.scatter.add.f32 [tilespmem:s20], [sflag:$0x3], $0x80, s1, s24, $0xb8;
	[tilespmem:$0x1E800] =	vst v63  }
0xa6: {  	_ =	swait.ge [sflag:s21], $0x4000  }
0xa7: {  	[sflag:s21] =	ssyncset.done $0x0  }
0xa8: {  	s1 =	sadd.s32 $0x14100, s0;
	[sflag:s21] =	ssyncadd.s32 $0xFFFFC000  }
0xa9: {  	[tilespmem:s20], [sflag:$0x1] =	stream.indirect.gather [hbm4b:s4+s24], $0x80, s1, s24, $0xb8;
	[tilespmem:$0x1E800] =	vst v63  }
0xaa: {  	_ =	swait.ge [sflag:s28], $0x4000  }
.Ltmp2:
0xab: {  	[sflag:s28] =	ssyncset.done $0x0;
	(pc) =	sbr.rel @p0 .LBB2_6-.Ltmp2, $4  }
0xac: {  	s0 =	sadd.s32 $0x15480, s0;
	[sflag:s28] =	ssyncadd.s32 $0xFFFFC000  }
0xad: {  	[spmem:s2] =	stream.indirect.scatter.add.f32 [tilespmem:s25], [sflag:$0x3], $0x80, s0, s24, $0xb8;
	[tilespmem:$0x1E800] =	vst v63  }
0xae: {  	_ =	swait.ge [sflag:s21], $0x4000  }
0xaf: {  	s1 =	smov.u32 s8;
	s0 =	sshra.s32 s7, $0x2;
	[sflag:s21] =	ssyncset.done $0x0  }
0xb0: {  	s1 =	sadd.s32 $0x14080, s0;
	[sflag:s21] =	ssyncadd.s32 $0xFFFFC000  }
0xb1: {  	[tilespmem:s25], [sflag:$0x2] =	stream.indirect.gather [hbm4b:s4+s24], $0x80, s1, s24, $0xb8;
	[tilespmem:$0x1E800] =	vst v63  }
0xb2: {  	_ =	swait.ge [sflag:s26], $0x4000  }
0xb3: {  	[sflag:s26] =	ssyncset.done $0x0  }
0xb4: {  	s8 =	sadd.s32 $0x15400, s0;
	[sflag:s26] =	ssyncadd.s32 $0xFFFFC000  }
0xb5: {  	[spmem:s2] =	stream.indirect.scatter.add.f32 [tilespmem:s20], [sflag:$0x3], $0x80, s8, s24, $0xb8;
	[tilespmem:$0x1E800] =	vst v63  }
0xb6: {  	_ =	swait.ge [sflag:s21], $0x4000  }
0xb7: {  	[sflag:s21] =	ssyncset.done $0x0  }
0xb8: {  	s6 =	sadd.s32 $0x14100, s0;
	[sflag:s21] =	ssyncadd.s32 $0xFFFFC000  }
0xb9: {  	[tilespmem:s20], [sflag:$0x1] =	stream.indirect.gather [hbm4b:s4+s24], $0x80, s6, s24, $0xb8;
	[tilespmem:$0x1E800] =	vst v63  }
0xba: {  	_ =	swait.ge [sflag:s28], $0x4000  }
0xbb: {  	[sflag:s28] =	ssyncset.done $0x0  }
0xbc: {  	s7 =	sadd.s32 $0x15480, s0;
	[sflag:s28] =	ssyncadd.s32 $0xFFFFC000  }
0xbd: {  	[spmem:s2] =	stream.indirect.scatter.add.f32 [tilespmem:s25], [sflag:$0x3], $0x80, s7, s24, $0xb8;
	[tilespmem:$0x1E800] =	vst v63  }
0xbe: {  	_ =	swait.ge [sflag:s21], $0x4000  }
0xbf: {  	[sflag:s21] =	ssyncset.done $0x0  }
0xc0: {  	[sflag:s21] =	ssyncadd.s32 $0xFFFFC000  }
0xc1: {  	[tilespmem:s25], [sflag:$0x2] =	stream.indirect.gather [hbm4b:s4+s24], $0x80, s29, s24, $0xb8;
	[tilespmem:$0x1E800] =	vst v63  }
0xc2: {  	_ =	swait.ge [sflag:s26], $0x4000  }
0xc3: {  	[sflag:s26] =	ssyncset.done $0x0  }
0xc4: {  	[sflag:s26] =	ssyncadd.s32 $0xFFFFC000  }
0xc5: {  	[spmem:s2] =	stream.indirect.scatter.add.f32 [tilespmem:s20], [sflag:$0x3], $0x80, s30, s24, $0xb8;
	[tilespmem:$0x1E800] =	vst v63  }
0xc6: {  	_ =	swait.ge [sflag:s21], $0x4000  }
0xc7: {  	[sflag:s21] =	ssyncset.done $0x0  }
0xc8: {  	[sflag:s21] =	ssyncadd.s32 $0xFFFFC000  }
0xc9: {  	_ =	swait.ge [sflag:s28], $0x4000  }
0xca: {  	[sflag:s28] =	ssyncset.done $0x0  }
0xcb: {  	[sflag:s28] =	ssyncadd.s32 $0xFFFFC000  }
0xcc: {  	[spmem:s2] =	stream.indirect.scatter.add.f32 [tilespmem:s25], [sflag:$0x3], $0x80, s31, s24, $0xb8;
	[tilespmem:$0x1E800] =	vst v63  }
0xcd: {  	_ =	swait.ge [sflag:s21], $0x4000  }
0xce: {  	[sflag:s21] =	ssyncset.done $0x0  }
0xcf: {  	s8 =	simm.s32 $0x0;
	[sflag:s21] =	ssyncadd.s32 $0xFFFFC000  }
0xd0: {  	[tilespmem:s22], [sflag:$0x3] =	stream.linear.gather [hbm4b:s14+s8], $0x1400, $0x38;
	[tilespmem:$0x1E800] =	vst v63  }
0xd1: {  	_ =	swait.ge [sflag:s21], $0x1400  }
0xd2: {  	[sflag:s21] =	ssyncset.done $0x0  }
0xd3: {  	[sflag:s21] =	ssyncadd.s32 $0xFFFFEC00  }
0xd4: {  	[tilespmem:s23], [sflag:$0x3] =	stream.linear.gather [hbm4b:s15+s8], $0x1400, $0x38;
	[tilespmem:$0x1E800] =	vst v63  }
0xd5: {  	_ =	swait.ge [sflag:s21], $0x1400  }
0xd6: {  	[sflag:s21] =	ssyncset.done $0x0  }
0xd7: {  	[sflag:s21] =	ssyncadd.s32 $0xFFFFEC00  }
0xd8: {  	[tilespmem:s20], [sflag:$0x1] =	stream.indirect.gather [hbm4b:s4+s24], $0x80, s22, s24, $0xb8;
	[tilespmem:$0x1E800] =	vst v63  }
0xd9: {  	s1 =	simm.s32 $0x14080  }
0xda: {  	[tilespmem:s25], [sflag:$0x2] =	stream.indirect.gather [hbm4b:s4+s24], $0x80, s1, s24, $0xb8;
	[tilespmem:$0x1E800] =	vst v63  }
0xdb: {  	_ =	swait.ge [sflag:s26], $0x4000  }
0xdc: {  	[sflag:s26] =	ssyncset.done $0x0  }
0xdd: {  	s6 =	simm.s32 $0x15400;
	[sflag:s26] =	ssyncadd.s32 $0xFFFFC000  }
0xde: {  	[spmem:s2] =	stream.indirect.scatter.add.f32 [tilespmem:s20], [sflag:$0x3], $0x80, s6, s24, $0xb8;
	[tilespmem:$0x1E800] =	vst v63  }
0xdf: {  	_ =	swait.ge [sflag:s21], $0x4000  }
0xe0: {  	[sflag:s21] =	ssyncset.done $0x0  }
0xe1: {  	s7 =	simm.s32 $0x14100;
	[sflag:s21] =	ssyncadd.s32 $0xFFFFC000  }
0xe2: {  	[tilespmem:s20], [sflag:$0x1] =	stream.indirect.gather [hbm4b:s4+s24], $0x80, s7, s24, $0xb8;
	[tilespmem:$0x1E800] =	vst v63  }
0xe3: {  	_ =	swait.ge [sflag:s28], $0x4000  }
0xe4: {  	[sflag:s28] =	ssyncset.done $0x0  }
0xe5: {  	s8 =	simm.s32 $0x15480;
	[sflag:s28] =	ssyncadd.s32 $0xFFFFC000  }
0xe6: {  	[spmem:s2] =	stream.indirect.scatter.add.f32 [tilespmem:s25], [sflag:$0x3], $0x80, s8, s24, $0xb8;
	[tilespmem:$0x1E800] =	vst v63  }
0xe7: {  	_ =	swait.ge [sflag:s21], $0x4000  }
0xe8: {  	s0 =	simm.s32 $0x100;
	s1 =	simm.s32 $0x800;
	[sflag:s21] =	ssyncset.done $0x0  }
.LBB2_8:
0xe9: {  	s6 =	sadd.s32 $0x14080, s0  }
0xea: {  	[sflag:s21] =	ssyncadd.s32 $0xFFFFC000;
	s7 =	smov.u32 s1;
	s8 =	sadd.s32 $0x400, s1  }
0xeb: {  	[tilespmem:s25], [sflag:$0x2] =	stream.indirect.gather [hbm4b:s4+s24], $0x80, s6, s24, $0xb8;
	[tilespmem:$0x1E800] =	vst v63  }
0xec: {  	p0 =	sne.s32 s1, $0x4800;
	_ =	swait.ge [sflag:s26], $0x4000  }
0xed: {  	[sflag:s26] =	ssyncset.done $0x0  }
0xee: {  	s1 =	sadd.s32 $0x15400, s0;
	[sflag:s26] =	ssyncadd.s32 $0xFFFFC000  }
0xef: {  	[spmem:s2] =	stream.indirect.scatter.add.f32 [tilespmem:s20], [sflag:$0x3], $0x80, s1, s24, $0xb8;
	[tilespmem:$0x1E800] =	vst v63  }
0xf0: {  	_ =	swait.ge [sflag:s21], $0x4000  }
0xf1: {  	[sflag:s21] =	ssyncset.done $0x0  }
0xf2: {  	s1 =	sadd.s32 $0x14100, s0;
	[sflag:s21] =	ssyncadd.s32 $0xFFFFC000  }
0xf3: {  	[tilespmem:s20], [sflag:$0x1] =	stream.indirect.gather [hbm4b:s4+s24], $0x80, s1, s24, $0xb8;
	[tilespmem:$0x1E800] =	vst v63  }
0xf4: {  	_ =	swait.ge [sflag:s28], $0x4000  }
.Ltmp3:
0xf5: {  	[sflag:s28] =	ssyncset.done $0x0;
	(pc) =	sbr.rel @p0 .LBB2_8-.Ltmp3, $4  }
0xf6: {  	s0 =	sadd.s32 $0x15480, s0;
	[sflag:s28] =	ssyncadd.s32 $0xFFFFC000  }
0xf7: {  	[spmem:s2] =	stream.indirect.scatter.add.f32 [tilespmem:s25], [sflag:$0x3], $0x80, s0, s24, $0xb8;
	[tilespmem:$0x1E800] =	vst v63  }
0xf8: {  	_ =	swait.ge [sflag:s21], $0x4000  }
0xf9: {  	s1 =	smov.u32 s8;
	s0 =	sshra.s32 s7, $0x2;
	[sflag:s21] =	ssyncset.done $0x0  }
0xfa: {  	s1 =	sadd.s32 $0x14080, s0;
	[sflag:s21] =	ssyncadd.s32 $0xFFFFC000  }
0xfb: {  	[tilespmem:s25], [sflag:$0x2] =	stream.indirect.gather [hbm4b:s4+s24], $0x80, s1, s24, $0xb8;
	[tilespmem:$0x1E800] =	vst v63  }
0xfc: {  	_ =	swait.ge [sflag:s26], $0x4000  }
0xfd: {  	[sflag:s26] =	ssyncset.done $0x0  }
0xfe: {  	s8 =	sadd.s32 $0x15400, s0;
	[sflag:s26] =	ssyncadd.s32 $0xFFFFC000  }
0xff: {  	[spmem:s2] =	stream.indirect.scatter.add.f32 [tilespmem:s20], [sflag:$0x3], $0x80, s8, s24, $0xb8;
	[tilespmem:$0x1E800] =	vst v63  }
0x100: {  	_ =	swait.ge [sflag:s21], $0x4000  }
0x101: {  	[sflag:s21] =	ssyncset.done $0x0  }
0x102: {  	s6 =	sadd.s32 $0x14100, s0;
	[sflag:s21] =	ssyncadd.s32 $0xFFFFC000  }
0x103: {  	[tilespmem:s20], [sflag:$0x1] =	stream.indirect.gather [hbm4b:s4+s24], $0x80, s6, s24, $0xb8;
	[tilespmem:$0x1E800] =	vst v63  }
0x104: {  	_ =	swait.ge [sflag:s28], $0x4000  }
0x105: {  	[sflag:s28] =	ssyncset.done $0x0  }
0x106: {  	s7 =	sadd.s32 $0x15480, s0;
	[sflag:s28] =	ssyncadd.s32 $0xFFFFC000  }
0x107: {  	[spmem:s2] =	stream.indirect.scatter.add.f32 [tilespmem:s25], [sflag:$0x3], $0x80, s7, s24, $0xb8;
	[tilespmem:$0x1E800] =	vst v63  }
0x108: {  	_ =	swait.ge [sflag:s21], $0x4000  }
0x109: {  	[sflag:s21] =	ssyncset.done $0x0  }
0x10a: {  	[sflag:s21] =	ssyncadd.s32 $0xFFFFC000  }
0x10b: {  	[tilespmem:s25], [sflag:$0x2] =	stream.indirect.gather [hbm4b:s4+s24], $0x80, s29, s24, $0xb8;
	[tilespmem:$0x1E800] =	vst v63  }
0x10c: {  	_ =	swait.ge [sflag:s26], $0x4000  }
0x10d: {  	[sflag:s26] =	ssyncset.done $0x0  }
0x10e: {  	[sflag:s26] =	ssyncadd.s32 $0xFFFFC000  }
0x10f: {  	[spmem:s2] =	stream.indirect.scatter.add.f32 [tilespmem:s20], [sflag:$0x3], $0x80, s30, s24, $0xb8;
	[tilespmem:$0x1E800] =	vst v63  }
0x110: {  	_ =	swait.ge [sflag:s21], $0x4000  }
0x111: {  	[sflag:s21] =	ssyncset.done $0x0  }
0x112: {  	[sflag:s21] =	ssyncadd.s32 $0xFFFFC000  }
0x113: {  	_ =	swait.ge [sflag:s28], $0x4000  }
0x114: {  	[sflag:s28] =	ssyncset.done $0x0  }
0x115: {  	[sflag:s28] =	ssyncadd.s32 $0xFFFFC000  }
0x116: {  	[spmem:s2] =	stream.indirect.scatter.add.f32 [tilespmem:s25], [sflag:$0x3], $0x80, s31, s24, $0xb8;
	[tilespmem:$0x1E800] =	vst v63  }
0x117: {  	_ =	swait.ge [sflag:s21], $0x4000  }
0x118: {  	[sflag:s21] =	ssyncset.done $0x0  }
0x119: {  	s8 =	simm.s32 $0x0;
	[sflag:s21] =	ssyncadd.s32 $0xFFFFC000  }
0x11a: {  	[tilespmem:s22], [sflag:$0x3] =	stream.linear.gather [hbm4b:s16+s8], $0x1400, $0x38;
	[tilespmem:$0x1E800] =	vst v63  }
0x11b: {  	_ =	swait.ge [sflag:s21], $0x1400  }
0x11c: {  	[sflag:s21] =	ssyncset.done $0x0  }
0x11d: {  	[sflag:s21] =	ssyncadd.s32 $0xFFFFEC00  }
0x11e: {  	[tilespmem:s23], [sflag:$0x3] =	stream.linear.gather [hbm4b:s17+s8], $0x1400, $0x38;
	[tilespmem:$0x1E800] =	vst v63  }
0x11f: {  	_ =	swait.ge [sflag:s21], $0x1400  }
0x120: {  	[sflag:s21] =	ssyncset.done $0x0  }
0x121: {  	[sflag:s21] =	ssyncadd.s32 $0xFFFFEC00  }
0x122: {  	[tilespmem:s20], [sflag:$0x1] =	stream.indirect.gather [hbm4b:s4+s24], $0x80, s22, s24, $0xb8;
	[tilespmem:$0x1E800] =	vst v63  }
0x123: {  	s1 =	simm.s32 $0x14080  }
0x124: {  	[tilespmem:s25], [sflag:$0x2] =	stream.indirect.gather [hbm4b:s4+s24], $0x80, s1, s24, $0xb8;
	[tilespmem:$0x1E800] =	vst v63  }
0x125: {  	_ =	swait.ge [sflag:s26], $0x4000  }
0x126: {  	[sflag:s26] =	ssyncset.done $0x0  }
0x127: {  	s6 =	simm.s32 $0x15400;
	[sflag:s26] =	ssyncadd.s32 $0xFFFFC000  }
0x128: {  	[spmem:s2] =	stream.indirect.scatter.add.f32 [tilespmem:s20], [sflag:$0x3], $0x80, s6, s24, $0xb8;
	[tilespmem:$0x1E800] =	vst v63  }
0x129: {  	_ =	swait.ge [sflag:s21], $0x4000  }
0x12a: {  	[sflag:s21] =	ssyncset.done $0x0  }
0x12b: {  	s7 =	simm.s32 $0x14100;
	[sflag:s21] =	ssyncadd.s32 $0xFFFFC000  }
0x12c: {  	[tilespmem:s20], [sflag:$0x1] =	stream.indirect.gather [hbm4b:s4+s24], $0x80, s7, s24, $0xb8;
	[tilespmem:$0x1E800] =	vst v63  }
0x12d: {  	_ =	swait.ge [sflag:s28], $0x4000  }
0x12e: {  	[sflag:s28] =	ssyncset.done $0x0  }
0x12f: {  	s8 =	simm.s32 $0x15480;
	[sflag:s28] =	ssyncadd.s32 $0xFFFFC000  }
0x130: {  	[spmem:s2] =	stream.indirect.scatter.add.f32 [tilespmem:s25], [sflag:$0x3], $0x80, s8, s24, $0xb8;
	[tilespmem:$0x1E800] =	vst v63  }
0x131: {  	_ =	swait.ge [sflag:s21], $0x4000  }
0x132: {  	s0 =	simm.s32 $0x100;
	s1 =	simm.s32 $0x800;
	[sflag:s21] =	ssyncset.done $0x0  }
.LBB2_10:
0x133: {  	s6 =	sadd.s32 $0x14080, s0  }
0x134: {  	[sflag:s21] =	ssyncadd.s32 $0xFFFFC000;
	s7 =	smov.u32 s1;
	s8 =	sadd.s32 $0x400, s1  }
0x135: {  	[tilespmem:s25], [sflag:$0x2] =	stream.indirect.gather [hbm4b:s4+s24], $0x80, s6, s24, $0xb8;
	[tilespmem:$0x1E800] =	vst v63  }
0x136: {  	p0 =	sne.s32 s1, $0x4800;
	_ =	swait.ge [sflag:s26], $0x4000  }
0x137: {  	[sflag:s26] =	ssyncset.done $0x0  }
0x138: {  	s1 =	sadd.s32 $0x15400, s0;
	[sflag:s26] =	ssyncadd.s32 $0xFFFFC000  }
0x139: {  	[spmem:s2] =	stream.indirect.scatter.add.f32 [tilespmem:s20], [sflag:$0x3], $0x80, s1, s24, $0xb8;
	[tilespmem:$0x1E800] =	vst v63  }
0x13a: {  	_ =	swait.ge [sflag:s21], $0x4000  }
0x13b: {  	[sflag:s21] =	ssyncset.done $0x0  }
0x13c: {  	s1 =	sadd.s32 $0x14100, s0;
	[sflag:s21] =	ssyncadd.s32 $0xFFFFC000  }
0x13d: {  	[tilespmem:s20], [sflag:$0x1] =	stream.indirect.gather [hbm4b:s4+s24], $0x80, s1, s24, $0xb8;
	[tilespmem:$0x1E800] =	vst v63  }
0x13e: {  	_ =	swait.ge [sflag:s28], $0x4000  }
.Ltmp4:
0x13f: {  	[sflag:s28] =	ssyncset.done $0x0;
	(pc) =	sbr.rel @p0 .LBB2_10-.Ltmp4, $4  }
0x140: {  	s0 =	sadd.s32 $0x15480, s0;
	[sflag:s28] =	ssyncadd.s32 $0xFFFFC000  }
0x141: {  	[spmem:s2] =	stream.indirect.scatter.add.f32 [tilespmem:s25], [sflag:$0x3], $0x80, s0, s24, $0xb8;
	[tilespmem:$0x1E800] =	vst v63  }
0x142: {  	_ =	swait.ge [sflag:s21], $0x4000  }
0x143: {  	s1 =	smov.u32 s8;
	s0 =	sshra.s32 s7, $0x2;
	[sflag:s21] =	ssyncset.done $0x0  }
0x144: {  	s1 =	sadd.s32 $0x14080, s0;
	[sflag:s21] =	ssyncadd.s32 $0xFFFFC000  }
0x145: {  	[tilespmem:s25], [sflag:$0x2] =	stream.indirect.gather [hbm4b:s4+s24], $0x80, s1, s24, $0xb8;
	[tilespmem:$0x1E800] =	vst v63  }
0x146: {  	_ =	swait.ge [sflag:s26], $0x4000  }
0x147: {  	[sflag:s26] =	ssyncset.done $0x0  }
0x148: {  	s7 =	sadd.s32 $0x15400, s0;
	[sflag:s26] =	ssyncadd.s32 $0xFFFFC000  }
0x149: {  	[spmem:s2] =	stream.indirect.scatter.add.f32 [tilespmem:s20], [sflag:$0x3], $0x80, s7, s24, $0xb8;
	[tilespmem:$0x1E800] =	vst v63  }
0x14a: {  	_ =	swait.ge [sflag:s21], $0x4000  }
0x14b: {  	[sflag:s21] =	ssyncset.done $0x0  }
0x14c: {  	s8 =	sadd.s32 $0x14100, s0;
	[sflag:s21] =	ssyncadd.s32 $0xFFFFC000  }
0x14d: {  	[tilespmem:s20], [sflag:$0x1] =	stream.indirect.gather [hbm4b:s4+s24], $0x80, s8, s24, $0xb8;
	[tilespmem:$0x1E800] =	vst v63  }
0x14e: {  	_ =	swait.ge [sflag:s28], $0x4000  }
0x14f: {  	[sflag:s28] =	ssyncset.done $0x0  }
0x150: {  	s6 =	sadd.s32 $0x15480, s0;
	[sflag:s28] =	ssyncadd.s32 $0xFFFFC000  }
0x151: {  	[spmem:s2] =	stream.indirect.scatter.add.f32 [tilespmem:s25], [sflag:$0x3], $0x80, s6, s24, $0xb8;
	[tilespmem:$0x1E800] =	vst v63  }
0x152: {  	_ =	swait.ge [sflag:s21], $0x4000  }
0x153: {  	[sflag:s21] =	ssyncset.done $0x0  }
0x154: {  	[sflag:s21] =	ssyncadd.s32 $0xFFFFC000  }
0x155: {  	[tilespmem:s25], [sflag:$0x2] =	stream.indirect.gather [hbm4b:s4+s24], $0x80, s29, s24, $0xb8;
	[tilespmem:$0x1E800] =	vst v63  }
0x156: {  	_ =	swait.ge [sflag:s26], $0x4000  }
0x157: {  	[sflag:s26] =	ssyncset.done $0x0  }
0x158: {  	[sflag:s26] =	ssyncadd.s32 $0xFFFFC000  }
0x159: {  	[spmem:s2] =	stream.indirect.scatter.add.f32 [tilespmem:s20], [sflag:$0x3], $0x80, s30, s24, $0xb8;
	[tilespmem:$0x1E800] =	vst v63  }
0x15a: {  	_ =	swait.ge [sflag:s21], $0x4000  }
0x15b: {  	[sflag:s21] =	ssyncset.done $0x0  }
0x15c: {  	[sflag:s21] =	ssyncadd.s32 $0xFFFFC000  }
0x15d: {  	_ =	swait.ge [sflag:s28], $0x4000  }
0x15e: {  	[sflag:s28] =	ssyncset.done $0x0  }
0x15f: {  	[sflag:s28] =	ssyncadd.s32 $0xFFFFC000  }
0x160: {  	[spmem:s2] =	stream.indirect.scatter.add.f32 [tilespmem:s25], [sflag:$0x3], $0x80, s31, s24, $0xb8;
	[tilespmem:$0x1E800] =	vst v63  }
0x161: {  	s7 =	stileid.u32;
	_ =	swait.ge [sflag:s21], $0x4000  }
0x162: {  	s3 =	sadd.s32 $0x1, s3;
	s0 =	sshll.u32 s7, $0x6;
	[sflag:s21] =	ssyncset.done $0x0  }
0x163: {  	p0 =	sne.s32 s3, s19;
	s0 =	sor.u32 $0x1C03, s0;
	[sflag:s21] =	ssyncadd.s32 $0xFFFFC000  }
.Ltmp5:
0x164: {  	s8 =	sshrl.u32 s5, $0x3;
	[bflag:$0x0] =	sbarrier.arrive $0xFFFF;
	(pc) =	sbr.rel @p0 .LBB2_1-.Ltmp5, $4  }
0x165: {  	[hbm:s18], [sflag:s0] =	dma.local [spmem:s8], $0x2800  }
0x166: {  	_ =	swait.ge [sflag:s21], $0x2800  }
0x167: {  	[sflag:s21] =	ssyncset.done $0x0  }
0x168: {  	[sflag:s21] =	ssyncadd.s32 $0xFFFFD800  }
0x169: {  	_ =	sfence.sel $0x180000  }
0x16a: {  	[bflag:$0x0] =	sbarrier.arrive $0xFFFF  }
0x16b: {  	_ =	strace $0x9000004A  }
0x16c: {  	s0 =	stileid.u32;
	[bflag:$0x2] =	sbarrier.arrive $0xFFFF  }
0x16d: {  	p0 =	sne.s32 s0, $0x0;
	s0 =	rddreg [dreg:$0x3]  }
0x16e: {  	s0 =	sadd.s32 @!p0 $0x100000, s0  }
0x16f: {  	[sflag:s0] =	ssyncadd.tile.s32 @!p0 $0x1;
	_ =	shalt  }
.Lfunc_end2:
_tile_overlayer_lowered:
.L_overlay_start_2:
0x170: {  	(tag) =	ssettag $0x2  }
0x171: {  	s0 =	rddreg [dreg:$0x0];
	s2 =	stileid.u32  }
0x172: {  	s1 =	rddreg [dreg:$0x1];
	p0 =	sne.s32 s2, $0x0  }
0x173: {  	s3 =	rddreg [dreg:$0x2];
	[bflag:$0x3] =	sbarrier.arrive $0xFFFF;
	s2 =	simm.s32 @!p0 $0x1C03  }
0x174: {  	[timem:s3], [sflag:s2] =	dma.local @!p0 [hbm:s0], s1  }
0x175: {  	s0 =	simm.s32 @!p0 $0x3  }
0x176: {  	_ =	swait.ge @!p0 [sflag:s0], s1  }
0x177: {  	s1 =	ssub.s32 @!p0 $0x0, s1;
	[sflag:s0] =	ssyncset.done @!p0 $0x0  }
0x178: {  	[sflag:s0] =	ssyncadd.s32 @!p0 s1  }
0x179: {  	[bflag:$0x3] =	sbarrier.arrive $0xFFFF  }
0x17a: {  	_ =	shalt  }

// kernel: kernel.16.cloned.1.call-start
scs
__scs_entry_jumppad:
0x0: {  	(pc) =	sbr.rel $0x88, $3  }
0x1: {  	(tag) =	ssettag $0x0;
	lr =	simm.s32 $0x1  }
0x2: {  	[smem:$0x3F87] =	sst lr;
	_ =	strace $0xD0000000  }
0x3: {  	_ = 	snop  }
0x4: {  	_ = 	snop  }
0x5: {  	_ = 	snop  }
0x6: {  	_ = 	snop  }
0x7: {  	_ = 	snop  }
__scs_overlays_trampoline_lowered:
0x8: {  	[smem:$0x3F96] =	sst s0  }
0x9: {  	[smem:$0x3F97] =	sst s1  }
0xa: {  	[smem:$0x3F98] =	sst s2  }
0xb: {  	[smem:$0x3F99] =	sst s3  }
0xc: {  	[smem:$0x3F9A] =	sst s4  }
0xd: {  	[smem:$0x3F9B] =	sst s5  }
0xe: {  	[smem:$0x3F9C] =	sst s6  }
0xf: {  	[smem:$0x3F9D] =	sst s7  }
0x10: {  	[smem:$0x3F9E] =	sst s8  }
0x11: {  	[smem:$0x3F9F] =	sst s9;
	s0 =	simm.s32 @!p0 $0x0  }
0x12: {  	s1 =	sld [smem:$0x3F85];
	s0 =	simm.s32 @p0 $0x1  }
0x13: {  	[smem:$0x3FA0] =	sst s0;
	s0 =	simm.s32 @!p1 $0x0  }
0x14: {  	s2 =	sld [smem:$0x3F84];
	s0 =	simm.s32 @p1 $0x1  }
0x15: {  	[smem:$0x3FA1] =	sst s0;
	s0 =	simm.s32 @!p2 $0x0  }
0x16: {  	s3 =	sld [smem:$0x3FDB];
	s0 =	simm.s32 @p2 $0x1  }
0x17: {  	s4 =	simm.s32 $0x1BF5;
	[smem:$0x3FA3] =	sst s0  }
0x18: {  	s0 =	sld [smem:$0x3F86];
	_ =	swait.ge [sflag:s4], $0x0  }
0x19: {  	s7 =	sld [smem:$0x3F87]  }
0x1a: {  	s8 =	sadd.s32 $0xFFFFE003, lr  }
0x1b: {  	s9 =	sadd.s32 $0xFFFFFEF7, lr;
	s5 =	simm.s32 $0xFFFFFFFF;
	p2 =	slt.u32 s8, $0xFFFFF086  }
0x1c: {  	p1 =	slt.u32 s9, $0xF7A;
	s5 =	simm.s32 @!p2 $0x0  }
0x1d: {  	s5 =	simm.s32 @p1 $0x1;
	p0 =	seq.s32 s7, s2  }
0x1e: {  	s7 =	smul.u32 @!p0 $0xF7A, s2;
	p2 =	seq.s32 @!p0 s5, $0x0  }
0x1f: {  	s9 =	smul.u32 $0xF7A, s1;
	s8 =	simm.s32 @!p0 $0x1BF5;
	p2 =	por !p2, p0  }
0x20: {  	[sflag:s8] =	ssyncset.s32 @!p0 $0xFFFFF086;
	s6 =	sadd.s32 @!p0 s3, s7;
	s7 =	simm.s32 @!p0 $0x108  }
0x21: {  	s3 =	sadd.s32 s3, s9;
	s6 =	sadd.s32 @!p0 $0x88, s6;
	s7 =	simm.s32 @p2 $0x1082  }
0x22: {  	[simem:s7], [sflag:s8] =	dma.local @!p0 [hbm:s6], $0xF7A  }
0x23: {  	s9 =	sor.u32 $0xD0000000, s2;
	s6 =	simm.s32 $0x108;
	_ =	swait.ge @!p0 [sflag:s8], $0x0  }
0x24: {  	s3 =	sadd.s32 $0x88, s3;
	s6 =	simm.s32 @!p1 $0x1082;
	[sflag:s4] =	ssyncset.s32 $0xFFFFF086  }
0x25: {  	[simem:s6], [sflag:s4] =	dma.local [hbm:s3], $0xF7A  }
0x26: {  	[smem:$0x3F87] =	sst s1;
	(tag) =	ssettag s2;
	_ =	strace s9  }
0x27: {  	s1 =	sld [smem:$0x3F97]  }
0x28: {  	s2 =	sld [smem:$0x3F98]  }
0x29: {  	s4 =	sld [smem:$0x3F9A]  }
0x2a: {  	p0 =	seq.s32 s5, $0x0;
	s5 =	sld [smem:$0x3F9B]  }
0x2b: {  	s6 =	sld [smem:$0x3F9C]  }
0x2c: {  	s7 =	sld [smem:$0x3F9D]  }
0x2d: {  	s3 =	simm.s32 $0x108;
	s8 =	sld [smem:$0x3F9E]  }
0x2e: {  	s3 =	simm.s32 @!p0 $0x1082;
	s9 =	sld [smem:$0x3F9F]  }
0x2f: {  	lr =	sadd.s32 s0, s3;
	s0 =	sld [smem:$0x3F96]  }
0x30: {  	s3 =	sld [smem:$0x3F99]  }
0x31: {  	[smem:$0x3FA2] =	sst s10  }
0x32: {  	s10 =	sld [smem:$0x3FA0];
	_ =	sdelay $0x3  }
0x33: {  	p0 =	seq.s32 s10, $0x1;
	s10 =	sld [smem:$0x3FA2];
	_ =	sdelay $0x3  }
0x34: {  	[smem:$0x3FA2] =	sst s10  }
0x35: {  	s10 =	sld [smem:$0x3FA1];
	_ =	sdelay $0x3  }
0x36: {  	p1 =	seq.s32 s10, $0x1;
	s10 =	sld [smem:$0x3FA2];
	_ =	sdelay $0x3  }
0x37: {  	[smem:$0x3FA2] =	sst s10  }
0x38: {  	s10 =	sld [smem:$0x3FA3]  }
0x39: {  	_ = 	snop;
	(pc) =	sbr.ind lr, $3  }
0x3a: {  	_ = 	snop  }
0x3b: {  	_ = 	snop  }
0x3c: {  	p2 =	seq.s32 s10, $0x1;
	s10 =	sld [smem:$0x3FA2]  }
0x3d: {  	_ =	shalt  }
0x3e: {  	_ =	shalt  }
0x3f: {  	_ =	shalt  }
0x40: {  	_ =	shalt  }
0x41: {  	_ =	shalt  }
0x42: {  	_ =	shalt  }
0x43: {  	_ =	shalt  }
0x44: {  	_ =	shalt  }
0x45: {  	_ =	shalt  }
0x46: {  	_ =	shalt  }
0x47: {  	_ =	shalt  }
0x48: {  	_ =	shalt  }
0x49: {  	_ =	shalt  }
0x4a: {  	_ =	shalt  }
0x4b: {  	_ =	shalt  }
0x4c: {  	_ =	shalt  }
0x4d: {  	_ =	shalt  }
0x4e: {  	_ =	shalt  }
0x4f: {  	_ =	shalt  }
0x50: {  	_ =	shalt  }
0x51: {  	_ =	shalt  }
0x52: {  	_ =	shalt  }
0x53: {  	_ =	shalt  }
0x54: {  	_ =	shalt  }
0x55: {  	_ =	shalt  }
0x56: {  	_ =	shalt  }
0x57: {  	_ =	shalt  }
0x58: {  	_ =	shalt  }
0x59: {  	_ =	shalt  }
0x5a: {  	_ =	shalt  }
0x5b: {  	_ =	shalt  }
0x5c: {  	_ =	shalt  }
0x5d: {  	_ =	shalt  }
0x5e: {  	_ =	shalt  }
0x5f: {  	_ =	shalt  }
0x60: {  	_ =	shalt  }
0x61: {  	_ =	shalt  }
0x62: {  	_ =	shalt  }
0x63: {  	_ =	shalt  }
0x64: {  	_ =	shalt  }
0x65: {  	_ =	shalt  }
0x66: {  	_ =	shalt  }
0x67: {  	_ =	shalt  }
0x68: {  	_ =	shalt  }
0x69: {  	_ =	shalt  }
0x6a: {  	_ =	shalt  }
0x6b: {  	_ =	shalt  }
0x6c: {  	_ =	shalt  }
0x6d: {  	_ =	shalt  }
0x6e: {  	_ =	shalt  }
0x6f: {  	_ =	shalt  }
0x70: {  	_ =	shalt  }
0x71: {  	_ =	shalt  }
0x72: {  	_ =	shalt  }
0x73: {  	_ =	shalt  }
0x74: {  	_ =	shalt  }
0x75: {  	_ =	shalt  }
0x76: {  	_ =	shalt  }
0x77: {  	_ =	shalt  }
0x78: {  	_ =	shalt  }
0x79: {  	_ =	shalt  }
0x7a: {  	_ =	shalt  }
0x7b: {  	_ =	shalt  }
0x7c: {  	_ =	shalt  }
0x7d: {  	_ =	shalt  }
0x7e: {  	_ =	shalt  }
0x7f: {  	_ =	shalt  }
0x80: {  	_ =	shalt  }
0x81: {  	_ =	shalt  }
0x82: {  	_ =	shalt  }
0x83: {  	_ =	shalt  }
0x84: {  	_ =	shalt  }
0x85: {  	_ =	shalt  }
0x86: {  	_ =	shalt  }
0x87: {  	_ =	shalt  }
.Lfunc_end0:
.L_simem_size_0:
called_computation.2_lowered:
.L_overlay_start_0:
0x88: {  	s2 =	sld [smem:$0x3FD9]  }
0x89: {  	s3 =	sld [smem:$0x3FFE];
	_ =	sdelay $0x1  }
0x8a: {  	s1 =	srdreg.scid  }
0x8b: {  	s0 =	sand.u32 $0x1, s1  }
0x8c: {  	s14 =	sshll.u32 s0, $0xA;
	s2 =	sadd.s32 s3, s2  }
0x8d: {  	s2 =	sadd.s32 s2, s14  }
0x8e: {  	[smem:$0x3FAE] =	sst s2  }
0x8f: {  	_ = 	snop  }
0x90: {  	s2 =	sld [smem:$0x3FD0];
	_ =	sdelay $0x2  }
0x91: {  	s15 =	simm.s32 $0xA;
	s4 =	simm.s32 $0x10  }
0x92: {  	[smem:s4], [sflag:s15] =	dma.local [hbm:s2], $0x1  }
0x93: {  	_ =	swait.eq [sflag:s15], $0x1  }
0x94: {  	[sflag:s15] =	ssyncset.done $0x0  }
0x95: {  	[sflag:s15] =	ssyncadd.s32 $0xFFFFFFFF  }
0x96: {  	s16 =	sld [smem:$0x11];
	(tm) =	ssettm $0x1  }
0x97: {  	s17 =	sld [smem:$0x3FFB];
	_ =	sdelay $0x3  }
0x98: {  	_ =	strace s17  }
0x99: {  	s3 =	sld [smem:$0x3FFC];
	_ =	sdelay $0x3  }
0x9a: {  	_ =	strace s3  }
0x9b: {  	s3 =	sld [smem:$0x3FFD];
	_ =	sdelay $0x3  }
0x9c: {  	_ =	strace s3  }
0x9d: {  	_ =	strace $0x8FFFFFFF  }
0x9e: {  	s18 =	sld [smem:$0x3FDB];
	_ =	sdelay $0x1  }
0x9f: {  	s19 =	simm.s32 $_scs_section_size  }
0xa0: {  	s5 =	simm.s32 $_size__tile_overlayer_lowered;
	s6 =	simm.s32 $_tile_overlayer_lowered  }
0xa1: {  	s22 =	simm.s32 $0x1BFF;
	s21 =	sshll.u32 s6, $0x1;
	s3 =	sadd.s32 s19, s18  }
0xa2: {  	s7 =	simm.s32 $0x0;
	s20 =	sshll.u32 s5, $0x1;
	s5 =	sadd.s32 s21, s3  }
0xa3: {  	[timem:s7], [sflag:s22] =	dma.local [hbm:s5], s20  }
0xa4: {  	_ =	swait.ge [sflag:s22], s20  }
0xa5: {  	s4 =	ssub.s32 $0x0, s20;
	[sflag:s22] =	ssyncset.done $0x0  }
0xa6: {  	[sflag:s22] =	ssyncadd.s32 s4;
	_ =	sdelay $0x1  }
0xa7: {  	s23 =	simm.s32 $0x1B8B  }
0xa8: {  	_ =	swait.ge [sflag:s23], $0x1  }
0xa9: {  	[sflag:s23] =	ssyncset.done $0x0  }
0xaa: {  	s25 =	simm.s32 $0x1B8E;
	s24 =	sld [smem:$0x3FFE];
	[sflag:s23] =	ssyncadd.s32 $0xFFFFFFFF  }
0xab: {  	s26 =	simm.s32 $execute0_lowered;
	[smem:$0x3FD2] =	sst s25  }
0xac: {  	s5 =	sshll.u32 s26, $0x1;
	_ =	strace $0x8000004C;
	[dreg:$0x1] =	wrdreg $0xFFFFFFFF  }
0xad: {  	s28 =	simm.s32 $_size_execute0_lowered;
	s3 =	sadd.s32 s3, s5;
	[dreg:$0x0] =	wrdreg $0x0  }
0xae: {  	s5 =	sshll.u32 s28, $0x1;
	[dreg:$0x2] =	wrdreg s3  }
0xaf: {  	[dreg:$0x3] =	wrdreg s5  }
0xb0: {  	[dreg:$0x4] =	wrdreg $0xC0  }
0xb1: {  	_ =	task [dreg:s7], $0x5FFFF  }
0xb2: {  	[dreg:$0x1] =	wrdreg $0xFFFFFFFF  }
0xb3: {  	[dreg:$0x0] =	wrdreg $0x60  }
0xb4: {  	[dreg:$0x2] =	wrdreg s24  }
0xb5: {  	[dreg:$0x3] =	wrdreg s16  }
0xb6: {  	[dreg:$0x4] =	wrdreg $0x0  }
0xb7: {  	[dreg:$0x5] =	wrdreg $0x9  }
0xb8: {  	_ =	task.clear_ibuf [dreg:s7], $0x6FFFF;
	_ =	strace $0x9000004C  }
0xb9: {  	s29 =	simm.s32 $0x9;
	_ =	strace $0x8000004E  }
0xba: {  	_ =	swait.ge [sflag:s29], $0x1  }
0xbb: {  	[sflag:s29] =	ssyncadd.s32 $0xFFFFFFFF  }
0xbc: {  	_ =	strace $0x9000004E  }
0xbd: {  	_ =	sfence  }
0xbe: {  	s30 =	sld [smem:$0x0];
	_ =	sdelay $0x2  }
0xbf: {  	s31 =	sshll.u32 s1, $0xD;
	s1 =	sshrl.u32 s1, $0x2  }
0xc0: {  	s3 =	sand.u32 $0x4000, s31;
	s1 =	sadd.s32 s1, s30  }
0xc1: {  	s0 =	sor.u32 s3, s0;
	s1 =	sshll.u32 s1, $0x11  }
0xc2: {  	s0 =	sor.u32 s1, s0  }
0xc3: {  	s0 =	sadd.s32 $0x8F2B, s0  }
0xc4: {  	[sflag:s0] =	ssyncadd.remote.s32 $0x1  }
0xc5: {  	_ =	sfence.sel $0xFFFF  }
0xc6: {  	[dreg:$0x0] =	wrdreg $0xFFFFFFFF;
	(pc) =	sbr.abs _section_cstart, $3  }
0xc7: {  	[dreg:$0x1] =	wrdreg $0xFFFFFFFF  }
0xc8: {  	_ =	task.clear_ibuf [dreg:s7], $0x2FFFF;
	_ =	strace $0x9FFFFFFF  }
0xc9: {  	(tm) =	ssettm $0x7FFFFFFF  }
tec
execute0_lowered:
.L_overlay_start_1:
0x0: {  	(tag) =	ssettag $0x1  }
0x1: {  	s0 =	rddreg [dreg:$0x0]  }
0x2: {  	s1 =	rddreg [dreg:$0x1]  }
0x3: {  	s2 =	rddreg [dreg:$0x2]  }
0x4: {  	s4 =	srdreg.scid;
	s9 =	stileid.u32;
	s3 =	simm.s32 $0x0  }
0x5: {  	s20 =	simm.s32 $0x16800;
	s21 =	simm.s32 $0x3;
	s28 =	simm.s32 $0x2  }
0x6: {  	s29 =	simm.s32 $0x15380;
	s30 =	simm.s32 $0x16700;
	s31 =	simm.s32 $0x16780  }
0x7: {  	s5 =	sand.u32 $0x1, s4;
	s6 =	smul.u32 $0x2800, s9;
	[smem:$0x7FF] =	sst s3  }
0x8: {  	s4 =	sadd.s32 $0x69400, s0;
	s16 =	sadd.s32 $0x5400, s0;
	s22 =	smul.u32 $0x50000, s9  }
0x9: {  	s7 =	smul.u32 $0x28000, s5;
	s23 =	ssub.s32 $0x2, s5;
	s5 =	sshll.u32 s5, $0x4  }
0xa: {  	_ =	strace $0x8000004D;
	s8 =	sshrl.u32 s23, $0x1;
	s9 =	sor.u32 s9, s5  }
0xb: {  	s6 =	sadd.s32 s6, s7;
	s7 =	sshrl.u32 s22, $0x2;
	s10 =	smul.u32 $0x5000, s9  }
0xc: {  	s19 =	ssub.s32 s23, s8;
	s11 =	smul.u32 $0xA00, s9;
	s22 =	simm.s32 $0x14000  }
0xd: {  	s23 =	simm.s32 $0x15400;
	s0 =	sadd.s32 s6, s0;
	s5 =	sadd.s32 s7, s2  }
0xe: {  	s19 =	smax.u32 s19, $0x1;
	s24 =	sadd.s32 $0x4000, s5;
	s25 =	sadd.s32 $0x8000, s5  }
0xf: {  	s26 =	sadd.s32 $0xC000, s5;
	s9 =	sadd.s32 $0x10000, s5;
	[dreg:$0x4] =	wrdreg s24  }
0x10: {  	s17 =	sshrl.u32 s10, $0x3;
	s10 =	sadd.s32 s16, s11;
	[dreg:$0x5] =	wrdreg s25  }
0x11: {  	s11 =	sadd.s32 s1, s11;
	s18 =	sadd.s32 $0xB7600, s0;
	[dreg:$0x6] =	wrdreg s26  }
0x12: {  	s13 =	sadd.s32 $0x280, s17;
	s15 =	sadd.s32 $0x500, s17;
	s17 =	sadd.s32 $0x780, s17  }
0x13: {  	s24 =	simm.s32 $0x80;
	s25 =	simm.s32 $0x1A800;
	s26 =	simm.s32 $0x1  }
0x14: {  	s12 =	sadd.s32 s16, s13;
	s13 =	sadd.s32 s1, s13;
	s14 =	sadd.s32 s16, s15  }
0x15: {  	v0 =	vimm.f32 $0.0e+00;
	s15 =	sadd.s32 s1, s15;
	s16 =	sadd.s32 s16, s17;
	s17 =	sadd.s32 s1, s17  }
.LBB2_1:
0x16: {  	s0 =	simm.s32 $0x0;
	s1 =	simm.s32 $0x200  }
.LBB2_2:
0x17: {  	p0 =	sne.s32 s1, $0xFE00;
	[tilespmem:s0+$0x16870] =	vst v0  }
0x18: {  	[tilespmem:s0+$0x16800] =	vst v0  }
0x19: {  	[tilespmem:s0+$0x16810] =	vst v0  }
.Ltmp0:
0x1a: {  	[tilespmem:s0+$0x16820] =	vst v0;
	(pc) =	sbr.rel @p0 .LBB2_2-.Ltmp0, $4  }
0x1b: {  	[tilespmem:s0+$0x16830] =	vst v0  }
0x1c: {  	[tilespmem:s0+$0x16840] =	vst v0  }
0x1d: {  	[tilespmem:s0+$0x16850] =	vst v0  }
0x1e: {  	[tilespmem:s0+$0x16860] =	vst v0;
	s0 =	sshra.s32 s1, $0x2;
	s1 =	sadd.s32 $0x200, s1  }
0x1f: {  	[tilespmem:s0+$0x16870] =	vst v0  }
0x20: {  	[tilespmem:s0+$0x16800] =	vst v0  }
0x21: {  	[tilespmem:s0+$0x16810] =	vst v0  }
0x22: {  	[tilespmem:s0+$0x16820] =	vst v0  }
0x23: {  	[tilespmem:s0+$0x16830] =	vst v0  }
0x24: {  	[tilespmem:s0+$0x16840] =	vst v0  }
0x25: {  	[tilespmem:s0+$0x16850] =	vst v0  }
0x26: {  	[tilespmem:s0+$0x16860] =	vst v0  }
0x27: {  	[spmem:s5] =	stream.linear.scatter [tilespmem:s20], [sflag:$0x3], $0x4000, $0x38;
	[tilespmem:$0x1E800] =	vst v63  }
0x28: {  	_ =	swait.ge [sflag:s21], $0x4000  }
0x29: {  	[sflag:s21] =	ssyncset.done $0x0  }
0x2a: {  	s1 =	rddreg [dreg:$0x4];
	[sflag:s21] =	ssyncadd.s32 $0xFFFFC000  }
0x2b: {  	[spmem:s1] =	stream.linear.scatter [tilespmem:s20], [sflag:$0x3], $0x4000, $0x38;
	[tilespmem:$0x1E800] =	vst v63  }
0x2c: {  	_ =	swait.ge [sflag:s21], $0x4000  }
0x2d: {  	[sflag:s21] =	ssyncset.done $0x0  }
0x2e: {  	s6 =	rddreg [dreg:$0x5];
	[sflag:s21] =	ssyncadd.s32 $0xFFFFC000  }
0x2f: {  	[spmem:s6] =	stream.linear.scatter [tilespmem:s20], [sflag:$0x3], $0x4000, $0x38;
	[tilespmem:$0x1E800] =	vst v63  }
0x30: {  	_ =	swait.ge [sflag:s21], $0x4000  }
0x31: {  	[sflag:s21] =	ssyncset.done $0x0  }
0x32: {  	s7 =	rddreg [dreg:$0x6];
	[sflag:s21] =	ssyncadd.s32 $0xFFFFC000  }
0x33: {  	[spmem:s7] =	stream.linear.scatter [tilespmem:s20], [sflag:$0x3], $0x4000, $0x38;
	[tilespmem:$0x1E800] =	vst v63  }
0x34: {  	_ =	swait.ge [sflag:s21], $0x4000  }
0x35: {  	[sflag:s21] =	ssyncset.done $0x0  }
0x36: {  	[sflag:s21] =	ssyncadd.s32 $0xFFFFC000  }
0x37: {  	[spmem:s9] =	stream.linear.scatter [tilespmem:s20], [sflag:$0x3], $0x4000, $0x38;
	[tilespmem:$0x1E800] =	vst v63  }
0x38: {  	_ =	swait.ge [sflag:s21], $0x4000  }
0x39: {  	[sflag:s21] =	ssyncset.done $0x0  }
0x3a: {  	[sflag:s21] =	ssyncadd.s32 $0xFFFFC000  }
0x3b: {  	s8 =	simm.s32 $0x0;
	[bflag:$0x0] =	sbarrier.arrive $0xFFFF  }
0x3c: {  	[tilespmem:s22], [sflag:$0x3] =	stream.linear.gather [hbm4b:s10+s8], $0x1400, $0x38;
	[tilespmem:$0x1E800] =	vst v63  }
0x3d: {  	_ =	swait.ge [sflag:s21], $0x1400  }
0x3e: {  	[sflag:s21] =	ssyncset.done $0x0  }
0x3f: {  	[sflag:s21] =	ssyncadd.s32 $0xFFFFEC00  }
0x40: {  	[tilespmem:s23], [sflag:$0x3] =	stream.linear.gather [hbm4b:s11+s8], $0x1400, $0x38;
	[tilespmem:$0x1E800] =	vst v63  }
0x41: {  	_ =	swait.ge [sflag:s21], $0x1400  }
0x42: {  	[sflag:s21] =	ssyncset.done $0x0  }
0x43: {  	[sflag:s21] =	ssyncadd.s32 $0xFFFFEC00  }
0x44: {  	[tilespmem:s20], [sflag:$0x1] =	stream.indirect.gather [hbm4b:s4+s24], $0x80, s22, s24, $0xb8;
	[tilespmem:$0x1E800] =	vst v63  }
0x45: {  	s1 =	simm.s32 $0x14080  }
0x46: {  	[tilespmem:s25], [sflag:$0x2] =	stream.indirect.gather [hbm4b:s4+s24], $0x80, s1, s24, $0xb8;
	[tilespmem:$0x1E800] =	vst v63  }
0x47: {  	_ =	swait.ge [sflag:s26], $0x4000  }
0x48: {  	[sflag:s26] =	ssyncset.done $0x0  }
0x49: {  	s6 =	simm.s32 $0x15400;
	[sflag:s26] =	ssyncadd.s32 $0xFFFFC000  }
0x4a: {  	[spmem:s2] =	stream.indirect.scatter.add.f32 [tilespmem:s20], [sflag:$0x3], $0x80, s6, s24, $0xb8;
	[tilespmem:$0x1E800] =	vst v63  }
0x4b: {  	_ =	swait.ge [sflag:s21], $0x4000  }
0x4c: {  	[sflag:s21] =	ssyncset.done $0x0  }
0x4d: {  	s7 =	simm.s32 $0x14100;
	[sflag:s21] =	ssyncadd.s32 $0xFFFFC000  }
0x4e: {  	[tilespmem:s20], [sflag:$0x1] =	stream.indirect.gather [hbm4b:s4+s24], $0x80, s7, s24, $0xb8;
	[tilespmem:$0x1E800] =	vst v63  }
0x4f: {  	_ =	swait.ge [sflag:s28], $0x4000  }
0x50: {  	[sflag:s28] =	ssyncset.done $0x0  }
0x51: {  	s8 =	simm.s32 $0x15480;
	[sflag:s28] =	ssyncadd.s32 $0xFFFFC000  }
0x52: {  	[spmem:s2] =	stream.indirect.scatter.add.f32 [tilespmem:s25], [sflag:$0x3], $0x80, s8, s24, $0xb8;
	[tilespmem:$0x1E800] =	vst v63  }
0x53: {  	_ =	swait.ge [sflag:s21], $0x4000  }
0x54: {  	s0 =	simm.s32 $0x100;
	s1 =	simm.s32 $0x800;
	[sflag:s21] =	ssyncset.done $0x0  }
.LBB2_4:
0x55: {  	s6 =	sadd.s32 $0x14080, s0  }
0x56: {  	[sflag:s21] =	ssyncadd.s32 $0xFFFFC000;
	s7 =	smov.u32 s1;
	s8 =	sadd.s32 $0x400, s1  }
0x57: {  	[tilespmem:s25], [sflag:$0x2] =	stream.indirect.gather [hbm4b:s4+s24], $0x80, s6, s24, $0xb8;
	[tilespmem:$0x1E800] =	vst v63  }
0x58: {  	p0 =	sne.s32 s1, $0x4800;
	_ =	swait.ge [sflag:s26], $0x4000  }
0x59: {  	[sflag:s26] =	ssyncset.done $0x0  }
0x5a: {  	s1 =	sadd.s32 $0x15400, s0;
	[sflag:s26] =	ssyncadd.s32 $0xFFFFC000  }
0x5b: {  	[spmem:s2] =	stream.indirect.scatter.add.f32 [tilespmem:s20], [sflag:$0x3], $0x80, s1, s24, $0xb8;
	[tilespmem:$0x1E800] =	vst v63  }
0x5c: {  	_ =	swait.ge [sflag:s21], $0x4000  }
0x5d: {  	[sflag:s21] =	ssyncset.done $0x0  }
0x5e: {  	s1 =	sadd.s32 $0x14100, s0;
	[sflag:s21] =	ssyncadd.s32 $0xFFFFC000  }
0x5f: {  	[tilespmem:s20], [sflag:$0x1] =	stream.indirect.gather [hbm4b:s4+s24], $0x80, s1, s24, $0xb8;
	[tilespmem:$0x1E800] =	vst v63  }
0x60: {  	_ =	swait.ge [sflag:s28], $0x4000  }
.Ltmp1:
0x61: {  	[sflag:s28] =	ssyncset.done $0x0;
	(pc) =	sbr.rel @p0 .LBB2_4-.Ltmp1, $4  }
0x62: {  	s0 =	sadd.s32 $0x15480, s0;
	[sflag:s28] =	ssyncadd.s32 $0xFFFFC000  }
0x63: {  	[spmem:s2] =	stream.indirect.scatter.add.f32 [tilespmem:s25], [sflag:$0x3], $0x80, s0, s24, $0xb8;
	[tilespmem:$0x1E800] =	vst v63  }
0x64: {  	_ =	swait.ge [sflag:s21], $0x4000  }
0x65: {  	s1 =	smov.u32 s8;
	s0 =	sshra.s32 s7, $0x2;
	[sflag:s21] =	ssyncset.done $0x0  }
0x66: {  	s1 =	sadd.s32 $0x14080, s0;
	[sflag:s21] =	ssyncadd.s32 $0xFFFFC000  }
0x67: {  	[tilespmem:s25], [sflag:$0x2] =	stream.indirect.gather [hbm4b:s4+s24], $0x80, s1, s24, $0xb8;
	[tilespmem:$0x1E800] =	vst v63  }
0x68: {  	_ =	swait.ge [sflag:s26], $0x4000  }
0x69: {  	[sflag:s26] =	ssyncset.done $0x0  }
0x6a: {  	s8 =	sadd.s32 $0x15400, s0;
	[sflag:s26] =	ssyncadd.s32 $0xFFFFC000  }
0x6b: {  	[spmem:s2] =	stream.indirect.scatter.add.f32 [tilespmem:s20], [sflag:$0x3], $0x80, s8, s24, $0xb8;
	[tilespmem:$0x1E800] =	vst v63  }
0x6c: {  	_ =	swait.ge [sflag:s21], $0x4000  }
0x6d: {  	[sflag:s21] =	ssyncset.done $0x0  }
0x6e: {  	s6 =	sadd.s32 $0x14100, s0;
	[sflag:s21] =	ssyncadd.s32 $0xFFFFC000  }
0x6f: {  	[tilespmem:s20], [sflag:$0x1] =	stream.indirect.gather [hbm4b:s4+s24], $0x80, s6, s24, $0xb8;
	[tilespmem:$0x1E800] =	vst v63  }
0x70: {  	_ =	swait.ge [sflag:s28], $0x4000  }
0x71: {  	[sflag:s28] =	ssyncset.done $0x0  }
0x72: {  	s7 =	sadd.s32 $0x15480, s0;
	[sflag:s28] =	ssyncadd.s32 $0xFFFFC000  }
0x73: {  	[spmem:s2] =	stream.indirect.scatter.add.f32 [tilespmem:s25], [sflag:$0x3], $0x80, s7, s24, $0xb8;
	[tilespmem:$0x1E800] =	vst v63  }
0x74: {  	_ =	swait.ge [sflag:s21], $0x4000  }
0x75: {  	[sflag:s21] =	ssyncset.done $0x0  }
0x76: {  	[sflag:s21] =	ssyncadd.s32 $0xFFFFC000  }
0x77: {  	[tilespmem:s25], [sflag:$0x2] =	stream.indirect.gather [hbm4b:s4+s24], $0x80, s29, s24, $0xb8;
	[tilespmem:$0x1E800] =	vst v63  }
0x78: {  	_ =	swait.ge [sflag:s26], $0x4000  }
0x79: {  	[sflag:s26] =	ssyncset.done $0x0  }
0x7a: {  	[sflag:s26] =	ssyncadd.s32 $0xFFFFC000  }
0x7b: {  	[spmem:s2] =	stream.indirect.scatter.add.f32 [tilespmem:s20], [sflag:$0x3], $0x80, s30, s24, $0xb8;
	[tilespmem:$0x1E800] =	vst v63  }
0x7c: {  	_ =	swait.ge [sflag:s21], $0x4000  }
0x7d: {  	[sflag:s21] =	ssyncset.done $0x0  }
0x7e: {  	[sflag:s21] =	ssyncadd.s32 $0xFFFFC000  }
0x7f: {  	_ =	swait.ge [sflag:s28], $0x4000  }
0x80: {  	[sflag:s28] =	ssyncset.done $0x0  }
0x81: {  	[sflag:s28] =	ssyncadd.s32 $0xFFFFC000  }
0x82: {  	[spmem:s2] =	stream.indirect.scatter.add.f32 [tilespmem:s25], [sflag:$0x3], $0x80, s31, s24, $0xb8;
	[tilespmem:$0x1E800] =	vst v63  }
0x83: {  	_ =	swait.ge [sflag:s21], $0x4000  }
0x84: {  	[sflag:s21] =	ssyncset.done $0x0  }
0x85: {  	s8 =	simm.s32 $0x0;
	[sflag:s21] =	ssyncadd.s32 $0xFFFFC000  }
0x86: {  	[tilespmem:s22], [sflag:$0x3] =	stream.linear.gather [hbm4b:s12+s8], $0x1400, $0x38;
	[tilespmem:$0x1E800] =	vst v63  }
0x87: {  	_ =	swait.ge [sflag:s21], $0x1400  }
0x88: {  	[sflag:s21] =	ssyncset.done $0x0  }
0x89: {  	[sflag:s21] =	ssyncadd.s32 $0xFFFFEC00  }
0x8a: {  	[tilespmem:s23], [sflag:$0x3] =	stream.linear.gather [hbm4b:s13+s8], $0x1400, $0x38;
	[tilespmem:$0x1E800] =	vst v63  }
0x8b: {  	_ =	swait.ge [sflag:s21], $0x1400  }
0x8c: {  	[sflag:s21] =	ssyncset.done $0x0  }
0x8d: {  	[sflag:s21] =	ssyncadd.s32 $0xFFFFEC00  }
0x8e: {  	[tilespmem:s20], [sflag:$0x1] =	stream.indirect.gather [hbm4b:s4+s24], $0x80, s22, s24, $0xb8;
	[tilespmem:$0x1E800] =	vst v63  }
0x8f: {  	s1 =	simm.s32 $0x14080  }
0x90: {  	[tilespmem:s25], [sflag:$0x2] =	stream.indirect.gather [hbm4b:s4+s24], $0x80, s1, s24, $0xb8;
	[tilespmem:$0x1E800] =	vst v63  }
0x91: {  	_ =	swait.ge [sflag:s26], $0x4000  }
0x92: {  	[sflag:s26] =	ssyncset.done $0x0  }
0x93: {  	s6 =	simm.s32 $0x15400;
	[sflag:s26] =	ssyncadd.s32 $0xFFFFC000  }
0x94: {  	[spmem:s2] =	stream.indirect.scatter.add.f32 [tilespmem:s20], [sflag:$0x3], $0x80, s6, s24, $0xb8;
	[tilespmem:$0x1E800] =	vst v63  }
0x95: {  	_ =	swait.ge [sflag:s21], $0x4000  }
0x96: {  	[sflag:s21] =	ssyncset.done $0x0  }
0x97: {  	s7 =	simm.s32 $0x14100;
	[sflag:s21] =	ssyncadd.s32 $0xFFFFC000  }
0x98: {  	[tilespmem:s20], [sflag:$0x1] =	stream.indirect.gather [hbm4b:s4+s24], $0x80, s7, s24, $0xb8;
	[tilespmem:$0x1E800] =	vst v63  }
0x99: {  	_ =	swait.ge [sflag:s28], $0x4000  }
0x9a: {  	[sflag:s28] =	ssyncset.done $0x0  }
0x9b: {  	s8 =	simm.s32 $0x15480;
	[sflag:s28] =	ssyncadd.s32 $0xFFFFC000  }
0x9c: {  	[spmem:s2] =	stream.indirect.scatter.add.f32 [tilespmem:s25], [sflag:$0x3], $0x80, s8, s24, $0xb8;
	[tilespmem:$0x1E800] =	vst v63  }
0x9d: {  	_ =	swait.ge [sflag:s21], $0x4000  }
0x9e: {  	s0 =	simm.s32 $0x100;
	s1 =	simm.s32 $0x800;
	[sflag:s21] =	ssyncset.done $0x0  }
.LBB2_6:
0x9f: {  	s6 =	sadd.s32 $0x14080, s0  }
0xa0: {  	[sflag:s21] =	ssyncadd.s32 $0xFFFFC000;
	s7 =	smov.u32 s1;
	s8 =	sadd.s32 $0x400, s1  }
0xa1: {  	[tilespmem:s25], [sflag:$0x2] =	stream.indirect.gather [hbm4b:s4+s24], $0x80, s6, s24, $0xb8;
	[tilespmem:$0x1E800] =	vst v63  }
0xa2: {  	p0 =	sne.s32 s1, $0x4800;
	_ =	swait.ge [sflag:s26], $0x4000  }
0xa3: {  	[sflag:s26] =	ssyncset.done $0x0  }
0xa4: {  	s1 =	sadd.s32 $0x15400, s0;
	[sflag:s26] =	ssyncadd.s32 $0xFFFFC000  }
0xa5: {  	[spmem:s2] =	stream.indirect.scatter.add.f32 [tilespmem:s20], [sflag:$0x3], $0x80, s1, s24, $0xb8;
	[tilespmem:$0x1E800] =	vst v63  }
0xa6: {  	_ =	swait.ge [sflag:s21], $0x4000  }
0xa7: {  	[sflag:s21] =	ssyncset.done $0x0  }
0xa8: {  	s1 =	sadd.s32 $0x14100, s0;
	[sflag:s21] =	ssyncadd.s32 $0xFFFFC000  }
0xa9: {  	[tilespmem:s20], [sflag:$0x1] =	stream.indirect.gather [hbm4b:s4+s24], $0x80, s1, s24, $0xb8;
	[tilespmem:$0x1E800] =	vst v63  }
0xaa: {  	_ =	swait.ge [sflag:s28], $0x4000  }
.Ltmp2:
0xab: {  	[sflag:s28] =	ssyncset.done $0x0;
	(pc) =	sbr.rel @p0 .LBB2_6-.Ltmp2, $4  }
0xac: {  	s0 =	sadd.s32 $0x15480, s0;
	[sflag:s28] =	ssyncadd.s32 $0xFFFFC000  }
0xad: {  	[spmem:s2] =	stream.indirect.scatter.add.f32 [tilespmem:s25], [sflag:$0x3], $0x80, s0, s24, $0xb8;
	[tilespmem:$0x1E800] =	vst v63  }
0xae: {  	_ =	swait.ge [sflag:s21], $0x4000  }
0xaf: {  	s1 =	smov.u32 s8;
	s0 =	sshra.s32 s7, $0x2;
	[sflag:s21] =	ssyncset.done $0x0  }
0xb0: {  	s1 =	sadd.s32 $0x14080, s0;
	[sflag:s21] =	ssyncadd.s32 $0xFFFFC000  }
0xb1: {  	[tilespmem:s25], [sflag:$0x2] =	stream.indirect.gather [hbm4b:s4+s24], $0x80, s1, s24, $0xb8;
	[tilespmem:$0x1E800] =	vst v63  }
0xb2: {  	_ =	swait.ge [sflag:s26], $0x4000  }
0xb3: {  	[sflag:s26] =	ssyncset.done $0x0  }
0xb4: {  	s8 =	sadd.s32 $0x15400, s0;
	[sflag:s26] =	ssyncadd.s32 $0xFFFFC000  }
0xb5: {  	[spmem:s2] =	stream.indirect.scatter.add.f32 [tilespmem:s20], [sflag:$0x3], $0x80, s8, s24, $0xb8;
	[tilespmem:$0x1E800] =	vst v63  }
0xb6: {  	_ =	swait.ge [sflag:s21], $0x4000  }
0xb7: {  	[sflag:s21] =	ssyncset.done $0x0  }
0xb8: {  	s6 =	sadd.s32 $0x14100, s0;
	[sflag:s21] =	ssyncadd.s32 $0xFFFFC000  }
0xb9: {  	[tilespmem:s20], [sflag:$0x1] =	stream.indirect.gather [hbm4b:s4+s24], $0x80, s6, s24, $0xb8;
	[tilespmem:$0x1E800] =	vst v63  }
0xba: {  	_ =	swait.ge [sflag:s28], $0x4000  }
0xbb: {  	[sflag:s28] =	ssyncset.done $0x0  }
0xbc: {  	s7 =	sadd.s32 $0x15480, s0;
	[sflag:s28] =	ssyncadd.s32 $0xFFFFC000  }
0xbd: {  	[spmem:s2] =	stream.indirect.scatter.add.f32 [tilespmem:s25], [sflag:$0x3], $0x80, s7, s24, $0xb8;
	[tilespmem:$0x1E800] =	vst v63  }
0xbe: {  	_ =	swait.ge [sflag:s21], $0x4000  }
0xbf: {  	[sflag:s21] =	ssyncset.done $0x0  }
0xc0: {  	[sflag:s21] =	ssyncadd.s32 $0xFFFFC000  }
0xc1: {  	[tilespmem:s25], [sflag:$0x2] =	stream.indirect.gather [hbm4b:s4+s24], $0x80, s29, s24, $0xb8;
	[tilespmem:$0x1E800] =	vst v63  }
0xc2: {  	_ =	swait.ge [sflag:s26], $0x4000  }
0xc3: {  	[sflag:s26] =	ssyncset.done $0x0  }
0xc4: {  	[sflag:s26] =	ssyncadd.s32 $0xFFFFC000  }
0xc5: {  	[spmem:s2] =	stream.indirect.scatter.add.f32 [tilespmem:s20], [sflag:$0x3], $0x80, s30, s24, $0xb8;
	[tilespmem:$0x1E800] =	vst v63  }
0xc6: {  	_ =	swait.ge [sflag:s21], $0x4000  }
0xc7: {  	[sflag:s21] =	ssyncset.done $0x0  }
0xc8: {  	[sflag:s21] =	ssyncadd.s32 $0xFFFFC000  }
0xc9: {  	_ =	swait.ge [sflag:s28], $0x4000  }
0xca: {  	[sflag:s28] =	ssyncset.done $0x0  }
0xcb: {  	[sflag:s28] =	ssyncadd.s32 $0xFFFFC000  }
0xcc: {  	[spmem:s2] =	stream.indirect.scatter.add.f32 [tilespmem:s25], [sflag:$0x3], $0x80, s31, s24, $0xb8;
	[tilespmem:$0x1E800] =	vst v63  }
0xcd: {  	_ =	swait.ge [sflag:s21], $0x4000  }
0xce: {  	[sflag:s21] =	ssyncset.done $0x0  }
0xcf: {  	s8 =	simm.s32 $0x0;
	[sflag:s21] =	ssyncadd.s32 $0xFFFFC000  }
0xd0: {  	[tilespmem:s22], [sflag:$0x3] =	stream.linear.gather [hbm4b:s14+s8], $0x1400, $0x38;
	[tilespmem:$0x1E800] =	vst v63  }
0xd1: {  	_ =	swait.ge [sflag:s21], $0x1400  }
0xd2: {  	[sflag:s21] =	ssyncset.done $0x0  }
0xd3: {  	[sflag:s21] =	ssyncadd.s32 $0xFFFFEC00  }
0xd4: {  	[tilespmem:s23], [sflag:$0x3] =	stream.linear.gather [hbm4b:s15+s8], $0x1400, $0x38;
	[tilespmem:$0x1E800] =	vst v63  }
0xd5: {  	_ =	swait.ge [sflag:s21], $0x1400  }
0xd6: {  	[sflag:s21] =	ssyncset.done $0x0  }
0xd7: {  	[sflag:s21] =	ssyncadd.s32 $0xFFFFEC00  }
0xd8: {  	[tilespmem:s20], [sflag:$0x1] =	stream.indirect.gather [hbm4b:s4+s24], $0x80, s22, s24, $0xb8;
	[tilespmem:$0x1E800] =	vst v63  }
0xd9: {  	s1 =	simm.s32 $0x14080  }
0xda: {  	[tilespmem:s25], [sflag:$0x2] =	stream.indirect.gather [hbm4b:s4+s24], $0x80, s1, s24, $0xb8;
	[tilespmem:$0x1E800] =	vst v63  }
0xdb: {  	_ =	swait.ge [sflag:s26], $0x4000  }
0xdc: {  	[sflag:s26] =	ssyncset.done $0x0  }
0xdd: {  	s6 =	simm.s32 $0x15400;
	[sflag:s26] =	ssyncadd.s32 $0xFFFFC000  }
0xde: {  	[spmem:s2] =	stream.indirect.scatter.add.f32 [tilespmem:s20], [sflag:$0x3], $0x80, s6, s24, $0xb8;
	[tilespmem:$0x1E800] =	vst v63  }
0xdf: {  	_ =	swait.ge [sflag:s21], $0x4000  }
0xe0: {  	[sflag:s21] =	ssyncset.done $0x0  }
0xe1: {  	s7 =	simm.s32 $0x14100;
	[sflag:s21] =	ssyncadd.s32 $0xFFFFC000  }
0xe2: {  	[tilespmem:s20], [sflag:$0x1] =	stream.indirect.gather [hbm4b:s4+s24], $0x80, s7, s24, $0xb8;
	[tilespmem:$0x1E800] =	vst v63  }
0xe3: {  	_ =	swait.ge [sflag:s28], $0x4000  }
0xe4: {  	[sflag:s28] =	ssyncset.done $0x0  }
0xe5: {  	s8 =	simm.s32 $0x15480;
	[sflag:s28] =	ssyncadd.s32 $0xFFFFC000  }
0xe6: {  	[spmem:s2] =	stream.indirect.scatter.add.f32 [tilespmem:s25], [sflag:$0x3], $0x80, s8, s24, $0xb8;
	[tilespmem:$0x1E800] =	vst v63  }
0xe7: {  	_ =	swait.ge [sflag:s21], $0x4000  }
0xe8: {  	s0 =	simm.s32 $0x100;
	s1 =	simm.s32 $0x800;
	[sflag:s21] =	ssyncset.done $0x0  }
.LBB2_8:
0xe9: {  	s6 =	sadd.s32 $0x14080, s0  }
0xea: {  	[sflag:s21] =	ssyncadd.s32 $0xFFFFC000;
	s7 =	smov.u32 s1;
	s8 =	sadd.s32 $0x400, s1  }
0xeb: {  	[tilespmem:s25], [sflag:$0x2] =	stream.indirect.gather [hbm4b:s4+s24], $0x80, s6, s24, $0xb8;
	[tilespmem:$0x1E800] =	vst v63  }
0xec: {  	p0 =	sne.s32 s1, $0x4800;
	_ =	swait.ge [sflag:s26], $0x4000  }
0xed: {  	[sflag:s26] =	ssyncset.done $0x0  }
0xee: {  	s1 =	sadd.s32 $0x15400, s0;
	[sflag:s26] =	ssyncadd.s32 $0xFFFFC000  }
0xef: {  	[spmem:s2] =	stream.indirect.scatter.add.f32 [tilespmem:s20], [sflag:$0x3], $0x80, s1, s24, $0xb8;
	[tilespmem:$0x1E800] =	vst v63  }
0xf0: {  	_ =	swait.ge [sflag:s21], $0x4000  }
0xf1: {  	[sflag:s21] =	ssyncset.done $0x0  }
0xf2: {  	s1 =	sadd.s32 $0x14100, s0;
	[sflag:s21] =	ssyncadd.s32 $0xFFFFC000  }
0xf3: {  	[tilespmem:s20], [sflag:$0x1] =	stream.indirect.gather [hbm4b:s4+s24], $0x80, s1, s24, $0xb8;
	[tilespmem:$0x1E800] =	vst v63  }
0xf4: {  	_ =	swait.ge [sflag:s28], $0x4000  }
.Ltmp3:
0xf5: {  	[sflag:s28] =	ssyncset.done $0x0;
	(pc) =	sbr.rel @p0 .LBB2_8-.Ltmp3, $4  }
0xf6: {  	s0 =	sadd.s32 $0x15480, s0;
	[sflag:s28] =	ssyncadd.s32 $0xFFFFC000  }
0xf7: {  	[spmem:s2] =	stream.indirect.scatter.add.f32 [tilespmem:s25], [sflag:$0x3], $0x80, s0, s24, $0xb8;
	[tilespmem:$0x1E800] =	vst v63  }
0xf8: {  	_ =	swait.ge [sflag:s21], $0x4000  }
0xf9: {  	s1 =	smov.u32 s8;
	s0 =	sshra.s32 s7, $0x2;
	[sflag:s21] =	ssyncset.done $0x0  }
0xfa: {  	s1 =	sadd.s32 $0x14080, s0;
	[sflag:s21] =	ssyncadd.s32 $0xFFFFC000  }
0xfb: {  	[tilespmem:s25], [sflag:$0x2] =	stream.indirect.gather [hbm4b:s4+s24], $0x80, s1, s24, $0xb8;
	[tilespmem:$0x1E800] =	vst v63  }
0xfc: {  	_ =	swait.ge [sflag:s26], $0x4000  }
0xfd: {  	[sflag:s26] =	ssyncset.done $0x0  }
0xfe: {  	s8 =	sadd.s32 $0x15400, s0;
	[sflag:s26] =	ssyncadd.s32 $0xFFFFC000  }
0xff: {  	[spmem:s2] =	stream.indirect.scatter.add.f32 [tilespmem:s20], [sflag:$0x3], $0x80, s8, s24, $0xb8;
	[tilespmem:$0x1E800] =	vst v63  }
0x100: {  	_ =	swait.ge [sflag:s21], $0x4000  }
0x101: {  	[sflag:s21] =	ssyncset.done $0x0  }
0x102: {  	s6 =	sadd.s32 $0x14100, s0;
	[sflag:s21] =	ssyncadd.s32 $0xFFFFC000  }
0x103: {  	[tilespmem:s20], [sflag:$0x1] =	stream.indirect.gather [hbm4b:s4+s24], $0x80, s6, s24, $0xb8;
	[tilespmem:$0x1E800] =	vst v63  }
0x104: {  	_ =	swait.ge [sflag:s28], $0x4000  }
0x105: {  	[sflag:s28] =	ssyncset.done $0x0  }
0x106: {  	s7 =	sadd.s32 $0x15480, s0;
	[sflag:s28] =	ssyncadd.s32 $0xFFFFC000  }
0x107: {  	[spmem:s2] =	stream.indirect.scatter.add.f32 [tilespmem:s25], [sflag:$0x3], $0x80, s7, s24, $0xb8;
	[tilespmem:$0x1E800] =	vst v63  }
0x108: {  	_ =	swait.ge [sflag:s21], $0x4000  }
0x109: {  	[sflag:s21] =	ssyncset.done $0x0  }
0x10a: {  	[sflag:s21] =	ssyncadd.s32 $0xFFFFC000  }
0x10b: {  	[tilespmem:s25], [sflag:$0x2] =	stream.indirect.gather [hbm4b:s4+s24], $0x80, s29, s24, $0xb8;
	[tilespmem:$0x1E800] =	vst v63  }
0x10c: {  	_ =	swait.ge [sflag:s26], $0x4000  }
0x10d: {  	[sflag:s26] =	ssyncset.done $0x0  }
0x10e: {  	[sflag:s26] =	ssyncadd.s32 $0xFFFFC000  }
0x10f: {  	[spmem:s2] =	stream.indirect.scatter.add.f32 [tilespmem:s20], [sflag:$0x3], $0x80, s30, s24, $0xb8;
	[tilespmem:$0x1E800] =	vst v63  }
0x110: {  	_ =	swait.ge [sflag:s21], $0x4000  }
0x111: {  	[sflag:s21] =	ssyncset.done $0x0  }
0x112: {  	[sflag:s21] =	ssyncadd.s32 $0xFFFFC000  }
0x113: {  	_ =	swait.ge [sflag:s28], $0x4000  }
0x114: {  	[sflag:s28] =	ssyncset.done $0x0  }
0x115: {  	[sflag:s28] =	ssyncadd.s32 $0xFFFFC000  }
0x116: {  	[spmem:s2] =	stream.indirect.scatter.add.f32 [tilespmem:s25], [sflag:$0x3], $0x80, s31, s24, $0xb8;
	[tilespmem:$0x1E800] =	vst v63  }
0x117: {  	_ =	swait.ge [sflag:s21], $0x4000  }
0x118: {  	[sflag:s21] =	ssyncset.done $0x0  }
0x119: {  	s8 =	simm.s32 $0x0;
	[sflag:s21] =	ssyncadd.s32 $0xFFFFC000  }
0x11a: {  	[tilespmem:s22], [sflag:$0x3] =	stream.linear.gather [hbm4b:s16+s8], $0x1400, $0x38;
	[tilespmem:$0x1E800] =	vst v63  }
0x11b: {  	_ =	swait.ge [sflag:s21], $0x1400  }
0x11c: {  	[sflag:s21] =	ssyncset.done $0x0  }
0x11d: {  	[sflag:s21] =	ssyncadd.s32 $0xFFFFEC00  }
0x11e: {  	[tilespmem:s23], [sflag:$0x3] =	stream.linear.gather [hbm4b:s17+s8], $0x1400, $0x38;
	[tilespmem:$0x1E800] =	vst v63  }
0x11f: {  	_ =	swait.ge [sflag:s21], $0x1400  }
0x120: {  	[sflag:s21] =	ssyncset.done $0x0  }
0x121: {  	[sflag:s21] =	ssyncadd.s32 $0xFFFFEC00  }
0x122: {  	[tilespmem:s20], [sflag:$0x1] =	stream.indirect.gather [hbm4b:s4+s24], $0x80, s22, s24, $0xb8;
	[tilespmem:$0x1E800] =	vst v63  }
0x123: {  	s1 =	simm.s32 $0x14080  }
0x124: {  	[tilespmem:s25], [sflag:$0x2] =	stream.indirect.gather [hbm4b:s4+s24], $0x80, s1, s24, $0xb8;
	[tilespmem:$0x1E800] =	vst v63  }
0x125: {  	_ =	swait.ge [sflag:s26], $0x4000  }
0x126: {  	[sflag:s26] =	ssyncset.done $0x0  }
0x127: {  	s6 =	simm.s32 $0x15400;
	[sflag:s26] =	ssyncadd.s32 $0xFFFFC000  }
0x128: {  	[spmem:s2] =	stream.indirect.scatter.add.f32 [tilespmem:s20], [sflag:$0x3], $0x80, s6, s24, $0xb8;
	[tilespmem:$0x1E800] =	vst v63  }
0x129: {  	_ =	swait.ge [sflag:s21], $0x4000  }
0x12a: {  	[sflag:s21] =	ssyncset.done $0x0  }
0x12b: {  	s7 =	simm.s32 $0x14100;
	[sflag:s21] =	ssyncadd.s32 $0xFFFFC000  }
0x12c: {  	[tilespmem:s20], [sflag:$0x1] =	stream.indirect.gather [hbm4b:s4+s24], $0x80, s7, s24, $0xb8;
	[tilespmem:$0x1E800] =	vst v63  }
0x12d: {  	_ =	swait.ge [sflag:s28], $0x4000  }
0x12e: {  	[sflag:s28] =	ssyncset.done $0x0  }
0x12f: {  	s8 =	simm.s32 $0x15480;
	[sflag:s28] =	ssyncadd.s32 $0xFFFFC000  }
0x130: {  	[spmem:s2] =	stream.indirect.scatter.add.f32 [tilespmem:s25], [sflag:$0x3], $0x80, s8, s24, $0xb8;
	[tilespmem:$0x1E800] =	vst v63  }
0x131: {  	_ =	swait.ge [sflag:s21], $0x4000  }
0x132: {  	s0 =	simm.s32 $0x100;
	s1 =	simm.s32 $0x800;
	[sflag:s21] =	ssyncset.done $0x0  }
.LBB2_10:
0x133: {  	s6 =	sadd.s32 $0x14080, s0  }
0x134: {  	[sflag:s21] =	ssyncadd.s32 $0xFFFFC000;
	s7 =	smov.u32 s1;
	s8 =	sadd.s32 $0x400, s1  }
0x135: {  	[tilespmem:s25], [sflag:$0x2] =	stream.indirect.gather [hbm4b:s4+s24], $0x80, s6, s24, $0xb8;
	[tilespmem:$0x1E800] =	vst v63  }
0x136: {  	p0 =	sne.s32 s1, $0x4800;
	_ =	swait.ge [sflag:s26], $0x4000  }
0x137: {  	[sflag:s26] =	ssyncset.done $0x0  }
0x138: {  	s1 =	sadd.s32 $0x15400, s0;
	[sflag:s26] =	ssyncadd.s32 $0xFFFFC000  }
0x139: {  	[spmem:s2] =	stream.indirect.scatter.add.f32 [tilespmem:s20], [sflag:$0x3], $0x80, s1, s24, $0xb8;
	[tilespmem:$0x1E800] =	vst v63  }
0x13a: {  	_ =	swait.ge [sflag:s21], $0x4000  }
0x13b: {  	[sflag:s21] =	ssyncset.done $0x0  }
0x13c: {  	s1 =	sadd.s32 $0x14100, s0;
	[sflag:s21] =	ssyncadd.s32 $0xFFFFC000  }
0x13d: {  	[tilespmem:s20], [sflag:$0x1] =	stream.indirect.gather [hbm4b:s4+s24], $0x80, s1, s24, $0xb8;
	[tilespmem:$0x1E800] =	vst v63  }
0x13e: {  	_ =	swait.ge [sflag:s28], $0x4000  }
.Ltmp4:
0x13f: {  	[sflag:s28] =	ssyncset.done $0x0;
	(pc) =	sbr.rel @p0 .LBB2_10-.Ltmp4, $4  }
0x140: {  	s0 =	sadd.s32 $0x15480, s0;
	[sflag:s28] =	ssyncadd.s32 $0xFFFFC000  }
0x141: {  	[spmem:s2] =	stream.indirect.scatter.add.f32 [tilespmem:s25], [sflag:$0x3], $0x80, s0, s24, $0xb8;
	[tilespmem:$0x1E800] =	vst v63  }
0x142: {  	_ =	swait.ge [sflag:s21], $0x4000  }
0x143: {  	s1 =	smov.u32 s8;
	s0 =	sshra.s32 s7, $0x2;
	[sflag:s21] =	ssyncset.done $0x0  }
0x144: {  	s1 =	sadd.s32 $0x14080, s0;
	[sflag:s21] =	ssyncadd.s32 $0xFFFFC000  }
0x145: {  	[tilespmem:s25], [sflag:$0x2] =	stream.indirect.gather [hbm4b:s4+s24], $0x80, s1, s24, $0xb8;
	[tilespmem:$0x1E800] =	vst v63  }
0x146: {  	_ =	swait.ge [sflag:s26], $0x4000  }
0x147: {  	[sflag:s26] =	ssyncset.done $0x0  }
0x148: {  	s7 =	sadd.s32 $0x15400, s0;
	[sflag:s26] =	ssyncadd.s32 $0xFFFFC000  }
0x149: {  	[spmem:s2] =	stream.indirect.scatter.add.f32 [tilespmem:s20], [sflag:$0x3], $0x80, s7, s24, $0xb8;
	[tilespmem:$0x1E800] =	vst v63  }
0x14a: {  	_ =	swait.ge [sflag:s21], $0x4000  }
0x14b: {  	[sflag:s21] =	ssyncset.done $0x0  }
0x14c: {  	s8 =	sadd.s32 $0x14100, s0;
	[sflag:s21] =	ssyncadd.s32 $0xFFFFC000  }
0x14d: {  	[tilespmem:s20], [sflag:$0x1] =	stream.indirect.gather [hbm4b:s4+s24], $0x80, s8, s24, $0xb8;
	[tilespmem:$0x1E800] =	vst v63  }
0x14e: {  	_ =	swait.ge [sflag:s28], $0x4000  }
0x14f: {  	[sflag:s28] =	ssyncset.done $0x0  }
0x150: {  	s6 =	sadd.s32 $0x15480, s0;
	[sflag:s28] =	ssyncadd.s32 $0xFFFFC000  }
0x151: {  	[spmem:s2] =	stream.indirect.scatter.add.f32 [tilespmem:s25], [sflag:$0x3], $0x80, s6, s24, $0xb8;
	[tilespmem:$0x1E800] =	vst v63  }
0x152: {  	_ =	swait.ge [sflag:s21], $0x4000  }
0x153: {  	[sflag:s21] =	ssyncset.done $0x0  }
0x154: {  	[sflag:s21] =	ssyncadd.s32 $0xFFFFC000  }
0x155: {  	[tilespmem:s25], [sflag:$0x2] =	stream.indirect.gather [hbm4b:s4+s24], $0x80, s29, s24, $0xb8;
	[tilespmem:$0x1E800] =	vst v63  }
0x156: {  	_ =	swait.ge [sflag:s26], $0x4000  }
0x157: {  	[sflag:s26] =	ssyncset.done $0x0  }
0x158: {  	[sflag:s26] =	ssyncadd.s32 $0xFFFFC000  }
0x159: {  	[spmem:s2] =	stream.indirect.scatter.add.f32 [tilespmem:s20], [sflag:$0x3], $0x80, s30, s24, $0xb8;
	[tilespmem:$0x1E800] =	vst v63  }
0x15a: {  	_ =	swait.ge [sflag:s21], $0x4000  }
0x15b: {  	[sflag:s21] =	ssyncset.done $0x0  }
0x15c: {  	[sflag:s21] =	ssyncadd.s32 $0xFFFFC000  }
0x15d: {  	_ =	swait.ge [sflag:s28], $0x4000  }
0x15e: {  	[sflag:s28] =	ssyncset.done $0x0  }
0x15f: {  	[sflag:s28] =	ssyncadd.s32 $0xFFFFC000  }
0x160: {  	[spmem:s2] =	stream.indirect.scatter.add.f32 [tilespmem:s25], [sflag:$0x3], $0x80, s31, s24, $0xb8;
	[tilespmem:$0x1E800] =	vst v63  }
0x161: {  	s7 =	stileid.u32;
	_ =	swait.ge [sflag:s21], $0x4000  }
0x162: {  	s3 =	sadd.s32 $0x1, s3;
	s0 =	sshll.u32 s7, $0x6;
	[sflag:s21] =	ssyncset.done $0x0  }
0x163: {  	p0 =	sne.s32 s3, s19;
	s0 =	sor.u32 $0x1C03, s0;
	[sflag:s21] =	ssyncadd.s32 $0xFFFFC000  }
.Ltmp5:
0x164: {  	s8 =	sshrl.u32 s5, $0x3;
	[bflag:$0x0] =	sbarrier.arrive $0xFFFF;
	(pc) =	sbr.rel @p0 .LBB2_1-.Ltmp5, $4  }
0x165: {  	[hbm:s18], [sflag:s0] =	dma.local [spmem:s8], $0x2800  }
0x166: {  	_ =	swait.ge [sflag:s21], $0x2800  }
0x167: {  	[sflag:s21] =	ssyncset.done $0x0  }
0x168: {  	[sflag:s21] =	ssyncadd.s32 $0xFFFFD800  }
0x169: {  	_ =	sfence.sel $0x180000  }
0x16a: {  	[bflag:$0x0] =	sbarrier.arrive $0xFFFF  }
0x16b: {  	_ =	strace $0x9000004D  }
0x16c: {  	s0 =	stileid.u32;
	[bflag:$0x2] =	sbarrier.arrive $0xFFFF  }
0x16d: {  	p0 =	sne.s32 s0, $0x0;
	s0 =	rddreg [dreg:$0x3]  }
0x16e: {  	s0 =	sadd.s32 @!p0 $0x100000, s0  }
0x16f: {  	[sflag:s0] =	ssyncadd.tile.s32 @!p0 $0x1;
	_ =	shalt  }
.Lfunc_end2:
_tile_overlayer_lowered:
.L_overlay_start_2:
0x170: {  	(tag) =	ssettag $0x2  }
0x171: {  	s0 =	rddreg [dreg:$0x0];
	s2 =	stileid.u32  }
0x172: {  	s1 =	rddreg [dreg:$0x1];
	p0 =	sne.s32 s2, $0x0  }
0x173: {  	s3 =	rddreg [dreg:$0x2];
	[bflag:$0x3] =	sbarrier.arrive $0xFFFF;
	s2 =	simm.s32 @!p0 $0x1C03  }
0x174: {  	[timem:s3], [sflag:s2] =	dma.local @!p0 [hbm:s0], s1  }
0x175: {  	s0 =	simm.s32 @!p0 $0x3  }
0x176: {  	_ =	swait.ge @!p0 [sflag:s0], s1  }
0x177: {  	s1 =	ssub.s32 @!p0 $0x0, s1;
	[sflag:s0] =	ssyncset.done @!p0 $0x0  }
0x178: {  	[sflag:s0] =	ssyncadd.s32 @!p0 s1  }
0x179: {  	[bflag:$0x3] =	sbarrier.arrive $0xFFFF  }
0x17a: {  	_ =	shalt  }

</sc_bundles>
